<compile_context>
chip_gen: v7x
topology: tpu7x:2x2x1
jax: 0.10.2.dev20260603
libtpu: 0.0.44.dev20260713+nightly
codegen_flags: <defaults>
</compile_context>

<pallas_src>
import functools

import jax
import jax.numpy as jnp
from jax import lax
from jax.experimental import pallas as pl
from jax.experimental.pallas import tpu as pltpu
from jax.experimental.pallas import tpu_sc as plsc

VOCAB = 100000
D_HALF = 64
D_MODEL = 128
B_DIM = 4096
L_DIM = 50
N_TOKENS = B_DIM * L_DIM
BQ = B_DIM // 4
OCT_TOK = 8 * B_DIM

NW = 32
IDXW = 128

CHUNK_OCTS = (1, 2, 2, 2)
CHUNK_L0 = (0, 8, 24, 40)
CHUNK_TOKS = (32768, 65536, 65536, 40960)


def _table_transform_tc(emb_table_T, W_comb):
    BR = 12800
    grid = ((VOCAB + BR - 1) // BR,)

    def body(t_ref, w_ref, o_ref):
        o_ref[...] = jax.lax.dot_general(
            t_ref[...], w_ref[:D_HALF, :],
            dimension_numbers=(((0,), (0,)), ((), ())),
            preferred_element_type=jnp.float32)

    return pl.pallas_call(
        body,
        grid=grid,
        in_specs=[
            pl.BlockSpec((D_HALF, BR), lambda i: (0, i)),
            pl.BlockSpec((D_MODEL, D_MODEL), lambda i: (0, 0)),
        ],
        out_specs=pl.BlockSpec((BR, D_MODEL), lambda i: (i, 0)),
        out_shape=jax.ShapeDtypeStruct((VOCAB, D_MODEL), jnp.float32),
    )(emb_table_T, W_comb)


def _gather_sc(table_t, ids_chunk, n_tok):
    bpw = n_tok // NW
    nchunk = bpw // 256
    mesh = plsc.VectorSubcoreMesh(core_axis_name="c", subcore_axis_name="s")

    @functools.partial(
        pl.kernel,
        mesh=mesh,
        out_type=jax.ShapeDtypeStruct((n_tok, D_MODEL), jnp.float32),
        scratch_types=[
            pltpu.VMEM((bpw,), jnp.int32),
            pltpu.VMEM((256, D_MODEL), jnp.float32),
            pltpu.VMEM((256, D_MODEL), jnp.float32),
            pltpu.VMEM((256, D_MODEL), jnp.float32),
            pltpu.SemaphoreType.DMA,
            pltpu.SemaphoreType.DMA,
            pltpu.SemaphoreType.DMA,
            pltpu.SemaphoreType.DMA,
        ],
    )
    def k(table_hbm, ids_hbm, out_hbm, idx_v, buf0, buf1, buf2,
          gsem, osem0, osem1, osem2):
        wid = lax.axis_index("s") * 2 + lax.axis_index("c")
        base = wid * bpw
        pltpu.sync_copy(ids_hbm.at[pl.ds(base, bpw)], idx_v)
        bufs = (buf0, buf1, buf2)
        osems = (osem0, osem1, osem2)

        def issue(c, buf):
            hs = []
            for j in range(2):
                hs.append(pltpu.async_copy(
                    table_hbm.at[idx_v.at[pl.ds(c * 256 + j * IDXW, IDXW)]],
                    buf.at[pl.ds(j * IDXW, IDXW)],
                    gsem))
            return hs

        pending = [issue(0, bufs[0])]
        if nchunk > 1:
            pending.append(issue(1, bufs[1]))
        out_h = [None, None, None]
        for c in range(nchunk):
            b = c % 3
            for h in pending.pop(0):
                h.wait()
            if c + 2 < nchunk:
                nb = (c + 2) % 3
                if out_h[nb] is not None:
                    out_h[nb].wait()
                    out_h[nb] = None
                pending.append(issue(c + 2, bufs[nb]))
            out_h[b] = pltpu.async_copy(
                bufs[b], out_hbm.at[pl.ds(base + c * 256, 256)], osems[b])
        for h in out_h:
            if h is not None:
                h.wait()

    return k(table_t, ids_chunk)


def _dense_tc(gathered_c, stats3, W_stat, b_stat, W_bot, b_comb,
              oct0, nocts, nl_real, prev_out=None):
    grid = (nocts, 4)
    g4 = gathered_c.reshape(nl_real, 4, BQ, D_MODEL)

    def body(*refs):
        if prev_out is None:
            g_ref, st_ref, ws_ref, bs_ref, wc_ref, bc_ref, out_ref = refs
        else:
            _, g_ref, st_ref, ws_ref, bs_ref, wc_ref, bc_ref, out_ref = refs
        for ll in range(8):
            x = st_ref[:, ll, :]
            s = jax.lax.dot_general(
                x, ws_ref[...],
                dimension_numbers=(((0,), (0,)), ((), ())),
                preferred_element_type=jnp.float32) + bs_ref[...]
            s = 0.5 * s * (1.0 + lax.erf(s * 0.7071067811865476))
            bot = jnp.dot(s, wc_ref[...], preferred_element_type=jnp.float32)
            out_ref[ll, 0] = g_ref[ll, 0] + bot + bc_ref[...]

    in_specs = [
        pl.BlockSpec((8, 1, BQ, D_MODEL), lambda li, bq: (li, bq, 0, 0)),
        pl.BlockSpec((10, 8, BQ), lambda li, bq: (0, oct0 + li, bq)),
        pl.BlockSpec((10, D_HALF), lambda li, bq: (0, 0)),
        pl.BlockSpec((1, D_HALF), lambda li, bq: (0, 0)),
        pl.BlockSpec((D_HALF, D_MODEL), lambda li, bq: (0, 0)),
        pl.BlockSpec((1, D_MODEL), lambda li, bq: (0, 0)),
    ]
    out_spec = pl.BlockSpec((8, 1, BQ, D_MODEL),
                            lambda li, bq: (oct0 + li, bq, 0, 0))
    operands = [g4, stats3, W_stat, b_stat.reshape(1, D_HALF),
                W_bot, b_comb.reshape(1, D_MODEL)]
    kwargs = {}
    if prev_out is not None:
        in_specs = [pl.BlockSpec(memory_space=pl.ANY)] + in_specs
        operands = [prev_out] + operands
        kwargs["input_output_aliases"] = {0: 0}

    return pl.pallas_call(
        body,
        grid=grid,
        in_specs=in_specs,
        out_specs=out_spec,
        out_shape=jax.ShapeDtypeStruct((L_DIM, 4, BQ, D_MODEL), jnp.float32),
        **kwargs,
    )(*operands)


def kernel(card_ids, card_stats, emb_table, W_stat, b_stat, W_comb, b_comb):
    B, L = card_ids.shape
    ids_flat = card_ids.T.reshape(N_TOKENS).astype(jnp.int32)
    stats3 = card_stats.transpose(2, 1, 0)
    W_bot = W_comb[D_HALF:, :]

    table_t = _table_transform_tc(emb_table.T, W_comb)

    nchunks = len(CHUNK_TOKS)
    gs = []
    off = 0
    for k in range(nchunks):
        gs.append(_gather_sc(table_t, ids_flat[off:off + CHUNK_TOKS[k]],
                             CHUNK_TOKS[k]))
        off += CHUNK_TOKS[k]

    out = None
    for k in range(nchunks):
        nl_real = CHUNK_TOKS[k] // B_DIM
        out = _dense_tc(gs[k], stats3, W_stat, b_stat, W_bot, b_comb,
                        CHUNK_L0[k] // 8, CHUNK_OCTS[k], nl_real,
                        prev_out=out)

    return out.reshape(L_DIM, B_DIM, D_MODEL).transpose(1, 0, 2)

# --- scband reference (transcript-rebuilt; emitter-appended) ---
"""Pipeline reference for scband-card-encoder-16398185136939 (READ-ONLY COPY).

The authoritative reference and input builder live on the scoring server;
editing this copy changes nothing except your own understanding.
"""

import jax, jax.numpy as jnp
import numpy as np

VOCAB = 100000
D_MODEL = 128
D_HALF = D_MODEL // 2
B, L = 4096, 50


def setup_inputs(seed: int = 0) -> dict:
    key = jax.random.key(seed)
    k1, k2, k3, k4, k5 = jax.random.split(key, 5)
    card_ids = jax.random.randint(k1, (B, L), 0, VOCAB, dtype=jnp.int64 if jax.config.jax_enable_x64 else jnp.int32)
    card_stats = jax.random.normal(k2, (B, L, 10), dtype=jnp.float32)
    emb_table = jax.random.normal(k3, (VOCAB, D_HALF), dtype=jnp.float32) * 0.02
    W_stat = jax.random.normal(k4, (10, D_HALF), dtype=jnp.float32) * (1.0 / np.sqrt(10.0))
    b_stat = jnp.zeros((D_HALF,), dtype=jnp.float32)
    W_comb = jax.random.normal(k5, (D_MODEL, D_MODEL), dtype=jnp.float32) * (1.0 / np.sqrt(D_MODEL))
    b_comb = jnp.zeros((D_MODEL,), dtype=jnp.float32)
    return {
        "card_ids": card_ids,
        "card_stats": card_stats,
        "emb_table": emb_table,
        "W_stat": W_stat,
        "b_stat": b_stat,
        "W_comb": W_comb,
        "b_comb": b_comb,
    }


def reference(card_ids, card_stats, emb_table, W_stat, b_stat, W_comb, b_comb):
    # nn.Embedding lookup -> gather rows
    id_emb = jnp.take(emb_table, card_ids, axis=0)  # [B, L, 64]
    # stat_encoder: Linear(10 -> 64) + GELU (torch default = exact erf GELU)
    stat_emb = jax.nn.gelu(card_stats @ W_stat + b_stat, approximate=False)  # [B, L, 64]
    combined = jnp.concatenate([id_emb, stat_emb], axis=-1)  # [B, L, 128]
    return combined @ W_comb + b_comb  # [B, L, 128]

if __name__ == "__main__":
    import jax
    _d = setup_inputs()
    print(jax.jit(kernel)(*tuple(_d.values())))

</pallas_src>

<mosaic_0001>
#map = affine_map<(d0, d1) -> (0, 0)>
#map1 = affine_map<(d0, d1) -> (0)>
module attributes {stable_mosaic.version = 14 : i64} {
  func.func @k(%arg0: i32, %arg1: i32, %arg2: memref<100000x128xf32, #tpu.memory_space<hbm>>, %arg3: memref<65536xi32, #tpu.memory_space<hbm>>, %arg4: memref<65536x128xf32, #tpu.memory_space<hbm>>, %arg5: memref<2048xi32, #tpu.memory_space<vmem>>, %arg6: memref<256x128xf32, #tpu.memory_space<vmem>>, %arg7: memref<256x128xf32, #tpu.memory_space<vmem>>, %arg8: memref<256x128xf32, #tpu.memory_space<vmem>>, %arg9: memref<!tpu.dma_semaphore, #tpu.memory_space<semaphore_mem>>, %arg10: memref<!tpu.dma_semaphore, #tpu.memory_space<semaphore_mem>>, %arg11: memref<!tpu.dma_semaphore, #tpu.memory_space<semaphore_mem>>, %arg12: memref<!tpu.dma_semaphore, #tpu.memory_space<semaphore_mem>>) attributes {dimension_semantics = [#tpu.dimension_semantics<core_parallel>, #tpu.dimension_semantics<subcore_parallel>], iteration_bounds = array<i64: 2, 16>, scalar_prefetch = 0 : i64, scratch_operands = 8 : i64, tpu.core_type = #tpu.core_type<sc_vector_subcore>, window_params = [{transform_indices = #map}, {transform_indices = #map1}, {transform_indices = #map}]} {
    %mul3A = arith.constant 2 : i32
    %mul3A_0 = arith.muli %arg1, %mul3A : i32
    %add3A = arith.addi %mul3A_0, %arg0 : i32
    %mul3A_1 = arith.constant 2048 : i32
    %mul3A_2 = arith.muli %add3A, %mul3A_1 : i32
    "tpu.region"() ({
      %run_scoped3A = tpu.sem_alloc : memref<!tpu.dma_semaphore, #tpu.memory_space<semaphore_mem>>
      %dma_start3A_337 = tpu.memref_slice %arg3[%mul3A_2] : memref<65536xi32, #tpu.memory_space<hbm>> -> memref<2048xi32, #tpu.memory_space<hbm>>
      %dma_start3A_338 = tpu.memref_slice %arg3[%mul3A_2] : memref<65536xi32, #tpu.memory_space<hbm>> -> memref<2048xi32, #tpu.memory_space<hbm>>
      tpu.enqueue_dma source(%dma_start3A_338 : memref<2048xi32, #tpu.memory_space<hbm>>) target(%arg5 : memref<2048xi32, #tpu.memory_space<vmem>>) target_semaphore(%run_scoped3A : memref<!tpu.dma_semaphore, #tpu.memory_space<semaphore_mem>>)
      %dma_wait3A_339 = tpu.memref_slice %arg3[%mul3A_2] : memref<65536xi32, #tpu.memory_space<hbm>> -> memref<2048xi32, #tpu.memory_space<hbm>>
      %dma_wait3A_340 = tpu.memref_slice %arg3[%mul3A_2] : memref<65536xi32, #tpu.memory_space<hbm>> -> memref<2048xi32, #tpu.memory_space<hbm>>
      tpu.wait_dma2 semaphore(%run_scoped3A : memref<!tpu.dma_semaphore, #tpu.memory_space<semaphore_mem>>) src(%dma_wait3A_340 : memref<2048xi32, #tpu.memory_space<hbm>>) dst(%arg5 : memref<2048xi32, #tpu.memory_space<vmem>>)
      tpu.yield
    }) : () -> ()
    %dma_start3A = arith.constant 0 : i32
    %dma_start3A_3 = arith.constant 0 : i32
    %dma_start3A_4 = tpu.memref_slice %arg6[%dma_start3A, %dma_start3A_3] : memref<256x128xf32, #tpu.memory_space<vmem>> -> memref<128x128xf32, #tpu.memory_space<vmem>>
    %dma_start3A_5 = arith.constant 0 : i32
    %dma_start3A_6 = tpu.memref_slice %arg5[%dma_start3A_5] : memref<2048xi32, #tpu.memory_space<vmem>> -> memref<128xi32, #tpu.memory_space<vmem>>
    %dma_start3A_7 = arith.constant 0 : i32
    %dma_start3A_8 = arith.constant 0 : i32
    %dma_start3A_9 = tpu.memref_slice %arg2[%dma_start3A_7, %dma_start3A_8] : memref<100000x128xf32, #tpu.memory_space<hbm>> -> memref<100000x128xf32, #tpu.memory_space<hbm>>
    tpu.enqueue_indirect_dma source(%dma_start3A_9 : memref<100000x128xf32, #tpu.memory_space<hbm>>) target(%dma_start3A_4 : memref<128x128xf32, #tpu.memory_space<vmem>>) offsets(%dma_start3A_6 : memref<128xi32, #tpu.memory_space<vmem>>) semaphore(%arg9 : memref<!tpu.dma_semaphore, #tpu.memory_space<semaphore_mem>>)
    %dma_start3A_10 = arith.constant 128 : i32
    %dma_start3A_11 = arith.constant 0 : i32
    %dma_start3A_12 = tpu.memref_slice %arg6[%dma_start3A_10, %dma_start3A_11] : memref<256x128xf32, #tpu.memory_space<vmem>> -> memref<128x128xf32, #tpu.memory_space<vmem>>
    %dma_start3A_13 = arith.constant 128 : i32
    %dma_start3A_14 = tpu.memref_slice %arg5[%dma_start3A_13] : memref<2048xi32, #tpu.memory_space<vmem>> -> memref<128xi32, #tpu.memory_space<vmem>>
    %dma_start3A_15 = arith.constant 0 : i32
    %dma_start3A_16 = arith.constant 0 : i32
    %dma_start3A_17 = tpu.memref_slice %arg2[%dma_start3A_15, %dma_start3A_16] : memref<100000x128xf32, #tpu.memory_space<hbm>> -> memref<100000x128xf32, #tpu.memory_space<hbm>>
    tpu.enqueue_indirect_dma source(%dma_start3A_17 : memref<100000x128xf32, #tpu.memory_space<hbm>>) target(%dma_start3A_12 : memref<128x128xf32, #tpu.memory_space<vmem>>) offsets(%dma_start3A_14 : memref<128xi32, #tpu.memory_space<vmem>>) semaphore(%arg9 : memref<!tpu.dma_semaphore, #tpu.memory_space<semaphore_mem>>)
    %dma_start3A_18 = arith.constant 0 : i32
    %dma_start3A_19 = arith.constant 0 : i32
    %dma_start3A_20 = tpu.memref_slice %arg7[%dma_start3A_18, %dma_start3A_19] : memref<256x128xf32, #tpu.memory_space<vmem>> -> memref<128x128xf32, #tpu.memory_space<vmem>>
    %dma_start3A_21 = arith.constant 256 : i32
    %dma_start3A_22 = tpu.memref_slice %arg5[%dma_start3A_21] : memref<2048xi32, #tpu.memory_space<vmem>> -> memref<128xi32, #tpu.memory_space<vmem>>
    %dma_start3A_23 = arith.constant 0 : i32
    %dma_start3A_24 = arith.constant 0 : i32
    %dma_start3A_25 = tpu.memref_slice %arg2[%dma_start3A_23, %dma_start3A_24] : memref<100000x128xf32, #tpu.memory_space<hbm>> -> memref<100000x128xf32, #tpu.memory_space<hbm>>
    tpu.enqueue_indirect_dma source(%dma_start3A_25 : memref<100000x128xf32, #tpu.memory_space<hbm>>) target(%dma_start3A_20 : memref<128x128xf32, #tpu.memory_space<vmem>>) offsets(%dma_start3A_22 : memref<128xi32, #tpu.memory_space<vmem>>) semaphore(%arg9 : memref<!tpu.dma_semaphore, #tpu.memory_space<semaphore_mem>>)
    %dma_start3A_26 = arith.constant 128 : i32
    %dma_start3A_27 = arith.constant 0 : i32
    %dma_start3A_28 = tpu.memref_slice %arg7[%dma_start3A_26, %dma_start3A_27] : memref<256x128xf32, #tpu.memory_space<vmem>> -> memref<128x128xf32, #tpu.memory_space<vmem>>
    %dma_start3A_29 = arith.constant 384 : i32
    %dma_start3A_30 = tpu.memref_slice %arg5[%dma_start3A_29] : memref<2048xi32, #tpu.memory_space<vmem>> -> memref<128xi32, #tpu.memory_space<vmem>>
    %dma_start3A_31 = arith.constant 0 : i32
    %dma_start3A_32 = arith.constant 0 : i32
    %dma_start3A_33 = tpu.memref_slice %arg2[%dma_start3A_31, %dma_start3A_32] : memref<100000x128xf32, #tpu.memory_space<hbm>> -> memref<100000x128xf32, #tpu.memory_space<hbm>>
    tpu.enqueue_indirect_dma source(%dma_start3A_33 : memref<100000x128xf32, #tpu.memory_space<hbm>>) target(%dma_start3A_28 : memref<128x128xf32, #tpu.memory_space<vmem>>) offsets(%dma_start3A_30 : memref<128xi32, #tpu.memory_space<vmem>>) semaphore(%arg9 : memref<!tpu.dma_semaphore, #tpu.memory_space<semaphore_mem>>)
    %dma_wait3A = arith.constant 0 : i32
    %dma_wait3A_34 = arith.constant 0 : i32
    %dma_wait3A_35 = tpu.memref_slice %arg6[%dma_wait3A, %dma_wait3A_34] : memref<256x128xf32, #tpu.memory_space<vmem>> -> memref<128x128xf32, #tpu.memory_space<vmem>>
    %dma_wait3A_36 = arith.constant 0 : i32
    %dma_wait3A_37 = tpu.memref_slice %arg5[%dma_wait3A_36] : memref<2048xi32, #tpu.memory_space<vmem>> -> memref<128xi32, #tpu.memory_space<vmem>>
    %dma_wait3A_38 = arith.constant 0 : i32
    %dma_wait3A_39 = arith.constant 0 : i32
    %dma_wait3A_40 = tpu.memref_slice %arg2[%dma_wait3A_38, %dma_wait3A_39] : memref<100000x128xf32, #tpu.memory_space<hbm>> -> memref<100000x128xf32, #tpu.memory_space<hbm>>
    tpu.wait_indirect_dma semaphore(%arg9 : memref<!tpu.dma_semaphore, #tpu.memory_space<semaphore_mem>>) src(%dma_wait3A_40 : memref<100000x128xf32, #tpu.memory_space<hbm>>) dst(%dma_wait3A_35 : memref<128x128xf32, #tpu.memory_space<vmem>>)
    %dma_wait3A_41 = arith.constant 128 : i32
    %dma_wait3A_42 = arith.constant 0 : i32
    %dma_wait3A_43 = tpu.memref_slice %arg6[%dma_wait3A_41, %dma_wait3A_42] : memref<256x128xf32, #tpu.memory_space<vmem>> -> memref<128x128xf32, #tpu.memory_space<vmem>>
    %dma_wait3A_44 = arith.constant 128 : i32
    %dma_wait3A_45 = tpu.memref_slice %arg5[%dma_wait3A_44] : memref<2048xi32, #tpu.memory_space<vmem>> -> memref<128xi32, #tpu.memory_space<vmem>>
    %dma_wait3A_46 = arith.constant 0 : i32
    %dma_wait3A_47 = arith.constant 0 : i32
    %dma_wait3A_48 = tpu.memref_slice %arg2[%dma_wait3A_46, %dma_wait3A_47] : memref<100000x128xf32, #tpu.memory_space<hbm>> -> memref<100000x128xf32, #tpu.memory_space<hbm>>
    tpu.wait_indirect_dma semaphore(%arg9 : memref<!tpu.dma_semaphore, #tpu.memory_space<semaphore_mem>>) src(%dma_wait3A_48 : memref<100000x128xf32, #tpu.memory_space<hbm>>) dst(%dma_wait3A_43 : memref<128x128xf32, #tpu.memory_space<vmem>>)
    %dma_start3A_49 = arith.constant 0 : i32
    %dma_start3A_50 = arith.constant 0 : i32
    %dma_start3A_51 = tpu.memref_slice %arg8[%dma_start3A_49, %dma_start3A_50] : memref<256x128xf32, #tpu.memory_space<vmem>> -> memref<128x128xf32, #tpu.memory_space<vmem>>
    %dma_start3A_52 = arith.constant 512 : i32
    %dma_start3A_53 = tpu.memref_slice %arg5[%dma_start3A_52] : memref<2048xi32, #tpu.memory_space<vmem>> -> memref<128xi32, #tpu.memory_space<vmem>>
    %dma_start3A_54 = arith.constant 0 : i32
    %dma_start3A_55 = arith.constant 0 : i32
    %dma_start3A_56 = tpu.memref_slice %arg2[%dma_start3A_54, %dma_start3A_55] : memref<100000x128xf32, #tpu.memory_space<hbm>> -> memref<100000x128xf32, #tpu.memory_space<hbm>>
    tpu.enqueue_indirect_dma source(%dma_start3A_56 : memref<100000x128xf32, #tpu.memory_space<hbm>>) target(%dma_start3A_51 : memref<128x128xf32, #tpu.memory_space<vmem>>) offsets(%dma_start3A_53 : memref<128xi32, #tpu.memory_space<vmem>>) semaphore(%arg9 : memref<!tpu.dma_semaphore, #tpu.memory_space<semaphore_mem>>)
    %dma_start3A_57 = arith.constant 128 : i32
    %dma_start3A_58 = arith.constant 0 : i32
    %dma_start3A_59 = tpu.memref_slice %arg8[%dma_start3A_57, %dma_start3A_58] : memref<256x128xf32, #tpu.memory_space<vmem>> -> memref<128x128xf32, #tpu.memory_space<vmem>>
    %dma_start3A_60 = arith.constant 640 : i32
    %dma_start3A_61 = tpu.memref_slice %arg5[%dma_start3A_60] : memref<2048xi32, #tpu.memory_space<vmem>> -> memref<128xi32, #tpu.memory_space<vmem>>
    %dma_start3A_62 = arith.constant 0 : i32
    %dma_start3A_63 = arith.constant 0 : i32
    %dma_start3A_64 = tpu.memref_slice %arg2[%dma_start3A_62, %dma_start3A_63] : memref<100000x128xf32, #tpu.memory_space<hbm>> -> memref<100000x128xf32, #tpu.memory_space<hbm>>
    tpu.enqueue_indirect_dma source(%dma_start3A_64 : memref<100000x128xf32, #tpu.memory_space<hbm>>) target(%dma_start3A_59 : memref<128x128xf32, #tpu.memory_space<vmem>>) offsets(%dma_start3A_61 : memref<128xi32, #tpu.memory_space<vmem>>) semaphore(%arg9 : memref<!tpu.dma_semaphore, #tpu.memory_space<semaphore_mem>>)
    %add3A_65 = arith.constant 0 : i32
    %add3A_66 = arith.addi %mul3A_2, %add3A_65 : i32
    %dma_start3A_67 = arith.constant 0 : i32
    %dma_start3A_68 = tpu.memref_slice %arg4[%add3A_66, %dma_start3A_67] : memref<65536x128xf32, #tpu.memory_space<hbm>> -> memref<256x128xf32, #tpu.memory_space<hbm>>
    %dma_start3A_69 = arith.constant 0 : i32
    %dma_start3A_70 = tpu.memref_slice %arg4[%add3A_66, %dma_start3A_69] : memref<65536x128xf32, #tpu.memory_space<hbm>> -> memref<256x128xf32, #tpu.memory_space<hbm>>
    tpu.enqueue_dma source(%arg6 : memref<256x128xf32, #tpu.memory_space<vmem>>) target(%dma_start3A_70 : memref<256x128xf32, #tpu.memory_space<hbm>>) target_semaphore(%arg10 : memref<!tpu.dma_semaphore, #tpu.memory_space<semaphore_mem>>)
    %dma_wait3A_71 = arith.constant 0 : i32
    %dma_wait3A_72 = arith.constant 0 : i32
    %dma_wait3A_73 = tpu.memref_slice %arg7[%dma_wait3A_71, %dma_wait3A_72] : memref<256x128xf32, #tpu.memory_space<vmem>> -> memref<128x128xf32, #tpu.memory_space<vmem>>
    %dma_wait3A_74 = arith.constant 256 : i32
    %dma_wait3A_75 = tpu.memref_slice %arg5[%dma_wait3A_74] : memref<2048xi32, #tpu.memory_space<vmem>> -> memref<128xi32, #tpu.memory_space<vmem>>
    %dma_wait3A_76 = arith.constant 0 : i32
    %dma_wait3A_77 = arith.constant 0 : i32
    %dma_wait3A_78 = tpu.memref_slice %arg2[%dma_wait3A_76, %dma_wait3A_77] : memref<100000x128xf32, #tpu.memory_space<hbm>> -> memref<100000x128xf32, #tpu.memory_space<hbm>>
    tpu.wait_indirect_dma semaphore(%arg9 : memref<!tpu.dma_semaphore, #tpu.memory_space<semaphore_mem>>) src(%dma_wait3A_78 : memref<100000x128xf32, #tpu.memory_space<hbm>>) dst(%dma_wait3A_73 : memref<128x128xf32, #tpu.memory_space<vmem>>)
    %dma_wait3A_79 = arith.constant 128 : i32
    %dma_wait3A_80 = arith.constant 0 : i32
    %dma_wait3A_81 = tpu.memref_slice %arg7[%dma_wait3A_79, %dma_wait3A_80] : memref<256x128xf32, #tpu.memory_space<vmem>> -> memref<128x128xf32, #tpu.memory_space<vmem>>
    %dma_wait3A_82 = arith.constant 384 : i32
    %dma_wait3A_83 = tpu.memref_slice %arg5[%dma_wait3A_82] : memref<2048xi32, #tpu.memory_space<vmem>> -> memref<128xi32, #tpu.memory_space<vmem>>
    %dma_wait3A_84 = arith.constant 0 : i32
    %dma_wait3A_85 = arith.constant 0 : i32
    %dma_wait3A_86 = tpu.memref_slice %arg2[%dma_wait3A_84, %dma_wait3A_85] : memref<100000x128xf32, #tpu.memory_space<hbm>> -> memref<100000x128xf32, #tpu.memory_space<hbm>>
    tpu.wait_indirect_dma semaphore(%arg9 : memref<!tpu.dma_semaphore, #tpu.memory_space<semaphore_mem>>) src(%dma_wait3A_86 : memref<100000x128xf32, #tpu.memory_space<hbm>>) dst(%dma_wait3A_81 : memref<128x128xf32, #tpu.memory_space<vmem>>)
    %dma_wait3A_87 = arith.constant 0 : i32
    %dma_wait3A_88 = tpu.memref_slice %arg4[%add3A_66, %dma_wait3A_87] : memref<65536x128xf32, #tpu.memory_space<hbm>> -> memref<256x128xf32, #tpu.memory_space<hbm>>
    %dma_wait3A_89 = arith.constant 0 : i32
    %dma_wait3A_90 = tpu.memref_slice %arg4[%add3A_66, %dma_wait3A_89] : memref<65536x128xf32, #tpu.memory_space<hbm>> -> memref<256x128xf32, #tpu.memory_space<hbm>>
    tpu.wait_dma2 semaphore(%arg10 : memref<!tpu.dma_semaphore, #tpu.memory_space<semaphore_mem>>) src(%arg6 : memref<256x128xf32, #tpu.memory_space<vmem>>) dst(%dma_wait3A_90 : memref<256x128xf32, #tpu.memory_space<hbm>>)
    %dma_start3A_91 = arith.constant 0 : i32
    %dma_start3A_92 = arith.constant 0 : i32
    %dma_start3A_93 = tpu.memref_slice %arg6[%dma_start3A_91, %dma_start3A_92] : memref<256x128xf32, #tpu.memory_space<vmem>> -> memref<128x128xf32, #tpu.memory_space<vmem>>
    %dma_start3A_94 = arith.constant 768 : i32
    %dma_start3A_95 = tpu.memref_slice %arg5[%dma_start3A_94] : memref<2048xi32, #tpu.memory_space<vmem>> -> memref<128xi32, #tpu.memory_space<vmem>>
    %dma_start3A_96 = arith.constant 0 : i32
    %dma_start3A_97 = arith.constant 0 : i32
    %dma_start3A_98 = tpu.memref_slice %arg2[%dma_start3A_96, %dma_start3A_97] : memref<100000x128xf32, #tpu.memory_space<hbm>> -> memref<100000x128xf32, #tpu.memory_space<hbm>>
    tpu.enqueue_indirect_dma source(%dma_start3A_98 : memref<100000x128xf32, #tpu.memory_space<hbm>>) target(%dma_start3A_93 : memref<128x128xf32, #tpu.memory_space<vmem>>) offsets(%dma_start3A_95 : memref<128xi32, #tpu.memory_space<vmem>>) semaphore(%arg9 : memref<!tpu.dma_semaphore, #tpu.memory_space<semaphore_mem>>)
    %dma_start3A_99 = arith.constant 128 : i32
    %dma_start3A_100 = arith.constant 0 : i32
    %dma_start3A_101 = tpu.memref_slice %arg6[%dma_start3A_99, %dma_start3A_100] : memref<256x128xf32, #tpu.memory_space<vmem>> -> memref<128x128xf32, #tpu.memory_space<vmem>>
    %dma_start3A_102 = arith.constant 896 : i32
    %dma_start3A_103 = tpu.memref_slice %arg5[%dma_start3A_102] : memref<2048xi32, #tpu.memory_space<vmem>> -> memref<128xi32, #tpu.memory_space<vmem>>
    %dma_start3A_104 = arith.constant 0 : i32
    %dma_start3A_105 = arith.constant 0 : i32
    %dma_start3A_106 = tpu.memref_slice %arg2[%dma_start3A_104, %dma_start3A_105] : memref<100000x128xf32, #tpu.memory_space<hbm>> -> memref<100000x128xf32, #tpu.memory_space<hbm>>
    tpu.enqueue_indirect_dma source(%dma_start3A_106 : memref<100000x128xf32, #tpu.memory_space<hbm>>) target(%dma_start3A_101 : memref<128x128xf32, #tpu.memory_space<vmem>>) offsets(%dma_start3A_103 : memref<128xi32, #tpu.memory_space<vmem>>) semaphore(%arg9 : memref<!tpu.dma_semaphore, #tpu.memory_space<semaphore_mem>>)
    %add3A_107 = arith.constant 256 : i32
    %add3A_108 = arith.addi %mul3A_2, %add3A_107 : i32
    %dma_start3A_109 = arith.constant 0 : i32
    %dma_start3A_110 = tpu.memref_slice %arg4[%add3A_108, %dma_start3A_109] : memref<65536x128xf32, #tpu.memory_space<hbm>> -> memref<256x128xf32, #tpu.memory_space<hbm>>
    %dma_start3A_111 = arith.constant 0 : i32
    %dma_start3A_112 = tpu.memref_slice %arg4[%add3A_108, %dma_start3A_111] : memref<65536x128xf32, #tpu.memory_space<hbm>> -> memref<256x128xf32, #tpu.memory_space<hbm>>
    tpu.enqueue_dma source(%arg7 : memref<256x128xf32, #tpu.memory_space<vmem>>) target(%dma_start3A_112 : memref<256x128xf32, #tpu.memory_space<hbm>>) target_semaphore(%arg11 : memref<!tpu.dma_semaphore, #tpu.memory_space<semaphore_mem>>)
    %dma_wait3A_113 = arith.constant 0 : i32
    %dma_wait3A_114 = arith.constant 0 : i32
    %dma_wait3A_115 = tpu.memref_slice %arg8[%dma_wait3A_113, %dma_wait3A_114] : memref<256x128xf32, #tpu.memory_space<vmem>> -> memref<128x128xf32, #tpu.memory_space<vmem>>
    %dma_wait3A_116 = arith.constant 512 : i32
    %dma_wait3A_117 = tpu.memref_slice %arg5[%dma_wait3A_116] : memref<2048xi32, #tpu.memory_space<vmem>> -> memref<128xi32, #tpu.memory_space<vmem>>
    %dma_wait3A_118 = arith.constant 0 : i32
    %dma_wait3A_119 = arith.constant 0 : i32
    %dma_wait3A_120 = tpu.memref_slice %arg2[%dma_wait3A_118, %dma_wait3A_119] : memref<100000x128xf32, #tpu.memory_space<hbm>> -> memref<100000x128xf32, #tpu.memory_space<hbm>>
    tpu.wait_indirect_dma semaphore(%arg9 : memref<!tpu.dma_semaphore, #tpu.memory_space<semaphore_mem>>) src(%dma_wait3A_120 : memref<100000x128xf32, #tpu.memory_space<hbm>>) dst(%dma_wait3A_115 : memref<128x128xf32, #tpu.memory_space<vmem>>)
    %dma_wait3A_121 = arith.constant 128 : i32
    %dma_wait3A_122 = arith.constant 0 : i32
    %dma_wait3A_123 = tpu.memref_slice %arg8[%dma_wait3A_121, %dma_wait3A_122] : memref<256x128xf32, #tpu.memory_space<vmem>> -> memref<128x128xf32, #tpu.memory_space<vmem>>
    %dma_wait3A_124 = arith.constant 640 : i32
    %dma_wait3A_125 = tpu.memref_slice %arg5[%dma_wait3A_124] : memref<2048xi32, #tpu.memory_space<vmem>> -> memref<128xi32, #tpu.memory_space<vmem>>
    %dma_wait3A_126 = arith.constant 0 : i32
    %dma_wait3A_127 = arith.constant 0 : i32
    %dma_wait3A_128 = tpu.memref_slice %arg2[%dma_wait3A_126, %dma_wait3A_127] : memref<100000x128xf32, #tpu.memory_space<hbm>> -> memref<100000x128xf32, #tpu.memory_space<hbm>>
    tpu.wait_indirect_dma semaphore(%arg9 : memref<!tpu.dma_semaphore, #tpu.memory_space<semaphore_mem>>) src(%dma_wait3A_128 : memref<100000x128xf32, #tpu.memory_space<hbm>>) dst(%dma_wait3A_123 : memref<128x128xf32, #tpu.memory_space<vmem>>)
    %dma_wait3A_129 = arith.constant 0 : i32
    %dma_wait3A_130 = tpu.memref_slice %arg4[%add3A_108, %dma_wait3A_129] : memref<65536x128xf32, #tpu.memory_space<hbm>> -> memref<256x128xf32, #tpu.memory_space<hbm>>
    %dma_wait3A_131 = arith.constant 0 : i32
    %dma_wait3A_132 = tpu.memref_slice %arg4[%add3A_108, %dma_wait3A_131] : memref<65536x128xf32, #tpu.memory_space<hbm>> -> memref<256x128xf32, #tpu.memory_space<hbm>>
    tpu.wait_dma2 semaphore(%arg11 : memref<!tpu.dma_semaphore, #tpu.memory_space<semaphore_mem>>) src(%arg7 : memref<256x128xf32, #tpu.memory_space<vmem>>) dst(%dma_wait3A_132 : memref<256x128xf32, #tpu.memory_space<hbm>>)
    %dma_start3A_133 = arith.constant 0 : i32
    %dma_start3A_134 = arith.constant 0 : i32
    %dma_start3A_135 = tpu.memref_slice %arg7[%dma_start3A_133, %dma_start3A_134] : memref<256x128xf32, #tpu.memory_space<vmem>> -> memref<128x128xf32, #tpu.memory_space<vmem>>
    %dma_start3A_136 = arith.constant 1024 : i32
    %dma_start3A_137 = tpu.memref_slice %arg5[%dma_start3A_136] : memref<2048xi32, #tpu.memory_space<vmem>> -> memref<128xi32, #tpu.memory_space<vmem>>
    %dma_start3A_138 = arith.constant 0 : i32
    %dma_start3A_139 = arith.constant 0 : i32
    %dma_start3A_140 = tpu.memref_slice %arg2[%dma_start3A_138, %dma_start3A_139] : memref<100000x128xf32, #tpu.memory_space<hbm>> -> memref<100000x128xf32, #tpu.memory_space<hbm>>
    tpu.enqueue_indirect_dma source(%dma_start3A_140 : memref<100000x128xf32, #tpu.memory_space<hbm>>) target(%dma_start3A_135 : memref<128x128xf32, #tpu.memory_space<vmem>>) offsets(%dma_start3A_137 : memref<128xi32, #tpu.memory_space<vmem>>) semaphore(%arg9 : memref<!tpu.dma_semaphore, #tpu.memory_space<semaphore_mem>>)
    %dma_start3A_141 = arith.constant 128 : i32
    %dma_start3A_142 = arith.constant 0 : i32
    %dma_start3A_143 = tpu.memref_slice %arg7[%dma_start3A_141, %dma_start3A_142] : memref<256x128xf32, #tpu.memory_space<vmem>> -> memref<128x128xf32, #tpu.memory_space<vmem>>
    %dma_start3A_144 = arith.constant 1152 : i32
    %dma_start3A_145 = tpu.memref_slice %arg5[%dma_start3A_144] : memref<2048xi32, #tpu.memory_space<vmem>> -> memref<128xi32, #tpu.memory_space<vmem>>
    %dma_start3A_146 = arith.constant 0 : i32
    %dma_start3A_147 = arith.constant 0 : i32
    %dma_start3A_148 = tpu.memref_slice %arg2[%dma_start3A_146, %dma_start3A_147] : memref<100000x128xf32, #tpu.memory_space<hbm>> -> memref<100000x128xf32, #tpu.memory_space<hbm>>
    tpu.enqueue_indirect_dma source(%dma_start3A_148 : memref<100000x128xf32, #tpu.memory_space<hbm>>) target(%dma_start3A_143 : memref<128x128xf32, #tpu.memory_space<vmem>>) offsets(%dma_start3A_145 : memref<128xi32, #tpu.memory_space<vmem>>) semaphore(%arg9 : memref<!tpu.dma_semaphore, #tpu.memory_space<semaphore_mem>>)
    %add3A_149 = arith.constant 512 : i32
    %add3A_150 = arith.addi %mul3A_2, %add3A_149 : i32
    %dma_start3A_151 = arith.constant 0 : i32
    %dma_start3A_152 = tpu.memref_slice %arg4[%add3A_150, %dma_start3A_151] : memref<65536x128xf32, #tpu.memory_space<hbm>> -> memref<256x128xf32, #tpu.memory_space<hbm>>
    %dma_start3A_153 = arith.constant 0 : i32
    %dma_start3A_154 = tpu.memref_slice %arg4[%add3A_150, %dma_start3A_153] : memref<65536x128xf32, #tpu.memory_space<hbm>> -> memref<256x128xf32, #tpu.memory_space<hbm>>
    tpu.enqueue_dma source(%arg8 : memref<256x128xf32, #tpu.memory_space<vmem>>) target(%dma_start3A_154 : memref<256x128xf32, #tpu.memory_space<hbm>>) target_semaphore(%arg12 : memref<!tpu.dma_semaphore, #tpu.memory_space<semaphore_mem>>)
    %dma_wait3A_155 = arith.constant 0 : i32
    %dma_wait3A_156 = arith.constant 0 : i32
    %dma_wait3A_157 = tpu.memref_slice %arg6[%dma_wait3A_155, %dma_wait3A_156] : memref<256x128xf32, #tpu.memory_space<vmem>> -> memref<128x128xf32, #tpu.memory_space<vmem>>
    %dma_wait3A_158 = arith.constant 768 : i32
    %dma_wait3A_159 = tpu.memref_slice %arg5[%dma_wait3A_158] : memref<2048xi32, #tpu.memory_space<vmem>> -> memref<128xi32, #tpu.memory_space<vmem>>
    %dma_wait3A_160 = arith.constant 0 : i32
    %dma_wait3A_161 = arith.constant 0 : i32
    %dma_wait3A_162 = tpu.memref_slice %arg2[%dma_wait3A_160, %dma_wait3A_161] : memref<100000x128xf32, #tpu.memory_space<hbm>> -> memref<100000x128xf32, #tpu.memory_space<hbm>>
    tpu.wait_indirect_dma semaphore(%arg9 : memref<!tpu.dma_semaphore, #tpu.memory_space<semaphore_mem>>) src(%dma_wait3A_162 : memref<100000x128xf32, #tpu.memory_space<hbm>>) dst(%dma_wait3A_157 : memref<128x128xf32, #tpu.memory_space<vmem>>)
    %dma_wait3A_163 = arith.constant 128 : i32
    %dma_wait3A_164 = arith.constant 0 : i32
    %dma_wait3A_165 = tpu.memref_slice %arg6[%dma_wait3A_163, %dma_wait3A_164] : memref<256x128xf32, #tpu.memory_space<vmem>> -> memref<128x128xf32, #tpu.memory_space<vmem>>
    %dma_wait3A_166 = arith.constant 896 : i32
    %dma_wait3A_167 = tpu.memref_slice %arg5[%dma_wait3A_166] : memref<2048xi32, #tpu.memory_space<vmem>> -> memref<128xi32, #tpu.memory_space<vmem>>
    %dma_wait3A_168 = arith.constant 0 : i32
    %dma_wait3A_169 = arith.constant 0 : i32
    %dma_wait3A_170 = tpu.memref_slice %arg2[%dma_wait3A_168, %dma_wait3A_169] : memref<100000x128xf32, #tpu.memory_space<hbm>> -> memref<100000x128xf32, #tpu.memory_space<hbm>>
    tpu.wait_indirect_dma semaphore(%arg9 : memref<!tpu.dma_semaphore, #tpu.memory_space<semaphore_mem>>) src(%dma_wait3A_170 : memref<100000x128xf32, #tpu.memory_space<hbm>>) dst(%dma_wait3A_165 : memref<128x128xf32, #tpu.memory_space<vmem>>)
    %dma_wait3A_171 = arith.constant 0 : i32
    %dma_wait3A_172 = tpu.memref_slice %arg4[%add3A_150, %dma_wait3A_171] : memref<65536x128xf32, #tpu.memory_space<hbm>> -> memref<256x128xf32, #tpu.memory_space<hbm>>
    %dma_wait3A_173 = arith.constant 0 : i32
    %dma_wait3A_174 = tpu.memref_slice %arg4[%add3A_150, %dma_wait3A_173] : memref<65536x128xf32, #tpu.memory_space<hbm>> -> memref<256x128xf32, #tpu.memory_space<hbm>>
    tpu.wait_dma2 semaphore(%arg12 : memref<!tpu.dma_semaphore, #tpu.memory_space<semaphore_mem>>) src(%arg8 : memref<256x128xf32, #tpu.memory_space<vmem>>) dst(%dma_wait3A_174 : memref<256x128xf32, #tpu.memory_space<hbm>>)
    %dma_start3A_175 = arith.constant 0 : i32
    %dma_start3A_176 = arith.constant 0 : i32
    %dma_start3A_177 = tpu.memref_slice %arg8[%dma_start3A_175, %dma_start3A_176] : memref<256x128xf32, #tpu.memory_space<vmem>> -> memref<128x128xf32, #tpu.memory_space<vmem>>
    %dma_start3A_178 = arith.constant 1280 : i32
    %dma_start3A_179 = tpu.memref_slice %arg5[%dma_start3A_178] : memref<2048xi32, #tpu.memory_space<vmem>> -> memref<128xi32, #tpu.memory_space<vmem>>
    %dma_start3A_180 = arith.constant 0 : i32
    %dma_start3A_181 = arith.constant 0 : i32
    %dma_start3A_182 = tpu.memref_slice %arg2[%dma_start3A_180, %dma_start3A_181] : memref<100000x128xf32, #tpu.memory_space<hbm>> -> memref<100000x128xf32, #tpu.memory_space<hbm>>
    tpu.enqueue_indirect_dma source(%dma_start3A_182 : memref<100000x128xf32, #tpu.memory_space<hbm>>) target(%dma_start3A_177 : memref<128x128xf32, #tpu.memory_space<vmem>>) offsets(%dma_start3A_179 : memref<128xi32, #tpu.memory_space<vmem>>) semaphore(%arg9 : memref<!tpu.dma_semaphore, #tpu.memory_space<semaphore_mem>>)
    %dma_start3A_183 = arith.constant 128 : i32
    %dma_start3A_184 = arith.constant 0 : i32
    %dma_start3A_185 = tpu.memref_slice %arg8[%dma_start3A_183, %dma_start3A_184] : memref<256x128xf32, #tpu.memory_space<vmem>> -> memref<128x128xf32, #tpu.memory_space<vmem>>
    %dma_start3A_186 = arith.constant 1408 : i32
    %dma_start3A_187 = tpu.memref_slice %arg5[%dma_start3A_186] : memref<2048xi32, #tpu.memory_space<vmem>> -> memref<128xi32, #tpu.memory_space<vmem>>
    %dma_start3A_188 = arith.constant 0 : i32
    %dma_start3A_189 = arith.constant 0 : i32
    %dma_start3A_190 = tpu.memref_slice %arg2[%dma_start3A_188, %dma_start3A_189] : memref<100000x128xf32, #tpu.memory_space<hbm>> -> memref<100000x128xf32, #tpu.memory_space<hbm>>
    tpu.enqueue_indirect_dma source(%dma_start3A_190 : memref<100000x128xf32, #tpu.memory_space<hbm>>) target(%dma_start3A_185 : memref<128x128xf32, #tpu.memory_space<vmem>>) offsets(%dma_start3A_187 : memref<128xi32, #tpu.memory_space<vmem>>) semaphore(%arg9 : memref<!tpu.dma_semaphore, #tpu.memory_space<semaphore_mem>>)
    %add3A_191 = arith.constant 768 : i32
    %add3A_192 = arith.addi %mul3A_2, %add3A_191 : i32
    %dma_start3A_193 = arith.constant 0 : i32
    %dma_start3A_194 = tpu.memref_slice %arg4[%add3A_192, %dma_start3A_193] : memref<65536x128xf32, #tpu.memory_space<hbm>> -> memref<256x128xf32, #tpu.memory_space<hbm>>
    %dma_start3A_195 = arith.constant 0 : i32
    %dma_start3A_196 = tpu.memref_slice %arg4[%add3A_192, %dma_start3A_195] : memref<65536x128xf32, #tpu.memory_space<hbm>> -> memref<256x128xf32, #tpu.memory_space<hbm>>
    tpu.enqueue_dma source(%arg6 : memref<256x128xf32, #tpu.memory_space<vmem>>) target(%dma_start3A_196 : memref<256x128xf32, #tpu.memory_space<hbm>>) target_semaphore(%arg10 : memref<!tpu.dma_semaphore, #tpu.memory_space<semaphore_mem>>)
    %dma_wait3A_197 = arith.constant 0 : i32
    %dma_wait3A_198 = arith.constant 0 : i32
    %dma_wait3A_199 = tpu.memref_slice %arg7[%dma_wait3A_197, %dma_wait3A_198] : memref<256x128xf32, #tpu.memory_space<vmem>> -> memref<128x128xf32, #tpu.memory_space<vmem>>
    %dma_wait3A_200 = arith.constant 1024 : i32
    %dma_wait3A_201 = tpu.memref_slice %arg5[%dma_wait3A_200] : memref<2048xi32, #tpu.memory_space<vmem>> -> memref<128xi32, #tpu.memory_space<vmem>>
    %dma_wait3A_202 = arith.constant 0 : i32
    %dma_wait3A_203 = arith.constant 0 : i32
    %dma_wait3A_204 = tpu.memref_slice %arg2[%dma_wait3A_202, %dma_wait3A_203] : memref<100000x128xf32, #tpu.memory_space<hbm>> -> memref<100000x128xf32, #tpu.memory_space<hbm>>
    tpu.wait_indirect_dma semaphore(%arg9 : memref<!tpu.dma_semaphore, #tpu.memory_space<semaphore_mem>>) src(%dma_wait3A_204 : memref<100000x128xf32, #tpu.memory_space<hbm>>) dst(%dma_wait3A_199 : memref<128x128xf32, #tpu.memory_space<vmem>>)
    %dma_wait3A_205 = arith.constant 128 : i32
    %dma_wait3A_206 = arith.constant 0 : i32
    %dma_wait3A_207 = tpu.memref_slice %arg7[%dma_wait3A_205, %dma_wait3A_206] : memref<256x128xf32, #tpu.memory_space<vmem>> -> memref<128x128xf32, #tpu.memory_space<vmem>>
    %dma_wait3A_208 = arith.constant 1152 : i32
    %dma_wait3A_209 = tpu.memref_slice %arg5[%dma_wait3A_208] : memref<2048xi32, #tpu.memory_space<vmem>> -> memref<128xi32, #tpu.memory_space<vmem>>
    %dma_wait3A_210 = arith.constant 0 : i32
    %dma_wait3A_211 = arith.constant 0 : i32
    %dma_wait3A_212 = tpu.memref_slice %arg2[%dma_wait3A_210, %dma_wait3A_211] : memref<100000x128xf32, #tpu.memory_space<hbm>> -> memref<100000x128xf32, #tpu.memory_space<hbm>>
    tpu.wait_indirect_dma semaphore(%arg9 : memref<!tpu.dma_semaphore, #tpu.memory_space<semaphore_mem>>) src(%dma_wait3A_212 : memref<100000x128xf32, #tpu.memory_space<hbm>>) dst(%dma_wait3A_207 : memref<128x128xf32, #tpu.memory_space<vmem>>)
    %dma_wait3A_213 = arith.constant 0 : i32
    %dma_wait3A_214 = tpu.memref_slice %arg4[%add3A_192, %dma_wait3A_213] : memref<65536x128xf32, #tpu.memory_space<hbm>> -> memref<256x128xf32, #tpu.memory_space<hbm>>
    %dma_wait3A_215 = arith.constant 0 : i32
    %dma_wait3A_216 = tpu.memref_slice %arg4[%add3A_192, %dma_wait3A_215] : memref<65536x128xf32, #tpu.memory_space<hbm>> -> memref<256x128xf32, #tpu.memory_space<hbm>>
    tpu.wait_dma2 semaphore(%arg10 : memref<!tpu.dma_semaphore, #tpu.memory_space<semaphore_mem>>) src(%arg6 : memref<256x128xf32, #tpu.memory_space<vmem>>) dst(%dma_wait3A_216 : memref<256x128xf32, #tpu.memory_space<hbm>>)
    %dma_start3A_217 = arith.constant 0 : i32
    %dma_start3A_218 = arith.constant 0 : i32
    %dma_start3A_219 = tpu.memref_slice %arg6[%dma_start3A_217, %dma_start3A_218] : memref<256x128xf32, #tpu.memory_space<vmem>> -> memref<128x128xf32, #tpu.memory_space<vmem>>
    %dma_start3A_220 = arith.constant 1536 : i32
    %dma_start3A_221 = tpu.memref_slice %arg5[%dma_start3A_220] : memref<2048xi32, #tpu.memory_space<vmem>> -> memref<128xi32, #tpu.memory_space<vmem>>
    %dma_start3A_222 = arith.constant 0 : i32
    %dma_start3A_223 = arith.constant 0 : i32
    %dma_start3A_224 = tpu.memref_slice %arg2[%dma_start3A_222, %dma_start3A_223] : memref<100000x128xf32, #tpu.memory_space<hbm>> -> memref<100000x128xf32, #tpu.memory_space<hbm>>
    tpu.enqueue_indirect_dma source(%dma_start3A_224 : memref<100000x128xf32, #tpu.memory_space<hbm>>) target(%dma_start3A_219 : memref<128x128xf32, #tpu.memory_space<vmem>>) offsets(%dma_start3A_221 : memref<128xi32, #tpu.memory_space<vmem>>) semaphore(%arg9 : memref<!tpu.dma_semaphore, #tpu.memory_space<semaphore_mem>>)
    %dma_start3A_225 = arith.constant 128 : i32
    %dma_start3A_226 = arith.constant 0 : i32
    %dma_start3A_227 = tpu.memref_slice %arg6[%dma_start3A_225, %dma_start3A_226] : memref<256x128xf32, #tpu.memory_space<vmem>> -> memref<128x128xf32, #tpu.memory_space<vmem>>
    %dma_start3A_228 = arith.constant 1664 : i32
    %dma_start3A_229 = tpu.memref_slice %arg5[%dma_start3A_228] : memref<2048xi32, #tpu.memory_space<vmem>> -> memref<128xi32, #tpu.memory_space<vmem>>
    %dma_start3A_230 = arith.constant 0 : i32
    %dma_start3A_231 = arith.constant 0 : i32
    %dma_start3A_232 = tpu.memref_slice %arg2[%dma_start3A_230, %dma_start3A_231] : memref<100000x128xf32, #tpu.memory_space<hbm>> -> memref<100000x128xf32, #tpu.memory_space<hbm>>
    tpu.enqueue_indirect_dma source(%dma_start3A_232 : memref<100000x128xf32, #tpu.memory_space<hbm>>) target(%dma_start3A_227 : memref<128x128xf32, #tpu.memory_space<vmem>>) offsets(%dma_start3A_229 : memref<128xi32, #tpu.memory_space<vmem>>) semaphore(%arg9 : memref<!tpu.dma_semaphore, #tpu.memory_space<semaphore_mem>>)
    %add3A_233 = arith.constant 1024 : i32
    %add3A_234 = arith.addi %mul3A_2, %add3A_233 : i32
    %dma_start3A_235 = arith.constant 0 : i32
    %dma_start3A_236 = tpu.memref_slice %arg4[%add3A_234, %dma_start3A_235] : memref<65536x128xf32, #tpu.memory_space<hbm>> -> memref<256x128xf32, #tpu.memory_space<hbm>>
    %dma_start3A_237 = arith.constant 0 : i32
    %dma_start3A_238 = tpu.memref_slice %arg4[%add3A_234, %dma_start3A_237] : memref<65536x128xf32, #tpu.memory_space<hbm>> -> memref<256x128xf32, #tpu.memory_space<hbm>>
    tpu.enqueue_dma source(%arg7 : memref<256x128xf32, #tpu.memory_space<vmem>>) target(%dma_start3A_238 : memref<256x128xf32, #tpu.memory_space<hbm>>) target_semaphore(%arg11 : memref<!tpu.dma_semaphore, #tpu.memory_space<semaphore_mem>>)
    %dma_wait3A_239 = arith.constant 0 : i32
    %dma_wait3A_240 = arith.constant 0 : i32
    %dma_wait3A_241 = tpu.memref_slice %arg8[%dma_wait3A_239, %dma_wait3A_240] : memref<256x128xf32, #tpu.memory_space<vmem>> -> memref<128x128xf32, #tpu.memory_space<vmem>>
    %dma_wait3A_242 = arith.constant 1280 : i32
    %dma_wait3A_243 = tpu.memref_slice %arg5[%dma_wait3A_242] : memref<2048xi32, #tpu.memory_space<vmem>> -> memref<128xi32, #tpu.memory_space<vmem>>
    %dma_wait3A_244 = arith.constant 0 : i32
    %dma_wait3A_245 = arith.constant 0 : i32
    %dma_wait3A_246 = tpu.memref_slice %arg2[%dma_wait3A_244, %dma_wait3A_245] : memref<100000x128xf32, #tpu.memory_space<hbm>> -> memref<100000x128xf32, #tpu.memory_space<hbm>>
    tpu.wait_indirect_dma semaphore(%arg9 : memref<!tpu.dma_semaphore, #tpu.memory_space<semaphore_mem>>) src(%dma_wait3A_246 : memref<100000x128xf32, #tpu.memory_space<hbm>>) dst(%dma_wait3A_241 : memref<128x128xf32, #tpu.memory_space<vmem>>)
    %dma_wait3A_247 = arith.constant 128 : i32
    %dma_wait3A_248 = arith.constant 0 : i32
    %dma_wait3A_249 = tpu.memref_slice %arg8[%dma_wait3A_247, %dma_wait3A_248] : memref<256x128xf32, #tpu.memory_space<vmem>> -> memref<128x128xf32, #tpu.memory_space<vmem>>
    %dma_wait3A_250 = arith.constant 1408 : i32
    %dma_wait3A_251 = tpu.memref_slice %arg5[%dma_wait3A_250] : memref<2048xi32, #tpu.memory_space<vmem>> -> memref<128xi32, #tpu.memory_space<vmem>>
    %dma_wait3A_252 = arith.constant 0 : i32
    %dma_wait3A_253 = arith.constant 0 : i32
    %dma_wait3A_254 = tpu.memref_slice %arg2[%dma_wait3A_252, %dma_wait3A_253] : memref<100000x128xf32, #tpu.memory_space<hbm>> -> memref<100000x128xf32, #tpu.memory_space<hbm>>
    tpu.wait_indirect_dma semaphore(%arg9 : memref<!tpu.dma_semaphore, #tpu.memory_space<semaphore_mem>>) src(%dma_wait3A_254 : memref<100000x128xf32, #tpu.memory_space<hbm>>) dst(%dma_wait3A_249 : memref<128x128xf32, #tpu.memory_space<vmem>>)
    %dma_wait3A_255 = arith.constant 0 : i32
    %dma_wait3A_256 = tpu.memref_slice %arg4[%add3A_234, %dma_wait3A_255] : memref<65536x128xf32, #tpu.memory_space<hbm>> -> memref<256x128xf32, #tpu.memory_space<hbm>>
    %dma_wait3A_257 = arith.constant 0 : i32
    %dma_wait3A_258 = tpu.memref_slice %arg4[%add3A_234, %dma_wait3A_257] : memref<65536x128xf32, #tpu.memory_space<hbm>> -> memref<256x128xf32, #tpu.memory_space<hbm>>
    tpu.wait_dma2 semaphore(%arg11 : memref<!tpu.dma_semaphore, #tpu.memory_space<semaphore_mem>>) src(%arg7 : memref<256x128xf32, #tpu.memory_space<vmem>>) dst(%dma_wait3A_258 : memref<256x128xf32, #tpu.memory_space<hbm>>)
    %dma_start3A_259 = arith.constant 0 : i32
    %dma_start3A_260 = arith.constant 0 : i32
    %dma_start3A_261 = tpu.memref_slice %arg7[%dma_start3A_259, %dma_start3A_260] : memref<256x128xf32, #tpu.memory_space<vmem>> -> memref<128x128xf32, #tpu.memory_space<vmem>>
    %dma_start3A_262 = arith.constant 1792 : i32
    %dma_start3A_263 = tpu.memref_slice %arg5[%dma_start3A_262] : memref<2048xi32, #tpu.memory_space<vmem>> -> memref<128xi32, #tpu.memory_space<vmem>>
    %dma_start3A_264 = arith.constant 0 : i32
    %dma_start3A_265 = arith.constant 0 : i32
    %dma_start3A_266 = tpu.memref_slice %arg2[%dma_start3A_264, %dma_start3A_265] : memref<100000x128xf32, #tpu.memory_space<hbm>> -> memref<100000x128xf32, #tpu.memory_space<hbm>>
    tpu.enqueue_indirect_dma source(%dma_start3A_266 : memref<100000x128xf32, #tpu.memory_space<hbm>>) target(%dma_start3A_261 : memref<128x128xf32, #tpu.memory_space<vmem>>) offsets(%dma_start3A_263 : memref<128xi32, #tpu.memory_space<vmem>>) semaphore(%arg9 : memref<!tpu.dma_semaphore, #tpu.memory_space<semaphore_mem>>)
    %dma_start3A_267 = arith.constant 128 : i32
    %dma_start3A_268 = arith.constant 0 : i32
    %dma_start3A_269 = tpu.memref_slice %arg7[%dma_start3A_267, %dma_start3A_268] : memref<256x128xf32, #tpu.memory_space<vmem>> -> memref<128x128xf32, #tpu.memory_space<vmem>>
    %dma_start3A_270 = arith.constant 1920 : i32
    %dma_start3A_271 = tpu.memref_slice %arg5[%dma_start3A_270] : memref<2048xi32, #tpu.memory_space<vmem>> -> memref<128xi32, #tpu.memory_space<vmem>>
    %dma_start3A_272 = arith.constant 0 : i32
    %dma_start3A_273 = arith.constant 0 : i32
    %dma_start3A_274 = tpu.memref_slice %arg2[%dma_start3A_272, %dma_start3A_273] : memref<100000x128xf32, #tpu.memory_space<hbm>> -> memref<100000x128xf32, #tpu.memory_space<hbm>>
    tpu.enqueue_indirect_dma source(%dma_start3A_274 : memref<100000x128xf32, #tpu.memory_space<hbm>>) target(%dma_start3A_269 : memref<128x128xf32, #tpu.memory_space<vmem>>) offsets(%dma_start3A_271 : memref<128xi32, #tpu.memory_space<vmem>>) semaphore(%arg9 : memref<!tpu.dma_semaphore, #tpu.memory_space<semaphore_mem>>)
    %add3A_275 = arith.constant 1280 : i32
    %add3A_276 = arith.addi %mul3A_2, %add3A_275 : i32
    %dma_start3A_277 = arith.constant 0 : i32
    %dma_start3A_278 = tpu.memref_slice %arg4[%add3A_276, %dma_start3A_277] : memref<65536x128xf32, #tpu.memory_space<hbm>> -> memref<256x128xf32, #tpu.memory_space<hbm>>
    %dma_start3A_279 = arith.constant 0 : i32
    %dma_start3A_280 = tpu.memref_slice %arg4[%add3A_276, %dma_start3A_279] : memref<65536x128xf32, #tpu.memory_space<hbm>> -> memref<256x128xf32, #tpu.memory_space<hbm>>
    tpu.enqueue_dma source(%arg8 : memref<256x128xf32, #tpu.memory_space<vmem>>) target(%dma_start3A_280 : memref<256x128xf32, #tpu.memory_space<hbm>>) target_semaphore(%arg12 : memref<!tpu.dma_semaphore, #tpu.memory_space<semaphore_mem>>)
    %dma_wait3A_281 = arith.constant 0 : i32
    %dma_wait3A_282 = arith.constant 0 : i32
    %dma_wait3A_283 = tpu.memref_slice %arg6[%dma_wait3A_281, %dma_wait3A_282] : memref<256x128xf32, #tpu.memory_space<vmem>> -> memref<128x128xf32, #tpu.memory_space<vmem>>
    %dma_wait3A_284 = arith.constant 1536 : i32
    %dma_wait3A_285 = tpu.memref_slice %arg5[%dma_wait3A_284] : memref<2048xi32, #tpu.memory_space<vmem>> -> memref<128xi32, #tpu.memory_space<vmem>>
    %dma_wait3A_286 = arith.constant 0 : i32
    %dma_wait3A_287 = arith.constant 0 : i32
    %dma_wait3A_288 = tpu.memref_slice %arg2[%dma_wait3A_286, %dma_wait3A_287] : memref<100000x128xf32, #tpu.memory_space<hbm>> -> memref<100000x128xf32, #tpu.memory_space<hbm>>
    tpu.wait_indirect_dma semaphore(%arg9 : memref<!tpu.dma_semaphore, #tpu.memory_space<semaphore_mem>>) src(%dma_wait3A_288 : memref<100000x128xf32, #tpu.memory_space<hbm>>) dst(%dma_wait3A_283 : memref<128x128xf32, #tpu.memory_space<vmem>>)
    %dma_wait3A_289 = arith.constant 128 : i32
    %dma_wait3A_290 = arith.constant 0 : i32
    %dma_wait3A_291 = tpu.memref_slice %arg6[%dma_wait3A_289, %dma_wait3A_290] : memref<256x128xf32, #tpu.memory_space<vmem>> -> memref<128x128xf32, #tpu.memory_space<vmem>>
    %dma_wait3A_292 = arith.constant 1664 : i32
    %dma_wait3A_293 = tpu.memref_slice %arg5[%dma_wait3A_292] : memref<2048xi32, #tpu.memory_space<vmem>> -> memref<128xi32, #tpu.memory_space<vmem>>
    %dma_wait3A_294 = arith.constant 0 : i32
    %dma_wait3A_295 = arith.constant 0 : i32
    %dma_wait3A_296 = tpu.memref_slice %arg2[%dma_wait3A_294, %dma_wait3A_295] : memref<100000x128xf32, #tpu.memory_space<hbm>> -> memref<100000x128xf32, #tpu.memory_space<hbm>>
    tpu.wait_indirect_dma semaphore(%arg9 : memref<!tpu.dma_semaphore, #tpu.memory_space<semaphore_mem>>) src(%dma_wait3A_296 : memref<100000x128xf32, #tpu.memory_space<hbm>>) dst(%dma_wait3A_291 : memref<128x128xf32, #tpu.memory_space<vmem>>)
    %add3A_297 = arith.constant 1536 : i32
    %add3A_298 = arith.addi %mul3A_2, %add3A_297 : i32
    %dma_start3A_299 = arith.constant 0 : i32
    %dma_start3A_300 = tpu.memref_slice %arg4[%add3A_298, %dma_start3A_299] : memref<65536x128xf32, #tpu.memory_space<hbm>> -> memref<256x128xf32, #tpu.memory_space<hbm>>
    %dma_start3A_301 = arith.constant 0 : i32
    %dma_start3A_302 = tpu.memref_slice %arg4[%add3A_298, %dma_start3A_301] : memref<65536x128xf32, #tpu.memory_space<hbm>> -> memref<256x128xf32, #tpu.memory_space<hbm>>
    tpu.enqueue_dma source(%arg6 : memref<256x128xf32, #tpu.memory_space<vmem>>) target(%dma_start3A_302 : memref<256x128xf32, #tpu.memory_space<hbm>>) target_semaphore(%arg10 : memref<!tpu.dma_semaphore, #tpu.memory_space<semaphore_mem>>)
    %dma_wait3A_303 = arith.constant 0 : i32
    %dma_wait3A_304 = arith.constant 0 : i32
    %dma_wait3A_305 = tpu.memref_slice %arg7[%dma_wait3A_303, %dma_wait3A_304] : memref<256x128xf32, #tpu.memory_space<vmem>> -> memref<128x128xf32, #tpu.memory_space<vmem>>
    %dma_wait3A_306 = arith.constant 1792 : i32
    %dma_wait3A_307 = tpu.memref_slice %arg5[%dma_wait3A_306] : memref<2048xi32, #tpu.memory_space<vmem>> -> memref<128xi32, #tpu.memory_space<vmem>>
    %dma_wait3A_308 = arith.constant 0 : i32
    %dma_wait3A_309 = arith.constant 0 : i32
    %dma_wait3A_310 = tpu.memref_slice %arg2[%dma_wait3A_308, %dma_wait3A_309] : memref<100000x128xf32, #tpu.memory_space<hbm>> -> memref<100000x128xf32, #tpu.memory_space<hbm>>
    tpu.wait_indirect_dma semaphore(%arg9 : memref<!tpu.dma_semaphore, #tpu.memory_space<semaphore_mem>>) src(%dma_wait3A_310 : memref<100000x128xf32, #tpu.memory_space<hbm>>) dst(%dma_wait3A_305 : memref<128x128xf32, #tpu.memory_space<vmem>>)
    %dma_wait3A_311 = arith.constant 128 : i32
    %dma_wait3A_312 = arith.constant 0 : i32
    %dma_wait3A_313 = tpu.memref_slice %arg7[%dma_wait3A_311, %dma_wait3A_312] : memref<256x128xf32, #tpu.memory_space<vmem>> -> memref<128x128xf32, #tpu.memory_space<vmem>>
    %dma_wait3A_314 = arith.constant 1920 : i32
    %dma_wait3A_315 = tpu.memref_slice %arg5[%dma_wait3A_314] : memref<2048xi32, #tpu.memory_space<vmem>> -> memref<128xi32, #tpu.memory_space<vmem>>
    %dma_wait3A_316 = arith.constant 0 : i32
    %dma_wait3A_317 = arith.constant 0 : i32
    %dma_wait3A_318 = tpu.memref_slice %arg2[%dma_wait3A_316, %dma_wait3A_317] : memref<100000x128xf32, #tpu.memory_space<hbm>> -> memref<100000x128xf32, #tpu.memory_space<hbm>>
    tpu.wait_indirect_dma semaphore(%arg9 : memref<!tpu.dma_semaphore, #tpu.memory_space<semaphore_mem>>) src(%dma_wait3A_318 : memref<100000x128xf32, #tpu.memory_space<hbm>>) dst(%dma_wait3A_313 : memref<128x128xf32, #tpu.memory_space<vmem>>)
    %add3A_319 = arith.constant 1792 : i32
    %add3A_320 = arith.addi %mul3A_2, %add3A_319 : i32
    %dma_start3A_321 = arith.constant 0 : i32
    %dma_start3A_322 = tpu.memref_slice %arg4[%add3A_320, %dma_start3A_321] : memref<65536x128xf32, #tpu.memory_space<hbm>> -> memref<256x128xf32, #tpu.memory_space<hbm>>
    %dma_start3A_323 = arith.constant 0 : i32
    %dma_start3A_324 = tpu.memref_slice %arg4[%add3A_320, %dma_start3A_323] : memref<65536x128xf32, #tpu.memory_space<hbm>> -> memref<256x128xf32, #tpu.memory_space<hbm>>
    tpu.enqueue_dma source(%arg7 : memref<256x128xf32, #tpu.memory_space<vmem>>) target(%dma_start3A_324 : memref<256x128xf32, #tpu.memory_space<hbm>>) target_semaphore(%arg11 : memref<!tpu.dma_semaphore, #tpu.memory_space<semaphore_mem>>)
    %dma_wait3A_325 = arith.constant 0 : i32
    %dma_wait3A_326 = tpu.memref_slice %arg4[%add3A_298, %dma_wait3A_325] : memref<65536x128xf32, #tpu.memory_space<hbm>> -> memref<256x128xf32, #tpu.memory_space<hbm>>
    %dma_wait3A_327 = arith.constant 0 : i32
    %dma_wait3A_328 = tpu.memref_slice %arg4[%add3A_298, %dma_wait3A_327] : memref<65536x128xf32, #tpu.memory_space<hbm>> -> memref<256x128xf32, #tpu.memory_space<hbm>>
    tpu.wait_dma2 semaphore(%arg10 : memref<!tpu.dma_semaphore, #tpu.memory_space<semaphore_mem>>) src(%arg6 : memref<256x128xf32, #tpu.memory_space<vmem>>) dst(%dma_wait3A_328 : memref<256x128xf32, #tpu.memory_space<hbm>>)
    %dma_wait3A_329 = arith.constant 0 : i32
    %dma_wait3A_330 = tpu.memref_slice %arg4[%add3A_320, %dma_wait3A_329] : memref<65536x128xf32, #tpu.memory_space<hbm>> -> memref<256x128xf32, #tpu.memory_space<hbm>>
    %dma_wait3A_331 = arith.constant 0 : i32
    %dma_wait3A_332 = tpu.memref_slice %arg4[%add3A_320, %dma_wait3A_331] : memref<65536x128xf32, #tpu.memory_space<hbm>> -> memref<256x128xf32, #tpu.memory_space<hbm>>
    tpu.wait_dma2 semaphore(%arg11 : memref<!tpu.dma_semaphore, #tpu.memory_space<semaphore_mem>>) src(%arg7 : memref<256x128xf32, #tpu.memory_space<vmem>>) dst(%dma_wait3A_332 : memref<256x128xf32, #tpu.memory_space<hbm>>)
    %dma_wait3A_333 = arith.constant 0 : i32
    %dma_wait3A_334 = tpu.memref_slice %arg4[%add3A_276, %dma_wait3A_333] : memref<65536x128xf32, #tpu.memory_space<hbm>> -> memref<256x128xf32, #tpu.memory_space<hbm>>
    %dma_wait3A_335 = arith.constant 0 : i32
    %dma_wait3A_336 = tpu.memref_slice %arg4[%add3A_276, %dma_wait3A_335] : memref<65536x128xf32, #tpu.memory_space<hbm>> -> memref<256x128xf32, #tpu.memory_space<hbm>>
    tpu.wait_dma2 semaphore(%arg12 : memref<!tpu.dma_semaphore, #tpu.memory_space<semaphore_mem>>) src(%arg8 : memref<256x128xf32, #tpu.memory_space<vmem>>) dst(%dma_wait3A_336 : memref<256x128xf32, #tpu.memory_space<hbm>>)
    return
  }
}

#map = affine_map<(d0, d1) -> (0, 0)>
#map1 = affine_map<(d0, d1) -> (0)>
module attributes {stable_mosaic.version = 14 : i64} {
  func.func @k(%arg0: i32, %arg1: i32, %arg2: memref<100000x128xf32, #tpu.memory_space<hbm>>, %arg3: memref<32768xi32, #tpu.memory_space<hbm>>, %arg4: memref<32768x128xf32, #tpu.memory_space<hbm>>, %arg5: memref<1024xi32, #tpu.memory_space<vmem>>, %arg6: memref<256x128xf32, #tpu.memory_space<vmem>>, %arg7: memref<256x128xf32, #tpu.memory_space<vmem>>, %arg8: memref<256x128xf32, #tpu.memory_space<vmem>>, %arg9: memref<!tpu.dma_semaphore, #tpu.memory_space<semaphore_mem>>, %arg10: memref<!tpu.dma_semaphore, #tpu.memory_space<semaphore_mem>>, %arg11: memref<!tpu.dma_semaphore, #tpu.memory_space<semaphore_mem>>, %arg12: memref<!tpu.dma_semaphore, #tpu.memory_space<semaphore_mem>>) attributes {dimension_semantics = [#tpu.dimension_semantics<core_parallel>, #tpu.dimension_semantics<subcore_parallel>], iteration_bounds = array<i64: 2, 16>, scalar_prefetch = 0 : i64, scratch_operands = 8 : i64, tpu.core_type = #tpu.core_type<sc_vector_subcore>, window_params = [{transform_indices = #map}, {transform_indices = #map1}, {transform_indices = #map}]} {
    %mul3A = arith.constant 2 : i32
    %mul3A_0 = arith.muli %arg1, %mul3A : i32
    %add3A = arith.addi %mul3A_0, %arg0 : i32
    %mul3A_1 = arith.constant 1024 : i32
    %mul3A_2 = arith.muli %add3A, %mul3A_1 : i32
    "tpu.region"() ({
      %run_scoped3A = tpu.sem_alloc : memref<!tpu.dma_semaphore, #tpu.memory_space<semaphore_mem>>
      %dma_start3A_169 = tpu.memref_slice %arg3[%mul3A_2] : memref<32768xi32, #tpu.memory_space<hbm>> -> memref<1024xi32, #tpu.memory_space<hbm>>
      %dma_start3A_170 = tpu.memref_slice %arg3[%mul3A_2] : memref<32768xi32, #tpu.memory_space<hbm>> -> memref<1024xi32, #tpu.memory_space<hbm>>
      tpu.enqueue_dma source(%dma_start3A_170 : memref<1024xi32, #tpu.memory_space<hbm>>) target(%arg5 : memref<1024xi32, #tpu.memory_space<vmem>>) target_semaphore(%run_scoped3A : memref<!tpu.dma_semaphore, #tpu.memory_space<semaphore_mem>>)
      %dma_wait3A_171 = tpu.memref_slice %arg3[%mul3A_2] : memref<32768xi32, #tpu.memory_space<hbm>> -> memref<1024xi32, #tpu.memory_space<hbm>>
      %dma_wait3A_172 = tpu.memref_slice %arg3[%mul3A_2] : memref<32768xi32, #tpu.memory_space<hbm>> -> memref<1024xi32, #tpu.memory_space<hbm>>
      tpu.wait_dma2 semaphore(%run_scoped3A : memref<!tpu.dma_semaphore, #tpu.memory_space<semaphore_mem>>) src(%dma_wait3A_172 : memref<1024xi32, #tpu.memory_space<hbm>>) dst(%arg5 : memref<1024xi32, #tpu.memory_space<vmem>>)
      tpu.yield
    }) : () -> ()
    %dma_start3A = arith.constant 0 : i32
    %dma_start3A_3 = arith.constant 0 : i32
    %dma_start3A_4 = tpu.memref_slice %arg6[%dma_start3A, %dma_start3A_3] : memref<256x128xf32, #tpu.memory_space<vmem>> -> memref<128x128xf32, #tpu.memory_space<vmem>>
    %dma_start3A_5 = arith.constant 0 : i32
    %dma_start3A_6 = tpu.memref_slice %arg5[%dma_start3A_5] : memref<1024xi32, #tpu.memory_space<vmem>> -> memref<128xi32, #tpu.memory_space<vmem>>
    %dma_start3A_7 = arith.constant 0 : i32
    %dma_start3A_8 = arith.constant 0 : i32
    %dma_start3A_9 = tpu.memref_slice %arg2[%dma_start3A_7, %dma_start3A_8] : memref<100000x128xf32, #tpu.memory_space<hbm>> -> memref<100000x128xf32, #tpu.memory_space<hbm>>
    tpu.enqueue_indirect_dma source(%dma_start3A_9 : memref<100000x128xf32, #tpu.memory_space<hbm>>) target(%dma_start3A_4 : memref<128x128xf32, #tpu.memory_space<vmem>>) offsets(%dma_start3A_6 : memref<128xi32, #tpu.memory_space<vmem>>) semaphore(%arg9 : memref<!tpu.dma_semaphore, #tpu.memory_space<semaphore_mem>>)
    %dma_start3A_10 = arith.constant 128 : i32
    %dma_start3A_11 = arith.constant 0 : i32
    %dma_start3A_12 = tpu.memref_slice %arg6[%dma_start3A_10, %dma_start3A_11] : memref<256x128xf32, #tpu.memory_space<vmem>> -> memref<128x128xf32, #tpu.memory_space<vmem>>
    %dma_start3A_13 = arith.constant 128 : i32
    %dma_start3A_14 = tpu.memref_slice %arg5[%dma_start3A_13] : memref<1024xi32, #tpu.memory_space<vmem>> -> memref<128xi32, #tpu.memory_space<vmem>>
    %dma_start3A_15 = arith.constant 0 : i32
    %dma_start3A_16 = arith.constant 0 : i32
    %dma_start3A_17 = tpu.memref_slice %arg2[%dma_start3A_15, %dma_start3A_16] : memref<100000x128xf32, #tpu.memory_space<hbm>> -> memref<100000x128xf32, #tpu.memory_space<hbm>>
    tpu.enqueue_indirect_dma source(%dma_start3A_17 : memref<100000x128xf32, #tpu.memory_space<hbm>>) target(%dma_start3A_12 : memref<128x128xf32, #tpu.memory_space<vmem>>) offsets(%dma_start3A_14 : memref<128xi32, #tpu.memory_space<vmem>>) semaphore(%arg9 : memref<!tpu.dma_semaphore, #tpu.memory_space<semaphore_mem>>)
    %dma_start3A_18 = arith.constant 0 : i32
    %dma_start3A_19 = arith.constant 0 : i32
    %dma_start3A_20 = tpu.memref_slice %arg7[%dma_start3A_18, %dma_start3A_19] : memref<256x128xf32, #tpu.memory_space<vmem>> -> memref<128x128xf32, #tpu.memory_space<vmem>>
    %dma_start3A_21 = arith.constant 256 : i32
    %dma_start3A_22 = tpu.memref_slice %arg5[%dma_start3A_21] : memref<1024xi32, #tpu.memory_space<vmem>> -> memref<128xi32, #tpu.memory_space<vmem>>
    %dma_start3A_23 = arith.constant 0 : i32
    %dma_start3A_24 = arith.constant 0 : i32
    %dma_start3A_25 = tpu.memref_slice %arg2[%dma_start3A_23, %dma_start3A_24] : memref<100000x128xf32, #tpu.memory_space<hbm>> -> memref<100000x128xf32, #tpu.memory_space<hbm>>
    tpu.enqueue_indirect_dma source(%dma_start3A_25 : memref<100000x128xf32, #tpu.memory_space<hbm>>) target(%dma_start3A_20 : memref<128x128xf32, #tpu.memory_space<vmem>>) offsets(%dma_start3A_22 : memref<128xi32, #tpu.memory_space<vmem>>) semaphore(%arg9 : memref<!tpu.dma_semaphore, #tpu.memory_space<semaphore_mem>>)
    %dma_start3A_26 = arith.constant 128 : i32
    %dma_start3A_27 = arith.constant 0 : i32
    %dma_start3A_28 = tpu.memref_slice %arg7[%dma_start3A_26, %dma_start3A_27] : memref<256x128xf32, #tpu.memory_space<vmem>> -> memref<128x128xf32, #tpu.memory_space<vmem>>
    %dma_start3A_29 = arith.constant 384 : i32
    %dma_start3A_30 = tpu.memref_slice %arg5[%dma_start3A_29] : memref<1024xi32, #tpu.memory_space<vmem>> -> memref<128xi32, #tpu.memory_space<vmem>>
    %dma_start3A_31 = arith.constant 0 : i32
    %dma_start3A_32 = arith.constant 0 : i32
    %dma_start3A_33 = tpu.memref_slice %arg2[%dma_start3A_31, %dma_start3A_32] : memref<100000x128xf32, #tpu.memory_space<hbm>> -> memref<100000x128xf32, #tpu.memory_space<hbm>>
    tpu.enqueue_indirect_dma source(%dma_start3A_33 : memref<100000x128xf32, #tpu.memory_space<hbm>>) target(%dma_start3A_28 : memref<128x128xf32, #tpu.memory_space<vmem>>) offsets(%dma_start3A_30 : memref<128xi32, #tpu.memory_space<vmem>>) semaphore(%arg9 : memref<!tpu.dma_semaphore, #tpu.memory_space<semaphore_mem>>)
    %dma_wait3A = arith.constant 0 : i32
    %dma_wait3A_34 = arith.constant 0 : i32
    %dma_wait3A_35 = tpu.memref_slice %arg6[%dma_wait3A, %dma_wait3A_34] : memref<256x128xf32, #tpu.memory_space<vmem>> -> memref<128x128xf32, #tpu.memory_space<vmem>>
    %dma_wait3A_36 = arith.constant 0 : i32
    %dma_wait3A_37 = tpu.memref_slice %arg5[%dma_wait3A_36] : memref<1024xi32, #tpu.memory_space<vmem>> -> memref<128xi32, #tpu.memory_space<vmem>>
    %dma_wait3A_38 = arith.constant 0 : i32
    %dma_wait3A_39 = arith.constant 0 : i32
    %dma_wait3A_40 = tpu.memref_slice %arg2[%dma_wait3A_38, %dma_wait3A_39] : memref<100000x128xf32, #tpu.memory_space<hbm>> -> memref<100000x128xf32, #tpu.memory_space<hbm>>
    tpu.wait_indirect_dma semaphore(%arg9 : memref<!tpu.dma_semaphore, #tpu.memory_space<semaphore_mem>>) src(%dma_wait3A_40 : memref<100000x128xf32, #tpu.memory_space<hbm>>) dst(%dma_wait3A_35 : memref<128x128xf32, #tpu.memory_space<vmem>>)
    %dma_wait3A_41 = arith.constant 128 : i32
    %dma_wait3A_42 = arith.constant 0 : i32
    %dma_wait3A_43 = tpu.memref_slice %arg6[%dma_wait3A_41, %dma_wait3A_42] : memref<256x128xf32, #tpu.memory_space<vmem>> -> memref<128x128xf32, #tpu.memory_space<vmem>>
    %dma_wait3A_44 = arith.constant 128 : i32
    %dma_wait3A_45 = tpu.memref_slice %arg5[%dma_wait3A_44] : memref<1024xi32, #tpu.memory_space<vmem>> -> memref<128xi32, #tpu.memory_space<vmem>>
    %dma_wait3A_46 = arith.constant 0 : i32
    %dma_wait3A_47 = arith.constant 0 : i32
    %dma_wait3A_48 = tpu.memref_slice %arg2[%dma_wait3A_46, %dma_wait3A_47] : memref<100000x128xf32, #tpu.memory_space<hbm>> -> memref<100000x128xf32, #tpu.memory_space<hbm>>
    tpu.wait_indirect_dma semaphore(%arg9 : memref<!tpu.dma_semaphore, #tpu.memory_space<semaphore_mem>>) src(%dma_wait3A_48 : memref<100000x128xf32, #tpu.memory_space<hbm>>) dst(%dma_wait3A_43 : memref<128x128xf32, #tpu.memory_space<vmem>>)
    %dma_start3A_49 = arith.constant 0 : i32
    %dma_start3A_50 = arith.constant 0 : i32
    %dma_start3A_51 = tpu.memref_slice %arg8[%dma_start3A_49, %dma_start3A_50] : memref<256x128xf32, #tpu.memory_space<vmem>> -> memref<128x128xf32, #tpu.memory_space<vmem>>
    %dma_start3A_52 = arith.constant 512 : i32
    %dma_start3A_53 = tpu.memref_slice %arg5[%dma_start3A_52] : memref<1024xi32, #tpu.memory_space<vmem>> -> memref<128xi32, #tpu.memory_space<vmem>>
    %dma_start3A_54 = arith.constant 0 : i32
    %dma_start3A_55 = arith.constant 0 : i32
    %dma_start3A_56 = tpu.memref_slice %arg2[%dma_start3A_54, %dma_start3A_55] : memref<100000x128xf32, #tpu.memory_space<hbm>> -> memref<100000x128xf32, #tpu.memory_space<hbm>>
    tpu.enqueue_indirect_dma source(%dma_start3A_56 : memref<100000x128xf32, #tpu.memory_space<hbm>>) target(%dma_start3A_51 : memref<128x128xf32, #tpu.memory_space<vmem>>) offsets(%dma_start3A_53 : memref<128xi32, #tpu.memory_space<vmem>>) semaphore(%arg9 : memref<!tpu.dma_semaphore, #tpu.memory_space<semaphore_mem>>)
    %dma_start3A_57 = arith.constant 128 : i32
    %dma_start3A_58 = arith.constant 0 : i32
    %dma_start3A_59 = tpu.memref_slice %arg8[%dma_start3A_57, %dma_start3A_58] : memref<256x128xf32, #tpu.memory_space<vmem>> -> memref<128x128xf32, #tpu.memory_space<vmem>>
    %dma_start3A_60 = arith.constant 640 : i32
    %dma_start3A_61 = tpu.memref_slice %arg5[%dma_start3A_60] : memref<1024xi32, #tpu.memory_space<vmem>> -> memref<128xi32, #tpu.memory_space<vmem>>
    %dma_start3A_62 = arith.constant 0 : i32
    %dma_start3A_63 = arith.constant 0 : i32
    %dma_start3A_64 = tpu.memref_slice %arg2[%dma_start3A_62, %dma_start3A_63] : memref<100000x128xf32, #tpu.memory_space<hbm>> -> memref<100000x128xf32, #tpu.memory_space<hbm>>
    tpu.enqueue_indirect_dma source(%dma_start3A_64 : memref<100000x128xf32, #tpu.memory_space<hbm>>) target(%dma_start3A_59 : memref<128x128xf32, #tpu.memory_space<vmem>>) offsets(%dma_start3A_61 : memref<128xi32, #tpu.memory_space<vmem>>) semaphore(%arg9 : memref<!tpu.dma_semaphore, #tpu.memory_space<semaphore_mem>>)
    %add3A_65 = arith.constant 0 : i32
    %add3A_66 = arith.addi %mul3A_2, %add3A_65 : i32
    %dma_start3A_67 = arith.constant 0 : i32
    %dma_start3A_68 = tpu.memref_slice %arg4[%add3A_66, %dma_start3A_67] : memref<32768x128xf32, #tpu.memory_space<hbm>> -> memref<256x128xf32, #tpu.memory_space<hbm>>
    %dma_start3A_69 = arith.constant 0 : i32
    %dma_start3A_70 = tpu.memref_slice %arg4[%add3A_66, %dma_start3A_69] : memref<32768x128xf32, #tpu.memory_space<hbm>> -> memref<256x128xf32, #tpu.memory_space<hbm>>
    tpu.enqueue_dma source(%arg6 : memref<256x128xf32, #tpu.memory_space<vmem>>) target(%dma_start3A_70 : memref<256x128xf32, #tpu.memory_space<hbm>>) target_semaphore(%arg10 : memref<!tpu.dma_semaphore, #tpu.memory_space<semaphore_mem>>)
    %dma_wait3A_71 = arith.constant 0 : i32
    %dma_wait3A_72 = arith.constant 0 : i32
    %dma_wait3A_73 = tpu.memref_slice %arg7[%dma_wait3A_71, %dma_wait3A_72] : memref<256x128xf32, #tpu.memory_space<vmem>> -> memref<128x128xf32, #tpu.memory_space<vmem>>
    %dma_wait3A_74 = arith.constant 256 : i32
    %dma_wait3A_75 = tpu.memref_slice %arg5[%dma_wait3A_74] : memref<1024xi32, #tpu.memory_space<vmem>> -> memref<128xi32, #tpu.memory_space<vmem>>
    %dma_wait3A_76 = arith.constant 0 : i32
    %dma_wait3A_77 = arith.constant 0 : i32
    %dma_wait3A_78 = tpu.memref_slice %arg2[%dma_wait3A_76, %dma_wait3A_77] : memref<100000x128xf32, #tpu.memory_space<hbm>> -> memref<100000x128xf32, #tpu.memory_space<hbm>>
    tpu.wait_indirect_dma semaphore(%arg9 : memref<!tpu.dma_semaphore, #tpu.memory_space<semaphore_mem>>) src(%dma_wait3A_78 : memref<100000x128xf32, #tpu.memory_space<hbm>>) dst(%dma_wait3A_73 : memref<128x128xf32, #tpu.memory_space<vmem>>)
    %dma_wait3A_79 = arith.constant 128 : i32
    %dma_wait3A_80 = arith.constant 0 : i32
    %dma_wait3A_81 = tpu.memref_slice %arg7[%dma_wait3A_79, %dma_wait3A_80] : memref<256x128xf32, #tpu.memory_space<vmem>> -> memref<128x128xf32, #tpu.memory_space<vmem>>
    %dma_wait3A_82 = arith.constant 384 : i32
    %dma_wait3A_83 = tpu.memref_slice %arg5[%dma_wait3A_82] : memref<1024xi32, #tpu.memory_space<vmem>> -> memref<128xi32, #tpu.memory_space<vmem>>
    %dma_wait3A_84 = arith.constant 0 : i32
    %dma_wait3A_85 = arith.constant 0 : i32
    %dma_wait3A_86 = tpu.memref_slice %arg2[%dma_wait3A_84, %dma_wait3A_85] : memref<100000x128xf32, #tpu.memory_space<hbm>> -> memref<100000x128xf32, #tpu.memory_space<hbm>>
    tpu.wait_indirect_dma semaphore(%arg9 : memref<!tpu.dma_semaphore, #tpu.memory_space<semaphore_mem>>) src(%dma_wait3A_86 : memref<100000x128xf32, #tpu.memory_space<hbm>>) dst(%dma_wait3A_81 : memref<128x128xf32, #tpu.memory_space<vmem>>)
    %dma_wait3A_87 = arith.constant 0 : i32
    %dma_wait3A_88 = tpu.memref_slice %arg4[%add3A_66, %dma_wait3A_87] : memref<32768x128xf32, #tpu.memory_space<hbm>> -> memref<256x128xf32, #tpu.memory_space<hbm>>
    %dma_wait3A_89 = arith.constant 0 : i32
    %dma_wait3A_90 = tpu.memref_slice %arg4[%add3A_66, %dma_wait3A_89] : memref<32768x128xf32, #tpu.memory_space<hbm>> -> memref<256x128xf32, #tpu.memory_space<hbm>>
    tpu.wait_dma2 semaphore(%arg10 : memref<!tpu.dma_semaphore, #tpu.memory_space<semaphore_mem>>) src(%arg6 : memref<256x128xf32, #tpu.memory_space<vmem>>) dst(%dma_wait3A_90 : memref<256x128xf32, #tpu.memory_space<hbm>>)
    %dma_start3A_91 = arith.constant 0 : i32
    %dma_start3A_92 = arith.constant 0 : i32
    %dma_start3A_93 = tpu.memref_slice %arg6[%dma_start3A_91, %dma_start3A_92] : memref<256x128xf32, #tpu.memory_space<vmem>> -> memref<128x128xf32, #tpu.memory_space<vmem>>
    %dma_start3A_94 = arith.constant 768 : i32
    %dma_start3A_95 = tpu.memref_slice %arg5[%dma_start3A_94] : memref<1024xi32, #tpu.memory_space<vmem>> -> memref<128xi32, #tpu.memory_space<vmem>>
    %dma_start3A_96 = arith.constant 0 : i32
    %dma_start3A_97 = arith.constant 0 : i32
    %dma_start3A_98 = tpu.memref_slice %arg2[%dma_start3A_96, %dma_start3A_97] : memref<100000x128xf32, #tpu.memory_space<hbm>> -> memref<100000x128xf32, #tpu.memory_space<hbm>>
    tpu.enqueue_indirect_dma source(%dma_start3A_98 : memref<100000x128xf32, #tpu.memory_space<hbm>>) target(%dma_start3A_93 : memref<128x128xf32, #tpu.memory_space<vmem>>) offsets(%dma_start3A_95 : memref<128xi32, #tpu.memory_space<vmem>>) semaphore(%arg9 : memref<!tpu.dma_semaphore, #tpu.memory_space<semaphore_mem>>)
    %dma_start3A_99 = arith.constant 128 : i32
    %dma_start3A_100 = arith.constant 0 : i32
    %dma_start3A_101 = tpu.memref_slice %arg6[%dma_start3A_99, %dma_start3A_100] : memref<256x128xf32, #tpu.memory_space<vmem>> -> memref<128x128xf32, #tpu.memory_space<vmem>>
    %dma_start3A_102 = arith.constant 896 : i32
    %dma_start3A_103 = tpu.memref_slice %arg5[%dma_start3A_102] : memref<1024xi32, #tpu.memory_space<vmem>> -> memref<128xi32, #tpu.memory_space<vmem>>
    %dma_start3A_104 = arith.constant 0 : i32
    %dma_start3A_105 = arith.constant 0 : i32
    %dma_start3A_106 = tpu.memref_slice %arg2[%dma_start3A_104, %dma_start3A_105] : memref<100000x128xf32, #tpu.memory_space<hbm>> -> memref<100000x128xf32, #tpu.memory_space<hbm>>
    tpu.enqueue_indirect_dma source(%dma_start3A_106 : memref<100000x128xf32, #tpu.memory_space<hbm>>) target(%dma_start3A_101 : memref<128x128xf32, #tpu.memory_space<vmem>>) offsets(%dma_start3A_103 : memref<128xi32, #tpu.memory_space<vmem>>) semaphore(%arg9 : memref<!tpu.dma_semaphore, #tpu.memory_space<semaphore_mem>>)
    %add3A_107 = arith.constant 256 : i32
    %add3A_108 = arith.addi %mul3A_2, %add3A_107 : i32
    %dma_start3A_109 = arith.constant 0 : i32
    %dma_start3A_110 = tpu.memref_slice %arg4[%add3A_108, %dma_start3A_109] : memref<32768x128xf32, #tpu.memory_space<hbm>> -> memref<256x128xf32, #tpu.memory_space<hbm>>
    %dma_start3A_111 = arith.constant 0 : i32
    %dma_start3A_112 = tpu.memref_slice %arg4[%add3A_108, %dma_start3A_111] : memref<32768x128xf32, #tpu.memory_space<hbm>> -> memref<256x128xf32, #tpu.memory_space<hbm>>
    tpu.enqueue_dma source(%arg7 : memref<256x128xf32, #tpu.memory_space<vmem>>) target(%dma_start3A_112 : memref<256x128xf32, #tpu.memory_space<hbm>>) target_semaphore(%arg11 : memref<!tpu.dma_semaphore, #tpu.memory_space<semaphore_mem>>)
    %dma_wait3A_113 = arith.constant 0 : i32
    %dma_wait3A_114 = arith.constant 0 : i32
    %dma_wait3A_115 = tpu.memref_slice %arg8[%dma_wait3A_113, %dma_wait3A_114] : memref<256x128xf32, #tpu.memory_space<vmem>> -> memref<128x128xf32, #tpu.memory_space<vmem>>
    %dma_wait3A_116 = arith.constant 512 : i32
    %dma_wait3A_117 = tpu.memref_slice %arg5[%dma_wait3A_116] : memref<1024xi32, #tpu.memory_space<vmem>> -> memref<128xi32, #tpu.memory_space<vmem>>
    %dma_wait3A_118 = arith.constant 0 : i32
    %dma_wait3A_119 = arith.constant 0 : i32
    %dma_wait3A_120 = tpu.memref_slice %arg2[%dma_wait3A_118, %dma_wait3A_119] : memref<100000x128xf32, #tpu.memory_space<hbm>> -> memref<100000x128xf32, #tpu.memory_space<hbm>>
    tpu.wait_indirect_dma semaphore(%arg9 : memref<!tpu.dma_semaphore, #tpu.memory_space<semaphore_mem>>) src(%dma_wait3A_120 : memref<100000x128xf32, #tpu.memory_space<hbm>>) dst(%dma_wait3A_115 : memref<128x128xf32, #tpu.memory_space<vmem>>)
    %dma_wait3A_121 = arith.constant 128 : i32
    %dma_wait3A_122 = arith.constant 0 : i32
    %dma_wait3A_123 = tpu.memref_slice %arg8[%dma_wait3A_121, %dma_wait3A_122] : memref<256x128xf32, #tpu.memory_space<vmem>> -> memref<128x128xf32, #tpu.memory_space<vmem>>
    %dma_wait3A_124 = arith.constant 640 : i32
    %dma_wait3A_125 = tpu.memref_slice %arg5[%dma_wait3A_124] : memref<1024xi32, #tpu.memory_space<vmem>> -> memref<128xi32, #tpu.memory_space<vmem>>
    %dma_wait3A_126 = arith.constant 0 : i32
    %dma_wait3A_127 = arith.constant 0 : i32
    %dma_wait3A_128 = tpu.memref_slice %arg2[%dma_wait3A_126, %dma_wait3A_127] : memref<100000x128xf32, #tpu.memory_space<hbm>> -> memref<100000x128xf32, #tpu.memory_space<hbm>>
    tpu.wait_indirect_dma semaphore(%arg9 : memref<!tpu.dma_semaphore, #tpu.memory_space<semaphore_mem>>) src(%dma_wait3A_128 : memref<100000x128xf32, #tpu.memory_space<hbm>>) dst(%dma_wait3A_123 : memref<128x128xf32, #tpu.memory_space<vmem>>)
    %add3A_129 = arith.constant 512 : i32
    %add3A_130 = arith.addi %mul3A_2, %add3A_129 : i32
    %dma_start3A_131 = arith.constant 0 : i32
    %dma_start3A_132 = tpu.memref_slice %arg4[%add3A_130, %dma_start3A_131] : memref<32768x128xf32, #tpu.memory_space<hbm>> -> memref<256x128xf32, #tpu.memory_space<hbm>>
    %dma_start3A_133 = arith.constant 0 : i32
    %dma_start3A_134 = tpu.memref_slice %arg4[%add3A_130, %dma_start3A_133] : memref<32768x128xf32, #tpu.memory_space<hbm>> -> memref<256x128xf32, #tpu.memory_space<hbm>>
    tpu.enqueue_dma source(%arg8 : memref<256x128xf32, #tpu.memory_space<vmem>>) target(%dma_start3A_134 : memref<256x128xf32, #tpu.memory_space<hbm>>) target_semaphore(%arg12 : memref<!tpu.dma_semaphore, #tpu.memory_space<semaphore_mem>>)
    %dma_wait3A_135 = arith.constant 0 : i32
    %dma_wait3A_136 = arith.constant 0 : i32
    %dma_wait3A_137 = tpu.memref_slice %arg6[%dma_wait3A_135, %dma_wait3A_136] : memref<256x128xf32, #tpu.memory_space<vmem>> -> memref<128x128xf32, #tpu.memory_space<vmem>>
    %dma_wait3A_138 = arith.constant 768 : i32
    %dma_wait3A_139 = tpu.memref_slice %arg5[%dma_wait3A_138] : memref<1024xi32, #tpu.memory_space<vmem>> -> memref<128xi32, #tpu.memory_space<vmem>>
    %dma_wait3A_140 = arith.constant 0 : i32
    %dma_wait3A_141 = arith.constant 0 : i32
    %dma_wait3A_142 = tpu.memref_slice %arg2[%dma_wait3A_140, %dma_wait3A_141] : memref<100000x128xf32, #tpu.memory_space<hbm>> -> memref<100000x128xf32, #tpu.memory_space<hbm>>
    tpu.wait_indirect_dma semaphore(%arg9 : memref<!tpu.dma_semaphore, #tpu.memory_space<semaphore_mem>>) src(%dma_wait3A_142 : memref<100000x128xf32, #tpu.memory_space<hbm>>) dst(%dma_wait3A_137 : memref<128x128xf32, #tpu.memory_space<vmem>>)
    %dma_wait3A_143 = arith.constant 128 : i32
    %dma_wait3A_144 = arith.constant 0 : i32
    %dma_wait3A_145 = tpu.memref_slice %arg6[%dma_wait3A_143, %dma_wait3A_144] : memref<256x128xf32, #tpu.memory_space<vmem>> -> memref<128x128xf32, #tpu.memory_space<vmem>>
    %dma_wait3A_146 = arith.constant 896 : i32
    %dma_wait3A_147 = tpu.memref_slice %arg5[%dma_wait3A_146] : memref<1024xi32, #tpu.memory_space<vmem>> -> memref<128xi32, #tpu.memory_space<vmem>>
    %dma_wait3A_148 = arith.constant 0 : i32
    %dma_wait3A_149 = arith.constant 0 : i32
    %dma_wait3A_150 = tpu.memref_slice %arg2[%dma_wait3A_148, %dma_wait3A_149] : memref<100000x128xf32, #tpu.memory_space<hbm>> -> memref<100000x128xf32, #tpu.memory_space<hbm>>
    tpu.wait_indirect_dma semaphore(%arg9 : memref<!tpu.dma_semaphore, #tpu.memory_space<semaphore_mem>>) src(%dma_wait3A_150 : memref<100000x128xf32, #tpu.memory_space<hbm>>) dst(%dma_wait3A_145 : memref<128x128xf32, #tpu.memory_space<vmem>>)
    %add3A_151 = arith.constant 768 : i32
    %add3A_152 = arith.addi %mul3A_2, %add3A_151 : i32
    %dma_start3A_153 = arith.constant 0 : i32
    %dma_start3A_154 = tpu.memref_slice %arg4[%add3A_152, %dma_start3A_153] : memref<32768x128xf32, #tpu.memory_space<hbm>> -> memref<256x128xf32, #tpu.memory_space<hbm>>
    %dma_start3A_155 = arith.constant 0 : i32
    %dma_start3A_156 = tpu.memref_slice %arg4[%add3A_152, %dma_start3A_155] : memref<32768x128xf32, #tpu.memory_space<hbm>> -> memref<256x128xf32, #tpu.memory_space<hbm>>
    tpu.enqueue_dma source(%arg6 : memref<256x128xf32, #tpu.memory_space<vmem>>) target(%dma_start3A_156 : memref<256x128xf32, #tpu.memory_space<hbm>>) target_semaphore(%arg10 : memref<!tpu.dma_semaphore, #tpu.memory_space<semaphore_mem>>)
    %dma_wait3A_157 = arith.constant 0 : i32
    %dma_wait3A_158 = tpu.memref_slice %arg4[%add3A_152, %dma_wait3A_157] : memref<32768x128xf32, #tpu.memory_space<hbm>> -> memref<256x128xf32, #tpu.memory_space<hbm>>
    %dma_wait3A_159 = arith.constant 0 : i32
    %dma_wait3A_160 = tpu.memref_slice %arg4[%add3A_152, %dma_wait3A_159] : memref<32768x128xf32, #tpu.memory_space<hbm>> -> memref<256x128xf32, #tpu.memory_space<hbm>>
    tpu.wait_dma2 semaphore(%arg10 : memref<!tpu.dma_semaphore, #tpu.memory_space<semaphore_mem>>) src(%arg6 : memref<256x128xf32, #tpu.memory_space<vmem>>) dst(%dma_wait3A_160 : memref<256x128xf32, #tpu.memory_space<hbm>>)
    %dma_wait3A_161 = arith.constant 0 : i32
    %dma_wait3A_162 = tpu.memref_slice %arg4[%add3A_108, %dma_wait3A_161] : memref<32768x128xf32, #tpu.memory_space<hbm>> -> memref<256x128xf32, #tpu.memory_space<hbm>>
    %dma_wait3A_163 = arith.constant 0 : i32
    %dma_wait3A_164 = tpu.memref_slice %arg4[%add3A_108, %dma_wait3A_163] : memref<32768x128xf32, #tpu.memory_space<hbm>> -> memref<256x128xf32, #tpu.memory_space<hbm>>
    tpu.wait_dma2 semaphore(%arg11 : memref<!tpu.dma_semaphore, #tpu.memory_space<semaphore_mem>>) src(%arg7 : memref<256x128xf32, #tpu.memory_space<vmem>>) dst(%dma_wait3A_164 : memref<256x128xf32, #tpu.memory_space<hbm>>)
    %dma_wait3A_165 = arith.constant 0 : i32
    %dma_wait3A_166 = tpu.memref_slice %arg4[%add3A_130, %dma_wait3A_165] : memref<32768x128xf32, #tpu.memory_space<hbm>> -> memref<256x128xf32, #tpu.memory_space<hbm>>
    %dma_wait3A_167 = arith.constant 0 : i32
    %dma_wait3A_168 = tpu.memref_slice %arg4[%add3A_130, %dma_wait3A_167] : memref<32768x128xf32, #tpu.memory_space<hbm>> -> memref<256x128xf32, #tpu.memory_space<hbm>>
    tpu.wait_dma2 semaphore(%arg12 : memref<!tpu.dma_semaphore, #tpu.memory_space<semaphore_mem>>) src(%arg8 : memref<256x128xf32, #tpu.memory_space<vmem>>) dst(%dma_wait3A_168 : memref<256x128xf32, #tpu.memory_space<hbm>>)
    return
  }
}

#map = affine_map<(d0, d1) -> (0, 0)>
#map1 = affine_map<(d0, d1) -> (0)>
module attributes {stable_mosaic.version = 14 : i64} {
  func.func @k(%arg0: i32, %arg1: i32, %arg2: memref<100000x128xf32, #tpu.memory_space<hbm>>, %arg3: memref<65536xi32, #tpu.memory_space<hbm>>, %arg4: memref<65536x128xf32, #tpu.memory_space<hbm>>, %arg5: memref<2048xi32, #tpu.memory_space<vmem>>, %arg6: memref<256x128xf32, #tpu.memory_space<vmem>>, %arg7: memref<256x128xf32, #tpu.memory_space<vmem>>, %arg8: memref<256x128xf32, #tpu.memory_space<vmem>>, %arg9: memref<!tpu.dma_semaphore, #tpu.memory_space<semaphore_mem>>, %arg10: memref<!tpu.dma_semaphore, #tpu.memory_space<semaphore_mem>>, %arg11: memref<!tpu.dma_semaphore, #tpu.memory_space<semaphore_mem>>, %arg12: memref<!tpu.dma_semaphore, #tpu.memory_space<semaphore_mem>>) attributes {dimension_semantics = [#tpu.dimension_semantics<core_parallel>, #tpu.dimension_semantics<subcore_parallel>], iteration_bounds = array<i64: 2, 16>, scalar_prefetch = 0 : i64, scratch_operands = 8 : i64, tpu.core_type = #tpu.core_type<sc_vector_subcore>, window_params = [{transform_indices = #map}, {transform_indices = #map1}, {transform_indices = #map}]} {
    %mul3A = arith.constant 2 : i32
    %mul3A_0 = arith.muli %arg1, %mul3A : i32
    %add3A = arith.addi %mul3A_0, %arg0 : i32
    %mul3A_1 = arith.constant 2048 : i32
    %mul3A_2 = arith.muli %add3A, %mul3A_1 : i32
    "tpu.region"() ({
      %run_scoped3A = tpu.sem_alloc : memref<!tpu.dma_semaphore, #tpu.memory_space<semaphore_mem>>
      %dma_start3A_337 = tpu.memref_slice %arg3[%mul3A_2] : memref<65536xi32, #tpu.memory_space<hbm>> -> memref<2048xi32, #tpu.memory_space<hbm>>
      %dma_start3A_338 = tpu.memref_slice %arg3[%mul3A_2] : memref<65536xi32, #tpu.memory_space<hbm>> -> memref<2048xi32, #tpu.memory_space<hbm>>
      tpu.enqueue_dma source(%dma_start3A_338 : memref<2048xi32, #tpu.memory_space<hbm>>) target(%arg5 : memref<2048xi32, #tpu.memory_space<vmem>>) target_semaphore(%run_scoped3A : memref<!tpu.dma_semaphore, #tpu.memory_space<semaphore_mem>>)
      %dma_wait3A_339 = tpu.memref_slice %arg3[%mul3A_2] : memref<65536xi32, #tpu.memory_space<hbm>> -> memref<2048xi32, #tpu.memory_space<hbm>>
      %dma_wait3A_340 = tpu.memref_slice %arg3[%mul3A_2] : memref<65536xi32, #tpu.memory_space<hbm>> -> memref<2048xi32, #tpu.memory_space<hbm>>
      tpu.wait_dma2 semaphore(%run_scoped3A : memref<!tpu.dma_semaphore, #tpu.memory_space<semaphore_mem>>) src(%dma_wait3A_340 : memref<2048xi32, #tpu.memory_space<hbm>>) dst(%arg5 : memref<2048xi32, #tpu.memory_space<vmem>>)
      tpu.yield
    }) : () -> ()
    %dma_start3A = arith.constant 0 : i32
    %dma_start3A_3 = arith.constant 0 : i32
    %dma_start3A_4 = tpu.memref_slice %arg6[%dma_start3A, %dma_start3A_3] : memref<256x128xf32, #tpu.memory_space<vmem>> -> memref<128x128xf32, #tpu.memory_space<vmem>>
    %dma_start3A_5 = arith.constant 0 : i32
    %dma_start3A_6 = tpu.memref_slice %arg5[%dma_start3A_5] : memref<2048xi32, #tpu.memory_space<vmem>> -> memref<128xi32, #tpu.memory_space<vmem>>
    %dma_start3A_7 = arith.constant 0 : i32
    %dma_start3A_8 = arith.constant 0 : i32
    %dma_start3A_9 = tpu.memref_slice %arg2[%dma_start3A_7, %dma_start3A_8] : memref<100000x128xf32, #tpu.memory_space<hbm>> -> memref<100000x128xf32, #tpu.memory_space<hbm>>
    tpu.enqueue_indirect_dma source(%dma_start3A_9 : memref<100000x128xf32, #tpu.memory_space<hbm>>) target(%dma_start3A_4 : memref<128x128xf32, #tpu.memory_space<vmem>>) offsets(%dma_start3A_6 : memref<128xi32, #tpu.memory_space<vmem>>) semaphore(%arg9 : memref<!tpu.dma_semaphore, #tpu.memory_space<semaphore_mem>>)
    %dma_start3A_10 = arith.constant 128 : i32
    %dma_start3A_11 = arith.constant 0 : i32
    %dma_start3A_12 = tpu.memref_slice %arg6[%dma_start3A_10, %dma_start3A_11] : memref<256x128xf32, #tpu.memory_space<vmem>> -> memref<128x128xf32, #tpu.memory_space<vmem>>
    %dma_start3A_13 = arith.constant 128 : i32
    %dma_start3A_14 = tpu.memref_slice %arg5[%dma_start3A_13] : memref<2048xi32, #tpu.memory_space<vmem>> -> memref<128xi32, #tpu.memory_space<vmem>>
    %dma_start3A_15 = arith.constant 0 : i32
    %dma_start3A_16 = arith.constant 0 : i32
    %dma_start3A_17 = tpu.memref_slice %arg2[%dma_start3A_15, %dma_start3A_16] : memref<100000x128xf32, #tpu.memory_space<hbm>> -> memref<100000x128xf32, #tpu.memory_space<hbm>>
    tpu.enqueue_indirect_dma source(%dma_start3A_17 : memref<100000x128xf32, #tpu.memory_space<hbm>>) target(%dma_start3A_12 : memref<128x128xf32, #tpu.memory_space<vmem>>) offsets(%dma_start3A_14 : memref<128xi32, #tpu.memory_space<vmem>>) semaphore(%arg9 : memref<!tpu.dma_semaphore, #tpu.memory_space<semaphore_mem>>)
    %dma_start3A_18 = arith.constant 0 : i32
    %dma_start3A_19 = arith.constant 0 : i32
    %dma_start3A_20 = tpu.memref_slice %arg7[%dma_start3A_18, %dma_start3A_19] : memref<256x128xf32, #tpu.memory_space<vmem>> -> memref<128x128xf32, #tpu.memory_space<vmem>>
    %dma_start3A_21 = arith.constant 256 : i32
    %dma_start3A_22 = tpu.memref_slice %arg5[%dma_start3A_21] : memref<2048xi32, #tpu.memory_space<vmem>> -> memref<128xi32, #tpu.memory_space<vmem>>
    %dma_start3A_23 = arith.constant 0 : i32
    %dma_start3A_24 = arith.constant 0 : i32
    %dma_start3A_25 = tpu.memref_slice %arg2[%dma_start3A_23, %dma_start3A_24] : memref<100000x128xf32, #tpu.memory_space<hbm>> -> memref<100000x128xf32, #tpu.memory_space<hbm>>
    tpu.enqueue_indirect_dma source(%dma_start3A_25 : memref<100000x128xf32, #tpu.memory_space<hbm>>) target(%dma_start3A_20 : memref<128x128xf32, #tpu.memory_space<vmem>>) offsets(%dma_start3A_22 : memref<128xi32, #tpu.memory_space<vmem>>) semaphore(%arg9 : memref<!tpu.dma_semaphore, #tpu.memory_space<semaphore_mem>>)
    %dma_start3A_26 = arith.constant 128 : i32
    %dma_start3A_27 = arith.constant 0 : i32
    %dma_start3A_28 = tpu.memref_slice %arg7[%dma_start3A_26, %dma_start3A_27] : memref<256x128xf32, #tpu.memory_space<vmem>> -> memref<128x128xf32, #tpu.memory_space<vmem>>
    %dma_start3A_29 = arith.constant 384 : i32
    %dma_start3A_30 = tpu.memref_slice %arg5[%dma_start3A_29] : memref<2048xi32, #tpu.memory_space<vmem>> -> memref<128xi32, #tpu.memory_space<vmem>>
    %dma_start3A_31 = arith.constant 0 : i32
    %dma_start3A_32 = arith.constant 0 : i32
    %dma_start3A_33 = tpu.memref_slice %arg2[%dma_start3A_31, %dma_start3A_32] : memref<100000x128xf32, #tpu.memory_space<hbm>> -> memref<100000x128xf32, #tpu.memory_space<hbm>>
    tpu.enqueue_indirect_dma source(%dma_start3A_33 : memref<100000x128xf32, #tpu.memory_space<hbm>>) target(%dma_start3A_28 : memref<128x128xf32, #tpu.memory_space<vmem>>) offsets(%dma_start3A_30 : memref<128xi32, #tpu.memory_space<vmem>>) semaphore(%arg9 : memref<!tpu.dma_semaphore, #tpu.memory_space<semaphore_mem>>)
    %dma_wait3A = arith.constant 0 : i32
    %dma_wait3A_34 = arith.constant 0 : i32
    %dma_wait3A_35 = tpu.memref_slice %arg6[%dma_wait3A, %dma_wait3A_34] : memref<256x128xf32, #tpu.memory_space<vmem>> -> memref<128x128xf32, #tpu.memory_space<vmem>>
    %dma_wait3A_36 = arith.constant 0 : i32
    %dma_wait3A_37 = tpu.memref_slice %arg5[%dma_wait3A_36] : memref<2048xi32, #tpu.memory_space<vmem>> -> memref<128xi32, #tpu.memory_space<vmem>>
    %dma_wait3A_38 = arith.constant 0 : i32
    %dma_wait3A_39 = arith.constant 0 : i32
    %dma_wait3A_40 = tpu.memref_slice %arg2[%dma_wait3A_38, %dma_wait3A_39] : memref<100000x128xf32, #tpu.memory_space<hbm>> -> memref<100000x128xf32, #tpu.memory_space<hbm>>
    tpu.wait_indirect_dma semaphore(%arg9 : memref<!tpu.dma_semaphore, #tpu.memory_space<semaphore_mem>>) src(%dma_wait3A_40 : memref<100000x128xf32, #tpu.memory_space<hbm>>) dst(%dma_wait3A_35 : memref<128x128xf32, #tpu.memory_space<vmem>>)
    %dma_wait3A_41 = arith.constant 128 : i32
    %dma_wait3A_42 = arith.constant 0 : i32
    %dma_wait3A_43 = tpu.memref_slice %arg6[%dma_wait3A_41, %dma_wait3A_42] : memref<256x128xf32, #tpu.memory_space<vmem>> -> memref<128x128xf32, #tpu.memory_space<vmem>>
    %dma_wait3A_44 = arith.constant 128 : i32
    %dma_wait3A_45 = tpu.memref_slice %arg5[%dma_wait3A_44] : memref<2048xi32, #tpu.memory_space<vmem>> -> memref<128xi32, #tpu.memory_space<vmem>>
    %dma_wait3A_46 = arith.constant 0 : i32
    %dma_wait3A_47 = arith.constant 0 : i32
    %dma_wait3A_48 = tpu.memref_slice %arg2[%dma_wait3A_46, %dma_wait3A_47] : memref<100000x128xf32, #tpu.memory_space<hbm>> -> memref<100000x128xf32, #tpu.memory_space<hbm>>
    tpu.wait_indirect_dma semaphore(%arg9 : memref<!tpu.dma_semaphore, #tpu.memory_space<semaphore_mem>>) src(%dma_wait3A_48 : memref<100000x128xf32, #tpu.memory_space<hbm>>) dst(%dma_wait3A_43 : memref<128x128xf32, #tpu.memory_space<vmem>>)
    %dma_start3A_49 = arith.constant 0 : i32
    %dma_start3A_50 = arith.constant 0 : i32
    %dma_start3A_51 = tpu.memref_slice %arg8[%dma_start3A_49, %dma_start3A_50] : memref<256x128xf32, #tpu.memory_space<vmem>> -> memref<128x128xf32, #tpu.memory_space<vmem>>
    %dma_start3A_52 = arith.constant 512 : i32
    %dma_start3A_53 = tpu.memref_slice %arg5[%dma_start3A_52] : memref<2048xi32, #tpu.memory_space<vmem>> -> memref<128xi32, #tpu.memory_space<vmem>>
    %dma_start3A_54 = arith.constant 0 : i32
    %dma_start3A_55 = arith.constant 0 : i32
    %dma_start3A_56 = tpu.memref_slice %arg2[%dma_start3A_54, %dma_start3A_55] : memref<100000x128xf32, #tpu.memory_space<hbm>> -> memref<100000x128xf32, #tpu.memory_space<hbm>>
    tpu.enqueue_indirect_dma source(%dma_start3A_56 : memref<100000x128xf32, #tpu.memory_space<hbm>>) target(%dma_start3A_51 : memref<128x128xf32, #tpu.memory_space<vmem>>) offsets(%dma_start3A_53 : memref<128xi32, #tpu.memory_space<vmem>>) semaphore(%arg9 : memref<!tpu.dma_semaphore, #tpu.memory_space<semaphore_mem>>)
    %dma_start3A_57 = arith.constant 128 : i32
    %dma_start3A_58 = arith.constant 0 : i32
    %dma_start3A_59 = tpu.memref_slice %arg8[%dma_start3A_57, %dma_start3A_58] : memref<256x128xf32, #tpu.memory_space<vmem>> -> memref<128x128xf32, #tpu.memory_space<vmem>>
    %dma_start3A_60 = arith.constant 640 : i32
    %dma_start3A_61 = tpu.memref_slice %arg5[%dma_start3A_60] : memref<2048xi32, #tpu.memory_space<vmem>> -> memref<128xi32, #tpu.memory_space<vmem>>
    %dma_start3A_62 = arith.constant 0 : i32
    %dma_start3A_63 = arith.constant 0 : i32
    %dma_start3A_64 = tpu.memref_slice %arg2[%dma_start3A_62, %dma_start3A_63] : memref<100000x128xf32, #tpu.memory_space<hbm>> -> memref<100000x128xf32, #tpu.memory_space<hbm>>
    tpu.enqueue_indirect_dma source(%dma_start3A_64 : memref<100000x128xf32, #tpu.memory_space<hbm>>) target(%dma_start3A_59 : memref<128x128xf32, #tpu.memory_space<vmem>>) offsets(%dma_start3A_61 : memref<128xi32, #tpu.memory_space<vmem>>) semaphore(%arg9 : memref<!tpu.dma_semaphore, #tpu.memory_space<semaphore_mem>>)
    %add3A_65 = arith.constant 0 : i32
    %add3A_66 = arith.addi %mul3A_2, %add3A_65 : i32
    %dma_start3A_67 = arith.constant 0 : i32
    %dma_start3A_68 = tpu.memref_slice %arg4[%add3A_66, %dma_start3A_67] : memref<65536x128xf32, #tpu.memory_space<hbm>> -> memref<256x128xf32, #tpu.memory_space<hbm>>
    %dma_start3A_69 = arith.constant 0 : i32
    %dma_start3A_70 = tpu.memref_slice %arg4[%add3A_66, %dma_start3A_69] : memref<65536x128xf32, #tpu.memory_space<hbm>> -> memref<256x128xf32, #tpu.memory_space<hbm>>
    tpu.enqueue_dma source(%arg6 : memref<256x128xf32, #tpu.memory_space<vmem>>) target(%dma_start3A_70 : memref<256x128xf32, #tpu.memory_space<hbm>>) target_semaphore(%arg10 : memref<!tpu.dma_semaphore, #tpu.memory_space<semaphore_mem>>)
    %dma_wait3A_71 = arith.constant 0 : i32
    %dma_wait3A_72 = arith.constant 0 : i32
    %dma_wait3A_73 = tpu.memref_slice %arg7[%dma_wait3A_71, %dma_wait3A_72] : memref<256x128xf32, #tpu.memory_space<vmem>> -> memref<128x128xf32, #tpu.memory_space<vmem>>
    %dma_wait3A_74 = arith.constant 256 : i32
    %dma_wait3A_75 = tpu.memref_slice %arg5[%dma_wait3A_74] : memref<2048xi32, #tpu.memory_space<vmem>> -> memref<128xi32, #tpu.memory_space<vmem>>
    %dma_wait3A_76 = arith.constant 0 : i32
    %dma_wait3A_77 = arith.constant 0 : i32
    %dma_wait3A_78 = tpu.memref_slice %arg2[%dma_wait3A_76, %dma_wait3A_77] : memref<100000x128xf32, #tpu.memory_space<hbm>> -> memref<100000x128xf32, #tpu.memory_space<hbm>>
    tpu.wait_indirect_dma semaphore(%arg9 : memref<!tpu.dma_semaphore, #tpu.memory_space<semaphore_mem>>) src(%dma_wait3A_78 : memref<100000x128xf32, #tpu.memory_space<hbm>>) dst(%dma_wait3A_73 : memref<128x128xf32, #tpu.memory_space<vmem>>)
    %dma_wait3A_79 = arith.constant 128 : i32
    %dma_wait3A_80 = arith.constant 0 : i32
    %dma_wait3A_81 = tpu.memref_slice %arg7[%dma_wait3A_79, %dma_wait3A_80] : memref<256x128xf32, #tpu.memory_space<vmem>> -> memref<128x128xf32, #tpu.memory_space<vmem>>
    %dma_wait3A_82 = arith.constant 384 : i32
    %dma_wait3A_83 = tpu.memref_slice %arg5[%dma_wait3A_82] : memref<2048xi32, #tpu.memory_space<vmem>> -> memref<128xi32, #tpu.memory_space<vmem>>
    %dma_wait3A_84 = arith.constant 0 : i32
    %dma_wait3A_85 = arith.constant 0 : i32
    %dma_wait3A_86 = tpu.memref_slice %arg2[%dma_wait3A_84, %dma_wait3A_85] : memref<100000x128xf32, #tpu.memory_space<hbm>> -> memref<100000x128xf32, #tpu.memory_space<hbm>>
    tpu.wait_indirect_dma semaphore(%arg9 : memref<!tpu.dma_semaphore, #tpu.memory_space<semaphore_mem>>) src(%dma_wait3A_86 : memref<100000x128xf32, #tpu.memory_space<hbm>>) dst(%dma_wait3A_81 : memref<128x128xf32, #tpu.memory_space<vmem>>)
    %dma_wait3A_87 = arith.constant 0 : i32
    %dma_wait3A_88 = tpu.memref_slice %arg4[%add3A_66, %dma_wait3A_87] : memref<65536x128xf32, #tpu.memory_space<hbm>> -> memref<256x128xf32, #tpu.memory_space<hbm>>
    %dma_wait3A_89 = arith.constant 0 : i32
    %dma_wait3A_90 = tpu.memref_slice %arg4[%add3A_66, %dma_wait3A_89] : memref<65536x128xf32, #tpu.memory_space<hbm>> -> memref<256x128xf32, #tpu.memory_space<hbm>>
    tpu.wait_dma2 semaphore(%arg10 : memref<!tpu.dma_semaphore, #tpu.memory_space<semaphore_mem>>) src(%arg6 : memref<256x128xf32, #tpu.memory_space<vmem>>) dst(%dma_wait3A_90 : memref<256x128xf32, #tpu.memory_space<hbm>>)
    %dma_start3A_91 = arith.constant 0 : i32
    %dma_start3A_92 = arith.constant 0 : i32
    %dma_start3A_93 = tpu.memref_slice %arg6[%dma_start3A_91, %dma_start3A_92] : memref<256x128xf32, #tpu.memory_space<vmem>> -> memref<128x128xf32, #tpu.memory_space<vmem>>
    %dma_start3A_94 = arith.constant 768 : i32
    %dma_start3A_95 = tpu.memref_slice %arg5[%dma_start3A_94] : memref<2048xi32, #tpu.memory_space<vmem>> -> memref<128xi32, #tpu.memory_space<vmem>>
    %dma_start3A_96 = arith.constant 0 : i32
    %dma_start3A_97 = arith.constant 0 : i32
    %dma_start3A_98 = tpu.memref_slice %arg2[%dma_start3A_96, %dma_start3A_97] : memref<100000x128xf32, #tpu.memory_space<hbm>> -> memref<100000x128xf32, #tpu.memory_space<hbm>>
    tpu.enqueue_indirect_dma source(%dma_start3A_98 : memref<100000x128xf32, #tpu.memory_space<hbm>>) target(%dma_start3A_93 : memref<128x128xf32, #tpu.memory_space<vmem>>) offsets(%dma_start3A_95 : memref<128xi32, #tpu.memory_space<vmem>>) semaphore(%arg9 : memref<!tpu.dma_semaphore, #tpu.memory_space<semaphore_mem>>)
    %dma_start3A_99 = arith.constant 128 : i32
    %dma_start3A_100 = arith.constant 0 : i32
    %dma_start3A_101 = tpu.memref_slice %arg6[%dma_start3A_99, %dma_start3A_100] : memref<256x128xf32, #tpu.memory_space<vmem>> -> memref<128x128xf32, #tpu.memory_space<vmem>>
    %dma_start3A_102 = arith.constant 896 : i32
    %dma_start3A_103 = tpu.memref_slice %arg5[%dma_start3A_102] : memref<2048xi32, #tpu.memory_space<vmem>> -> memref<128xi32, #tpu.memory_space<vmem>>
    %dma_start3A_104 = arith.constant 0 : i32
    %dma_start3A_105 = arith.constant 0 : i32
    %dma_start3A_106 = tpu.memref_slice %arg2[%dma_start3A_104, %dma_start3A_105] : memref<100000x128xf32, #tpu.memory_space<hbm>> -> memref<100000x128xf32, #tpu.memory_space<hbm>>
    tpu.enqueue_indirect_dma source(%dma_start3A_106 : memref<100000x128xf32, #tpu.memory_space<hbm>>) target(%dma_start3A_101 : memref<128x128xf32, #tpu.memory_space<vmem>>) offsets(%dma_start3A_103 : memref<128xi32, #tpu.memory_space<vmem>>) semaphore(%arg9 : memref<!tpu.dma_semaphore, #tpu.memory_space<semaphore_mem>>)
    %add3A_107 = arith.constant 256 : i32
    %add3A_108 = arith.addi %mul3A_2, %add3A_107 : i32
    %dma_start3A_109 = arith.constant 0 : i32
    %dma_start3A_110 = tpu.memref_slice %arg4[%add3A_108, %dma_start3A_109] : memref<65536x128xf32, #tpu.memory_space<hbm>> -> memref<256x128xf32, #tpu.memory_space<hbm>>
    %dma_start3A_111 = arith.constant 0 : i32
    %dma_start3A_112 = tpu.memref_slice %arg4[%add3A_108, %dma_start3A_111] : memref<65536x128xf32, #tpu.memory_space<hbm>> -> memref<256x128xf32, #tpu.memory_space<hbm>>
    tpu.enqueue_dma source(%arg7 : memref<256x128xf32, #tpu.memory_space<vmem>>) target(%dma_start3A_112 : memref<256x128xf32, #tpu.memory_space<hbm>>) target_semaphore(%arg11 : memref<!tpu.dma_semaphore, #tpu.memory_space<semaphore_mem>>)
    %dma_wait3A_113 = arith.constant 0 : i32
    %dma_wait3A_114 = arith.constant 0 : i32
    %dma_wait3A_115 = tpu.memref_slice %arg8[%dma_wait3A_113, %dma_wait3A_114] : memref<256x128xf32, #tpu.memory_space<vmem>> -> memref<128x128xf32, #tpu.memory_space<vmem>>
    %dma_wait3A_116 = arith.constant 512 : i32
    %dma_wait3A_117 = tpu.memref_slice %arg5[%dma_wait3A_116] : memref<2048xi32, #tpu.memory_space<vmem>> -> memref<128xi32, #tpu.memory_space<vmem>>
    %dma_wait3A_118 = arith.constant 0 : i32
    %dma_wait3A_119 = arith.constant 0 : i32
    %dma_wait3A_120 = tpu.memref_slice %arg2[%dma_wait3A_118, %dma_wait3A_119] : memref<100000x128xf32, #tpu.memory_space<hbm>> -> memref<100000x128xf32, #tpu.memory_space<hbm>>
    tpu.wait_indirect_dma semaphore(%arg9 : memref<!tpu.dma_semaphore, #tpu.memory_space<semaphore_mem>>) src(%dma_wait3A_120 : memref<100000x128xf32, #tpu.memory_space<hbm>>) dst(%dma_wait3A_115 : memref<128x128xf32, #tpu.memory_space<vmem>>)
    %dma_wait3A_121 = arith.constant 128 : i32
    %dma_wait3A_122 = arith.constant 0 : i32
    %dma_wait3A_123 = tpu.memref_slice %arg8[%dma_wait3A_121, %dma_wait3A_122] : memref<256x128xf32, #tpu.memory_space<vmem>> -> memref<128x128xf32, #tpu.memory_space<vmem>>
    %dma_wait3A_124 = arith.constant 640 : i32
    %dma_wait3A_125 = tpu.memref_slice %arg5[%dma_wait3A_124] : memref<2048xi32, #tpu.memory_space<vmem>> -> memref<128xi32, #tpu.memory_space<vmem>>
    %dma_wait3A_126 = arith.constant 0 : i32
    %dma_wait3A_127 = arith.constant 0 : i32
    %dma_wait3A_128 = tpu.memref_slice %arg2[%dma_wait3A_126, %dma_wait3A_127] : memref<100000x128xf32, #tpu.memory_space<hbm>> -> memref<100000x128xf32, #tpu.memory_space<hbm>>
    tpu.wait_indirect_dma semaphore(%arg9 : memref<!tpu.dma_semaphore, #tpu.memory_space<semaphore_mem>>) src(%dma_wait3A_128 : memref<100000x128xf32, #tpu.memory_space<hbm>>) dst(%dma_wait3A_123 : memref<128x128xf32, #tpu.memory_space<vmem>>)
    %dma_wait3A_129 = arith.constant 0 : i32
    %dma_wait3A_130 = tpu.memref_slice %arg4[%add3A_108, %dma_wait3A_129] : memref<65536x128xf32, #tpu.memory_space<hbm>> -> memref<256x128xf32, #tpu.memory_space<hbm>>
    %dma_wait3A_131 = arith.constant 0 : i32
    %dma_wait3A_132 = tpu.memref_slice %arg4[%add3A_108, %dma_wait3A_131] : memref<65536x128xf32, #tpu.memory_space<hbm>> -> memref<256x128xf32, #tpu.memory_space<hbm>>
    tpu.wait_dma2 semaphore(%arg11 : memref<!tpu.dma_semaphore, #tpu.memory_space<semaphore_mem>>) src(%arg7 : memref<256x128xf32, #tpu.memory_space<vmem>>) dst(%dma_wait3A_132 : memref<256x128xf32, #tpu.memory_space<hbm>>)
    %dma_start3A_133 = arith.constant 0 : i32
    %dma_start3A_134 = arith.constant 0 : i32
    %dma_start3A_135 = tpu.memref_slice %arg7[%dma_start3A_133, %dma_start3A_134] : memref<256x128xf32, #tpu.memory_space<vmem>> -> memref<128x128xf32, #tpu.memory_space<vmem>>
    %dma_start3A_136 = arith.constant 1024 : i32
    %dma_start3A_137 = tpu.memref_slice %arg5[%dma_start3A_136] : memref<2048xi32, #tpu.memory_space<vmem>> -> memref<128xi32, #tpu.memory_space<vmem>>
    %dma_start3A_138 = arith.constant 0 : i32
    %dma_start3A_139 = arith.constant 0 : i32
    %dma_start3A_140 = tpu.memref_slice %arg2[%dma_start3A_138, %dma_start3A_139] : memref<100000x128xf32, #tpu.memory_space<hbm>> -> memref<100000x128xf32, #tpu.memory_space<hbm>>
    tpu.enqueue_indirect_dma source(%dma_start3A_140 : memref<100000x128xf32, #tpu.memory_space<hbm>>) target(%dma_start3A_135 : memref<128x128xf32, #tpu.memory_space<vmem>>) offsets(%dma_start3A_137 : memref<128xi32, #tpu.memory_space<vmem>>) semaphore(%arg9 : memref<!tpu.dma_semaphore, #tpu.memory_space<semaphore_mem>>)
    %dma_start3A_141 = arith.constant 128 : i32
    %dma_start3A_142 = arith.constant 0 : i32
    %dma_start3A_143 = tpu.memref_slice %arg7[%dma_start3A_141, %dma_start3A_142] : memref<256x128xf32, #tpu.memory_space<vmem>> -> memref<128x128xf32, #tpu.memory_space<vmem>>
    %dma_start3A_144 = arith.constant 1152 : i32
    %dma_start3A_145 = tpu.memref_slice %arg5[%dma_start3A_144] : memref<2048xi32, #tpu.memory_space<vmem>> -> memref<128xi32, #tpu.memory_space<vmem>>
    %dma_start3A_146 = arith.constant 0 : i32
    %dma_start3A_147 = arith.constant 0 : i32
    %dma_start3A_148 = tpu.memref_slice %arg2[%dma_start3A_146, %dma_start3A_147] : memref<100000x128xf32, #tpu.memory_space<hbm>> -> memref<100000x128xf32, #tpu.memory_space<hbm>>
    tpu.enqueue_indirect_dma source(%dma_start3A_148 : memref<100000x128xf32, #tpu.memory_space<hbm>>) target(%dma_start3A_143 : memref<128x128xf32, #tpu.memory_space<vmem>>) offsets(%dma_start3A_145 : memref<128xi32, #tpu.memory_space<vmem>>) semaphore(%arg9 : memref<!tpu.dma_semaphore, #tpu.memory_space<semaphore_mem>>)
    %add3A_149 = arith.constant 512 : i32
    %add3A_150 = arith.addi %mul3A_2, %add3A_149 : i32
    %dma_start3A_151 = arith.constant 0 : i32
    %dma_start3A_152 = tpu.memref_slice %arg4[%add3A_150, %dma_start3A_151] : memref<65536x128xf32, #tpu.memory_space<hbm>> -> memref<256x128xf32, #tpu.memory_space<hbm>>
    %dma_start3A_153 = arith.constant 0 : i32
    %dma_start3A_154 = tpu.memref_slice %arg4[%add3A_150, %dma_start3A_153] : memref<65536x128xf32, #tpu.memory_space<hbm>> -> memref<256x128xf32, #tpu.memory_space<hbm>>
    tpu.enqueue_dma source(%arg8 : memref<256x128xf32, #tpu.memory_space<vmem>>) target(%dma_start3A_154 : memref<256x128xf32, #tpu.memory_space<hbm>>) target_semaphore(%arg12 : memref<!tpu.dma_semaphore, #tpu.memory_space<semaphore_mem>>)
    %dma_wait3A_155 = arith.constant 0 : i32
    %dma_wait3A_156 = arith.constant 0 : i32
    %dma_wait3A_157 = tpu.memref_slice %arg6[%dma_wait3A_155, %dma_wait3A_156] : memref<256x128xf32, #tpu.memory_space<vmem>> -> memref<128x128xf32, #tpu.memory_space<vmem>>
    %dma_wait3A_158 = arith.constant 768 : i32
    %dma_wait3A_159 = tpu.memref_slice %arg5[%dma_wait3A_158] : memref<2048xi32, #tpu.memory_space<vmem>> -> memref<128xi32, #tpu.memory_space<vmem>>
    %dma_wait3A_160 = arith.constant 0 : i32
    %dma_wait3A_161 = arith.constant 0 : i32
    %dma_wait3A_162 = tpu.memref_slice %arg2[%dma_wait3A_160, %dma_wait3A_161] : memref<100000x128xf32, #tpu.memory_space<hbm>> -> memref<100000x128xf32, #tpu.memory_space<hbm>>
    tpu.wait_indirect_dma semaphore(%arg9 : memref<!tpu.dma_semaphore, #tpu.memory_space<semaphore_mem>>) src(%dma_wait3A_162 : memref<100000x128xf32, #tpu.memory_space<hbm>>) dst(%dma_wait3A_157 : memref<128x128xf32, #tpu.memory_space<vmem>>)
    %dma_wait3A_163 = arith.constant 128 : i32
    %dma_wait3A_164 = arith.constant 0 : i32
    %dma_wait3A_165 = tpu.memref_slice %arg6[%dma_wait3A_163, %dma_wait3A_164] : memref<256x128xf32, #tpu.memory_space<vmem>> -> memref<128x128xf32, #tpu.memory_space<vmem>>
    %dma_wait3A_166 = arith.constant 896 : i32
    %dma_wait3A_167 = tpu.memref_slice %arg5[%dma_wait3A_166] : memref<2048xi32, #tpu.memory_space<vmem>> -> memref<128xi32, #tpu.memory_space<vmem>>
    %dma_wait3A_168 = arith.constant 0 : i32
    %dma_wait3A_169 = arith.constant 0 : i32
    %dma_wait3A_170 = tpu.memref_slice %arg2[%dma_wait3A_168, %dma_wait3A_169] : memref<100000x128xf32, #tpu.memory_space<hbm>> -> memref<100000x128xf32, #tpu.memory_space<hbm>>
    tpu.wait_indirect_dma semaphore(%arg9 : memref<!tpu.dma_semaphore, #tpu.memory_space<semaphore_mem>>) src(%dma_wait3A_170 : memref<100000x128xf32, #tpu.memory_space<hbm>>) dst(%dma_wait3A_165 : memref<128x128xf32, #tpu.memory_space<vmem>>)
    %dma_wait3A_171 = arith.constant 0 : i32
    %dma_wait3A_172 = tpu.memref_slice %arg4[%add3A_150, %dma_wait3A_171] : memref<65536x128xf32, #tpu.memory_space<hbm>> -> memref<256x128xf32, #tpu.memory_space<hbm>>
    %dma_wait3A_173 = arith.constant 0 : i32
    %dma_wait3A_174 = tpu.memref_slice %arg4[%add3A_150, %dma_wait3A_173] : memref<65536x128xf32, #tpu.memory_space<hbm>> -> memref<256x128xf32, #tpu.memory_space<hbm>>
    tpu.wait_dma2 semaphore(%arg12 : memref<!tpu.dma_semaphore, #tpu.memory_space<semaphore_mem>>) src(%arg8 : memref<256x128xf32, #tpu.memory_space<vmem>>) dst(%dma_wait3A_174 : memref<256x128xf32, #tpu.memory_space<hbm>>)
    %dma_start3A_175 = arith.constant 0 : i32
    %dma_start3A_176 = arith.constant 0 : i32
    %dma_start3A_177 = tpu.memref_slice %arg8[%dma_start3A_175, %dma_start3A_176] : memref<256x128xf32, #tpu.memory_space<vmem>> -> memref<128x128xf32, #tpu.memory_space<vmem>>
    %dma_start3A_178 = arith.constant 1280 : i32
    %dma_start3A_179 = tpu.memref_slice %arg5[%dma_start3A_178] : memref<2048xi32, #tpu.memory_space<vmem>> -> memref<128xi32, #tpu.memory_space<vmem>>
    %dma_start3A_180 = arith.constant 0 : i32
    %dma_start3A_181 = arith.constant 0 : i32
    %dma_start3A_182 = tpu.memref_slice %arg2[%dma_start3A_180, %dma_start3A_181] : memref<100000x128xf32, #tpu.memory_space<hbm>> -> memref<100000x128xf32, #tpu.memory_space<hbm>>
    tpu.enqueue_indirect_dma source(%dma_start3A_182 : memref<100000x128xf32, #tpu.memory_space<hbm>>) target(%dma_start3A_177 : memref<128x128xf32, #tpu.memory_space<vmem>>) offsets(%dma_start3A_179 : memref<128xi32, #tpu.memory_space<vmem>>) semaphore(%arg9 : memref<!tpu.dma_semaphore, #tpu.memory_space<semaphore_mem>>)
    %dma_start3A_183 = arith.constant 128 : i32
    %dma_start3A_184 = arith.constant 0 : i32
    %dma_start3A_185 = tpu.memref_slice %arg8[%dma_start3A_183, %dma_start3A_184] : memref<256x128xf32, #tpu.memory_space<vmem>> -> memref<128x128xf32, #tpu.memory_space<vmem>>
    %dma_start3A_186 = arith.constant 1408 : i32
    %dma_start3A_187 = tpu.memref_slice %arg5[%dma_start3A_186] : memref<2048xi32, #tpu.memory_space<vmem>> -> memref<128xi32, #tpu.memory_space<vmem>>
    %dma_start3A_188 = arith.constant 0 : i32
    %dma_start3A_189 = arith.constant 0 : i32
    %dma_start3A_190 = tpu.memref_slice %arg2[%dma_start3A_188, %dma_start3A_189] : memref<100000x128xf32, #tpu.memory_space<hbm>> -> memref<100000x128xf32, #tpu.memory_space<hbm>>
    tpu.enqueue_indirect_dma source(%dma_start3A_190 : memref<100000x128xf32, #tpu.memory_space<hbm>>) target(%dma_start3A_185 : memref<128x128xf32, #tpu.memory_space<vmem>>) offsets(%dma_start3A_187 : memref<128xi32, #tpu.memory_space<vmem>>) semaphore(%arg9 : memref<!tpu.dma_semaphore, #tpu.memory_space<semaphore_mem>>)
    %add3A_191 = arith.constant 768 : i32
    %add3A_192 = arith.addi %mul3A_2, %add3A_191 : i32
    %dma_start3A_193 = arith.constant 0 : i32
    %dma_start3A_194 = tpu.memref_slice %arg4[%add3A_192, %dma_start3A_193] : memref<65536x128xf32, #tpu.memory_space<hbm>> -> memref<256x128xf32, #tpu.memory_space<hbm>>
    %dma_start3A_195 = arith.constant 0 : i32
    %dma_start3A_196 = tpu.memref_slice %arg4[%add3A_192, %dma_start3A_195] : memref<65536x128xf32, #tpu.memory_space<hbm>> -> memref<256x128xf32, #tpu.memory_space<hbm>>
    tpu.enqueue_dma source(%arg6 : memref<256x128xf32, #tpu.memory_space<vmem>>) target(%dma_start3A_196 : memref<256x128xf32, #tpu.memory_space<hbm>>) target_semaphore(%arg10 : memref<!tpu.dma_semaphore, #tpu.memory_space<semaphore_mem>>)
    %dma_wait3A_197 = arith.constant 0 : i32
    %dma_wait3A_198 = arith.constant 0 : i32
    %dma_wait3A_199 = tpu.memref_slice %arg7[%dma_wait3A_197, %dma_wait3A_198] : memref<256x128xf32, #tpu.memory_space<vmem>> -> memref<128x128xf32, #tpu.memory_space<vmem>>
    %dma_wait3A_200 = arith.constant 1024 : i32
    %dma_wait3A_201 = tpu.memref_slice %arg5[%dma_wait3A_200] : memref<2048xi32, #tpu.memory_space<vmem>> -> memref<128xi32, #tpu.memory_space<vmem>>
    %dma_wait3A_202 = arith.constant 0 : i32
    %dma_wait3A_203 = arith.constant 0 : i32
    %dma_wait3A_204 = tpu.memref_slice %arg2[%dma_wait3A_202, %dma_wait3A_203] : memref<100000x128xf32, #tpu.memory_space<hbm>> -> memref<100000x128xf32, #tpu.memory_space<hbm>>
    tpu.wait_indirect_dma semaphore(%arg9 : memref<!tpu.dma_semaphore, #tpu.memory_space<semaphore_mem>>) src(%dma_wait3A_204 : memref<100000x128xf32, #tpu.memory_space<hbm>>) dst(%dma_wait3A_199 : memref<128x128xf32, #tpu.memory_space<vmem>>)
    %dma_wait3A_205 = arith.constant 128 : i32
    %dma_wait3A_206 = arith.constant 0 : i32
    %dma_wait3A_207 = tpu.memref_slice %arg7[%dma_wait3A_205, %dma_wait3A_206] : memref<256x128xf32, #tpu.memory_space<vmem>> -> memref<128x128xf32, #tpu.memory_space<vmem>>
    %dma_wait3A_208 = arith.constant 1152 : i32
    %dma_wait3A_209 = tpu.memref_slice %arg5[%dma_wait3A_208] : memref<2048xi32, #tpu.memory_space<vmem>> -> memref<128xi32, #tpu.memory_space<vmem>>
    %dma_wait3A_210 = arith.constant 0 : i32
    %dma_wait3A_211 = arith.constant 0 : i32
    %dma_wait3A_212 = tpu.memref_slice %arg2[%dma_wait3A_210, %dma_wait3A_211] : memref<100000x128xf32, #tpu.memory_space<hbm>> -> memref<100000x128xf32, #tpu.memory_space<hbm>>
    tpu.wait_indirect_dma semaphore(%arg9 : memref<!tpu.dma_semaphore, #tpu.memory_space<semaphore_mem>>) src(%dma_wait3A_212 : memref<100000x128xf32, #tpu.memory_space<hbm>>) dst(%dma_wait3A_207 : memref<128x128xf32, #tpu.memory_space<vmem>>)
    %dma_wait3A_213 = arith.constant 0 : i32
    %dma_wait3A_214 = tpu.memref_slice %arg4[%add3A_192, %dma_wait3A_213] : memref<65536x128xf32, #tpu.memory_space<hbm>> -> memref<256x128xf32, #tpu.memory_space<hbm>>
    %dma_wait3A_215 = arith.constant 0 : i32
    %dma_wait3A_216 = tpu.memref_slice %arg4[%add3A_192, %dma_wait3A_215] : memref<65536x128xf32, #tpu.memory_space<hbm>> -> memref<256x128xf32, #tpu.memory_space<hbm>>
    tpu.wait_dma2 semaphore(%arg10 : memref<!tpu.dma_semaphore, #tpu.memory_space<semaphore_mem>>) src(%arg6 : memref<256x128xf32, #tpu.memory_space<vmem>>) dst(%dma_wait3A_216 : memref<256x128xf32, #tpu.memory_space<hbm>>)
    %dma_start3A_217 = arith.constant 0 : i32
    %dma_start3A_218 = arith.constant 0 : i32
    %dma_start3A_219 = tpu.memref_slice %arg6[%dma_start3A_217, %dma_start3A_218] : memref<256x128xf32, #tpu.memory_space<vmem>> -> memref<128x128xf32, #tpu.memory_space<vmem>>
    %dma_start3A_220 = arith.constant 1536 : i32
    %dma_start3A_221 = tpu.memref_slice %arg5[%dma_start3A_220] : memref<2048xi32, #tpu.memory_space<vmem>> -> memref<128xi32, #tpu.memory_space<vmem>>
    %dma_start3A_222 = arith.constant 0 : i32
    %dma_start3A_223 = arith.constant 0 : i32
    %dma_start3A_224 = tpu.memref_slice %arg2[%dma_start3A_222, %dma_start3A_223] : memref<100000x128xf32, #tpu.memory_space<hbm>> -> memref<100000x128xf32, #tpu.memory_space<hbm>>
    tpu.enqueue_indirect_dma source(%dma_start3A_224 : memref<100000x128xf32, #tpu.memory_space<hbm>>) target(%dma_start3A_219 : memref<128x128xf32, #tpu.memory_space<vmem>>) offsets(%dma_start3A_221 : memref<128xi32, #tpu.memory_space<vmem>>) semaphore(%arg9 : memref<!tpu.dma_semaphore, #tpu.memory_space<semaphore_mem>>)
    %dma_start3A_225 = arith.constant 128 : i32
    %dma_start3A_226 = arith.constant 0 : i32
    %dma_start3A_227 = tpu.memref_slice %arg6[%dma_start3A_225, %dma_start3A_226] : memref<256x128xf32, #tpu.memory_space<vmem>> -> memref<128x128xf32, #tpu.memory_space<vmem>>
    %dma_start3A_228 = arith.constant 1664 : i32
    %dma_start3A_229 = tpu.memref_slice %arg5[%dma_start3A_228] : memref<2048xi32, #tpu.memory_space<vmem>> -> memref<128xi32, #tpu.memory_space<vmem>>
    %dma_start3A_230 = arith.constant 0 : i32
    %dma_start3A_231 = arith.constant 0 : i32
    %dma_start3A_232 = tpu.memref_slice %arg2[%dma_start3A_230, %dma_start3A_231] : memref<100000x128xf32, #tpu.memory_space<hbm>> -> memref<100000x128xf32, #tpu.memory_space<hbm>>
    tpu.enqueue_indirect_dma source(%dma_start3A_232 : memref<100000x128xf32, #tpu.memory_space<hbm>>) target(%dma_start3A_227 : memref<128x128xf32, #tpu.memory_space<vmem>>) offsets(%dma_start3A_229 : memref<128xi32, #tpu.memory_space<vmem>>) semaphore(%arg9 : memref<!tpu.dma_semaphore, #tpu.memory_space<semaphore_mem>>)
    %add3A_233 = arith.constant 1024 : i32
    %add3A_234 = arith.addi %mul3A_2, %add3A_233 : i32
    %dma_start3A_235 = arith.constant 0 : i32
    %dma_start3A_236 = tpu.memref_slice %arg4[%add3A_234, %dma_start3A_235] : memref<65536x128xf32, #tpu.memory_space<hbm>> -> memref<256x128xf32, #tpu.memory_space<hbm>>
    %dma_start3A_237 = arith.constant 0 : i32
    %dma_start3A_238 = tpu.memref_slice %arg4[%add3A_234, %dma_start3A_237] : memref<65536x128xf32, #tpu.memory_space<hbm>> -> memref<256x128xf32, #tpu.memory_space<hbm>>
    tpu.enqueue_dma source(%arg7 : memref<256x128xf32, #tpu.memory_space<vmem>>) target(%dma_start3A_238 : memref<256x128xf32, #tpu.memory_space<hbm>>) target_semaphore(%arg11 : memref<!tpu.dma_semaphore, #tpu.memory_space<semaphore_mem>>)
    %dma_wait3A_239 = arith.constant 0 : i32
    %dma_wait3A_240 = arith.constant 0 : i32
    %dma_wait3A_241 = tpu.memref_slice %arg8[%dma_wait3A_239, %dma_wait3A_240] : memref<256x128xf32, #tpu.memory_space<vmem>> -> memref<128x128xf32, #tpu.memory_space<vmem>>
    %dma_wait3A_242 = arith.constant 1280 : i32
    %dma_wait3A_243 = tpu.memref_slice %arg5[%dma_wait3A_242] : memref<2048xi32, #tpu.memory_space<vmem>> -> memref<128xi32, #tpu.memory_space<vmem>>
    %dma_wait3A_244 = arith.constant 0 : i32
    %dma_wait3A_245 = arith.constant 0 : i32
    %dma_wait3A_246 = tpu.memref_slice %arg2[%dma_wait3A_244, %dma_wait3A_245] : memref<100000x128xf32, #tpu.memory_space<hbm>> -> memref<100000x128xf32, #tpu.memory_space<hbm>>
    tpu.wait_indirect_dma semaphore(%arg9 : memref<!tpu.dma_semaphore, #tpu.memory_space<semaphore_mem>>) src(%dma_wait3A_246 : memref<100000x128xf32, #tpu.memory_space<hbm>>) dst(%dma_wait3A_241 : memref<128x128xf32, #tpu.memory_space<vmem>>)
    %dma_wait3A_247 = arith.constant 128 : i32
    %dma_wait3A_248 = arith.constant 0 : i32
    %dma_wait3A_249 = tpu.memref_slice %arg8[%dma_wait3A_247, %dma_wait3A_248] : memref<256x128xf32, #tpu.memory_space<vmem>> -> memref<128x128xf32, #tpu.memory_space<vmem>>
    %dma_wait3A_250 = arith.constant 1408 : i32
    %dma_wait3A_251 = tpu.memref_slice %arg5[%dma_wait3A_250] : memref<2048xi32, #tpu.memory_space<vmem>> -> memref<128xi32, #tpu.memory_space<vmem>>
    %dma_wait3A_252 = arith.constant 0 : i32
    %dma_wait3A_253 = arith.constant 0 : i32
    %dma_wait3A_254 = tpu.memref_slice %arg2[%dma_wait3A_252, %dma_wait3A_253] : memref<100000x128xf32, #tpu.memory_space<hbm>> -> memref<100000x128xf32, #tpu.memory_space<hbm>>
    tpu.wait_indirect_dma semaphore(%arg9 : memref<!tpu.dma_semaphore, #tpu.memory_space<semaphore_mem>>) src(%dma_wait3A_254 : memref<100000x128xf32, #tpu.memory_space<hbm>>) dst(%dma_wait3A_249 : memref<128x128xf32, #tpu.memory_space<vmem>>)
    %dma_wait3A_255 = arith.constant 0 : i32
    %dma_wait3A_256 = tpu.memref_slice %arg4[%add3A_234, %dma_wait3A_255] : memref<65536x128xf32, #tpu.memory_space<hbm>> -> memref<256x128xf32, #tpu.memory_space<hbm>>
    %dma_wait3A_257 = arith.constant 0 : i32
    %dma_wait3A_258 = tpu.memref_slice %arg4[%add3A_234, %dma_wait3A_257] : memref<65536x128xf32, #tpu.memory_space<hbm>> -> memref<256x128xf32, #tpu.memory_space<hbm>>
    tpu.wait_dma2 semaphore(%arg11 : memref<!tpu.dma_semaphore, #tpu.memory_space<semaphore_mem>>) src(%arg7 : memref<256x128xf32, #tpu.memory_space<vmem>>) dst(%dma_wait3A_258 : memref<256x128xf32, #tpu.memory_space<hbm>>)
    %dma_start3A_259 = arith.constant 0 : i32
    %dma_start3A_260 = arith.constant 0 : i32
    %dma_start3A_261 = tpu.memref_slice %arg7[%dma_start3A_259, %dma_start3A_260] : memref<256x128xf32, #tpu.memory_space<vmem>> -> memref<128x128xf32, #tpu.memory_space<vmem>>
    %dma_start3A_262 = arith.constant 1792 : i32
    %dma_start3A_263 = tpu.memref_slice %arg5[%dma_start3A_262] : memref<2048xi32, #tpu.memory_space<vmem>> -> memref<128xi32, #tpu.memory_space<vmem>>
    %dma_start3A_264 = arith.constant 0 : i32
    %dma_start3A_265 = arith.constant 0 : i32
    %dma_start3A_266 = tpu.memref_slice %arg2[%dma_start3A_264, %dma_start3A_265] : memref<100000x128xf32, #tpu.memory_space<hbm>> -> memref<100000x128xf32, #tpu.memory_space<hbm>>
    tpu.enqueue_indirect_dma source(%dma_start3A_266 : memref<100000x128xf32, #tpu.memory_space<hbm>>) target(%dma_start3A_261 : memref<128x128xf32, #tpu.memory_space<vmem>>) offsets(%dma_start3A_263 : memref<128xi32, #tpu.memory_space<vmem>>) semaphore(%arg9 : memref<!tpu.dma_semaphore, #tpu.memory_space<semaphore_mem>>)
    %dma_start3A_267 = arith.constant 128 : i32
    %dma_start3A_268 = arith.constant 0 : i32
    %dma_start3A_269 = tpu.memref_slice %arg7[%dma_start3A_267, %dma_start3A_268] : memref<256x128xf32, #tpu.memory_space<vmem>> -> memref<128x128xf32, #tpu.memory_space<vmem>>
    %dma_start3A_270 = arith.constant 1920 : i32
    %dma_start3A_271 = tpu.memref_slice %arg5[%dma_start3A_270] : memref<2048xi32, #tpu.memory_space<vmem>> -> memref<128xi32, #tpu.memory_space<vmem>>
    %dma_start3A_272 = arith.constant 0 : i32
    %dma_start3A_273 = arith.constant 0 : i32
    %dma_start3A_274 = tpu.memref_slice %arg2[%dma_start3A_272, %dma_start3A_273] : memref<100000x128xf32, #tpu.memory_space<hbm>> -> memref<100000x128xf32, #tpu.memory_space<hbm>>
    tpu.enqueue_indirect_dma source(%dma_start3A_274 : memref<100000x128xf32, #tpu.memory_space<hbm>>) target(%dma_start3A_269 : memref<128x128xf32, #tpu.memory_space<vmem>>) offsets(%dma_start3A_271 : memref<128xi32, #tpu.memory_space<vmem>>) semaphore(%arg9 : memref<!tpu.dma_semaphore, #tpu.memory_space<semaphore_mem>>)
    %add3A_275 = arith.constant 1280 : i32
    %add3A_276 = arith.addi %mul3A_2, %add3A_275 : i32
    %dma_start3A_277 = arith.constant 0 : i32
    %dma_start3A_278 = tpu.memref_slice %arg4[%add3A_276, %dma_start3A_277] : memref<65536x128xf32, #tpu.memory_space<hbm>> -> memref<256x128xf32, #tpu.memory_space<hbm>>
    %dma_start3A_279 = arith.constant 0 : i32
    %dma_start3A_280 = tpu.memref_slice %arg4[%add3A_276, %dma_start3A_279] : memref<65536x128xf32, #tpu.memory_space<hbm>> -> memref<256x128xf32, #tpu.memory_space<hbm>>
    tpu.enqueue_dma source(%arg8 : memref<256x128xf32, #tpu.memory_space<vmem>>) target(%dma_start3A_280 : memref<256x128xf32, #tpu.memory_space<hbm>>) target_semaphore(%arg12 : memref<!tpu.dma_semaphore, #tpu.memory_space<semaphore_mem>>)
    %dma_wait3A_281 = arith.constant 0 : i32
    %dma_wait3A_282 = arith.constant 0 : i32
    %dma_wait3A_283 = tpu.memref_slice %arg6[%dma_wait3A_281, %dma_wait3A_282] : memref<256x128xf32, #tpu.memory_space<vmem>> -> memref<128x128xf32, #tpu.memory_space<vmem>>
    %dma_wait3A_284 = arith.constant 1536 : i32
    %dma_wait3A_285 = tpu.memref_slice %arg5[%dma_wait3A_284] : memref<2048xi32, #tpu.memory_space<vmem>> -> memref<128xi32, #tpu.memory_space<vmem>>
    %dma_wait3A_286 = arith.constant 0 : i32
    %dma_wait3A_287 = arith.constant 0 : i32
    %dma_wait3A_288 = tpu.memref_slice %arg2[%dma_wait3A_286, %dma_wait3A_287] : memref<100000x128xf32, #tpu.memory_space<hbm>> -> memref<100000x128xf32, #tpu.memory_space<hbm>>
    tpu.wait_indirect_dma semaphore(%arg9 : memref<!tpu.dma_semaphore, #tpu.memory_space<semaphore_mem>>) src(%dma_wait3A_288 : memref<100000x128xf32, #tpu.memory_space<hbm>>) dst(%dma_wait3A_283 : memref<128x128xf32, #tpu.memory_space<vmem>>)
    %dma_wait3A_289 = arith.constant 128 : i32
    %dma_wait3A_290 = arith.constant 0 : i32
    %dma_wait3A_291 = tpu.memref_slice %arg6[%dma_wait3A_289, %dma_wait3A_290] : memref<256x128xf32, #tpu.memory_space<vmem>> -> memref<128x128xf32, #tpu.memory_space<vmem>>
    %dma_wait3A_292 = arith.constant 1664 : i32
    %dma_wait3A_293 = tpu.memref_slice %arg5[%dma_wait3A_292] : memref<2048xi32, #tpu.memory_space<vmem>> -> memref<128xi32, #tpu.memory_space<vmem>>
    %dma_wait3A_294 = arith.constant 0 : i32
    %dma_wait3A_295 = arith.constant 0 : i32
    %dma_wait3A_296 = tpu.memref_slice %arg2[%dma_wait3A_294, %dma_wait3A_295] : memref<100000x128xf32, #tpu.memory_space<hbm>> -> memref<100000x128xf32, #tpu.memory_space<hbm>>
    tpu.wait_indirect_dma semaphore(%arg9 : memref<!tpu.dma_semaphore, #tpu.memory_space<semaphore_mem>>) src(%dma_wait3A_296 : memref<100000x128xf32, #tpu.memory_space<hbm>>) dst(%dma_wait3A_291 : memref<128x128xf32, #tpu.memory_space<vmem>>)
    %add3A_297 = arith.constant 1536 : i32
    %add3A_298 = arith.addi %mul3A_2, %add3A_297 : i32
    %dma_start3A_299 = arith.constant 0 : i32
    %dma_start3A_300 = tpu.memref_slice %arg4[%add3A_298, %dma_start3A_299] : memref<65536x128xf32, #tpu.memory_space<hbm>> -> memref<256x128xf32, #tpu.memory_space<hbm>>
    %dma_start3A_301 = arith.constant 0 : i32
    %dma_start3A_302 = tpu.memref_slice %arg4[%add3A_298, %dma_start3A_301] : memref<65536x128xf32, #tpu.memory_space<hbm>> -> memref<256x128xf32, #tpu.memory_space<hbm>>
    tpu.enqueue_dma source(%arg6 : memref<256x128xf32, #tpu.memory_space<vmem>>) target(%dma_start3A_302 : memref<256x128xf32, #tpu.memory_space<hbm>>) target_semaphore(%arg10 : memref<!tpu.dma_semaphore, #tpu.memory_space<semaphore_mem>>)
    %dma_wait3A_303 = arith.constant 0 : i32
    %dma_wait3A_304 = arith.constant 0 : i32
    %dma_wait3A_305 = tpu.memref_slice %arg7[%dma_wait3A_303, %dma_wait3A_304] : memref<256x128xf32, #tpu.memory_space<vmem>> -> memref<128x128xf32, #tpu.memory_space<vmem>>
    %dma_wait3A_306 = arith.constant 1792 : i32
    %dma_wait3A_307 = tpu.memref_slice %arg5[%dma_wait3A_306] : memref<2048xi32, #tpu.memory_space<vmem>> -> memref<128xi32, #tpu.memory_space<vmem>>
    %dma_wait3A_308 = arith.constant 0 : i32
    %dma_wait3A_309 = arith.constant 0 : i32
    %dma_wait3A_310 = tpu.memref_slice %arg2[%dma_wait3A_308, %dma_wait3A_309] : memref<100000x128xf32, #tpu.memory_space<hbm>> -> memref<100000x128xf32, #tpu.memory_space<hbm>>
    tpu.wait_indirect_dma semaphore(%arg9 : memref<!tpu.dma_semaphore, #tpu.memory_space<semaphore_mem>>) src(%dma_wait3A_310 : memref<100000x128xf32, #tpu.memory_space<hbm>>) dst(%dma_wait3A_305 : memref<128x128xf32, #tpu.memory_space<vmem>>)
    %dma_wait3A_311 = arith.constant 128 : i32
    %dma_wait3A_312 = arith.constant 0 : i32
    %dma_wait3A_313 = tpu.memref_slice %arg7[%dma_wait3A_311, %dma_wait3A_312] : memref<256x128xf32, #tpu.memory_space<vmem>> -> memref<128x128xf32, #tpu.memory_space<vmem>>
    %dma_wait3A_314 = arith.constant 1920 : i32
    %dma_wait3A_315 = tpu.memref_slice %arg5[%dma_wait3A_314] : memref<2048xi32, #tpu.memory_space<vmem>> -> memref<128xi32, #tpu.memory_space<vmem>>
    %dma_wait3A_316 = arith.constant 0 : i32
    %dma_wait3A_317 = arith.constant 0 : i32
    %dma_wait3A_318 = tpu.memref_slice %arg2[%dma_wait3A_316, %dma_wait3A_317] : memref<100000x128xf32, #tpu.memory_space<hbm>> -> memref<100000x128xf32, #tpu.memory_space<hbm>>
    tpu.wait_indirect_dma semaphore(%arg9 : memref<!tpu.dma_semaphore, #tpu.memory_space<semaphore_mem>>) src(%dma_wait3A_318 : memref<100000x128xf32, #tpu.memory_space<hbm>>) dst(%dma_wait3A_313 : memref<128x128xf32, #tpu.memory_space<vmem>>)
    %add3A_319 = arith.constant 1792 : i32
    %add3A_320 = arith.addi %mul3A_2, %add3A_319 : i32
    %dma_start3A_321 = arith.constant 0 : i32
    %dma_start3A_322 = tpu.memref_slice %arg4[%add3A_320, %dma_start3A_321] : memref<65536x128xf32, #tpu.memory_space<hbm>> -> memref<256x128xf32, #tpu.memory_space<hbm>>
    %dma_start3A_323 = arith.constant 0 : i32
    %dma_start3A_324 = tpu.memref_slice %arg4[%add3A_320, %dma_start3A_323] : memref<65536x128xf32, #tpu.memory_space<hbm>> -> memref<256x128xf32, #tpu.memory_space<hbm>>
    tpu.enqueue_dma source(%arg7 : memref<256x128xf32, #tpu.memory_space<vmem>>) target(%dma_start3A_324 : memref<256x128xf32, #tpu.memory_space<hbm>>) target_semaphore(%arg11 : memref<!tpu.dma_semaphore, #tpu.memory_space<semaphore_mem>>)
    %dma_wait3A_325 = arith.constant 0 : i32
    %dma_wait3A_326 = tpu.memref_slice %arg4[%add3A_298, %dma_wait3A_325] : memref<65536x128xf32, #tpu.memory_space<hbm>> -> memref<256x128xf32, #tpu.memory_space<hbm>>
    %dma_wait3A_327 = arith.constant 0 : i32
    %dma_wait3A_328 = tpu.memref_slice %arg4[%add3A_298, %dma_wait3A_327] : memref<65536x128xf32, #tpu.memory_space<hbm>> -> memref<256x128xf32, #tpu.memory_space<hbm>>
    tpu.wait_dma2 semaphore(%arg10 : memref<!tpu.dma_semaphore, #tpu.memory_space<semaphore_mem>>) src(%arg6 : memref<256x128xf32, #tpu.memory_space<vmem>>) dst(%dma_wait3A_328 : memref<256x128xf32, #tpu.memory_space<hbm>>)
    %dma_wait3A_329 = arith.constant 0 : i32
    %dma_wait3A_330 = tpu.memref_slice %arg4[%add3A_320, %dma_wait3A_329] : memref<65536x128xf32, #tpu.memory_space<hbm>> -> memref<256x128xf32, #tpu.memory_space<hbm>>
    %dma_wait3A_331 = arith.constant 0 : i32
    %dma_wait3A_332 = tpu.memref_slice %arg4[%add3A_320, %dma_wait3A_331] : memref<65536x128xf32, #tpu.memory_space<hbm>> -> memref<256x128xf32, #tpu.memory_space<hbm>>
    tpu.wait_dma2 semaphore(%arg11 : memref<!tpu.dma_semaphore, #tpu.memory_space<semaphore_mem>>) src(%arg7 : memref<256x128xf32, #tpu.memory_space<vmem>>) dst(%dma_wait3A_332 : memref<256x128xf32, #tpu.memory_space<hbm>>)
    %dma_wait3A_333 = arith.constant 0 : i32
    %dma_wait3A_334 = tpu.memref_slice %arg4[%add3A_276, %dma_wait3A_333] : memref<65536x128xf32, #tpu.memory_space<hbm>> -> memref<256x128xf32, #tpu.memory_space<hbm>>
    %dma_wait3A_335 = arith.constant 0 : i32
    %dma_wait3A_336 = tpu.memref_slice %arg4[%add3A_276, %dma_wait3A_335] : memref<65536x128xf32, #tpu.memory_space<hbm>> -> memref<256x128xf32, #tpu.memory_space<hbm>>
    tpu.wait_dma2 semaphore(%arg12 : memref<!tpu.dma_semaphore, #tpu.memory_space<semaphore_mem>>) src(%arg8 : memref<256x128xf32, #tpu.memory_space<vmem>>) dst(%dma_wait3A_336 : memref<256x128xf32, #tpu.memory_space<hbm>>)
    return
  }
}

#map = affine_map<(d0, d1) -> (0, 0)>
#map1 = affine_map<(d0, d1) -> (0)>
module attributes {stable_mosaic.version = 14 : i64} {
  func.func @k(%arg0: i32, %arg1: i32, %arg2: memref<100000x128xf32, #tpu.memory_space<hbm>>, %arg3: memref<40960xi32, #tpu.memory_space<hbm>>, %arg4: memref<40960x128xf32, #tpu.memory_space<hbm>>, %arg5: memref<1280xi32, #tpu.memory_space<vmem>>, %arg6: memref<256x128xf32, #tpu.memory_space<vmem>>, %arg7: memref<256x128xf32, #tpu.memory_space<vmem>>, %arg8: memref<256x128xf32, #tpu.memory_space<vmem>>, %arg9: memref<!tpu.dma_semaphore, #tpu.memory_space<semaphore_mem>>, %arg10: memref<!tpu.dma_semaphore, #tpu.memory_space<semaphore_mem>>, %arg11: memref<!tpu.dma_semaphore, #tpu.memory_space<semaphore_mem>>, %arg12: memref<!tpu.dma_semaphore, #tpu.memory_space<semaphore_mem>>) attributes {dimension_semantics = [#tpu.dimension_semantics<core_parallel>, #tpu.dimension_semantics<subcore_parallel>], iteration_bounds = array<i64: 2, 16>, scalar_prefetch = 0 : i64, scratch_operands = 8 : i64, tpu.core_type = #tpu.core_type<sc_vector_subcore>, window_params = [{transform_indices = #map}, {transform_indices = #map1}, {transform_indices = #map}]} {
    %mul3A = arith.constant 2 : i32
    %mul3A_0 = arith.muli %arg1, %mul3A : i32
    %add3A = arith.addi %mul3A_0, %arg0 : i32
    %mul3A_1 = arith.constant 1280 : i32
    %mul3A_2 = arith.muli %add3A, %mul3A_1 : i32
    "tpu.region"() ({
      %run_scoped3A = tpu.sem_alloc : memref<!tpu.dma_semaphore, #tpu.memory_space<semaphore_mem>>
      %dma_start3A_211 = tpu.memref_slice %arg3[%mul3A_2] : memref<40960xi32, #tpu.memory_space<hbm>> -> memref<1280xi32, #tpu.memory_space<hbm>>
      %dma_start3A_212 = tpu.memref_slice %arg3[%mul3A_2] : memref<40960xi32, #tpu.memory_space<hbm>> -> memref<1280xi32, #tpu.memory_space<hbm>>
      tpu.enqueue_dma source(%dma_start3A_212 : memref<1280xi32, #tpu.memory_space<hbm>>) target(%arg5 : memref<1280xi32, #tpu.memory_space<vmem>>) target_semaphore(%run_scoped3A : memref<!tpu.dma_semaphore, #tpu.memory_space<semaphore_mem>>)
      %dma_wait3A_213 = tpu.memref_slice %arg3[%mul3A_2] : memref<40960xi32, #tpu.memory_space<hbm>> -> memref<1280xi32, #tpu.memory_space<hbm>>
      %dma_wait3A_214 = tpu.memref_slice %arg3[%mul3A_2] : memref<40960xi32, #tpu.memory_space<hbm>> -> memref<1280xi32, #tpu.memory_space<hbm>>
      tpu.wait_dma2 semaphore(%run_scoped3A : memref<!tpu.dma_semaphore, #tpu.memory_space<semaphore_mem>>) src(%dma_wait3A_214 : memref<1280xi32, #tpu.memory_space<hbm>>) dst(%arg5 : memref<1280xi32, #tpu.memory_space<vmem>>)
      tpu.yield
    }) : () -> ()
    %dma_start3A = arith.constant 0 : i32
    %dma_start3A_3 = arith.constant 0 : i32
    %dma_start3A_4 = tpu.memref_slice %arg6[%dma_start3A, %dma_start3A_3] : memref<256x128xf32, #tpu.memory_space<vmem>> -> memref<128x128xf32, #tpu.memory_space<vmem>>
    %dma_start3A_5 = arith.constant 0 : i32
    %dma_start3A_6 = tpu.memref_slice %arg5[%dma_start3A_5] : memref<1280xi32, #tpu.memory_space<vmem>> -> memref<128xi32, #tpu.memory_space<vmem>>
    %dma_start3A_7 = arith.constant 0 : i32
    %dma_start3A_8 = arith.constant 0 : i32
    %dma_start3A_9 = tpu.memref_slice %arg2[%dma_start3A_7, %dma_start3A_8] : memref<100000x128xf32, #tpu.memory_space<hbm>> -> memref<100000x128xf32, #tpu.memory_space<hbm>>
    tpu.enqueue_indirect_dma source(%dma_start3A_9 : memref<100000x128xf32, #tpu.memory_space<hbm>>) target(%dma_start3A_4 : memref<128x128xf32, #tpu.memory_space<vmem>>) offsets(%dma_start3A_6 : memref<128xi32, #tpu.memory_space<vmem>>) semaphore(%arg9 : memref<!tpu.dma_semaphore, #tpu.memory_space<semaphore_mem>>)
    %dma_start3A_10 = arith.constant 128 : i32
    %dma_start3A_11 = arith.constant 0 : i32
    %dma_start3A_12 = tpu.memref_slice %arg6[%dma_start3A_10, %dma_start3A_11] : memref<256x128xf32, #tpu.memory_space<vmem>> -> memref<128x128xf32, #tpu.memory_space<vmem>>
    %dma_start3A_13 = arith.constant 128 : i32
    %dma_start3A_14 = tpu.memref_slice %arg5[%dma_start3A_13] : memref<1280xi32, #tpu.memory_space<vmem>> -> memref<128xi32, #tpu.memory_space<vmem>>
    %dma_start3A_15 = arith.constant 0 : i32
    %dma_start3A_16 = arith.constant 0 : i32
    %dma_start3A_17 = tpu.memref_slice %arg2[%dma_start3A_15, %dma_start3A_16] : memref<100000x128xf32, #tpu.memory_space<hbm>> -> memref<100000x128xf32, #tpu.memory_space<hbm>>
    tpu.enqueue_indirect_dma source(%dma_start3A_17 : memref<100000x128xf32, #tpu.memory_space<hbm>>) target(%dma_start3A_12 : memref<128x128xf32, #tpu.memory_space<vmem>>) offsets(%dma_start3A_14 : memref<128xi32, #tpu.memory_space<vmem>>) semaphore(%arg9 : memref<!tpu.dma_semaphore, #tpu.memory_space<semaphore_mem>>)
    %dma_start3A_18 = arith.constant 0 : i32
    %dma_start3A_19 = arith.constant 0 : i32
    %dma_start3A_20 = tpu.memref_slice %arg7[%dma_start3A_18, %dma_start3A_19] : memref<256x128xf32, #tpu.memory_space<vmem>> -> memref<128x128xf32, #tpu.memory_space<vmem>>
    %dma_start3A_21 = arith.constant 256 : i32
    %dma_start3A_22 = tpu.memref_slice %arg5[%dma_start3A_21] : memref<1280xi32, #tpu.memory_space<vmem>> -> memref<128xi32, #tpu.memory_space<vmem>>
    %dma_start3A_23 = arith.constant 0 : i32
    %dma_start3A_24 = arith.constant 0 : i32
    %dma_start3A_25 = tpu.memref_slice %arg2[%dma_start3A_23, %dma_start3A_24] : memref<100000x128xf32, #tpu.memory_space<hbm>> -> memref<100000x128xf32, #tpu.memory_space<hbm>>
    tpu.enqueue_indirect_dma source(%dma_start3A_25 : memref<100000x128xf32, #tpu.memory_space<hbm>>) target(%dma_start3A_20 : memref<128x128xf32, #tpu.memory_space<vmem>>) offsets(%dma_start3A_22 : memref<128xi32, #tpu.memory_space<vmem>>) semaphore(%arg9 : memref<!tpu.dma_semaphore, #tpu.memory_space<semaphore_mem>>)
    %dma_start3A_26 = arith.constant 128 : i32
    %dma_start3A_27 = arith.constant 0 : i32
    %dma_start3A_28 = tpu.memref_slice %arg7[%dma_start3A_26, %dma_start3A_27] : memref<256x128xf32, #tpu.memory_space<vmem>> -> memref<128x128xf32, #tpu.memory_space<vmem>>
    %dma_start3A_29 = arith.constant 384 : i32
    %dma_start3A_30 = tpu.memref_slice %arg5[%dma_start3A_29] : memref<1280xi32, #tpu.memory_space<vmem>> -> memref<128xi32, #tpu.memory_space<vmem>>
    %dma_start3A_31 = arith.constant 0 : i32
    %dma_start3A_32 = arith.constant 0 : i32
    %dma_start3A_33 = tpu.memref_slice %arg2[%dma_start3A_31, %dma_start3A_32] : memref<100000x128xf32, #tpu.memory_space<hbm>> -> memref<100000x128xf32, #tpu.memory_space<hbm>>
    tpu.enqueue_indirect_dma source(%dma_start3A_33 : memref<100000x128xf32, #tpu.memory_space<hbm>>) target(%dma_start3A_28 : memref<128x128xf32, #tpu.memory_space<vmem>>) offsets(%dma_start3A_30 : memref<128xi32, #tpu.memory_space<vmem>>) semaphore(%arg9 : memref<!tpu.dma_semaphore, #tpu.memory_space<semaphore_mem>>)
    %dma_wait3A = arith.constant 0 : i32
    %dma_wait3A_34 = arith.constant 0 : i32
    %dma_wait3A_35 = tpu.memref_slice %arg6[%dma_wait3A, %dma_wait3A_34] : memref<256x128xf32, #tpu.memory_space<vmem>> -> memref<128x128xf32, #tpu.memory_space<vmem>>
    %dma_wait3A_36 = arith.constant 0 : i32
    %dma_wait3A_37 = tpu.memref_slice %arg5[%dma_wait3A_36] : memref<1280xi32, #tpu.memory_space<vmem>> -> memref<128xi32, #tpu.memory_space<vmem>>
    %dma_wait3A_38 = arith.constant 0 : i32
    %dma_wait3A_39 = arith.constant 0 : i32
    %dma_wait3A_40 = tpu.memref_slice %arg2[%dma_wait3A_38, %dma_wait3A_39] : memref<100000x128xf32, #tpu.memory_space<hbm>> -> memref<100000x128xf32, #tpu.memory_space<hbm>>
    tpu.wait_indirect_dma semaphore(%arg9 : memref<!tpu.dma_semaphore, #tpu.memory_space<semaphore_mem>>) src(%dma_wait3A_40 : memref<100000x128xf32, #tpu.memory_space<hbm>>) dst(%dma_wait3A_35 : memref<128x128xf32, #tpu.memory_space<vmem>>)
    %dma_wait3A_41 = arith.constant 128 : i32
    %dma_wait3A_42 = arith.constant 0 : i32
    %dma_wait3A_43 = tpu.memref_slice %arg6[%dma_wait3A_41, %dma_wait3A_42] : memref<256x128xf32, #tpu.memory_space<vmem>> -> memref<128x128xf32, #tpu.memory_space<vmem>>
    %dma_wait3A_44 = arith.constant 128 : i32
    %dma_wait3A_45 = tpu.memref_slice %arg5[%dma_wait3A_44] : memref<1280xi32, #tpu.memory_space<vmem>> -> memref<128xi32, #tpu.memory_space<vmem>>
    %dma_wait3A_46 = arith.constant 0 : i32
    %dma_wait3A_47 = arith.constant 0 : i32
    %dma_wait3A_48 = tpu.memref_slice %arg2[%dma_wait3A_46, %dma_wait3A_47] : memref<100000x128xf32, #tpu.memory_space<hbm>> -> memref<100000x128xf32, #tpu.memory_space<hbm>>
    tpu.wait_indirect_dma semaphore(%arg9 : memref<!tpu.dma_semaphore, #tpu.memory_space<semaphore_mem>>) src(%dma_wait3A_48 : memref<100000x128xf32, #tpu.memory_space<hbm>>) dst(%dma_wait3A_43 : memref<128x128xf32, #tpu.memory_space<vmem>>)
    %dma_start3A_49 = arith.constant 0 : i32
    %dma_start3A_50 = arith.constant 0 : i32
    %dma_start3A_51 = tpu.memref_slice %arg8[%dma_start3A_49, %dma_start3A_50] : memref<256x128xf32, #tpu.memory_space<vmem>> -> memref<128x128xf32, #tpu.memory_space<vmem>>
    %dma_start3A_52 = arith.constant 512 : i32
    %dma_start3A_53 = tpu.memref_slice %arg5[%dma_start3A_52] : memref<1280xi32, #tpu.memory_space<vmem>> -> memref<128xi32, #tpu.memory_space<vmem>>
    %dma_start3A_54 = arith.constant 0 : i32
    %dma_start3A_55 = arith.constant 0 : i32
    %dma_start3A_56 = tpu.memref_slice %arg2[%dma_start3A_54, %dma_start3A_55] : memref<100000x128xf32, #tpu.memory_space<hbm>> -> memref<100000x128xf32, #tpu.memory_space<hbm>>
    tpu.enqueue_indirect_dma source(%dma_start3A_56 : memref<100000x128xf32, #tpu.memory_space<hbm>>) target(%dma_start3A_51 : memref<128x128xf32, #tpu.memory_space<vmem>>) offsets(%dma_start3A_53 : memref<128xi32, #tpu.memory_space<vmem>>) semaphore(%arg9 : memref<!tpu.dma_semaphore, #tpu.memory_space<semaphore_mem>>)
    %dma_start3A_57 = arith.constant 128 : i32
    %dma_start3A_58 = arith.constant 0 : i32
    %dma_start3A_59 = tpu.memref_slice %arg8[%dma_start3A_57, %dma_start3A_58] : memref<256x128xf32, #tpu.memory_space<vmem>> -> memref<128x128xf32, #tpu.memory_space<vmem>>
    %dma_start3A_60 = arith.constant 640 : i32
    %dma_start3A_61 = tpu.memref_slice %arg5[%dma_start3A_60] : memref<1280xi32, #tpu.memory_space<vmem>> -> memref<128xi32, #tpu.memory_space<vmem>>
    %dma_start3A_62 = arith.constant 0 : i32
    %dma_start3A_63 = arith.constant 0 : i32
    %dma_start3A_64 = tpu.memref_slice %arg2[%dma_start3A_62, %dma_start3A_63] : memref<100000x128xf32, #tpu.memory_space<hbm>> -> memref<100000x128xf32, #tpu.memory_space<hbm>>
    tpu.enqueue_indirect_dma source(%dma_start3A_64 : memref<100000x128xf32, #tpu.memory_space<hbm>>) target(%dma_start3A_59 : memref<128x128xf32, #tpu.memory_space<vmem>>) offsets(%dma_start3A_61 : memref<128xi32, #tpu.memory_space<vmem>>) semaphore(%arg9 : memref<!tpu.dma_semaphore, #tpu.memory_space<semaphore_mem>>)
    %add3A_65 = arith.constant 0 : i32
    %add3A_66 = arith.addi %mul3A_2, %add3A_65 : i32
    %dma_start3A_67 = arith.constant 0 : i32
    %dma_start3A_68 = tpu.memref_slice %arg4[%add3A_66, %dma_start3A_67] : memref<40960x128xf32, #tpu.memory_space<hbm>> -> memref<256x128xf32, #tpu.memory_space<hbm>>
    %dma_start3A_69 = arith.constant 0 : i32
    %dma_start3A_70 = tpu.memref_slice %arg4[%add3A_66, %dma_start3A_69] : memref<40960x128xf32, #tpu.memory_space<hbm>> -> memref<256x128xf32, #tpu.memory_space<hbm>>
    tpu.enqueue_dma source(%arg6 : memref<256x128xf32, #tpu.memory_space<vmem>>) target(%dma_start3A_70 : memref<256x128xf32, #tpu.memory_space<hbm>>) target_semaphore(%arg10 : memref<!tpu.dma_semaphore, #tpu.memory_space<semaphore_mem>>)
    %dma_wait3A_71 = arith.constant 0 : i32
    %dma_wait3A_72 = arith.constant 0 : i32
    %dma_wait3A_73 = tpu.memref_slice %arg7[%dma_wait3A_71, %dma_wait3A_72] : memref<256x128xf32, #tpu.memory_space<vmem>> -> memref<128x128xf32, #tpu.memory_space<vmem>>
    %dma_wait3A_74 = arith.constant 256 : i32
    %dma_wait3A_75 = tpu.memref_slice %arg5[%dma_wait3A_74] : memref<1280xi32, #tpu.memory_space<vmem>> -> memref<128xi32, #tpu.memory_space<vmem>>
    %dma_wait3A_76 = arith.constant 0 : i32
    %dma_wait3A_77 = arith.constant 0 : i32
    %dma_wait3A_78 = tpu.memref_slice %arg2[%dma_wait3A_76, %dma_wait3A_77] : memref<100000x128xf32, #tpu.memory_space<hbm>> -> memref<100000x128xf32, #tpu.memory_space<hbm>>
    tpu.wait_indirect_dma semaphore(%arg9 : memref<!tpu.dma_semaphore, #tpu.memory_space<semaphore_mem>>) src(%dma_wait3A_78 : memref<100000x128xf32, #tpu.memory_space<hbm>>) dst(%dma_wait3A_73 : memref<128x128xf32, #tpu.memory_space<vmem>>)
    %dma_wait3A_79 = arith.constant 128 : i32
    %dma_wait3A_80 = arith.constant 0 : i32
    %dma_wait3A_81 = tpu.memref_slice %arg7[%dma_wait3A_79, %dma_wait3A_80] : memref<256x128xf32, #tpu.memory_space<vmem>> -> memref<128x128xf32, #tpu.memory_space<vmem>>
    %dma_wait3A_82 = arith.constant 384 : i32
    %dma_wait3A_83 = tpu.memref_slice %arg5[%dma_wait3A_82] : memref<1280xi32, #tpu.memory_space<vmem>> -> memref<128xi32, #tpu.memory_space<vmem>>
    %dma_wait3A_84 = arith.constant 0 : i32
    %dma_wait3A_85 = arith.constant 0 : i32
    %dma_wait3A_86 = tpu.memref_slice %arg2[%dma_wait3A_84, %dma_wait3A_85] : memref<100000x128xf32, #tpu.memory_space<hbm>> -> memref<100000x128xf32, #tpu.memory_space<hbm>>
    tpu.wait_indirect_dma semaphore(%arg9 : memref<!tpu.dma_semaphore, #tpu.memory_space<semaphore_mem>>) src(%dma_wait3A_86 : memref<100000x128xf32, #tpu.memory_space<hbm>>) dst(%dma_wait3A_81 : memref<128x128xf32, #tpu.memory_space<vmem>>)
    %dma_wait3A_87 = arith.constant 0 : i32
    %dma_wait3A_88 = tpu.memref_slice %arg4[%add3A_66, %dma_wait3A_87] : memref<40960x128xf32, #tpu.memory_space<hbm>> -> memref<256x128xf32, #tpu.memory_space<hbm>>
    %dma_wait3A_89 = arith.constant 0 : i32
    %dma_wait3A_90 = tpu.memref_slice %arg4[%add3A_66, %dma_wait3A_89] : memref<40960x128xf32, #tpu.memory_space<hbm>> -> memref<256x128xf32, #tpu.memory_space<hbm>>
    tpu.wait_dma2 semaphore(%arg10 : memref<!tpu.dma_semaphore, #tpu.memory_space<semaphore_mem>>) src(%arg6 : memref<256x128xf32, #tpu.memory_space<vmem>>) dst(%dma_wait3A_90 : memref<256x128xf32, #tpu.memory_space<hbm>>)
    %dma_start3A_91 = arith.constant 0 : i32
    %dma_start3A_92 = arith.constant 0 : i32
    %dma_start3A_93 = tpu.memref_slice %arg6[%dma_start3A_91, %dma_start3A_92] : memref<256x128xf32, #tpu.memory_space<vmem>> -> memref<128x128xf32, #tpu.memory_space<vmem>>
    %dma_start3A_94 = arith.constant 768 : i32
    %dma_start3A_95 = tpu.memref_slice %arg5[%dma_start3A_94] : memref<1280xi32, #tpu.memory_space<vmem>> -> memref<128xi32, #tpu.memory_space<vmem>>
    %dma_start3A_96 = arith.constant 0 : i32
    %dma_start3A_97 = arith.constant 0 : i32
    %dma_start3A_98 = tpu.memref_slice %arg2[%dma_start3A_96, %dma_start3A_97] : memref<100000x128xf32, #tpu.memory_space<hbm>> -> memref<100000x128xf32, #tpu.memory_space<hbm>>
    tpu.enqueue_indirect_dma source(%dma_start3A_98 : memref<100000x128xf32, #tpu.memory_space<hbm>>) target(%dma_start3A_93 : memref<128x128xf32, #tpu.memory_space<vmem>>) offsets(%dma_start3A_95 : memref<128xi32, #tpu.memory_space<vmem>>) semaphore(%arg9 : memref<!tpu.dma_semaphore, #tpu.memory_space<semaphore_mem>>)
    %dma_start3A_99 = arith.constant 128 : i32
    %dma_start3A_100 = arith.constant 0 : i32
    %dma_start3A_101 = tpu.memref_slice %arg6[%dma_start3A_99, %dma_start3A_100] : memref<256x128xf32, #tpu.memory_space<vmem>> -> memref<128x128xf32, #tpu.memory_space<vmem>>
    %dma_start3A_102 = arith.constant 896 : i32
    %dma_start3A_103 = tpu.memref_slice %arg5[%dma_start3A_102] : memref<1280xi32, #tpu.memory_space<vmem>> -> memref<128xi32, #tpu.memory_space<vmem>>
    %dma_start3A_104 = arith.constant 0 : i32
    %dma_start3A_105 = arith.constant 0 : i32
    %dma_start3A_106 = tpu.memref_slice %arg2[%dma_start3A_104, %dma_start3A_105] : memref<100000x128xf32, #tpu.memory_space<hbm>> -> memref<100000x128xf32, #tpu.memory_space<hbm>>
    tpu.enqueue_indirect_dma source(%dma_start3A_106 : memref<100000x128xf32, #tpu.memory_space<hbm>>) target(%dma_start3A_101 : memref<128x128xf32, #tpu.memory_space<vmem>>) offsets(%dma_start3A_103 : memref<128xi32, #tpu.memory_space<vmem>>) semaphore(%arg9 : memref<!tpu.dma_semaphore, #tpu.memory_space<semaphore_mem>>)
    %add3A_107 = arith.constant 256 : i32
    %add3A_108 = arith.addi %mul3A_2, %add3A_107 : i32
    %dma_start3A_109 = arith.constant 0 : i32
    %dma_start3A_110 = tpu.memref_slice %arg4[%add3A_108, %dma_start3A_109] : memref<40960x128xf32, #tpu.memory_space<hbm>> -> memref<256x128xf32, #tpu.memory_space<hbm>>
    %dma_start3A_111 = arith.constant 0 : i32
    %dma_start3A_112 = tpu.memref_slice %arg4[%add3A_108, %dma_start3A_111] : memref<40960x128xf32, #tpu.memory_space<hbm>> -> memref<256x128xf32, #tpu.memory_space<hbm>>
    tpu.enqueue_dma source(%arg7 : memref<256x128xf32, #tpu.memory_space<vmem>>) target(%dma_start3A_112 : memref<256x128xf32, #tpu.memory_space<hbm>>) target_semaphore(%arg11 : memref<!tpu.dma_semaphore, #tpu.memory_space<semaphore_mem>>)
    %dma_wait3A_113 = arith.constant 0 : i32
    %dma_wait3A_114 = arith.constant 0 : i32
    %dma_wait3A_115 = tpu.memref_slice %arg8[%dma_wait3A_113, %dma_wait3A_114] : memref<256x128xf32, #tpu.memory_space<vmem>> -> memref<128x128xf32, #tpu.memory_space<vmem>>
    %dma_wait3A_116 = arith.constant 512 : i32
    %dma_wait3A_117 = tpu.memref_slice %arg5[%dma_wait3A_116] : memref<1280xi32, #tpu.memory_space<vmem>> -> memref<128xi32, #tpu.memory_space<vmem>>
    %dma_wait3A_118 = arith.constant 0 : i32
    %dma_wait3A_119 = arith.constant 0 : i32
    %dma_wait3A_120 = tpu.memref_slice %arg2[%dma_wait3A_118, %dma_wait3A_119] : memref<100000x128xf32, #tpu.memory_space<hbm>> -> memref<100000x128xf32, #tpu.memory_space<hbm>>
    tpu.wait_indirect_dma semaphore(%arg9 : memref<!tpu.dma_semaphore, #tpu.memory_space<semaphore_mem>>) src(%dma_wait3A_120 : memref<100000x128xf32, #tpu.memory_space<hbm>>) dst(%dma_wait3A_115 : memref<128x128xf32, #tpu.memory_space<vmem>>)
    %dma_wait3A_121 = arith.constant 128 : i32
    %dma_wait3A_122 = arith.constant 0 : i32
    %dma_wait3A_123 = tpu.memref_slice %arg8[%dma_wait3A_121, %dma_wait3A_122] : memref<256x128xf32, #tpu.memory_space<vmem>> -> memref<128x128xf32, #tpu.memory_space<vmem>>
    %dma_wait3A_124 = arith.constant 640 : i32
    %dma_wait3A_125 = tpu.memref_slice %arg5[%dma_wait3A_124] : memref<1280xi32, #tpu.memory_space<vmem>> -> memref<128xi32, #tpu.memory_space<vmem>>
    %dma_wait3A_126 = arith.constant 0 : i32
    %dma_wait3A_127 = arith.constant 0 : i32
    %dma_wait3A_128 = tpu.memref_slice %arg2[%dma_wait3A_126, %dma_wait3A_127] : memref<100000x128xf32, #tpu.memory_space<hbm>> -> memref<100000x128xf32, #tpu.memory_space<hbm>>
    tpu.wait_indirect_dma semaphore(%arg9 : memref<!tpu.dma_semaphore, #tpu.memory_space<semaphore_mem>>) src(%dma_wait3A_128 : memref<100000x128xf32, #tpu.memory_space<hbm>>) dst(%dma_wait3A_123 : memref<128x128xf32, #tpu.memory_space<vmem>>)
    %dma_wait3A_129 = arith.constant 0 : i32
    %dma_wait3A_130 = tpu.memref_slice %arg4[%add3A_108, %dma_wait3A_129] : memref<40960x128xf32, #tpu.memory_space<hbm>> -> memref<256x128xf32, #tpu.memory_space<hbm>>
    %dma_wait3A_131 = arith.constant 0 : i32
    %dma_wait3A_132 = tpu.memref_slice %arg4[%add3A_108, %dma_wait3A_131] : memref<40960x128xf32, #tpu.memory_space<hbm>> -> memref<256x128xf32, #tpu.memory_space<hbm>>
    tpu.wait_dma2 semaphore(%arg11 : memref<!tpu.dma_semaphore, #tpu.memory_space<semaphore_mem>>) src(%arg7 : memref<256x128xf32, #tpu.memory_space<vmem>>) dst(%dma_wait3A_132 : memref<256x128xf32, #tpu.memory_space<hbm>>)
    %dma_start3A_133 = arith.constant 0 : i32
    %dma_start3A_134 = arith.constant 0 : i32
    %dma_start3A_135 = tpu.memref_slice %arg7[%dma_start3A_133, %dma_start3A_134] : memref<256x128xf32, #tpu.memory_space<vmem>> -> memref<128x128xf32, #tpu.memory_space<vmem>>
    %dma_start3A_136 = arith.constant 1024 : i32
    %dma_start3A_137 = tpu.memref_slice %arg5[%dma_start3A_136] : memref<1280xi32, #tpu.memory_space<vmem>> -> memref<128xi32, #tpu.memory_space<vmem>>
    %dma_start3A_138 = arith.constant 0 : i32
    %dma_start3A_139 = arith.constant 0 : i32
    %dma_start3A_140 = tpu.memref_slice %arg2[%dma_start3A_138, %dma_start3A_139] : memref<100000x128xf32, #tpu.memory_space<hbm>> -> memref<100000x128xf32, #tpu.memory_space<hbm>>
    tpu.enqueue_indirect_dma source(%dma_start3A_140 : memref<100000x128xf32, #tpu.memory_space<hbm>>) target(%dma_start3A_135 : memref<128x128xf32, #tpu.memory_space<vmem>>) offsets(%dma_start3A_137 : memref<128xi32, #tpu.memory_space<vmem>>) semaphore(%arg9 : memref<!tpu.dma_semaphore, #tpu.memory_space<semaphore_mem>>)
    %dma_start3A_141 = arith.constant 128 : i32
    %dma_start3A_142 = arith.constant 0 : i32
    %dma_start3A_143 = tpu.memref_slice %arg7[%dma_start3A_141, %dma_start3A_142] : memref<256x128xf32, #tpu.memory_space<vmem>> -> memref<128x128xf32, #tpu.memory_space<vmem>>
    %dma_start3A_144 = arith.constant 1152 : i32
    %dma_start3A_145 = tpu.memref_slice %arg5[%dma_start3A_144] : memref<1280xi32, #tpu.memory_space<vmem>> -> memref<128xi32, #tpu.memory_space<vmem>>
    %dma_start3A_146 = arith.constant 0 : i32
    %dma_start3A_147 = arith.constant 0 : i32
    %dma_start3A_148 = tpu.memref_slice %arg2[%dma_start3A_146, %dma_start3A_147] : memref<100000x128xf32, #tpu.memory_space<hbm>> -> memref<100000x128xf32, #tpu.memory_space<hbm>>
    tpu.enqueue_indirect_dma source(%dma_start3A_148 : memref<100000x128xf32, #tpu.memory_space<hbm>>) target(%dma_start3A_143 : memref<128x128xf32, #tpu.memory_space<vmem>>) offsets(%dma_start3A_145 : memref<128xi32, #tpu.memory_space<vmem>>) semaphore(%arg9 : memref<!tpu.dma_semaphore, #tpu.memory_space<semaphore_mem>>)
    %add3A_149 = arith.constant 512 : i32
    %add3A_150 = arith.addi %mul3A_2, %add3A_149 : i32
    %dma_start3A_151 = arith.constant 0 : i32
    %dma_start3A_152 = tpu.memref_slice %arg4[%add3A_150, %dma_start3A_151] : memref<40960x128xf32, #tpu.memory_space<hbm>> -> memref<256x128xf32, #tpu.memory_space<hbm>>
    %dma_start3A_153 = arith.constant 0 : i32
    %dma_start3A_154 = tpu.memref_slice %arg4[%add3A_150, %dma_start3A_153] : memref<40960x128xf32, #tpu.memory_space<hbm>> -> memref<256x128xf32, #tpu.memory_space<hbm>>
    tpu.enqueue_dma source(%arg8 : memref<256x128xf32, #tpu.memory_space<vmem>>) target(%dma_start3A_154 : memref<256x128xf32, #tpu.memory_space<hbm>>) target_semaphore(%arg12 : memref<!tpu.dma_semaphore, #tpu.memory_space<semaphore_mem>>)
    %dma_wait3A_155 = arith.constant 0 : i32
    %dma_wait3A_156 = arith.constant 0 : i32
    %dma_wait3A_157 = tpu.memref_slice %arg6[%dma_wait3A_155, %dma_wait3A_156] : memref<256x128xf32, #tpu.memory_space<vmem>> -> memref<128x128xf32, #tpu.memory_space<vmem>>
    %dma_wait3A_158 = arith.constant 768 : i32
    %dma_wait3A_159 = tpu.memref_slice %arg5[%dma_wait3A_158] : memref<1280xi32, #tpu.memory_space<vmem>> -> memref<128xi32, #tpu.memory_space<vmem>>
    %dma_wait3A_160 = arith.constant 0 : i32
    %dma_wait3A_161 = arith.constant 0 : i32
    %dma_wait3A_162 = tpu.memref_slice %arg2[%dma_wait3A_160, %dma_wait3A_161] : memref<100000x128xf32, #tpu.memory_space<hbm>> -> memref<100000x128xf32, #tpu.memory_space<hbm>>
    tpu.wait_indirect_dma semaphore(%arg9 : memref<!tpu.dma_semaphore, #tpu.memory_space<semaphore_mem>>) src(%dma_wait3A_162 : memref<100000x128xf32, #tpu.memory_space<hbm>>) dst(%dma_wait3A_157 : memref<128x128xf32, #tpu.memory_space<vmem>>)
    %dma_wait3A_163 = arith.constant 128 : i32
    %dma_wait3A_164 = arith.constant 0 : i32
    %dma_wait3A_165 = tpu.memref_slice %arg6[%dma_wait3A_163, %dma_wait3A_164] : memref<256x128xf32, #tpu.memory_space<vmem>> -> memref<128x128xf32, #tpu.memory_space<vmem>>
    %dma_wait3A_166 = arith.constant 896 : i32
    %dma_wait3A_167 = tpu.memref_slice %arg5[%dma_wait3A_166] : memref<1280xi32, #tpu.memory_space<vmem>> -> memref<128xi32, #tpu.memory_space<vmem>>
    %dma_wait3A_168 = arith.constant 0 : i32
    %dma_wait3A_169 = arith.constant 0 : i32
    %dma_wait3A_170 = tpu.memref_slice %arg2[%dma_wait3A_168, %dma_wait3A_169] : memref<100000x128xf32, #tpu.memory_space<hbm>> -> memref<100000x128xf32, #tpu.memory_space<hbm>>
    tpu.wait_indirect_dma semaphore(%arg9 : memref<!tpu.dma_semaphore, #tpu.memory_space<semaphore_mem>>) src(%dma_wait3A_170 : memref<100000x128xf32, #tpu.memory_space<hbm>>) dst(%dma_wait3A_165 : memref<128x128xf32, #tpu.memory_space<vmem>>)
    %add3A_171 = arith.constant 768 : i32
    %add3A_172 = arith.addi %mul3A_2, %add3A_171 : i32
    %dma_start3A_173 = arith.constant 0 : i32
    %dma_start3A_174 = tpu.memref_slice %arg4[%add3A_172, %dma_start3A_173] : memref<40960x128xf32, #tpu.memory_space<hbm>> -> memref<256x128xf32, #tpu.memory_space<hbm>>
    %dma_start3A_175 = arith.constant 0 : i32
    %dma_start3A_176 = tpu.memref_slice %arg4[%add3A_172, %dma_start3A_175] : memref<40960x128xf32, #tpu.memory_space<hbm>> -> memref<256x128xf32, #tpu.memory_space<hbm>>
    tpu.enqueue_dma source(%arg6 : memref<256x128xf32, #tpu.memory_space<vmem>>) target(%dma_start3A_176 : memref<256x128xf32, #tpu.memory_space<hbm>>) target_semaphore(%arg10 : memref<!tpu.dma_semaphore, #tpu.memory_space<semaphore_mem>>)
    %dma_wait3A_177 = arith.constant 0 : i32
    %dma_wait3A_178 = arith.constant 0 : i32
    %dma_wait3A_179 = tpu.memref_slice %arg7[%dma_wait3A_177, %dma_wait3A_178] : memref<256x128xf32, #tpu.memory_space<vmem>> -> memref<128x128xf32, #tpu.memory_space<vmem>>
    %dma_wait3A_180 = arith.constant 1024 : i32
    %dma_wait3A_181 = tpu.memref_slice %arg5[%dma_wait3A_180] : memref<1280xi32, #tpu.memory_space<vmem>> -> memref<128xi32, #tpu.memory_space<vmem>>
    %dma_wait3A_182 = arith.constant 0 : i32
    %dma_wait3A_183 = arith.constant 0 : i32
    %dma_wait3A_184 = tpu.memref_slice %arg2[%dma_wait3A_182, %dma_wait3A_183] : memref<100000x128xf32, #tpu.memory_space<hbm>> -> memref<100000x128xf32, #tpu.memory_space<hbm>>
    tpu.wait_indirect_dma semaphore(%arg9 : memref<!tpu.dma_semaphore, #tpu.memory_space<semaphore_mem>>) src(%dma_wait3A_184 : memref<100000x128xf32, #tpu.memory_space<hbm>>) dst(%dma_wait3A_179 : memref<128x128xf32, #tpu.memory_space<vmem>>)
    %dma_wait3A_185 = arith.constant 128 : i32
    %dma_wait3A_186 = arith.constant 0 : i32
    %dma_wait3A_187 = tpu.memref_slice %arg7[%dma_wait3A_185, %dma_wait3A_186] : memref<256x128xf32, #tpu.memory_space<vmem>> -> memref<128x128xf32, #tpu.memory_space<vmem>>
    %dma_wait3A_188 = arith.constant 1152 : i32
    %dma_wait3A_189 = tpu.memref_slice %arg5[%dma_wait3A_188] : memref<1280xi32, #tpu.memory_space<vmem>> -> memref<128xi32, #tpu.memory_space<vmem>>
    %dma_wait3A_190 = arith.constant 0 : i32
    %dma_wait3A_191 = arith.constant 0 : i32
    %dma_wait3A_192 = tpu.memref_slice %arg2[%dma_wait3A_190, %dma_wait3A_191] : memref<100000x128xf32, #tpu.memory_space<hbm>> -> memref<100000x128xf32, #tpu.memory_space<hbm>>
    tpu.wait_indirect_dma semaphore(%arg9 : memref<!tpu.dma_semaphore, #tpu.memory_space<semaphore_mem>>) src(%dma_wait3A_192 : memref<100000x128xf32, #tpu.memory_space<hbm>>) dst(%dma_wait3A_187 : memref<128x128xf32, #tpu.memory_space<vmem>>)
    %add3A_193 = arith.constant 1024 : i32
    %add3A_194 = arith.addi %mul3A_2, %add3A_193 : i32
    %dma_start3A_195 = arith.constant 0 : i32
    %dma_start3A_196 = tpu.memref_slice %arg4[%add3A_194, %dma_start3A_195] : memref<40960x128xf32, #tpu.memory_space<hbm>> -> memref<256x128xf32, #tpu.memory_space<hbm>>
    %dma_start3A_197 = arith.constant 0 : i32
    %dma_start3A_198 = tpu.memref_slice %arg4[%add3A_194, %dma_start3A_197] : memref<40960x128xf32, #tpu.memory_space<hbm>> -> memref<256x128xf32, #tpu.memory_space<hbm>>
    tpu.enqueue_dma source(%arg7 : memref<256x128xf32, #tpu.memory_space<vmem>>) target(%dma_start3A_198 : memref<256x128xf32, #tpu.memory_space<hbm>>) target_semaphore(%arg11 : memref<!tpu.dma_semaphore, #tpu.memory_space<semaphore_mem>>)
    %dma_wait3A_199 = arith.constant 0 : i32
    %dma_wait3A_200 = tpu.memref_slice %arg4[%add3A_172, %dma_wait3A_199] : memref<40960x128xf32, #tpu.memory_space<hbm>> -> memref<256x128xf32, #tpu.memory_space<hbm>>
    %dma_wait3A_201 = arith.constant 0 : i32
    %dma_wait3A_202 = tpu.memref_slice %arg4[%add3A_172, %dma_wait3A_201] : memref<40960x128xf32, #tpu.memory_space<hbm>> -> memref<256x128xf32, #tpu.memory_space<hbm>>
    tpu.wait_dma2 semaphore(%arg10 : memref<!tpu.dma_semaphore, #tpu.memory_space<semaphore_mem>>) src(%arg6 : memref<256x128xf32, #tpu.memory_space<vmem>>) dst(%dma_wait3A_202 : memref<256x128xf32, #tpu.memory_space<hbm>>)
    %dma_wait3A_203 = arith.constant 0 : i32
    %dma_wait3A_204 = tpu.memref_slice %arg4[%add3A_194, %dma_wait3A_203] : memref<40960x128xf32, #tpu.memory_space<hbm>> -> memref<256x128xf32, #tpu.memory_space<hbm>>
    %dma_wait3A_205 = arith.constant 0 : i32
    %dma_wait3A_206 = tpu.memref_slice %arg4[%add3A_194, %dma_wait3A_205] : memref<40960x128xf32, #tpu.memory_space<hbm>> -> memref<256x128xf32, #tpu.memory_space<hbm>>
    tpu.wait_dma2 semaphore(%arg11 : memref<!tpu.dma_semaphore, #tpu.memory_space<semaphore_mem>>) src(%arg7 : memref<256x128xf32, #tpu.memory_space<vmem>>) dst(%dma_wait3A_206 : memref<256x128xf32, #tpu.memory_space<hbm>>)
    %dma_wait3A_207 = arith.constant 0 : i32
    %dma_wait3A_208 = tpu.memref_slice %arg4[%add3A_150, %dma_wait3A_207] : memref<40960x128xf32, #tpu.memory_space<hbm>> -> memref<256x128xf32, #tpu.memory_space<hbm>>
    %dma_wait3A_209 = arith.constant 0 : i32
    %dma_wait3A_210 = tpu.memref_slice %arg4[%add3A_150, %dma_wait3A_209] : memref<40960x128xf32, #tpu.memory_space<hbm>> -> memref<256x128xf32, #tpu.memory_space<hbm>>
    tpu.wait_dma2 semaphore(%arg12 : memref<!tpu.dma_semaphore, #tpu.memory_space<semaphore_mem>>) src(%arg8 : memref<256x128xf32, #tpu.memory_space<vmem>>) dst(%dma_wait3A_210 : memref<256x128xf32, #tpu.memory_space<hbm>>)
    return
  }
}

module attributes {stable_mosaic.version = 14 : i64} {
  func.func @body(%arg0: i32, %arg1: memref<64x12800xf32, #tpu.memory_space<vmem>>, %arg2: memref<128x128xf32, #tpu.memory_space<vmem>>, %arg3: memref<12800x128xf32, #tpu.memory_space<vmem>>) attributes {dimension_semantics = [#tpu.dimension_semantics<arbitrary>], iteration_bounds = array<i64: 8>, scalar_prefetch = 0 : i64, scratch_operands = 0 : i64, tpu.core_type = #tpu.core_type<tc>, window_params = [{transform_indices = @transform_0, window_bounds = array<i64: 64, 12800>}, {pipeline_mode = #tpu.pipeline_mode<synchronous>, transform_indices = @transform_1, window_bounds = array<i64: 128, 128>}, {transform_indices = @transform_2, window_bounds = array<i64: 12800, 128>}]} {
    %get3A = arith.constant 0 : index
    %get3A_0 = arith.constant 0 : index
    %get3A_1 = vector.load %arg1[%get3A, %get3A_0] : memref<64x12800xf32, #tpu.memory_space<vmem>>, vector<64x12800xf32>
    %get3A_2 = arith.constant 0 : index
    %get3A_3 = arith.constant 0 : index
    %get3A_4 = vector.load %arg2[%get3A_2, %get3A_3] : memref<128x128xf32, #tpu.memory_space<vmem>>, vector<64x128xf32>
    %dot_general3A = arith.constant dense<0.000000e+00> : vector<12800x128xf32>
    %dot_general3A_5 = tpu.matmul %get3A_1, %get3A_4, %dot_general3A {dimension_numbers = #tpu.dot_dimension_numbers<[0], [0], [1], [1], [0, 1, 1, 1], [], []>, transpose_lhs_hint = false} : vector<64x12800xf32>, vector<64x128xf32>, vector<12800x128xf32> -> vector<12800x128xf32>
    %swap3A = arith.constant 0 : index
    %swap3A_6 = arith.constant 0 : index
    %swap3A_7 = vector.load %arg3[%swap3A, %swap3A_6] : memref<12800x128xf32, #tpu.memory_space<vmem>>, vector<12800x128xf32>
    tpu.vector_store %arg3[%swap3A, %swap3A_6], %dot_general3A_5 {strides = array<i32>} : memref<12800x128xf32, #tpu.memory_space<vmem>>, vector<12800x128xf32>,
    return
  }
  func.func @transform_0(%arg0: i32) -> (i32, i32) {
    %c0_i32 = arith.constant 0 : i32
    %c0_i32_0 = arith.constant 0 : i32
    return %c0_i32, %arg0 : i32, i32
  }
  func.func @transform_1(%arg0: i32) -> (i32, i32) {
    %c0_i32 = arith.constant 0 : i32
    %c0_i32_0 = arith.constant 0 : i32
    %c0_i32_1 = arith.constant 0 : i32
    return %c0_i32, %c0_i32_0 : i32, i32
  }
  func.func @transform_2(%arg0: i32) -> (i32, i32) {
    %c0_i32 = arith.constant 0 : i32
    %c0_i32_0 = arith.constant 0 : i32
    return %arg0, %c0_i32 : i32, i32
  }
}

module attributes {stable_mosaic.version = 14 : i64} {
  func.func @body(%arg0: i32, %arg1: i32, %arg2: memref<50x4x1024x128xf32, #tpu.memory_space<any>>, %arg3: memref<8x1x1024x128xf32, #tpu.memory_space<vmem>>, %arg4: memref<10x8x1024xf32, #tpu.memory_space<vmem>>, %arg5: memref<10x64xf32, #tpu.memory_space<vmem>>, %arg6: memref<1x64xf32, #tpu.memory_space<vmem>>, %arg7: memref<64x128xf32, #tpu.memory_space<vmem>>, %arg8: memref<1x128xf32, #tpu.memory_space<vmem>>, %arg9: memref<8x1x1024x128xf32, #tpu.memory_space<vmem>>) attributes {dimension_semantics = [#tpu.dimension_semantics<arbitrary>, #tpu.dimension_semantics<arbitrary>], iteration_bounds = array<i64: 2, 4>, scalar_prefetch = 0 : i64, scratch_operands = 0 : i64, tpu.core_type = #tpu.core_type<tc>, window_params = [{}, {transform_indices = @transform_1, window_bounds = array<i64: 8, 1, 1024, 128>}, {transform_indices = @transform_2, window_bounds = array<i64: 10, 8, 1024>}, {pipeline_mode = #tpu.pipeline_mode<synchronous>, transform_indices = @transform_3, window_bounds = array<i64: 10, 64>}, {pipeline_mode = #tpu.pipeline_mode<synchronous>, transform_indices = @transform_4, window_bounds = array<i64: 1, 64>}, {pipeline_mode = #tpu.pipeline_mode<synchronous>, transform_indices = @transform_5, window_bounds = array<i64: 64, 128>}, {pipeline_mode = #tpu.pipeline_mode<synchronous>, transform_indices = @transform_6, window_bounds = array<i64: 1, 128>}, {transform_indices = @transform_7, window_bounds = array<i64: 8, 1, 1024, 128>}]} {
    %get3A = arith.constant 0 : index
    %get3A_0 = arith.constant 0 : index
    %get3A_1 = arith.constant 0 : index
    %get3A_2 = vector.load %arg4[%get3A, %get3A_0, %get3A_1] : memref<10x8x1024xf32, #tpu.memory_space<vmem>>, vector<10x1x1024xf32>
    %get3A_3 = vector.shape_cast %get3A_2 : vector<10x1x1024xf32> to vector<10x1024xf32>
    %get3A_4 = arith.constant 0 : index
    %get3A_5 = arith.constant 0 : index
    %get3A_6 = vector.load %arg5[%get3A_4, %get3A_5] : memref<10x64xf32, #tpu.memory_space<vmem>>, vector<10x64xf32>
    %dot_general3A = arith.constant dense<0.000000e+00> : vector<1024x64xf32>
    %dot_general3A_7 = tpu.matmul %get3A_3, %get3A_6, %dot_general3A {dimension_numbers = #tpu.dot_dimension_numbers<[0], [0], [1], [1], [0, 1, 1, 1], [], []>, transpose_lhs_hint = false} : vector<10x1024xf32>, vector<10x64xf32>, vector<1024x64xf32> -> vector<1024x64xf32>
    %get3A_8 = arith.constant 0 : index
    %get3A_9 = arith.constant 0 : index
    %get3A_10 = vector.load %arg6[%get3A_8, %get3A_9] : memref<1x64xf32, #tpu.memory_space<vmem>>, vector<1x64xf32>
    %add3A = vector.broadcast %get3A_10 : vector<1x64xf32> to vector<1024x64xf32>
    %add3A_11 = arith.addf %dot_general3A_7, %add3A : vector<1024x64xf32>
    %mul3A = arith.constant 5.000000e-01 : f32
    %mul3A_12 = vector.broadcast %mul3A : f32 to vector<1024x64xf32>
    %mul3A_13 = arith.mulf %mul3A_12, %add3A_11 : vector<1024x64xf32>
    %mul3A_14 = arith.constant 0.707106769 : f32
    %mul3A_15 = vector.broadcast %mul3A_14 : f32 to vector<1024x64xf32>
    %mul3A_16 = arith.mulf %add3A_11, %mul3A_15 : vector<1024x64xf32>
    %erf3A = math.erf %mul3A_16 : vector<1024x64xf32>
    %add3A_17 = arith.constant 1.000000e+00 : f32
    %add3A_18 = vector.broadcast %add3A_17 : f32 to vector<1024x64xf32>
    %add3A_19 = arith.addf %add3A_18, %erf3A : vector<1024x64xf32>
    %mul3A_20 = arith.mulf %mul3A_13, %add3A_19 : vector<1024x64xf32>
    %get3A_21 = arith.constant 0 : index
    %get3A_22 = arith.constant 0 : index
    %get3A_23 = vector.load %arg7[%get3A_21, %get3A_22] : memref<64x128xf32, #tpu.memory_space<vmem>>, vector<64x128xf32>
    %dot_general3A_24 = arith.constant dense<0.000000e+00> : vector<1024x128xf32>
    %dot_general3A_25 = tpu.matmul %mul3A_20, %get3A_23, %dot_general3A_24 {dimension_numbers = #tpu.dot_dimension_numbers<[1], [0], [0], [1], [0, 0, 1, 1], [], []>, transpose_lhs_hint = false} : vector<1024x64xf32>, vector<64x128xf32>, vector<1024x128xf32> -> vector<1024x128xf32>
    %get3A_26 = arith.constant 0 : index
    %get3A_27 = arith.constant 0 : index
    %get3A_28 = arith.constant 0 : index
    %get3A_29 = arith.constant 0 : index
    %get3A_30 = vector.load %arg3[%get3A_26, %get3A_27, %get3A_28, %get3A_29] : memref<8x1x1024x128xf32, #tpu.memory_space<vmem>>, vector<1x1x1024x128xf32>
    %get3A_31 = vector.shape_cast %get3A_30 : vector<1x1x1024x128xf32> to vector<1024x128xf32>
    %add3A_32 = arith.addf %get3A_31, %dot_general3A_25 : vector<1024x128xf32>
    %get3A_33 = arith.constant 0 : index
    %get3A_34 = arith.constant 0 : index
    %get3A_35 = vector.load %arg8[%get3A_33, %get3A_34] : memref<1x128xf32, #tpu.memory_space<vmem>>, vector<1x128xf32>
    %add3A_36 = vector.broadcast %get3A_35 : vector<1x128xf32> to vector<1024x128xf32>
    %add3A_37 = arith.addf %add3A_32, %add3A_36 : vector<1024x128xf32>
    %swap3A = arith.constant 0 : index
    %swap3A_38 = arith.constant 0 : index
    %swap3A_39 = arith.constant 0 : index
    %swap3A_40 = arith.constant 0 : index
    %swap3A_41 = vector.load %arg9[%swap3A, %swap3A_38, %swap3A_39, %swap3A_40] : memref<8x1x1024x128xf32, #tpu.memory_space<vmem>>, vector<1x1x1024x128xf32>
    %swap3A_42 = vector.shape_cast %swap3A_41 : vector<1x1x1024x128xf32> to vector<1024x128xf32>
    %swap3A_43 = vector.shape_cast %add3A_37 : vector<1024x128xf32> to vector<1x1x1024x128xf32>
    tpu.vector_store %arg9[%swap3A, %swap3A_38, %swap3A_39, %swap3A_40], %swap3A_43 {strides = array<i32>} : memref<8x1x1024x128xf32, #tpu.memory_space<vmem>>, vector<1x1x1024x128xf32>,
    %get3A_44 = arith.constant 0 : index
    %get3A_45 = arith.constant 1 : index
    %get3A_46 = arith.constant 0 : index
    %get3A_47 = vector.load %arg4[%get3A_44, %get3A_45, %get3A_46] : memref<10x8x1024xf32, #tpu.memory_space<vmem>>, vector<10x1x1024xf32>
    %get3A_48 = vector.shape_cast %get3A_47 : vector<10x1x1024xf32> to vector<10x1024xf32>
    %get3A_49 = arith.constant 0 : index
    %get3A_50 = arith.constant 0 : index
    %get3A_51 = vector.load %arg5[%get3A_49, %get3A_50] : memref<10x64xf32, #tpu.memory_space<vmem>>, vector<10x64xf32>
    %dot_general3A_52 = arith.constant dense<0.000000e+00> : vector<1024x64xf32>
    %dot_general3A_53 = tpu.matmul %get3A_48, %get3A_51, %dot_general3A_52 {dimension_numbers = #tpu.dot_dimension_numbers<[0], [0], [1], [1], [0, 1, 1, 1], [], []>, transpose_lhs_hint = false} : vector<10x1024xf32>, vector<10x64xf32>, vector<1024x64xf32> -> vector<1024x64xf32>
    %get3A_54 = arith.constant 0 : index
    %get3A_55 = arith.constant 0 : index
    %get3A_56 = vector.load %arg6[%get3A_54, %get3A_55] : memref<1x64xf32, #tpu.memory_space<vmem>>, vector<1x64xf32>
    %add3A_57 = vector.broadcast %get3A_56 : vector<1x64xf32> to vector<1024x64xf32>
    %add3A_58 = arith.addf %dot_general3A_53, %add3A_57 : vector<1024x64xf32>
    %mul3A_59 = arith.constant 5.000000e-01 : f32
    %mul3A_60 = vector.broadcast %mul3A_59 : f32 to vector<1024x64xf32>
    %mul3A_61 = arith.mulf %mul3A_60, %add3A_58 : vector<1024x64xf32>
    %mul3A_62 = arith.constant 0.707106769 : f32
    %mul3A_63 = vector.broadcast %mul3A_62 : f32 to vector<1024x64xf32>
    %mul3A_64 = arith.mulf %add3A_58, %mul3A_63 : vector<1024x64xf32>
    %erf3A_65 = math.erf %mul3A_64 : vector<1024x64xf32>
    %add3A_66 = arith.constant 1.000000e+00 : f32
    %add3A_67 = vector.broadcast %add3A_66 : f32 to vector<1024x64xf32>
    %add3A_68 = arith.addf %add3A_67, %erf3A_65 : vector<1024x64xf32>
    %mul3A_69 = arith.mulf %mul3A_61, %add3A_68 : vector<1024x64xf32>
    %get3A_70 = arith.constant 0 : index
    %get3A_71 = arith.constant 0 : index
    %get3A_72 = vector.load %arg7[%get3A_70, %get3A_71] : memref<64x128xf32, #tpu.memory_space<vmem>>, vector<64x128xf32>
    %dot_general3A_73 = arith.constant dense<0.000000e+00> : vector<1024x128xf32>
    %dot_general3A_74 = tpu.matmul %mul3A_69, %get3A_72, %dot_general3A_73 {dimension_numbers = #tpu.dot_dimension_numbers<[1], [0], [0], [1], [0, 0, 1, 1], [], []>, transpose_lhs_hint = false} : vector<1024x64xf32>, vector<64x128xf32>, vector<1024x128xf32> -> vector<1024x128xf32>
    %get3A_75 = arith.constant 1 : index
    %get3A_76 = arith.constant 0 : index
    %get3A_77 = arith.constant 0 : index
    %get3A_78 = arith.constant 0 : index
    %get3A_79 = vector.load %arg3[%get3A_75, %get3A_76, %get3A_77, %get3A_78] : memref<8x1x1024x128xf32, #tpu.memory_space<vmem>>, vector<1x1x1024x128xf32>
    %get3A_80 = vector.shape_cast %get3A_79 : vector<1x1x1024x128xf32> to vector<1024x128xf32>
    %add3A_81 = arith.addf %get3A_80, %dot_general3A_74 : vector<1024x128xf32>
    %get3A_82 = arith.constant 0 : index
    %get3A_83 = arith.constant 0 : index
    %get3A_84 = vector.load %arg8[%get3A_82, %get3A_83] : memref<1x128xf32, #tpu.memory_space<vmem>>, vector<1x128xf32>
    %add3A_85 = vector.broadcast %get3A_84 : vector<1x128xf32> to vector<1024x128xf32>
    %add3A_86 = arith.addf %add3A_81, %add3A_85 : vector<1024x128xf32>
    %swap3A_87 = arith.constant 1 : index
    %swap3A_88 = arith.constant 0 : index
    %swap3A_89 = arith.constant 0 : index
    %swap3A_90 = arith.constant 0 : index
    %swap3A_91 = vector.load %arg9[%swap3A_87, %swap3A_88, %swap3A_89, %swap3A_90] : memref<8x1x1024x128xf32, #tpu.memory_space<vmem>>, vector<1x1x1024x128xf32>
    %swap3A_92 = vector.shape_cast %swap3A_91 : vector<1x1x1024x128xf32> to vector<1024x128xf32>
    %swap3A_93 = vector.shape_cast %add3A_86 : vector<1024x128xf32> to vector<1x1x1024x128xf32>
    tpu.vector_store %arg9[%swap3A_87, %swap3A_88, %swap3A_89, %swap3A_90], %swap3A_93 {strides = array<i32>} : memref<8x1x1024x128xf32, #tpu.memory_space<vmem>>, vector<1x1x1024x128xf32>,
    %get3A_94 = arith.constant 0 : index
    %get3A_95 = arith.constant 2 : index
    %get3A_96 = arith.constant 0 : index
    %get3A_97 = vector.load %arg4[%get3A_94, %get3A_95, %get3A_96] : memref<10x8x1024xf32, #tpu.memory_space<vmem>>, vector<10x1x1024xf32>
    %get3A_98 = vector.shape_cast %get3A_97 : vector<10x1x1024xf32> to vector<10x1024xf32>
    %get3A_99 = arith.constant 0 : index
    %get3A_100 = arith.constant 0 : index
    %get3A_101 = vector.load %arg5[%get3A_99, %get3A_100] : memref<10x64xf32, #tpu.memory_space<vmem>>, vector<10x64xf32>
    %dot_general3A_102 = arith.constant dense<0.000000e+00> : vector<1024x64xf32>
    %dot_general3A_103 = tpu.matmul %get3A_98, %get3A_101, %dot_general3A_102 {dimension_numbers = #tpu.dot_dimension_numbers<[0], [0], [1], [1], [0, 1, 1, 1], [], []>, transpose_lhs_hint = false} : vector<10x1024xf32>, vector<10x64xf32>, vector<1024x64xf32> -> vector<1024x64xf32>
    %get3A_104 = arith.constant 0 : index
    %get3A_105 = arith.constant 0 : index
    %get3A_106 = vector.load %arg6[%get3A_104, %get3A_105] : memref<1x64xf32, #tpu.memory_space<vmem>>, vector<1x64xf32>
    %add3A_107 = vector.broadcast %get3A_106 : vector<1x64xf32> to vector<1024x64xf32>
    %add3A_108 = arith.addf %dot_general3A_103, %add3A_107 : vector<1024x64xf32>
    %mul3A_109 = arith.constant 5.000000e-01 : f32
    %mul3A_110 = vector.broadcast %mul3A_109 : f32 to vector<1024x64xf32>
    %mul3A_111 = arith.mulf %mul3A_110, %add3A_108 : vector<1024x64xf32>
    %mul3A_112 = arith.constant 0.707106769 : f32
    %mul3A_113 = vector.broadcast %mul3A_112 : f32 to vector<1024x64xf32>
    %mul3A_114 = arith.mulf %add3A_108, %mul3A_113 : vector<1024x64xf32>
    %erf3A_115 = math.erf %mul3A_114 : vector<1024x64xf32>
    %add3A_116 = arith.constant 1.000000e+00 : f32
    %add3A_117 = vector.broadcast %add3A_116 : f32 to vector<1024x64xf32>
    %add3A_118 = arith.addf %add3A_117, %erf3A_115 : vector<1024x64xf32>
    %mul3A_119 = arith.mulf %mul3A_111, %add3A_118 : vector<1024x64xf32>
    %get3A_120 = arith.constant 0 : index
    %get3A_121 = arith.constant 0 : index
    %get3A_122 = vector.load %arg7[%get3A_120, %get3A_121] : memref<64x128xf32, #tpu.memory_space<vmem>>, vector<64x128xf32>
    %dot_general3A_123 = arith.constant dense<0.000000e+00> : vector<1024x128xf32>
    %dot_general3A_124 = tpu.matmul %mul3A_119, %get3A_122, %dot_general3A_123 {dimension_numbers = #tpu.dot_dimension_numbers<[1], [0], [0], [1], [0, 0, 1, 1], [], []>, transpose_lhs_hint = false} : vector<1024x64xf32>, vector<64x128xf32>, vector<1024x128xf32> -> vector<1024x128xf32>
    %get3A_125 = arith.constant 2 : index
    %get3A_126 = arith.constant 0 : index
    %get3A_127 = arith.constant 0 : index
    %get3A_128 = arith.constant 0 : index
    %get3A_129 = vector.load %arg3[%get3A_125, %get3A_126, %get3A_127, %get3A_128] : memref<8x1x1024x128xf32, #tpu.memory_space<vmem>>, vector<1x1x1024x128xf32>
    %get3A_130 = vector.shape_cast %get3A_129 : vector<1x1x1024x128xf32> to vector<1024x128xf32>
    %add3A_131 = arith.addf %get3A_130, %dot_general3A_124 : vector<1024x128xf32>
    %get3A_132 = arith.constant 0 : index
    %get3A_133 = arith.constant 0 : index
    %get3A_134 = vector.load %arg8[%get3A_132, %get3A_133] : memref<1x128xf32, #tpu.memory_space<vmem>>, vector<1x128xf32>
    %add3A_135 = vector.broadcast %get3A_134 : vector<1x128xf32> to vector<1024x128xf32>
    %add3A_136 = arith.addf %add3A_131, %add3A_135 : vector<1024x128xf32>
    %swap3A_137 = arith.constant 2 : index
    %swap3A_138 = arith.constant 0 : index
    %swap3A_139 = arith.constant 0 : index
    %swap3A_140 = arith.constant 0 : index
    %swap3A_141 = vector.load %arg9[%swap3A_137, %swap3A_138, %swap3A_139, %swap3A_140] : memref<8x1x1024x128xf32, #tpu.memory_space<vmem>>, vector<1x1x1024x128xf32>
    %swap3A_142 = vector.shape_cast %swap3A_141 : vector<1x1x1024x128xf32> to vector<1024x128xf32>
    %swap3A_143 = vector.shape_cast %add3A_136 : vector<1024x128xf32> to vector<1x1x1024x128xf32>
    tpu.vector_store %arg9[%swap3A_137, %swap3A_138, %swap3A_139, %swap3A_140], %swap3A_143 {strides = array<i32>} : memref<8x1x1024x128xf32, #tpu.memory_space<vmem>>, vector<1x1x1024x128xf32>,
    %get3A_144 = arith.constant 0 : index
    %get3A_145 = arith.constant 3 : index
    %get3A_146 = arith.constant 0 : index
    %get3A_147 = vector.load %arg4[%get3A_144, %get3A_145, %get3A_146] : memref<10x8x1024xf32, #tpu.memory_space<vmem>>, vector<10x1x1024xf32>
    %get3A_148 = vector.shape_cast %get3A_147 : vector<10x1x1024xf32> to vector<10x1024xf32>
    %get3A_149 = arith.constant 0 : index
    %get3A_150 = arith.constant 0 : index
    %get3A_151 = vector.load %arg5[%get3A_149, %get3A_150] : memref<10x64xf32, #tpu.memory_space<vmem>>, vector<10x64xf32>
    %dot_general3A_152 = arith.constant dense<0.000000e+00> : vector<1024x64xf32>
    %dot_general3A_153 = tpu.matmul %get3A_148, %get3A_151, %dot_general3A_152 {dimension_numbers = #tpu.dot_dimension_numbers<[0], [0], [1], [1], [0, 1, 1, 1], [], []>, transpose_lhs_hint = false} : vector<10x1024xf32>, vector<10x64xf32>, vector<1024x64xf32> -> vector<1024x64xf32>
    %get3A_154 = arith.constant 0 : index
    %get3A_155 = arith.constant 0 : index
    %get3A_156 = vector.load %arg6[%get3A_154, %get3A_155] : memref<1x64xf32, #tpu.memory_space<vmem>>, vector<1x64xf32>
    %add3A_157 = vector.broadcast %get3A_156 : vector<1x64xf32> to vector<1024x64xf32>
    %add3A_158 = arith.addf %dot_general3A_153, %add3A_157 : vector<1024x64xf32>
    %mul3A_159 = arith.constant 5.000000e-01 : f32
    %mul3A_160 = vector.broadcast %mul3A_159 : f32 to vector<1024x64xf32>
    %mul3A_161 = arith.mulf %mul3A_160, %add3A_158 : vector<1024x64xf32>
    %mul3A_162 = arith.constant 0.707106769 : f32
    %mul3A_163 = vector.broadcast %mul3A_162 : f32 to vector<1024x64xf32>
    %mul3A_164 = arith.mulf %add3A_158, %mul3A_163 : vector<1024x64xf32>
    %erf3A_165 = math.erf %mul3A_164 : vector<1024x64xf32>
    %add3A_166 = arith.constant 1.000000e+00 : f32
    %add3A_167 = vector.broadcast %add3A_166 : f32 to vector<1024x64xf32>
    %add3A_168 = arith.addf %add3A_167, %erf3A_165 : vector<1024x64xf32>
    %mul3A_169 = arith.mulf %mul3A_161, %add3A_168 : vector<1024x64xf32>
    %get3A_170 = arith.constant 0 : index
    %get3A_171 = arith.constant 0 : index
    %get3A_172 = vector.load %arg7[%get3A_170, %get3A_171] : memref<64x128xf32, #tpu.memory_space<vmem>>, vector<64x128xf32>
    %dot_general3A_173 = arith.constant dense<0.000000e+00> : vector<1024x128xf32>
    %dot_general3A_174 = tpu.matmul %mul3A_169, %get3A_172, %dot_general3A_173 {dimension_numbers = #tpu.dot_dimension_numbers<[1], [0], [0], [1], [0, 0, 1, 1], [], []>, transpose_lhs_hint = false} : vector<1024x64xf32>, vector<64x128xf32>, vector<1024x128xf32> -> vector<1024x128xf32>
    %get3A_175 = arith.constant 3 : index
    %get3A_176 = arith.constant 0 : index
    %get3A_177 = arith.constant 0 : index
    %get3A_178 = arith.constant 0 : index
    %get3A_179 = vector.load %arg3[%get3A_175, %get3A_176, %get3A_177, %get3A_178] : memref<8x1x1024x128xf32, #tpu.memory_space<vmem>>, vector<1x1x1024x128xf32>
    %get3A_180 = vector.shape_cast %get3A_179 : vector<1x1x1024x128xf32> to vector<1024x128xf32>
    %add3A_181 = arith.addf %get3A_180, %dot_general3A_174 : vector<1024x128xf32>
    %get3A_182 = arith.constant 0 : index
    %get3A_183 = arith.constant 0 : index
    %get3A_184 = vector.load %arg8[%get3A_182, %get3A_183] : memref<1x128xf32, #tpu.memory_space<vmem>>, vector<1x128xf32>
    %add3A_185 = vector.broadcast %get3A_184 : vector<1x128xf32> to vector<1024x128xf32>
    %add3A_186 = arith.addf %add3A_181, %add3A_185 : vector<1024x128xf32>
    %swap3A_187 = arith.constant 3 : index
    %swap3A_188 = arith.constant 0 : index
    %swap3A_189 = arith.constant 0 : index
    %swap3A_190 = arith.constant 0 : index
    %swap3A_191 = vector.load %arg9[%swap3A_187, %swap3A_188, %swap3A_189, %swap3A_190] : memref<8x1x1024x128xf32, #tpu.memory_space<vmem>>, vector<1x1x1024x128xf32>
    %swap3A_192 = vector.shape_cast %swap3A_191 : vector<1x1x1024x128xf32> to vector<1024x128xf32>
    %swap3A_193 = vector.shape_cast %add3A_186 : vector<1024x128xf32> to vector<1x1x1024x128xf32>
    tpu.vector_store %arg9[%swap3A_187, %swap3A_188, %swap3A_189, %swap3A_190], %swap3A_193 {strides = array<i32>} : memref<8x1x1024x128xf32, #tpu.memory_space<vmem>>, vector<1x1x1024x128xf32>,
    %get3A_194 = arith.constant 0 : index
    %get3A_195 = arith.constant 4 : index
    %get3A_196 = arith.constant 0 : index
    %get3A_197 = vector.load %arg4[%get3A_194, %get3A_195, %get3A_196] : memref<10x8x1024xf32, #tpu.memory_space<vmem>>, vector<10x1x1024xf32>
    %get3A_198 = vector.shape_cast %get3A_197 : vector<10x1x1024xf32> to vector<10x1024xf32>
    %get3A_199 = arith.constant 0 : index
    %get3A_200 = arith.constant 0 : index
    %get3A_201 = vector.load %arg5[%get3A_199, %get3A_200] : memref<10x64xf32, #tpu.memory_space<vmem>>, vector<10x64xf32>
    %dot_general3A_202 = arith.constant dense<0.000000e+00> : vector<1024x64xf32>
    %dot_general3A_203 = tpu.matmul %get3A_198, %get3A_201, %dot_general3A_202 {dimension_numbers = #tpu.dot_dimension_numbers<[0], [0], [1], [1], [0, 1, 1, 1], [], []>, transpose_lhs_hint = false} : vector<10x1024xf32>, vector<10x64xf32>, vector<1024x64xf32> -> vector<1024x64xf32>
    %get3A_204 = arith.constant 0 : index
    %get3A_205 = arith.constant 0 : index
    %get3A_206 = vector.load %arg6[%get3A_204, %get3A_205] : memref<1x64xf32, #tpu.memory_space<vmem>>, vector<1x64xf32>
    %add3A_207 = vector.broadcast %get3A_206 : vector<1x64xf32> to vector<1024x64xf32>
    %add3A_208 = arith.addf %dot_general3A_203, %add3A_207 : vector<1024x64xf32>
    %mul3A_209 = arith.constant 5.000000e-01 : f32
    %mul3A_210 = vector.broadcast %mul3A_209 : f32 to vector<1024x64xf32>
    %mul3A_211 = arith.mulf %mul3A_210, %add3A_208 : vector<1024x64xf32>
    %mul3A_212 = arith.constant 0.707106769 : f32
    %mul3A_213 = vector.broadcast %mul3A_212 : f32 to vector<1024x64xf32>
    %mul3A_214 = arith.mulf %add3A_208, %mul3A_213 : vector<1024x64xf32>
    %erf3A_215 = math.erf %mul3A_214 : vector<1024x64xf32>
    %add3A_216 = arith.constant 1.000000e+00 : f32
    %add3A_217 = vector.broadcast %add3A_216 : f32 to vector<1024x64xf32>
    %add3A_218 = arith.addf %add3A_217, %erf3A_215 : vector<1024x64xf32>
    %mul3A_219 = arith.mulf %mul3A_211, %add3A_218 : vector<1024x64xf32>
    %get3A_220 = arith.constant 0 : index
    %get3A_221 = arith.constant 0 : index
    %get3A_222 = vector.load %arg7[%get3A_220, %get3A_221] : memref<64x128xf32, #tpu.memory_space<vmem>>, vector<64x128xf32>
    %dot_general3A_223 = arith.constant dense<0.000000e+00> : vector<1024x128xf32>
    %dot_general3A_224 = tpu.matmul %mul3A_219, %get3A_222, %dot_general3A_223 {dimension_numbers = #tpu.dot_dimension_numbers<[1], [0], [0], [1], [0, 0, 1, 1], [], []>, transpose_lhs_hint = false} : vector<1024x64xf32>, vector<64x128xf32>, vector<1024x128xf32> -> vector<1024x128xf32>
    %get3A_225 = arith.constant 4 : index
    %get3A_226 = arith.constant 0 : index
    %get3A_227 = arith.constant 0 : index
    %get3A_228 = arith.constant 0 : index
    %get3A_229 = vector.load %arg3[%get3A_225, %get3A_226, %get3A_227, %get3A_228] : memref<8x1x1024x128xf32, #tpu.memory_space<vmem>>, vector<1x1x1024x128xf32>
    %get3A_230 = vector.shape_cast %get3A_229 : vector<1x1x1024x128xf32> to vector<1024x128xf32>
    %add3A_231 = arith.addf %get3A_230, %dot_general3A_224 : vector<1024x128xf32>
    %get3A_232 = arith.constant 0 : index
    %get3A_233 = arith.constant 0 : index
    %get3A_234 = vector.load %arg8[%get3A_232, %get3A_233] : memref<1x128xf32, #tpu.memory_space<vmem>>, vector<1x128xf32>
    %add3A_235 = vector.broadcast %get3A_234 : vector<1x128xf32> to vector<1024x128xf32>
    %add3A_236 = arith.addf %add3A_231, %add3A_235 : vector<1024x128xf32>
    %swap3A_237 = arith.constant 4 : index
    %swap3A_238 = arith.constant 0 : index
    %swap3A_239 = arith.constant 0 : index
    %swap3A_240 = arith.constant 0 : index
    %swap3A_241 = vector.load %arg9[%swap3A_237, %swap3A_238, %swap3A_239, %swap3A_240] : memref<8x1x1024x128xf32, #tpu.memory_space<vmem>>, vector<1x1x1024x128xf32>
    %swap3A_242 = vector.shape_cast %swap3A_241 : vector<1x1x1024x128xf32> to vector<1024x128xf32>
    %swap3A_243 = vector.shape_cast %add3A_236 : vector<1024x128xf32> to vector<1x1x1024x128xf32>
    tpu.vector_store %arg9[%swap3A_237, %swap3A_238, %swap3A_239, %swap3A_240], %swap3A_243 {strides = array<i32>} : memref<8x1x1024x128xf32, #tpu.memory_space<vmem>>, vector<1x1x1024x128xf32>,
    %get3A_244 = arith.constant 0 : index
    %get3A_245 = arith.constant 5 : index
    %get3A_246 = arith.constant 0 : index
    %get3A_247 = vector.load %arg4[%get3A_244, %get3A_245, %get3A_246] : memref<10x8x1024xf32, #tpu.memory_space<vmem>>, vector<10x1x1024xf32>
    %get3A_248 = vector.shape_cast %get3A_247 : vector<10x1x1024xf32> to vector<10x1024xf32>
    %get3A_249 = arith.constant 0 : index
    %get3A_250 = arith.constant 0 : index
    %get3A_251 = vector.load %arg5[%get3A_249, %get3A_250] : memref<10x64xf32, #tpu.memory_space<vmem>>, vector<10x64xf32>
    %dot_general3A_252 = arith.constant dense<0.000000e+00> : vector<1024x64xf32>
    %dot_general3A_253 = tpu.matmul %get3A_248, %get3A_251, %dot_general3A_252 {dimension_numbers = #tpu.dot_dimension_numbers<[0], [0], [1], [1], [0, 1, 1, 1], [], []>, transpose_lhs_hint = false} : vector<10x1024xf32>, vector<10x64xf32>, vector<1024x64xf32> -> vector<1024x64xf32>
    %get3A_254 = arith.constant 0 : index
    %get3A_255 = arith.constant 0 : index
    %get3A_256 = vector.load %arg6[%get3A_254, %get3A_255] : memref<1x64xf32, #tpu.memory_space<vmem>>, vector<1x64xf32>
    %add3A_257 = vector.broadcast %get3A_256 : vector<1x64xf32> to vector<1024x64xf32>
    %add3A_258 = arith.addf %dot_general3A_253, %add3A_257 : vector<1024x64xf32>
    %mul3A_259 = arith.constant 5.000000e-01 : f32
    %mul3A_260 = vector.broadcast %mul3A_259 : f32 to vector<1024x64xf32>
    %mul3A_261 = arith.mulf %mul3A_260, %add3A_258 : vector<1024x64xf32>
    %mul3A_262 = arith.constant 0.707106769 : f32
    %mul3A_263 = vector.broadcast %mul3A_262 : f32 to vector<1024x64xf32>
    %mul3A_264 = arith.mulf %add3A_258, %mul3A_263 : vector<1024x64xf32>
    %erf3A_265 = math.erf %mul3A_264 : vector<1024x64xf32>
    %add3A_266 = arith.constant 1.000000e+00 : f32
    %add3A_267 = vector.broadcast %add3A_266 : f32 to vector<1024x64xf32>
    %add3A_268 = arith.addf %add3A_267, %erf3A_265 : vector<1024x64xf32>
    %mul3A_269 = arith.mulf %mul3A_261, %add3A_268 : vector<1024x64xf32>
    %get3A_270 = arith.constant 0 : index
    %get3A_271 = arith.constant 0 : index
    %get3A_272 = vector.load %arg7[%get3A_270, %get3A_271] : memref<64x128xf32, #tpu.memory_space<vmem>>, vector<64x128xf32>
    %dot_general3A_273 = arith.constant dense<0.000000e+00> : vector<1024x128xf32>
    %dot_general3A_274 = tpu.matmul %mul3A_269, %get3A_272, %dot_general3A_273 {dimension_numbers = #tpu.dot_dimension_numbers<[1], [0], [0], [1], [0, 0, 1, 1], [], []>, transpose_lhs_hint = false} : vector<1024x64xf32>, vector<64x128xf32>, vector<1024x128xf32> -> vector<1024x128xf32>
    %get3A_275 = arith.constant 5 : index
    %get3A_276 = arith.constant 0 : index
    %get3A_277 = arith.constant 0 : index
    %get3A_278 = arith.constant 0 : index
    %get3A_279 = vector.load %arg3[%get3A_275, %get3A_276, %get3A_277, %get3A_278] : memref<8x1x1024x128xf32, #tpu.memory_space<vmem>>, vector<1x1x1024x128xf32>
    %get3A_280 = vector.shape_cast %get3A_279 : vector<1x1x1024x128xf32> to vector<1024x128xf32>
    %add3A_281 = arith.addf %get3A_280, %dot_general3A_274 : vector<1024x128xf32>
    %get3A_282 = arith.constant 0 : index
    %get3A_283 = arith.constant 0 : index
    %get3A_284 = vector.load %arg8[%get3A_282, %get3A_283] : memref<1x128xf32, #tpu.memory_space<vmem>>, vector<1x128xf32>
    %add3A_285 = vector.broadcast %get3A_284 : vector<1x128xf32> to vector<1024x128xf32>
    %add3A_286 = arith.addf %add3A_281, %add3A_285 : vector<1024x128xf32>
    %swap3A_287 = arith.constant 5 : index
    %swap3A_288 = arith.constant 0 : index
    %swap3A_289 = arith.constant 0 : index
    %swap3A_290 = arith.constant 0 : index
    %swap3A_291 = vector.load %arg9[%swap3A_287, %swap3A_288, %swap3A_289, %swap3A_290] : memref<8x1x1024x128xf32, #tpu.memory_space<vmem>>, vector<1x1x1024x128xf32>
    %swap3A_292 = vector.shape_cast %swap3A_291 : vector<1x1x1024x128xf32> to vector<1024x128xf32>
    %swap3A_293 = vector.shape_cast %add3A_286 : vector<1024x128xf32> to vector<1x1x1024x128xf32>
    tpu.vector_store %arg9[%swap3A_287, %swap3A_288, %swap3A_289, %swap3A_290], %swap3A_293 {strides = array<i32>} : memref<8x1x1024x128xf32, #tpu.memory_space<vmem>>, vector<1x1x1024x128xf32>,
    %get3A_294 = arith.constant 0 : index
    %get3A_295 = arith.constant 6 : index
    %get3A_296 = arith.constant 0 : index
    %get3A_297 = vector.load %arg4[%get3A_294, %get3A_295, %get3A_296] : memref<10x8x1024xf32, #tpu.memory_space<vmem>>, vector<10x1x1024xf32>
    %get3A_298 = vector.shape_cast %get3A_297 : vector<10x1x1024xf32> to vector<10x1024xf32>
    %get3A_299 = arith.constant 0 : index
    %get3A_300 = arith.constant 0 : index
    %get3A_301 = vector.load %arg5[%get3A_299, %get3A_300] : memref<10x64xf32, #tpu.memory_space<vmem>>, vector<10x64xf32>
    %dot_general3A_302 = arith.constant dense<0.000000e+00> : vector<1024x64xf32>
    %dot_general3A_303 = tpu.matmul %get3A_298, %get3A_301, %dot_general3A_302 {dimension_numbers = #tpu.dot_dimension_numbers<[0], [0], [1], [1], [0, 1, 1, 1], [], []>, transpose_lhs_hint = false} : vector<10x1024xf32>, vector<10x64xf32>, vector<1024x64xf32> -> vector<1024x64xf32>
    %get3A_304 = arith.constant 0 : index
    %get3A_305 = arith.constant 0 : index
    %get3A_306 = vector.load %arg6[%get3A_304, %get3A_305] : memref<1x64xf32, #tpu.memory_space<vmem>>, vector<1x64xf32>
    %add3A_307 = vector.broadcast %get3A_306 : vector<1x64xf32> to vector<1024x64xf32>
    %add3A_308 = arith.addf %dot_general3A_303, %add3A_307 : vector<1024x64xf32>
    %mul3A_309 = arith.constant 5.000000e-01 : f32
    %mul3A_310 = vector.broadcast %mul3A_309 : f32 to vector<1024x64xf32>
    %mul3A_311 = arith.mulf %mul3A_310, %add3A_308 : vector<1024x64xf32>
    %mul3A_312 = arith.constant 0.707106769 : f32
    %mul3A_313 = vector.broadcast %mul3A_312 : f32 to vector<1024x64xf32>
    %mul3A_314 = arith.mulf %add3A_308, %mul3A_313 : vector<1024x64xf32>
    %erf3A_315 = math.erf %mul3A_314 : vector<1024x64xf32>
    %add3A_316 = arith.constant 1.000000e+00 : f32
    %add3A_317 = vector.broadcast %add3A_316 : f32 to vector<1024x64xf32>
    %add3A_318 = arith.addf %add3A_317, %erf3A_315 : vector<1024x64xf32>
    %mul3A_319 = arith.mulf %mul3A_311, %add3A_318 : vector<1024x64xf32>
    %get3A_320 = arith.constant 0 : index
    %get3A_321 = arith.constant 0 : index
    %get3A_322 = vector.load %arg7[%get3A_320, %get3A_321] : memref<64x128xf32, #tpu.memory_space<vmem>>, vector<64x128xf32>
    %dot_general3A_323 = arith.constant dense<0.000000e+00> : vector<1024x128xf32>
    %dot_general3A_324 = tpu.matmul %mul3A_319, %get3A_322, %dot_general3A_323 {dimension_numbers = #tpu.dot_dimension_numbers<[1], [0], [0], [1], [0, 0, 1, 1], [], []>, transpose_lhs_hint = false} : vector<1024x64xf32>, vector<64x128xf32>, vector<1024x128xf32> -> vector<1024x128xf32>
    %get3A_325 = arith.constant 6 : index
    %get3A_326 = arith.constant 0 : index
    %get3A_327 = arith.constant 0 : index
    %get3A_328 = arith.constant 0 : index
    %get3A_329 = vector.load %arg3[%get3A_325, %get3A_326, %get3A_327, %get3A_328] : memref<8x1x1024x128xf32, #tpu.memory_space<vmem>>, vector<1x1x1024x128xf32>
    %get3A_330 = vector.shape_cast %get3A_329 : vector<1x1x1024x128xf32> to vector<1024x128xf32>
    %add3A_331 = arith.addf %get3A_330, %dot_general3A_324 : vector<1024x128xf32>
    %get3A_332 = arith.constant 0 : index
    %get3A_333 = arith.constant 0 : index
    %get3A_334 = vector.load %arg8[%get3A_332, %get3A_333] : memref<1x128xf32, #tpu.memory_space<vmem>>, vector<1x128xf32>
    %add3A_335 = vector.broadcast %get3A_334 : vector<1x128xf32> to vector<1024x128xf32>
    %add3A_336 = arith.addf %add3A_331, %add3A_335 : vector<1024x128xf32>
    %swap3A_337 = arith.constant 6 : index
    %swap3A_338 = arith.constant 0 : index
    %swap3A_339 = arith.constant 0 : index
    %swap3A_340 = arith.constant 0 : index
    %swap3A_341 = vector.load %arg9[%swap3A_337, %swap3A_338, %swap3A_339, %swap3A_340] : memref<8x1x1024x128xf32, #tpu.memory_space<vmem>>, vector<1x1x1024x128xf32>
    %swap3A_342 = vector.shape_cast %swap3A_341 : vector<1x1x1024x128xf32> to vector<1024x128xf32>
    %swap3A_343 = vector.shape_cast %add3A_336 : vector<1024x128xf32> to vector<1x1x1024x128xf32>
    tpu.vector_store %arg9[%swap3A_337, %swap3A_338, %swap3A_339, %swap3A_340], %swap3A_343 {strides = array<i32>} : memref<8x1x1024x128xf32, #tpu.memory_space<vmem>>, vector<1x1x1024x128xf32>,
    %get3A_344 = arith.constant 0 : index
    %get3A_345 = arith.constant 7 : index
    %get3A_346 = arith.constant 0 : index
    %get3A_347 = vector.load %arg4[%get3A_344, %get3A_345, %get3A_346] : memref<10x8x1024xf32, #tpu.memory_space<vmem>>, vector<10x1x1024xf32>
    %get3A_348 = vector.shape_cast %get3A_347 : vector<10x1x1024xf32> to vector<10x1024xf32>
    %get3A_349 = arith.constant 0 : index
    %get3A_350 = arith.constant 0 : index
    %get3A_351 = vector.load %arg5[%get3A_349, %get3A_350] : memref<10x64xf32, #tpu.memory_space<vmem>>, vector<10x64xf32>
    %dot_general3A_352 = arith.constant dense<0.000000e+00> : vector<1024x64xf32>
    %dot_general3A_353 = tpu.matmul %get3A_348, %get3A_351, %dot_general3A_352 {dimension_numbers = #tpu.dot_dimension_numbers<[0], [0], [1], [1], [0, 1, 1, 1], [], []>, transpose_lhs_hint = false} : vector<10x1024xf32>, vector<10x64xf32>, vector<1024x64xf32> -> vector<1024x64xf32>
    %get3A_354 = arith.constant 0 : index
    %get3A_355 = arith.constant 0 : index
    %get3A_356 = vector.load %arg6[%get3A_354, %get3A_355] : memref<1x64xf32, #tpu.memory_space<vmem>>, vector<1x64xf32>
    %add3A_357 = vector.broadcast %get3A_356 : vector<1x64xf32> to vector<1024x64xf32>
    %add3A_358 = arith.addf %dot_general3A_353, %add3A_357 : vector<1024x64xf32>
    %mul3A_359 = arith.constant 5.000000e-01 : f32
    %mul3A_360 = vector.broadcast %mul3A_359 : f32 to vector<1024x64xf32>
    %mul3A_361 = arith.mulf %mul3A_360, %add3A_358 : vector<1024x64xf32>
    %mul3A_362 = arith.constant 0.707106769 : f32
    %mul3A_363 = vector.broadcast %mul3A_362 : f32 to vector<1024x64xf32>
    %mul3A_364 = arith.mulf %add3A_358, %mul3A_363 : vector<1024x64xf32>
    %erf3A_365 = math.erf %mul3A_364 : vector<1024x64xf32>
    %add3A_366 = arith.constant 1.000000e+00 : f32
    %add3A_367 = vector.broadcast %add3A_366 : f32 to vector<1024x64xf32>
    %add3A_368 = arith.addf %add3A_367, %erf3A_365 : vector<1024x64xf32>
    %mul3A_369 = arith.mulf %mul3A_361, %add3A_368 : vector<1024x64xf32>
    %get3A_370 = arith.constant 0 : index
    %get3A_371 = arith.constant 0 : index
    %get3A_372 = vector.load %arg7[%get3A_370, %get3A_371] : memref<64x128xf32, #tpu.memory_space<vmem>>, vector<64x128xf32>
    %dot_general3A_373 = arith.constant dense<0.000000e+00> : vector<1024x128xf32>
    %dot_general3A_374 = tpu.matmul %mul3A_369, %get3A_372, %dot_general3A_373 {dimension_numbers = #tpu.dot_dimension_numbers<[1], [0], [0], [1], [0, 0, 1, 1], [], []>, transpose_lhs_hint = false} : vector<1024x64xf32>, vector<64x128xf32>, vector<1024x128xf32> -> vector<1024x128xf32>
    %get3A_375 = arith.constant 7 : index
    %get3A_376 = arith.constant 0 : index
    %get3A_377 = arith.constant 0 : index
    %get3A_378 = arith.constant 0 : index
    %get3A_379 = vector.load %arg3[%get3A_375, %get3A_376, %get3A_377, %get3A_378] : memref<8x1x1024x128xf32, #tpu.memory_space<vmem>>, vector<1x1x1024x128xf32>
    %get3A_380 = vector.shape_cast %get3A_379 : vector<1x1x1024x128xf32> to vector<1024x128xf32>
    %add3A_381 = arith.addf %get3A_380, %dot_general3A_374 : vector<1024x128xf32>
    %get3A_382 = arith.constant 0 : index
    %get3A_383 = arith.constant 0 : index
    %get3A_384 = vector.load %arg8[%get3A_382, %get3A_383] : memref<1x128xf32, #tpu.memory_space<vmem>>, vector<1x128xf32>
    %add3A_385 = vector.broadcast %get3A_384 : vector<1x128xf32> to vector<1024x128xf32>
    %add3A_386 = arith.addf %add3A_381, %add3A_385 : vector<1024x128xf32>
    %swap3A_387 = arith.constant 7 : index
    %swap3A_388 = arith.constant 0 : index
    %swap3A_389 = arith.constant 0 : index
    %swap3A_390 = arith.constant 0 : index
    %swap3A_391 = vector.load %arg9[%swap3A_387, %swap3A_388, %swap3A_389, %swap3A_390] : memref<8x1x1024x128xf32, #tpu.memory_space<vmem>>, vector<1x1x1024x128xf32>
    %swap3A_392 = vector.shape_cast %swap3A_391 : vector<1x1x1024x128xf32> to vector<1024x128xf32>
    %swap3A_393 = vector.shape_cast %add3A_386 : vector<1024x128xf32> to vector<1x1x1024x128xf32>
    tpu.vector_store %arg9[%swap3A_387, %swap3A_388, %swap3A_389, %swap3A_390], %swap3A_393 {strides = array<i32>} : memref<8x1x1024x128xf32, #tpu.memory_space<vmem>>, vector<1x1x1024x128xf32>,
    return
  }
  func.func @transform_1(%arg0: i32, %arg1: i32) -> (i32, i32, i32, i32) {
    %c0_i32 = arith.constant 0 : i32
    %c0_i32_0 = arith.constant 0 : i32
    %c0_i32_1 = arith.constant 0 : i32
    return %arg0, %arg1, %c0_i32, %c0_i32_0 : i32, i32, i32, i32
  }
  func.func @transform_2(%arg0: i32, %arg1: i32) -> (i32, i32, i32) {
    %add3A = arith.constant 3 : i32
    %add3A_0 = arith.addi %add3A, %arg0 : i32
    %c0_i32 = arith.constant 0 : i32
    %c0_i32_1 = arith.constant 0 : i32
    return %c0_i32, %add3A_0, %arg1 : i32, i32, i32
  }
  func.func @transform_3(%arg0: i32, %arg1: i32) -> (i32, i32) {
    %c0_i32 = arith.constant 0 : i32
    %c0_i32_0 = arith.constant 0 : i32
    %c0_i32_1 = arith.constant 0 : i32
    return %c0_i32, %c0_i32_0 : i32, i32
  }
  func.func @transform_4(%arg0: i32, %arg1: i32) -> (i32, i32) {
    %c0_i32 = arith.constant 0 : i32
    %c0_i32_0 = arith.constant 0 : i32
    %c0_i32_1 = arith.constant 0 : i32
    return %c0_i32, %c0_i32_0 : i32, i32
  }
  func.func @transform_5(%arg0: i32, %arg1: i32) -> (i32, i32) {
    %c0_i32 = arith.constant 0 : i32
    %c0_i32_0 = arith.constant 0 : i32
    %c0_i32_1 = arith.constant 0 : i32
    return %c0_i32, %c0_i32_0 : i32, i32
  }
  func.func @transform_6(%arg0: i32, %arg1: i32) -> (i32, i32) {
    %c0_i32 = arith.constant 0 : i32
    %c0_i32_0 = arith.constant 0 : i32
    %c0_i32_1 = arith.constant 0 : i32
    return %c0_i32, %c0_i32_0 : i32, i32
  }
  func.func @transform_7(%arg0: i32, %arg1: i32) -> (i32, i32, i32, i32) {
    %add3A = arith.constant 3 : i32
    %add3A_0 = arith.addi %add3A, %arg0 : i32
    %c0_i32 = arith.constant 0 : i32
    %c0_i32_1 = arith.constant 0 : i32
    %c0_i32_2 = arith.constant 0 : i32
    return %add3A_0, %arg1, %c0_i32, %c0_i32_1 : i32, i32, i32, i32
  }
}

module attributes {stable_mosaic.version = 14 : i64} {
  func.func @body(%arg0: i32, %arg1: i32, %arg2: memref<8x1x1024x128xf32, #tpu.memory_space<vmem>>, %arg3: memref<10x8x1024xf32, #tpu.memory_space<vmem>>, %arg4: memref<10x64xf32, #tpu.memory_space<vmem>>, %arg5: memref<1x64xf32, #tpu.memory_space<vmem>>, %arg6: memref<64x128xf32, #tpu.memory_space<vmem>>, %arg7: memref<1x128xf32, #tpu.memory_space<vmem>>, %arg8: memref<8x1x1024x128xf32, #tpu.memory_space<vmem>>) attributes {dimension_semantics = [#tpu.dimension_semantics<arbitrary>, #tpu.dimension_semantics<arbitrary>], iteration_bounds = array<i64: 1, 4>, scalar_prefetch = 0 : i64, scratch_operands = 0 : i64, tpu.core_type = #tpu.core_type<tc>, window_params = [{transform_indices = @transform_0, window_bounds = array<i64: 8, 1, 1024, 128>}, {transform_indices = @transform_1, window_bounds = array<i64: 10, 8, 1024>}, {pipeline_mode = #tpu.pipeline_mode<synchronous>, transform_indices = @transform_2, window_bounds = array<i64: 10, 64>}, {pipeline_mode = #tpu.pipeline_mode<synchronous>, transform_indices = @transform_3, window_bounds = array<i64: 1, 64>}, {pipeline_mode = #tpu.pipeline_mode<synchronous>, transform_indices = @transform_4, window_bounds = array<i64: 64, 128>}, {pipeline_mode = #tpu.pipeline_mode<synchronous>, transform_indices = @transform_5, window_bounds = array<i64: 1, 128>}, {transform_indices = @transform_6, window_bounds = array<i64: 8, 1, 1024, 128>}]} {
    %get3A = arith.constant 0 : index
    %get3A_0 = arith.constant 0 : index
    %get3A_1 = arith.constant 0 : index
    %get3A_2 = vector.load %arg3[%get3A, %get3A_0, %get3A_1] : memref<10x8x1024xf32, #tpu.memory_space<vmem>>, vector<10x1x1024xf32>
    %get3A_3 = vector.shape_cast %get3A_2 : vector<10x1x1024xf32> to vector<10x1024xf32>
    %get3A_4 = arith.constant 0 : index
    %get3A_5 = arith.constant 0 : index
    %get3A_6 = vector.load %arg4[%get3A_4, %get3A_5] : memref<10x64xf32, #tpu.memory_space<vmem>>, vector<10x64xf32>
    %dot_general3A = arith.constant dense<0.000000e+00> : vector<1024x64xf32>
    %dot_general3A_7 = tpu.matmul %get3A_3, %get3A_6, %dot_general3A {dimension_numbers = #tpu.dot_dimension_numbers<[0], [0], [1], [1], [0, 1, 1, 1], [], []>, transpose_lhs_hint = false} : vector<10x1024xf32>, vector<10x64xf32>, vector<1024x64xf32> -> vector<1024x64xf32>
    %get3A_8 = arith.constant 0 : index
    %get3A_9 = arith.constant 0 : index
    %get3A_10 = vector.load %arg5[%get3A_8, %get3A_9] : memref<1x64xf32, #tpu.memory_space<vmem>>, vector<1x64xf32>
    %add3A = vector.broadcast %get3A_10 : vector<1x64xf32> to vector<1024x64xf32>
    %add3A_11 = arith.addf %dot_general3A_7, %add3A : vector<1024x64xf32>
    %mul3A = arith.constant 5.000000e-01 : f32
    %mul3A_12 = vector.broadcast %mul3A : f32 to vector<1024x64xf32>
    %mul3A_13 = arith.mulf %mul3A_12, %add3A_11 : vector<1024x64xf32>
    %mul3A_14 = arith.constant 0.707106769 : f32
    %mul3A_15 = vector.broadcast %mul3A_14 : f32 to vector<1024x64xf32>
    %mul3A_16 = arith.mulf %add3A_11, %mul3A_15 : vector<1024x64xf32>
    %erf3A = math.erf %mul3A_16 : vector<1024x64xf32>
    %add3A_17 = arith.constant 1.000000e+00 : f32
    %add3A_18 = vector.broadcast %add3A_17 : f32 to vector<1024x64xf32>
    %add3A_19 = arith.addf %add3A_18, %erf3A : vector<1024x64xf32>
    %mul3A_20 = arith.mulf %mul3A_13, %add3A_19 : vector<1024x64xf32>
    %get3A_21 = arith.constant 0 : index
    %get3A_22 = arith.constant 0 : index
    %get3A_23 = vector.load %arg6[%get3A_21, %get3A_22] : memref<64x128xf32, #tpu.memory_space<vmem>>, vector<64x128xf32>
    %dot_general3A_24 = arith.constant dense<0.000000e+00> : vector<1024x128xf32>
    %dot_general3A_25 = tpu.matmul %mul3A_20, %get3A_23, %dot_general3A_24 {dimension_numbers = #tpu.dot_dimension_numbers<[1], [0], [0], [1], [0, 0, 1, 1], [], []>, transpose_lhs_hint = false} : vector<1024x64xf32>, vector<64x128xf32>, vector<1024x128xf32> -> vector<1024x128xf32>
    %get3A_26 = arith.constant 0 : index
    %get3A_27 = arith.constant 0 : index
    %get3A_28 = arith.constant 0 : index
    %get3A_29 = arith.constant 0 : index
    %get3A_30 = vector.load %arg2[%get3A_26, %get3A_27, %get3A_28, %get3A_29] : memref<8x1x1024x128xf32, #tpu.memory_space<vmem>>, vector<1x1x1024x128xf32>
    %get3A_31 = vector.shape_cast %get3A_30 : vector<1x1x1024x128xf32> to vector<1024x128xf32>
    %add3A_32 = arith.addf %get3A_31, %dot_general3A_25 : vector<1024x128xf32>
    %get3A_33 = arith.constant 0 : index
    %get3A_34 = arith.constant 0 : index
    %get3A_35 = vector.load %arg7[%get3A_33, %get3A_34] : memref<1x128xf32, #tpu.memory_space<vmem>>, vector<1x128xf32>
    %add3A_36 = vector.broadcast %get3A_35 : vector<1x128xf32> to vector<1024x128xf32>
    %add3A_37 = arith.addf %add3A_32, %add3A_36 : vector<1024x128xf32>
    %swap3A = arith.constant 0 : index
    %swap3A_38 = arith.constant 0 : index
    %swap3A_39 = arith.constant 0 : index
    %swap3A_40 = arith.constant 0 : index
    %swap3A_41 = vector.load %arg8[%swap3A, %swap3A_38, %swap3A_39, %swap3A_40] : memref<8x1x1024x128xf32, #tpu.memory_space<vmem>>, vector<1x1x1024x128xf32>
    %swap3A_42 = vector.shape_cast %swap3A_41 : vector<1x1x1024x128xf32> to vector<1024x128xf32>
    %swap3A_43 = vector.shape_cast %add3A_37 : vector<1024x128xf32> to vector<1x1x1024x128xf32>
    tpu.vector_store %arg8[%swap3A, %swap3A_38, %swap3A_39, %swap3A_40], %swap3A_43 {strides = array<i32>} : memref<8x1x1024x128xf32, #tpu.memory_space<vmem>>, vector<1x1x1024x128xf32>,
    %get3A_44 = arith.constant 0 : index
    %get3A_45 = arith.constant 1 : index
    %get3A_46 = arith.constant 0 : index
    %get3A_47 = vector.load %arg3[%get3A_44, %get3A_45, %get3A_46] : memref<10x8x1024xf32, #tpu.memory_space<vmem>>, vector<10x1x1024xf32>
    %get3A_48 = vector.shape_cast %get3A_47 : vector<10x1x1024xf32> to vector<10x1024xf32>
    %get3A_49 = arith.constant 0 : index
    %get3A_50 = arith.constant 0 : index
    %get3A_51 = vector.load %arg4[%get3A_49, %get3A_50] : memref<10x64xf32, #tpu.memory_space<vmem>>, vector<10x64xf32>
    %dot_general3A_52 = arith.constant dense<0.000000e+00> : vector<1024x64xf32>
    %dot_general3A_53 = tpu.matmul %get3A_48, %get3A_51, %dot_general3A_52 {dimension_numbers = #tpu.dot_dimension_numbers<[0], [0], [1], [1], [0, 1, 1, 1], [], []>, transpose_lhs_hint = false} : vector<10x1024xf32>, vector<10x64xf32>, vector<1024x64xf32> -> vector<1024x64xf32>
    %get3A_54 = arith.constant 0 : index
    %get3A_55 = arith.constant 0 : index
    %get3A_56 = vector.load %arg5[%get3A_54, %get3A_55] : memref<1x64xf32, #tpu.memory_space<vmem>>, vector<1x64xf32>
    %add3A_57 = vector.broadcast %get3A_56 : vector<1x64xf32> to vector<1024x64xf32>
    %add3A_58 = arith.addf %dot_general3A_53, %add3A_57 : vector<1024x64xf32>
    %mul3A_59 = arith.constant 5.000000e-01 : f32
    %mul3A_60 = vector.broadcast %mul3A_59 : f32 to vector<1024x64xf32>
    %mul3A_61 = arith.mulf %mul3A_60, %add3A_58 : vector<1024x64xf32>
    %mul3A_62 = arith.constant 0.707106769 : f32
    %mul3A_63 = vector.broadcast %mul3A_62 : f32 to vector<1024x64xf32>
    %mul3A_64 = arith.mulf %add3A_58, %mul3A_63 : vector<1024x64xf32>
    %erf3A_65 = math.erf %mul3A_64 : vector<1024x64xf32>
    %add3A_66 = arith.constant 1.000000e+00 : f32
    %add3A_67 = vector.broadcast %add3A_66 : f32 to vector<1024x64xf32>
    %add3A_68 = arith.addf %add3A_67, %erf3A_65 : vector<1024x64xf32>
    %mul3A_69 = arith.mulf %mul3A_61, %add3A_68 : vector<1024x64xf32>
    %get3A_70 = arith.constant 0 : index
    %get3A_71 = arith.constant 0 : index
    %get3A_72 = vector.load %arg6[%get3A_70, %get3A_71] : memref<64x128xf32, #tpu.memory_space<vmem>>, vector<64x128xf32>
    %dot_general3A_73 = arith.constant dense<0.000000e+00> : vector<1024x128xf32>
    %dot_general3A_74 = tpu.matmul %mul3A_69, %get3A_72, %dot_general3A_73 {dimension_numbers = #tpu.dot_dimension_numbers<[1], [0], [0], [1], [0, 0, 1, 1], [], []>, transpose_lhs_hint = false} : vector<1024x64xf32>, vector<64x128xf32>, vector<1024x128xf32> -> vector<1024x128xf32>
    %get3A_75 = arith.constant 1 : index
    %get3A_76 = arith.constant 0 : index
    %get3A_77 = arith.constant 0 : index
    %get3A_78 = arith.constant 0 : index
    %get3A_79 = vector.load %arg2[%get3A_75, %get3A_76, %get3A_77, %get3A_78] : memref<8x1x1024x128xf32, #tpu.memory_space<vmem>>, vector<1x1x1024x128xf32>
    %get3A_80 = vector.shape_cast %get3A_79 : vector<1x1x1024x128xf32> to vector<1024x128xf32>
    %add3A_81 = arith.addf %get3A_80, %dot_general3A_74 : vector<1024x128xf32>
    %get3A_82 = arith.constant 0 : index
    %get3A_83 = arith.constant 0 : index
    %get3A_84 = vector.load %arg7[%get3A_82, %get3A_83] : memref<1x128xf32, #tpu.memory_space<vmem>>, vector<1x128xf32>
    %add3A_85 = vector.broadcast %get3A_84 : vector<1x128xf32> to vector<1024x128xf32>
    %add3A_86 = arith.addf %add3A_81, %add3A_85 : vector<1024x128xf32>
    %swap3A_87 = arith.constant 1 : index
    %swap3A_88 = arith.constant 0 : index
    %swap3A_89 = arith.constant 0 : index
    %swap3A_90 = arith.constant 0 : index
    %swap3A_91 = vector.load %arg8[%swap3A_87, %swap3A_88, %swap3A_89, %swap3A_90] : memref<8x1x1024x128xf32, #tpu.memory_space<vmem>>, vector<1x1x1024x128xf32>
    %swap3A_92 = vector.shape_cast %swap3A_91 : vector<1x1x1024x128xf32> to vector<1024x128xf32>
    %swap3A_93 = vector.shape_cast %add3A_86 : vector<1024x128xf32> to vector<1x1x1024x128xf32>
    tpu.vector_store %arg8[%swap3A_87, %swap3A_88, %swap3A_89, %swap3A_90], %swap3A_93 {strides = array<i32>} : memref<8x1x1024x128xf32, #tpu.memory_space<vmem>>, vector<1x1x1024x128xf32>,
    %get3A_94 = arith.constant 0 : index
    %get3A_95 = arith.constant 2 : index
    %get3A_96 = arith.constant 0 : index
    %get3A_97 = vector.load %arg3[%get3A_94, %get3A_95, %get3A_96] : memref<10x8x1024xf32, #tpu.memory_space<vmem>>, vector<10x1x1024xf32>
    %get3A_98 = vector.shape_cast %get3A_97 : vector<10x1x1024xf32> to vector<10x1024xf32>
    %get3A_99 = arith.constant 0 : index
    %get3A_100 = arith.constant 0 : index
    %get3A_101 = vector.load %arg4[%get3A_99, %get3A_100] : memref<10x64xf32, #tpu.memory_space<vmem>>, vector<10x64xf32>
    %dot_general3A_102 = arith.constant dense<0.000000e+00> : vector<1024x64xf32>
    %dot_general3A_103 = tpu.matmul %get3A_98, %get3A_101, %dot_general3A_102 {dimension_numbers = #tpu.dot_dimension_numbers<[0], [0], [1], [1], [0, 1, 1, 1], [], []>, transpose_lhs_hint = false} : vector<10x1024xf32>, vector<10x64xf32>, vector<1024x64xf32> -> vector<1024x64xf32>
    %get3A_104 = arith.constant 0 : index
    %get3A_105 = arith.constant 0 : index
    %get3A_106 = vector.load %arg5[%get3A_104, %get3A_105] : memref<1x64xf32, #tpu.memory_space<vmem>>, vector<1x64xf32>
    %add3A_107 = vector.broadcast %get3A_106 : vector<1x64xf32> to vector<1024x64xf32>
    %add3A_108 = arith.addf %dot_general3A_103, %add3A_107 : vector<1024x64xf32>
    %mul3A_109 = arith.constant 5.000000e-01 : f32
    %mul3A_110 = vector.broadcast %mul3A_109 : f32 to vector<1024x64xf32>
    %mul3A_111 = arith.mulf %mul3A_110, %add3A_108 : vector<1024x64xf32>
    %mul3A_112 = arith.constant 0.707106769 : f32
    %mul3A_113 = vector.broadcast %mul3A_112 : f32 to vector<1024x64xf32>
    %mul3A_114 = arith.mulf %add3A_108, %mul3A_113 : vector<1024x64xf32>
    %erf3A_115 = math.erf %mul3A_114 : vector<1024x64xf32>
    %add3A_116 = arith.constant 1.000000e+00 : f32
    %add3A_117 = vector.broadcast %add3A_116 : f32 to vector<1024x64xf32>
    %add3A_118 = arith.addf %add3A_117, %erf3A_115 : vector<1024x64xf32>
    %mul3A_119 = arith.mulf %mul3A_111, %add3A_118 : vector<1024x64xf32>
    %get3A_120 = arith.constant 0 : index
    %get3A_121 = arith.constant 0 : index
    %get3A_122 = vector.load %arg6[%get3A_120, %get3A_121] : memref<64x128xf32, #tpu.memory_space<vmem>>, vector<64x128xf32>
    %dot_general3A_123 = arith.constant dense<0.000000e+00> : vector<1024x128xf32>
    %dot_general3A_124 = tpu.matmul %mul3A_119, %get3A_122, %dot_general3A_123 {dimension_numbers = #tpu.dot_dimension_numbers<[1], [0], [0], [1], [0, 0, 1, 1], [], []>, transpose_lhs_hint = false} : vector<1024x64xf32>, vector<64x128xf32>, vector<1024x128xf32> -> vector<1024x128xf32>
    %get3A_125 = arith.constant 2 : index
    %get3A_126 = arith.constant 0 : index
    %get3A_127 = arith.constant 0 : index
    %get3A_128 = arith.constant 0 : index
    %get3A_129 = vector.load %arg2[%get3A_125, %get3A_126, %get3A_127, %get3A_128] : memref<8x1x1024x128xf32, #tpu.memory_space<vmem>>, vector<1x1x1024x128xf32>
    %get3A_130 = vector.shape_cast %get3A_129 : vector<1x1x1024x128xf32> to vector<1024x128xf32>
    %add3A_131 = arith.addf %get3A_130, %dot_general3A_124 : vector<1024x128xf32>
    %get3A_132 = arith.constant 0 : index
    %get3A_133 = arith.constant 0 : index
    %get3A_134 = vector.load %arg7[%get3A_132, %get3A_133] : memref<1x128xf32, #tpu.memory_space<vmem>>, vector<1x128xf32>
    %add3A_135 = vector.broadcast %get3A_134 : vector<1x128xf32> to vector<1024x128xf32>
    %add3A_136 = arith.addf %add3A_131, %add3A_135 : vector<1024x128xf32>
    %swap3A_137 = arith.constant 2 : index
    %swap3A_138 = arith.constant 0 : index
    %swap3A_139 = arith.constant 0 : index
    %swap3A_140 = arith.constant 0 : index
    %swap3A_141 = vector.load %arg8[%swap3A_137, %swap3A_138, %swap3A_139, %swap3A_140] : memref<8x1x1024x128xf32, #tpu.memory_space<vmem>>, vector<1x1x1024x128xf32>
    %swap3A_142 = vector.shape_cast %swap3A_141 : vector<1x1x1024x128xf32> to vector<1024x128xf32>
    %swap3A_143 = vector.shape_cast %add3A_136 : vector<1024x128xf32> to vector<1x1x1024x128xf32>
    tpu.vector_store %arg8[%swap3A_137, %swap3A_138, %swap3A_139, %swap3A_140], %swap3A_143 {strides = array<i32>} : memref<8x1x1024x128xf32, #tpu.memory_space<vmem>>, vector<1x1x1024x128xf32>,
    %get3A_144 = arith.constant 0 : index
    %get3A_145 = arith.constant 3 : index
    %get3A_146 = arith.constant 0 : index
    %get3A_147 = vector.load %arg3[%get3A_144, %get3A_145, %get3A_146] : memref<10x8x1024xf32, #tpu.memory_space<vmem>>, vector<10x1x1024xf32>
    %get3A_148 = vector.shape_cast %get3A_147 : vector<10x1x1024xf32> to vector<10x1024xf32>
    %get3A_149 = arith.constant 0 : index
    %get3A_150 = arith.constant 0 : index
    %get3A_151 = vector.load %arg4[%get3A_149, %get3A_150] : memref<10x64xf32, #tpu.memory_space<vmem>>, vector<10x64xf32>
    %dot_general3A_152 = arith.constant dense<0.000000e+00> : vector<1024x64xf32>
    %dot_general3A_153 = tpu.matmul %get3A_148, %get3A_151, %dot_general3A_152 {dimension_numbers = #tpu.dot_dimension_numbers<[0], [0], [1], [1], [0, 1, 1, 1], [], []>, transpose_lhs_hint = false} : vector<10x1024xf32>, vector<10x64xf32>, vector<1024x64xf32> -> vector<1024x64xf32>
    %get3A_154 = arith.constant 0 : index
    %get3A_155 = arith.constant 0 : index
    %get3A_156 = vector.load %arg5[%get3A_154, %get3A_155] : memref<1x64xf32, #tpu.memory_space<vmem>>, vector<1x64xf32>
    %add3A_157 = vector.broadcast %get3A_156 : vector<1x64xf32> to vector<1024x64xf32>
    %add3A_158 = arith.addf %dot_general3A_153, %add3A_157 : vector<1024x64xf32>
    %mul3A_159 = arith.constant 5.000000e-01 : f32
    %mul3A_160 = vector.broadcast %mul3A_159 : f32 to vector<1024x64xf32>
    %mul3A_161 = arith.mulf %mul3A_160, %add3A_158 : vector<1024x64xf32>
    %mul3A_162 = arith.constant 0.707106769 : f32
    %mul3A_163 = vector.broadcast %mul3A_162 : f32 to vector<1024x64xf32>
    %mul3A_164 = arith.mulf %add3A_158, %mul3A_163 : vector<1024x64xf32>
    %erf3A_165 = math.erf %mul3A_164 : vector<1024x64xf32>
    %add3A_166 = arith.constant 1.000000e+00 : f32
    %add3A_167 = vector.broadcast %add3A_166 : f32 to vector<1024x64xf32>
    %add3A_168 = arith.addf %add3A_167, %erf3A_165 : vector<1024x64xf32>
    %mul3A_169 = arith.mulf %mul3A_161, %add3A_168 : vector<1024x64xf32>
    %get3A_170 = arith.constant 0 : index
    %get3A_171 = arith.constant 0 : index
    %get3A_172 = vector.load %arg6[%get3A_170, %get3A_171] : memref<64x128xf32, #tpu.memory_space<vmem>>, vector<64x128xf32>
    %dot_general3A_173 = arith.constant dense<0.000000e+00> : vector<1024x128xf32>
    %dot_general3A_174 = tpu.matmul %mul3A_169, %get3A_172, %dot_general3A_173 {dimension_numbers = #tpu.dot_dimension_numbers<[1], [0], [0], [1], [0, 0, 1, 1], [], []>, transpose_lhs_hint = false} : vector<1024x64xf32>, vector<64x128xf32>, vector<1024x128xf32> -> vector<1024x128xf32>
    %get3A_175 = arith.constant 3 : index
    %get3A_176 = arith.constant 0 : index
    %get3A_177 = arith.constant 0 : index
    %get3A_178 = arith.constant 0 : index
    %get3A_179 = vector.load %arg2[%get3A_175, %get3A_176, %get3A_177, %get3A_178] : memref<8x1x1024x128xf32, #tpu.memory_space<vmem>>, vector<1x1x1024x128xf32>
    %get3A_180 = vector.shape_cast %get3A_179 : vector<1x1x1024x128xf32> to vector<1024x128xf32>
    %add3A_181 = arith.addf %get3A_180, %dot_general3A_174 : vector<1024x128xf32>
    %get3A_182 = arith.constant 0 : index
    %get3A_183 = arith.constant 0 : index
    %get3A_184 = vector.load %arg7[%get3A_182, %get3A_183] : memref<1x128xf32, #tpu.memory_space<vmem>>, vector<1x128xf32>
    %add3A_185 = vector.broadcast %get3A_184 : vector<1x128xf32> to vector<1024x128xf32>
    %add3A_186 = arith.addf %add3A_181, %add3A_185 : vector<1024x128xf32>
    %swap3A_187 = arith.constant 3 : index
    %swap3A_188 = arith.constant 0 : index
    %swap3A_189 = arith.constant 0 : index
    %swap3A_190 = arith.constant 0 : index
    %swap3A_191 = vector.load %arg8[%swap3A_187, %swap3A_188, %swap3A_189, %swap3A_190] : memref<8x1x1024x128xf32, #tpu.memory_space<vmem>>, vector<1x1x1024x128xf32>
    %swap3A_192 = vector.shape_cast %swap3A_191 : vector<1x1x1024x128xf32> to vector<1024x128xf32>
    %swap3A_193 = vector.shape_cast %add3A_186 : vector<1024x128xf32> to vector<1x1x1024x128xf32>
    tpu.vector_store %arg8[%swap3A_187, %swap3A_188, %swap3A_189, %swap3A_190], %swap3A_193 {strides = array<i32>} : memref<8x1x1024x128xf32, #tpu.memory_space<vmem>>, vector<1x1x1024x128xf32>,
    %get3A_194 = arith.constant 0 : index
    %get3A_195 = arith.constant 4 : index
    %get3A_196 = arith.constant 0 : index
    %get3A_197 = vector.load %arg3[%get3A_194, %get3A_195, %get3A_196] : memref<10x8x1024xf32, #tpu.memory_space<vmem>>, vector<10x1x1024xf32>
    %get3A_198 = vector.shape_cast %get3A_197 : vector<10x1x1024xf32> to vector<10x1024xf32>
    %get3A_199 = arith.constant 0 : index
    %get3A_200 = arith.constant 0 : index
    %get3A_201 = vector.load %arg4[%get3A_199, %get3A_200] : memref<10x64xf32, #tpu.memory_space<vmem>>, vector<10x64xf32>
    %dot_general3A_202 = arith.constant dense<0.000000e+00> : vector<1024x64xf32>
    %dot_general3A_203 = tpu.matmul %get3A_198, %get3A_201, %dot_general3A_202 {dimension_numbers = #tpu.dot_dimension_numbers<[0], [0], [1], [1], [0, 1, 1, 1], [], []>, transpose_lhs_hint = false} : vector<10x1024xf32>, vector<10x64xf32>, vector<1024x64xf32> -> vector<1024x64xf32>
    %get3A_204 = arith.constant 0 : index
    %get3A_205 = arith.constant 0 : index
    %get3A_206 = vector.load %arg5[%get3A_204, %get3A_205] : memref<1x64xf32, #tpu.memory_space<vmem>>, vector<1x64xf32>
    %add3A_207 = vector.broadcast %get3A_206 : vector<1x64xf32> to vector<1024x64xf32>
    %add3A_208 = arith.addf %dot_general3A_203, %add3A_207 : vector<1024x64xf32>
    %mul3A_209 = arith.constant 5.000000e-01 : f32
    %mul3A_210 = vector.broadcast %mul3A_209 : f32 to vector<1024x64xf32>
    %mul3A_211 = arith.mulf %mul3A_210, %add3A_208 : vector<1024x64xf32>
    %mul3A_212 = arith.constant 0.707106769 : f32
    %mul3A_213 = vector.broadcast %mul3A_212 : f32 to vector<1024x64xf32>
    %mul3A_214 = arith.mulf %add3A_208, %mul3A_213 : vector<1024x64xf32>
    %erf3A_215 = math.erf %mul3A_214 : vector<1024x64xf32>
    %add3A_216 = arith.constant 1.000000e+00 : f32
    %add3A_217 = vector.broadcast %add3A_216 : f32 to vector<1024x64xf32>
    %add3A_218 = arith.addf %add3A_217, %erf3A_215 : vector<1024x64xf32>
    %mul3A_219 = arith.mulf %mul3A_211, %add3A_218 : vector<1024x64xf32>
    %get3A_220 = arith.constant 0 : index
    %get3A_221 = arith.constant 0 : index
    %get3A_222 = vector.load %arg6[%get3A_220, %get3A_221] : memref<64x128xf32, #tpu.memory_space<vmem>>, vector<64x128xf32>
    %dot_general3A_223 = arith.constant dense<0.000000e+00> : vector<1024x128xf32>
    %dot_general3A_224 = tpu.matmul %mul3A_219, %get3A_222, %dot_general3A_223 {dimension_numbers = #tpu.dot_dimension_numbers<[1], [0], [0], [1], [0, 0, 1, 1], [], []>, transpose_lhs_hint = false} : vector<1024x64xf32>, vector<64x128xf32>, vector<1024x128xf32> -> vector<1024x128xf32>
    %get3A_225 = arith.constant 4 : index
    %get3A_226 = arith.constant 0 : index
    %get3A_227 = arith.constant 0 : index
    %get3A_228 = arith.constant 0 : index
    %get3A_229 = vector.load %arg2[%get3A_225, %get3A_226, %get3A_227, %get3A_228] : memref<8x1x1024x128xf32, #tpu.memory_space<vmem>>, vector<1x1x1024x128xf32>
    %get3A_230 = vector.shape_cast %get3A_229 : vector<1x1x1024x128xf32> to vector<1024x128xf32>
    %add3A_231 = arith.addf %get3A_230, %dot_general3A_224 : vector<1024x128xf32>
    %get3A_232 = arith.constant 0 : index
    %get3A_233 = arith.constant 0 : index
    %get3A_234 = vector.load %arg7[%get3A_232, %get3A_233] : memref<1x128xf32, #tpu.memory_space<vmem>>, vector<1x128xf32>
    %add3A_235 = vector.broadcast %get3A_234 : vector<1x128xf32> to vector<1024x128xf32>
    %add3A_236 = arith.addf %add3A_231, %add3A_235 : vector<1024x128xf32>
    %swap3A_237 = arith.constant 4 : index
    %swap3A_238 = arith.constant 0 : index
    %swap3A_239 = arith.constant 0 : index
    %swap3A_240 = arith.constant 0 : index
    %swap3A_241 = vector.load %arg8[%swap3A_237, %swap3A_238, %swap3A_239, %swap3A_240] : memref<8x1x1024x128xf32, #tpu.memory_space<vmem>>, vector<1x1x1024x128xf32>
    %swap3A_242 = vector.shape_cast %swap3A_241 : vector<1x1x1024x128xf32> to vector<1024x128xf32>
    %swap3A_243 = vector.shape_cast %add3A_236 : vector<1024x128xf32> to vector<1x1x1024x128xf32>
    tpu.vector_store %arg8[%swap3A_237, %swap3A_238, %swap3A_239, %swap3A_240], %swap3A_243 {strides = array<i32>} : memref<8x1x1024x128xf32, #tpu.memory_space<vmem>>, vector<1x1x1024x128xf32>,
    %get3A_244 = arith.constant 0 : index
    %get3A_245 = arith.constant 5 : index
    %get3A_246 = arith.constant 0 : index
    %get3A_247 = vector.load %arg3[%get3A_244, %get3A_245, %get3A_246] : memref<10x8x1024xf32, #tpu.memory_space<vmem>>, vector<10x1x1024xf32>
    %get3A_248 = vector.shape_cast %get3A_247 : vector<10x1x1024xf32> to vector<10x1024xf32>
    %get3A_249 = arith.constant 0 : index
    %get3A_250 = arith.constant 0 : index
    %get3A_251 = vector.load %arg4[%get3A_249, %get3A_250] : memref<10x64xf32, #tpu.memory_space<vmem>>, vector<10x64xf32>
    %dot_general3A_252 = arith.constant dense<0.000000e+00> : vector<1024x64xf32>
    %dot_general3A_253 = tpu.matmul %get3A_248, %get3A_251, %dot_general3A_252 {dimension_numbers = #tpu.dot_dimension_numbers<[0], [0], [1], [1], [0, 1, 1, 1], [], []>, transpose_lhs_hint = false} : vector<10x1024xf32>, vector<10x64xf32>, vector<1024x64xf32> -> vector<1024x64xf32>
    %get3A_254 = arith.constant 0 : index
    %get3A_255 = arith.constant 0 : index
    %get3A_256 = vector.load %arg5[%get3A_254, %get3A_255] : memref<1x64xf32, #tpu.memory_space<vmem>>, vector<1x64xf32>
    %add3A_257 = vector.broadcast %get3A_256 : vector<1x64xf32> to vector<1024x64xf32>
    %add3A_258 = arith.addf %dot_general3A_253, %add3A_257 : vector<1024x64xf32>
    %mul3A_259 = arith.constant 5.000000e-01 : f32
    %mul3A_260 = vector.broadcast %mul3A_259 : f32 to vector<1024x64xf32>
    %mul3A_261 = arith.mulf %mul3A_260, %add3A_258 : vector<1024x64xf32>
    %mul3A_262 = arith.constant 0.707106769 : f32
    %mul3A_263 = vector.broadcast %mul3A_262 : f32 to vector<1024x64xf32>
    %mul3A_264 = arith.mulf %add3A_258, %mul3A_263 : vector<1024x64xf32>
    %erf3A_265 = math.erf %mul3A_264 : vector<1024x64xf32>
    %add3A_266 = arith.constant 1.000000e+00 : f32
    %add3A_267 = vector.broadcast %add3A_266 : f32 to vector<1024x64xf32>
    %add3A_268 = arith.addf %add3A_267, %erf3A_265 : vector<1024x64xf32>
    %mul3A_269 = arith.mulf %mul3A_261, %add3A_268 : vector<1024x64xf32>
    %get3A_270 = arith.constant 0 : index
    %get3A_271 = arith.constant 0 : index
    %get3A_272 = vector.load %arg6[%get3A_270, %get3A_271] : memref<64x128xf32, #tpu.memory_space<vmem>>, vector<64x128xf32>
    %dot_general3A_273 = arith.constant dense<0.000000e+00> : vector<1024x128xf32>
    %dot_general3A_274 = tpu.matmul %mul3A_269, %get3A_272, %dot_general3A_273 {dimension_numbers = #tpu.dot_dimension_numbers<[1], [0], [0], [1], [0, 0, 1, 1], [], []>, transpose_lhs_hint = false} : vector<1024x64xf32>, vector<64x128xf32>, vector<1024x128xf32> -> vector<1024x128xf32>
    %get3A_275 = arith.constant 5 : index
    %get3A_276 = arith.constant 0 : index
    %get3A_277 = arith.constant 0 : index
    %get3A_278 = arith.constant 0 : index
    %get3A_279 = vector.load %arg2[%get3A_275, %get3A_276, %get3A_277, %get3A_278] : memref<8x1x1024x128xf32, #tpu.memory_space<vmem>>, vector<1x1x1024x128xf32>
    %get3A_280 = vector.shape_cast %get3A_279 : vector<1x1x1024x128xf32> to vector<1024x128xf32>
    %add3A_281 = arith.addf %get3A_280, %dot_general3A_274 : vector<1024x128xf32>
    %get3A_282 = arith.constant 0 : index
    %get3A_283 = arith.constant 0 : index
    %get3A_284 = vector.load %arg7[%get3A_282, %get3A_283] : memref<1x128xf32, #tpu.memory_space<vmem>>, vector<1x128xf32>
    %add3A_285 = vector.broadcast %get3A_284 : vector<1x128xf32> to vector<1024x128xf32>
    %add3A_286 = arith.addf %add3A_281, %add3A_285 : vector<1024x128xf32>
    %swap3A_287 = arith.constant 5 : index
    %swap3A_288 = arith.constant 0 : index
    %swap3A_289 = arith.constant 0 : index
    %swap3A_290 = arith.constant 0 : index
    %swap3A_291 = vector.load %arg8[%swap3A_287, %swap3A_288, %swap3A_289, %swap3A_290] : memref<8x1x1024x128xf32, #tpu.memory_space<vmem>>, vector<1x1x1024x128xf32>
    %swap3A_292 = vector.shape_cast %swap3A_291 : vector<1x1x1024x128xf32> to vector<1024x128xf32>
    %swap3A_293 = vector.shape_cast %add3A_286 : vector<1024x128xf32> to vector<1x1x1024x128xf32>
    tpu.vector_store %arg8[%swap3A_287, %swap3A_288, %swap3A_289, %swap3A_290], %swap3A_293 {strides = array<i32>} : memref<8x1x1024x128xf32, #tpu.memory_space<vmem>>, vector<1x1x1024x128xf32>,
    %get3A_294 = arith.constant 0 : index
    %get3A_295 = arith.constant 6 : index
    %get3A_296 = arith.constant 0 : index
    %get3A_297 = vector.load %arg3[%get3A_294, %get3A_295, %get3A_296] : memref<10x8x1024xf32, #tpu.memory_space<vmem>>, vector<10x1x1024xf32>
    %get3A_298 = vector.shape_cast %get3A_297 : vector<10x1x1024xf32> to vector<10x1024xf32>
    %get3A_299 = arith.constant 0 : index
    %get3A_300 = arith.constant 0 : index
    %get3A_301 = vector.load %arg4[%get3A_299, %get3A_300] : memref<10x64xf32, #tpu.memory_space<vmem>>, vector<10x64xf32>
    %dot_general3A_302 = arith.constant dense<0.000000e+00> : vector<1024x64xf32>
    %dot_general3A_303 = tpu.matmul %get3A_298, %get3A_301, %dot_general3A_302 {dimension_numbers = #tpu.dot_dimension_numbers<[0], [0], [1], [1], [0, 1, 1, 1], [], []>, transpose_lhs_hint = false} : vector<10x1024xf32>, vector<10x64xf32>, vector<1024x64xf32> -> vector<1024x64xf32>
    %get3A_304 = arith.constant 0 : index
    %get3A_305 = arith.constant 0 : index
    %get3A_306 = vector.load %arg5[%get3A_304, %get3A_305] : memref<1x64xf32, #tpu.memory_space<vmem>>, vector<1x64xf32>
    %add3A_307 = vector.broadcast %get3A_306 : vector<1x64xf32> to vector<1024x64xf32>
    %add3A_308 = arith.addf %dot_general3A_303, %add3A_307 : vector<1024x64xf32>
    %mul3A_309 = arith.constant 5.000000e-01 : f32
    %mul3A_310 = vector.broadcast %mul3A_309 : f32 to vector<1024x64xf32>
    %mul3A_311 = arith.mulf %mul3A_310, %add3A_308 : vector<1024x64xf32>
    %mul3A_312 = arith.constant 0.707106769 : f32
    %mul3A_313 = vector.broadcast %mul3A_312 : f32 to vector<1024x64xf32>
    %mul3A_314 = arith.mulf %add3A_308, %mul3A_313 : vector<1024x64xf32>
    %erf3A_315 = math.erf %mul3A_314 : vector<1024x64xf32>
    %add3A_316 = arith.constant 1.000000e+00 : f32
    %add3A_317 = vector.broadcast %add3A_316 : f32 to vector<1024x64xf32>
    %add3A_318 = arith.addf %add3A_317, %erf3A_315 : vector<1024x64xf32>
    %mul3A_319 = arith.mulf %mul3A_311, %add3A_318 : vector<1024x64xf32>
    %get3A_320 = arith.constant 0 : index
    %get3A_321 = arith.constant 0 : index
    %get3A_322 = vector.load %arg6[%get3A_320, %get3A_321] : memref<64x128xf32, #tpu.memory_space<vmem>>, vector<64x128xf32>
    %dot_general3A_323 = arith.constant dense<0.000000e+00> : vector<1024x128xf32>
    %dot_general3A_324 = tpu.matmul %mul3A_319, %get3A_322, %dot_general3A_323 {dimension_numbers = #tpu.dot_dimension_numbers<[1], [0], [0], [1], [0, 0, 1, 1], [], []>, transpose_lhs_hint = false} : vector<1024x64xf32>, vector<64x128xf32>, vector<1024x128xf32> -> vector<1024x128xf32>
    %get3A_325 = arith.constant 6 : index
    %get3A_326 = arith.constant 0 : index
    %get3A_327 = arith.constant 0 : index
    %get3A_328 = arith.constant 0 : index
    %get3A_329 = vector.load %arg2[%get3A_325, %get3A_326, %get3A_327, %get3A_328] : memref<8x1x1024x128xf32, #tpu.memory_space<vmem>>, vector<1x1x1024x128xf32>
    %get3A_330 = vector.shape_cast %get3A_329 : vector<1x1x1024x128xf32> to vector<1024x128xf32>
    %add3A_331 = arith.addf %get3A_330, %dot_general3A_324 : vector<1024x128xf32>
    %get3A_332 = arith.constant 0 : index
    %get3A_333 = arith.constant 0 : index
    %get3A_334 = vector.load %arg7[%get3A_332, %get3A_333] : memref<1x128xf32, #tpu.memory_space<vmem>>, vector<1x128xf32>
    %add3A_335 = vector.broadcast %get3A_334 : vector<1x128xf32> to vector<1024x128xf32>
    %add3A_336 = arith.addf %add3A_331, %add3A_335 : vector<1024x128xf32>
    %swap3A_337 = arith.constant 6 : index
    %swap3A_338 = arith.constant 0 : index
    %swap3A_339 = arith.constant 0 : index
    %swap3A_340 = arith.constant 0 : index
    %swap3A_341 = vector.load %arg8[%swap3A_337, %swap3A_338, %swap3A_339, %swap3A_340] : memref<8x1x1024x128xf32, #tpu.memory_space<vmem>>, vector<1x1x1024x128xf32>
    %swap3A_342 = vector.shape_cast %swap3A_341 : vector<1x1x1024x128xf32> to vector<1024x128xf32>
    %swap3A_343 = vector.shape_cast %add3A_336 : vector<1024x128xf32> to vector<1x1x1024x128xf32>
    tpu.vector_store %arg8[%swap3A_337, %swap3A_338, %swap3A_339, %swap3A_340], %swap3A_343 {strides = array<i32>} : memref<8x1x1024x128xf32, #tpu.memory_space<vmem>>, vector<1x1x1024x128xf32>,
    %get3A_344 = arith.constant 0 : index
    %get3A_345 = arith.constant 7 : index
    %get3A_346 = arith.constant 0 : index
    %get3A_347 = vector.load %arg3[%get3A_344, %get3A_345, %get3A_346] : memref<10x8x1024xf32, #tpu.memory_space<vmem>>, vector<10x1x1024xf32>
    %get3A_348 = vector.shape_cast %get3A_347 : vector<10x1x1024xf32> to vector<10x1024xf32>
    %get3A_349 = arith.constant 0 : index
    %get3A_350 = arith.constant 0 : index
    %get3A_351 = vector.load %arg4[%get3A_349, %get3A_350] : memref<10x64xf32, #tpu.memory_space<vmem>>, vector<10x64xf32>
    %dot_general3A_352 = arith.constant dense<0.000000e+00> : vector<1024x64xf32>
    %dot_general3A_353 = tpu.matmul %get3A_348, %get3A_351, %dot_general3A_352 {dimension_numbers = #tpu.dot_dimension_numbers<[0], [0], [1], [1], [0, 1, 1, 1], [], []>, transpose_lhs_hint = false} : vector<10x1024xf32>, vector<10x64xf32>, vector<1024x64xf32> -> vector<1024x64xf32>
    %get3A_354 = arith.constant 0 : index
    %get3A_355 = arith.constant 0 : index
    %get3A_356 = vector.load %arg5[%get3A_354, %get3A_355] : memref<1x64xf32, #tpu.memory_space<vmem>>, vector<1x64xf32>
    %add3A_357 = vector.broadcast %get3A_356 : vector<1x64xf32> to vector<1024x64xf32>
    %add3A_358 = arith.addf %dot_general3A_353, %add3A_357 : vector<1024x64xf32>
    %mul3A_359 = arith.constant 5.000000e-01 : f32
    %mul3A_360 = vector.broadcast %mul3A_359 : f32 to vector<1024x64xf32>
    %mul3A_361 = arith.mulf %mul3A_360, %add3A_358 : vector<1024x64xf32>
    %mul3A_362 = arith.constant 0.707106769 : f32
    %mul3A_363 = vector.broadcast %mul3A_362 : f32 to vector<1024x64xf32>
    %mul3A_364 = arith.mulf %add3A_358, %mul3A_363 : vector<1024x64xf32>
    %erf3A_365 = math.erf %mul3A_364 : vector<1024x64xf32>
    %add3A_366 = arith.constant 1.000000e+00 : f32
    %add3A_367 = vector.broadcast %add3A_366 : f32 to vector<1024x64xf32>
    %add3A_368 = arith.addf %add3A_367, %erf3A_365 : vector<1024x64xf32>
    %mul3A_369 = arith.mulf %mul3A_361, %add3A_368 : vector<1024x64xf32>
    %get3A_370 = arith.constant 0 : index
    %get3A_371 = arith.constant 0 : index
    %get3A_372 = vector.load %arg6[%get3A_370, %get3A_371] : memref<64x128xf32, #tpu.memory_space<vmem>>, vector<64x128xf32>
    %dot_general3A_373 = arith.constant dense<0.000000e+00> : vector<1024x128xf32>
    %dot_general3A_374 = tpu.matmul %mul3A_369, %get3A_372, %dot_general3A_373 {dimension_numbers = #tpu.dot_dimension_numbers<[1], [0], [0], [1], [0, 0, 1, 1], [], []>, transpose_lhs_hint = false} : vector<1024x64xf32>, vector<64x128xf32>, vector<1024x128xf32> -> vector<1024x128xf32>
    %get3A_375 = arith.constant 7 : index
    %get3A_376 = arith.constant 0 : index
    %get3A_377 = arith.constant 0 : index
    %get3A_378 = arith.constant 0 : index
    %get3A_379 = vector.load %arg2[%get3A_375, %get3A_376, %get3A_377, %get3A_378] : memref<8x1x1024x128xf32, #tpu.memory_space<vmem>>, vector<1x1x1024x128xf32>
    %get3A_380 = vector.shape_cast %get3A_379 : vector<1x1x1024x128xf32> to vector<1024x128xf32>
    %add3A_381 = arith.addf %get3A_380, %dot_general3A_374 : vector<1024x128xf32>
    %get3A_382 = arith.constant 0 : index
    %get3A_383 = arith.constant 0 : index
    %get3A_384 = vector.load %arg7[%get3A_382, %get3A_383] : memref<1x128xf32, #tpu.memory_space<vmem>>, vector<1x128xf32>
    %add3A_385 = vector.broadcast %get3A_384 : vector<1x128xf32> to vector<1024x128xf32>
    %add3A_386 = arith.addf %add3A_381, %add3A_385 : vector<1024x128xf32>
    %swap3A_387 = arith.constant 7 : index
    %swap3A_388 = arith.constant 0 : index
    %swap3A_389 = arith.constant 0 : index
    %swap3A_390 = arith.constant 0 : index
    %swap3A_391 = vector.load %arg8[%swap3A_387, %swap3A_388, %swap3A_389, %swap3A_390] : memref<8x1x1024x128xf32, #tpu.memory_space<vmem>>, vector<1x1x1024x128xf32>
    %swap3A_392 = vector.shape_cast %swap3A_391 : vector<1x1x1024x128xf32> to vector<1024x128xf32>
    %swap3A_393 = vector.shape_cast %add3A_386 : vector<1024x128xf32> to vector<1x1x1024x128xf32>
    tpu.vector_store %arg8[%swap3A_387, %swap3A_388, %swap3A_389, %swap3A_390], %swap3A_393 {strides = array<i32>} : memref<8x1x1024x128xf32, #tpu.memory_space<vmem>>, vector<1x1x1024x128xf32>,
    return
  }
  func.func @transform_0(%arg0: i32, %arg1: i32) -> (i32, i32, i32, i32) {
    %c0_i32 = arith.constant 0 : i32
    %c0_i32_0 = arith.constant 0 : i32
    %c0_i32_1 = arith.constant 0 : i32
    return %arg0, %arg1, %c0_i32, %c0_i32_0 : i32, i32, i32, i32
  }
  func.func @transform_1(%arg0: i32, %arg1: i32) -> (i32, i32, i32) {
    %add3A = arith.constant 0 : i32
    %add3A_0 = arith.addi %add3A, %arg0 : i32
    %c0_i32 = arith.constant 0 : i32
    %c0_i32_1 = arith.constant 0 : i32
    return %c0_i32, %add3A_0, %arg1 : i32, i32, i32
  }
  func.func @transform_2(%arg0: i32, %arg1: i32) -> (i32, i32) {
    %c0_i32 = arith.constant 0 : i32
    %c0_i32_0 = arith.constant 0 : i32
    %c0_i32_1 = arith.constant 0 : i32
    return %c0_i32, %c0_i32_0 : i32, i32
  }
  func.func @transform_3(%arg0: i32, %arg1: i32) -> (i32, i32) {
    %c0_i32 = arith.constant 0 : i32
    %c0_i32_0 = arith.constant 0 : i32
    %c0_i32_1 = arith.constant 0 : i32
    return %c0_i32, %c0_i32_0 : i32, i32
  }
  func.func @transform_4(%arg0: i32, %arg1: i32) -> (i32, i32) {
    %c0_i32 = arith.constant 0 : i32
    %c0_i32_0 = arith.constant 0 : i32
    %c0_i32_1 = arith.constant 0 : i32
    return %c0_i32, %c0_i32_0 : i32, i32
  }
  func.func @transform_5(%arg0: i32, %arg1: i32) -> (i32, i32) {
    %c0_i32 = arith.constant 0 : i32
    %c0_i32_0 = arith.constant 0 : i32
    %c0_i32_1 = arith.constant 0 : i32
    return %c0_i32, %c0_i32_0 : i32, i32
  }
  func.func @transform_6(%arg0: i32, %arg1: i32) -> (i32, i32, i32, i32) {
    %add3A = arith.constant 0 : i32
    %add3A_0 = arith.addi %add3A, %arg0 : i32
    %c0_i32 = arith.constant 0 : i32
    %c0_i32_1 = arith.constant 0 : i32
    %c0_i32_2 = arith.constant 0 : i32
    return %add3A_0, %arg1, %c0_i32, %c0_i32_1 : i32, i32, i32, i32
  }
}

module attributes {stable_mosaic.version = 14 : i64} {
  func.func @body(%arg0: i32, %arg1: i32, %arg2: memref<50x4x1024x128xf32, #tpu.memory_space<any>>, %arg3: memref<8x1x1024x128xf32, #tpu.memory_space<vmem>>, %arg4: memref<10x8x1024xf32, #tpu.memory_space<vmem>>, %arg5: memref<10x64xf32, #tpu.memory_space<vmem>>, %arg6: memref<1x64xf32, #tpu.memory_space<vmem>>, %arg7: memref<64x128xf32, #tpu.memory_space<vmem>>, %arg8: memref<1x128xf32, #tpu.memory_space<vmem>>, %arg9: memref<8x1x1024x128xf32, #tpu.memory_space<vmem>>) attributes {dimension_semantics = [#tpu.dimension_semantics<arbitrary>, #tpu.dimension_semantics<arbitrary>], iteration_bounds = array<i64: 2, 4>, scalar_prefetch = 0 : i64, scratch_operands = 0 : i64, tpu.core_type = #tpu.core_type<tc>, window_params = [{}, {transform_indices = @transform_1, window_bounds = array<i64: 8, 1, 1024, 128>}, {transform_indices = @transform_2, window_bounds = array<i64: 10, 8, 1024>}, {pipeline_mode = #tpu.pipeline_mode<synchronous>, transform_indices = @transform_3, window_bounds = array<i64: 10, 64>}, {pipeline_mode = #tpu.pipeline_mode<synchronous>, transform_indices = @transform_4, window_bounds = array<i64: 1, 64>}, {pipeline_mode = #tpu.pipeline_mode<synchronous>, transform_indices = @transform_5, window_bounds = array<i64: 64, 128>}, {pipeline_mode = #tpu.pipeline_mode<synchronous>, transform_indices = @transform_6, window_bounds = array<i64: 1, 128>}, {transform_indices = @transform_7, window_bounds = array<i64: 8, 1, 1024, 128>}]} {
    %get3A = arith.constant 0 : index
    %get3A_0 = arith.constant 0 : index
    %get3A_1 = arith.constant 0 : index
    %get3A_2 = vector.load %arg4[%get3A, %get3A_0, %get3A_1] : memref<10x8x1024xf32, #tpu.memory_space<vmem>>, vector<10x1x1024xf32>
    %get3A_3 = vector.shape_cast %get3A_2 : vector<10x1x1024xf32> to vector<10x1024xf32>
    %get3A_4 = arith.constant 0 : index
    %get3A_5 = arith.constant 0 : index
    %get3A_6 = vector.load %arg5[%get3A_4, %get3A_5] : memref<10x64xf32, #tpu.memory_space<vmem>>, vector<10x64xf32>
    %dot_general3A = arith.constant dense<0.000000e+00> : vector<1024x64xf32>
    %dot_general3A_7 = tpu.matmul %get3A_3, %get3A_6, %dot_general3A {dimension_numbers = #tpu.dot_dimension_numbers<[0], [0], [1], [1], [0, 1, 1, 1], [], []>, transpose_lhs_hint = false} : vector<10x1024xf32>, vector<10x64xf32>, vector<1024x64xf32> -> vector<1024x64xf32>
    %get3A_8 = arith.constant 0 : index
    %get3A_9 = arith.constant 0 : index
    %get3A_10 = vector.load %arg6[%get3A_8, %get3A_9] : memref<1x64xf32, #tpu.memory_space<vmem>>, vector<1x64xf32>
    %add3A = vector.broadcast %get3A_10 : vector<1x64xf32> to vector<1024x64xf32>
    %add3A_11 = arith.addf %dot_general3A_7, %add3A : vector<1024x64xf32>
    %mul3A = arith.constant 5.000000e-01 : f32
    %mul3A_12 = vector.broadcast %mul3A : f32 to vector<1024x64xf32>
    %mul3A_13 = arith.mulf %mul3A_12, %add3A_11 : vector<1024x64xf32>
    %mul3A_14 = arith.constant 0.707106769 : f32
    %mul3A_15 = vector.broadcast %mul3A_14 : f32 to vector<1024x64xf32>
    %mul3A_16 = arith.mulf %add3A_11, %mul3A_15 : vector<1024x64xf32>
    %erf3A = math.erf %mul3A_16 : vector<1024x64xf32>
    %add3A_17 = arith.constant 1.000000e+00 : f32
    %add3A_18 = vector.broadcast %add3A_17 : f32 to vector<1024x64xf32>
    %add3A_19 = arith.addf %add3A_18, %erf3A : vector<1024x64xf32>
    %mul3A_20 = arith.mulf %mul3A_13, %add3A_19 : vector<1024x64xf32>
    %get3A_21 = arith.constant 0 : index
    %get3A_22 = arith.constant 0 : index
    %get3A_23 = vector.load %arg7[%get3A_21, %get3A_22] : memref<64x128xf32, #tpu.memory_space<vmem>>, vector<64x128xf32>
    %dot_general3A_24 = arith.constant dense<0.000000e+00> : vector<1024x128xf32>
    %dot_general3A_25 = tpu.matmul %mul3A_20, %get3A_23, %dot_general3A_24 {dimension_numbers = #tpu.dot_dimension_numbers<[1], [0], [0], [1], [0, 0, 1, 1], [], []>, transpose_lhs_hint = false} : vector<1024x64xf32>, vector<64x128xf32>, vector<1024x128xf32> -> vector<1024x128xf32>
    %get3A_26 = arith.constant 0 : index
    %get3A_27 = arith.constant 0 : index
    %get3A_28 = arith.constant 0 : index
    %get3A_29 = arith.constant 0 : index
    %get3A_30 = vector.load %arg3[%get3A_26, %get3A_27, %get3A_28, %get3A_29] : memref<8x1x1024x128xf32, #tpu.memory_space<vmem>>, vector<1x1x1024x128xf32>
    %get3A_31 = vector.shape_cast %get3A_30 : vector<1x1x1024x128xf32> to vector<1024x128xf32>
    %add3A_32 = arith.addf %get3A_31, %dot_general3A_25 : vector<1024x128xf32>
    %get3A_33 = arith.constant 0 : index
    %get3A_34 = arith.constant 0 : index
    %get3A_35 = vector.load %arg8[%get3A_33, %get3A_34] : memref<1x128xf32, #tpu.memory_space<vmem>>, vector<1x128xf32>
    %add3A_36 = vector.broadcast %get3A_35 : vector<1x128xf32> to vector<1024x128xf32>
    %add3A_37 = arith.addf %add3A_32, %add3A_36 : vector<1024x128xf32>
    %swap3A = arith.constant 0 : index
    %swap3A_38 = arith.constant 0 : index
    %swap3A_39 = arith.constant 0 : index
    %swap3A_40 = arith.constant 0 : index
    %swap3A_41 = vector.load %arg9[%swap3A, %swap3A_38, %swap3A_39, %swap3A_40] : memref<8x1x1024x128xf32, #tpu.memory_space<vmem>>, vector<1x1x1024x128xf32>
    %swap3A_42 = vector.shape_cast %swap3A_41 : vector<1x1x1024x128xf32> to vector<1024x128xf32>
    %swap3A_43 = vector.shape_cast %add3A_37 : vector<1024x128xf32> to vector<1x1x1024x128xf32>
    tpu.vector_store %arg9[%swap3A, %swap3A_38, %swap3A_39, %swap3A_40], %swap3A_43 {strides = array<i32>} : memref<8x1x1024x128xf32, #tpu.memory_space<vmem>>, vector<1x1x1024x128xf32>,
    %get3A_44 = arith.constant 0 : index
    %get3A_45 = arith.constant 1 : index
    %get3A_46 = arith.constant 0 : index
    %get3A_47 = vector.load %arg4[%get3A_44, %get3A_45, %get3A_46] : memref<10x8x1024xf32, #tpu.memory_space<vmem>>, vector<10x1x1024xf32>
    %get3A_48 = vector.shape_cast %get3A_47 : vector<10x1x1024xf32> to vector<10x1024xf32>
    %get3A_49 = arith.constant 0 : index
    %get3A_50 = arith.constant 0 : index
    %get3A_51 = vector.load %arg5[%get3A_49, %get3A_50] : memref<10x64xf32, #tpu.memory_space<vmem>>, vector<10x64xf32>
    %dot_general3A_52 = arith.constant dense<0.000000e+00> : vector<1024x64xf32>
    %dot_general3A_53 = tpu.matmul %get3A_48, %get3A_51, %dot_general3A_52 {dimension_numbers = #tpu.dot_dimension_numbers<[0], [0], [1], [1], [0, 1, 1, 1], [], []>, transpose_lhs_hint = false} : vector<10x1024xf32>, vector<10x64xf32>, vector<1024x64xf32> -> vector<1024x64xf32>
    %get3A_54 = arith.constant 0 : index
    %get3A_55 = arith.constant 0 : index
    %get3A_56 = vector.load %arg6[%get3A_54, %get3A_55] : memref<1x64xf32, #tpu.memory_space<vmem>>, vector<1x64xf32>
    %add3A_57 = vector.broadcast %get3A_56 : vector<1x64xf32> to vector<1024x64xf32>
    %add3A_58 = arith.addf %dot_general3A_53, %add3A_57 : vector<1024x64xf32>
    %mul3A_59 = arith.constant 5.000000e-01 : f32
    %mul3A_60 = vector.broadcast %mul3A_59 : f32 to vector<1024x64xf32>
    %mul3A_61 = arith.mulf %mul3A_60, %add3A_58 : vector<1024x64xf32>
    %mul3A_62 = arith.constant 0.707106769 : f32
    %mul3A_63 = vector.broadcast %mul3A_62 : f32 to vector<1024x64xf32>
    %mul3A_64 = arith.mulf %add3A_58, %mul3A_63 : vector<1024x64xf32>
    %erf3A_65 = math.erf %mul3A_64 : vector<1024x64xf32>
    %add3A_66 = arith.constant 1.000000e+00 : f32
    %add3A_67 = vector.broadcast %add3A_66 : f32 to vector<1024x64xf32>
    %add3A_68 = arith.addf %add3A_67, %erf3A_65 : vector<1024x64xf32>
    %mul3A_69 = arith.mulf %mul3A_61, %add3A_68 : vector<1024x64xf32>
    %get3A_70 = arith.constant 0 : index
    %get3A_71 = arith.constant 0 : index
    %get3A_72 = vector.load %arg7[%get3A_70, %get3A_71] : memref<64x128xf32, #tpu.memory_space<vmem>>, vector<64x128xf32>
    %dot_general3A_73 = arith.constant dense<0.000000e+00> : vector<1024x128xf32>
    %dot_general3A_74 = tpu.matmul %mul3A_69, %get3A_72, %dot_general3A_73 {dimension_numbers = #tpu.dot_dimension_numbers<[1], [0], [0], [1], [0, 0, 1, 1], [], []>, transpose_lhs_hint = false} : vector<1024x64xf32>, vector<64x128xf32>, vector<1024x128xf32> -> vector<1024x128xf32>
    %get3A_75 = arith.constant 1 : index
    %get3A_76 = arith.constant 0 : index
    %get3A_77 = arith.constant 0 : index
    %get3A_78 = arith.constant 0 : index
    %get3A_79 = vector.load %arg3[%get3A_75, %get3A_76, %get3A_77, %get3A_78] : memref<8x1x1024x128xf32, #tpu.memory_space<vmem>>, vector<1x1x1024x128xf32>
    %get3A_80 = vector.shape_cast %get3A_79 : vector<1x1x1024x128xf32> to vector<1024x128xf32>
    %add3A_81 = arith.addf %get3A_80, %dot_general3A_74 : vector<1024x128xf32>
    %get3A_82 = arith.constant 0 : index
    %get3A_83 = arith.constant 0 : index
    %get3A_84 = vector.load %arg8[%get3A_82, %get3A_83] : memref<1x128xf32, #tpu.memory_space<vmem>>, vector<1x128xf32>
    %add3A_85 = vector.broadcast %get3A_84 : vector<1x128xf32> to vector<1024x128xf32>
    %add3A_86 = arith.addf %add3A_81, %add3A_85 : vector<1024x128xf32>
    %swap3A_87 = arith.constant 1 : index
    %swap3A_88 = arith.constant 0 : index
    %swap3A_89 = arith.constant 0 : index
    %swap3A_90 = arith.constant 0 : index
    %swap3A_91 = vector.load %arg9[%swap3A_87, %swap3A_88, %swap3A_89, %swap3A_90] : memref<8x1x1024x128xf32, #tpu.memory_space<vmem>>, vector<1x1x1024x128xf32>
    %swap3A_92 = vector.shape_cast %swap3A_91 : vector<1x1x1024x128xf32> to vector<1024x128xf32>
    %swap3A_93 = vector.shape_cast %add3A_86 : vector<1024x128xf32> to vector<1x1x1024x128xf32>
    tpu.vector_store %arg9[%swap3A_87, %swap3A_88, %swap3A_89, %swap3A_90], %swap3A_93 {strides = array<i32>} : memref<8x1x1024x128xf32, #tpu.memory_space<vmem>>, vector<1x1x1024x128xf32>,
    %get3A_94 = arith.constant 0 : index
    %get3A_95 = arith.constant 2 : index
    %get3A_96 = arith.constant 0 : index
    %get3A_97 = vector.load %arg4[%get3A_94, %get3A_95, %get3A_96] : memref<10x8x1024xf32, #tpu.memory_space<vmem>>, vector<10x1x1024xf32>
    %get3A_98 = vector.shape_cast %get3A_97 : vector<10x1x1024xf32> to vector<10x1024xf32>
    %get3A_99 = arith.constant 0 : index
    %get3A_100 = arith.constant 0 : index
    %get3A_101 = vector.load %arg5[%get3A_99, %get3A_100] : memref<10x64xf32, #tpu.memory_space<vmem>>, vector<10x64xf32>
    %dot_general3A_102 = arith.constant dense<0.000000e+00> : vector<1024x64xf32>
    %dot_general3A_103 = tpu.matmul %get3A_98, %get3A_101, %dot_general3A_102 {dimension_numbers = #tpu.dot_dimension_numbers<[0], [0], [1], [1], [0, 1, 1, 1], [], []>, transpose_lhs_hint = false} : vector<10x1024xf32>, vector<10x64xf32>, vector<1024x64xf32> -> vector<1024x64xf32>
    %get3A_104 = arith.constant 0 : index
    %get3A_105 = arith.constant 0 : index
    %get3A_106 = vector.load %arg6[%get3A_104, %get3A_105] : memref<1x64xf32, #tpu.memory_space<vmem>>, vector<1x64xf32>
    %add3A_107 = vector.broadcast %get3A_106 : vector<1x64xf32> to vector<1024x64xf32>
    %add3A_108 = arith.addf %dot_general3A_103, %add3A_107 : vector<1024x64xf32>
    %mul3A_109 = arith.constant 5.000000e-01 : f32
    %mul3A_110 = vector.broadcast %mul3A_109 : f32 to vector<1024x64xf32>
    %mul3A_111 = arith.mulf %mul3A_110, %add3A_108 : vector<1024x64xf32>
    %mul3A_112 = arith.constant 0.707106769 : f32
    %mul3A_113 = vector.broadcast %mul3A_112 : f32 to vector<1024x64xf32>
    %mul3A_114 = arith.mulf %add3A_108, %mul3A_113 : vector<1024x64xf32>
    %erf3A_115 = math.erf %mul3A_114 : vector<1024x64xf32>
    %add3A_116 = arith.constant 1.000000e+00 : f32
    %add3A_117 = vector.broadcast %add3A_116 : f32 to vector<1024x64xf32>
    %add3A_118 = arith.addf %add3A_117, %erf3A_115 : vector<1024x64xf32>
    %mul3A_119 = arith.mulf %mul3A_111, %add3A_118 : vector<1024x64xf32>
    %get3A_120 = arith.constant 0 : index
    %get3A_121 = arith.constant 0 : index
    %get3A_122 = vector.load %arg7[%get3A_120, %get3A_121] : memref<64x128xf32, #tpu.memory_space<vmem>>, vector<64x128xf32>
    %dot_general3A_123 = arith.constant dense<0.000000e+00> : vector<1024x128xf32>
    %dot_general3A_124 = tpu.matmul %mul3A_119, %get3A_122, %dot_general3A_123 {dimension_numbers = #tpu.dot_dimension_numbers<[1], [0], [0], [1], [0, 0, 1, 1], [], []>, transpose_lhs_hint = false} : vector<1024x64xf32>, vector<64x128xf32>, vector<1024x128xf32> -> vector<1024x128xf32>
    %get3A_125 = arith.constant 2 : index
    %get3A_126 = arith.constant 0 : index
    %get3A_127 = arith.constant 0 : index
    %get3A_128 = arith.constant 0 : index
    %get3A_129 = vector.load %arg3[%get3A_125, %get3A_126, %get3A_127, %get3A_128] : memref<8x1x1024x128xf32, #tpu.memory_space<vmem>>, vector<1x1x1024x128xf32>
    %get3A_130 = vector.shape_cast %get3A_129 : vector<1x1x1024x128xf32> to vector<1024x128xf32>
    %add3A_131 = arith.addf %get3A_130, %dot_general3A_124 : vector<1024x128xf32>
    %get3A_132 = arith.constant 0 : index
    %get3A_133 = arith.constant 0 : index
    %get3A_134 = vector.load %arg8[%get3A_132, %get3A_133] : memref<1x128xf32, #tpu.memory_space<vmem>>, vector<1x128xf32>
    %add3A_135 = vector.broadcast %get3A_134 : vector<1x128xf32> to vector<1024x128xf32>
    %add3A_136 = arith.addf %add3A_131, %add3A_135 : vector<1024x128xf32>
    %swap3A_137 = arith.constant 2 : index
    %swap3A_138 = arith.constant 0 : index
    %swap3A_139 = arith.constant 0 : index
    %swap3A_140 = arith.constant 0 : index
    %swap3A_141 = vector.load %arg9[%swap3A_137, %swap3A_138, %swap3A_139, %swap3A_140] : memref<8x1x1024x128xf32, #tpu.memory_space<vmem>>, vector<1x1x1024x128xf32>
    %swap3A_142 = vector.shape_cast %swap3A_141 : vector<1x1x1024x128xf32> to vector<1024x128xf32>
    %swap3A_143 = vector.shape_cast %add3A_136 : vector<1024x128xf32> to vector<1x1x1024x128xf32>
    tpu.vector_store %arg9[%swap3A_137, %swap3A_138, %swap3A_139, %swap3A_140], %swap3A_143 {strides = array<i32>} : memref<8x1x1024x128xf32, #tpu.memory_space<vmem>>, vector<1x1x1024x128xf32>,
    %get3A_144 = arith.constant 0 : index
    %get3A_145 = arith.constant 3 : index
    %get3A_146 = arith.constant 0 : index
    %get3A_147 = vector.load %arg4[%get3A_144, %get3A_145, %get3A_146] : memref<10x8x1024xf32, #tpu.memory_space<vmem>>, vector<10x1x1024xf32>
    %get3A_148 = vector.shape_cast %get3A_147 : vector<10x1x1024xf32> to vector<10x1024xf32>
    %get3A_149 = arith.constant 0 : index
    %get3A_150 = arith.constant 0 : index
    %get3A_151 = vector.load %arg5[%get3A_149, %get3A_150] : memref<10x64xf32, #tpu.memory_space<vmem>>, vector<10x64xf32>
    %dot_general3A_152 = arith.constant dense<0.000000e+00> : vector<1024x64xf32>
    %dot_general3A_153 = tpu.matmul %get3A_148, %get3A_151, %dot_general3A_152 {dimension_numbers = #tpu.dot_dimension_numbers<[0], [0], [1], [1], [0, 1, 1, 1], [], []>, transpose_lhs_hint = false} : vector<10x1024xf32>, vector<10x64xf32>, vector<1024x64xf32> -> vector<1024x64xf32>
    %get3A_154 = arith.constant 0 : index
    %get3A_155 = arith.constant 0 : index
    %get3A_156 = vector.load %arg6[%get3A_154, %get3A_155] : memref<1x64xf32, #tpu.memory_space<vmem>>, vector<1x64xf32>
    %add3A_157 = vector.broadcast %get3A_156 : vector<1x64xf32> to vector<1024x64xf32>
    %add3A_158 = arith.addf %dot_general3A_153, %add3A_157 : vector<1024x64xf32>
    %mul3A_159 = arith.constant 5.000000e-01 : f32
    %mul3A_160 = vector.broadcast %mul3A_159 : f32 to vector<1024x64xf32>
    %mul3A_161 = arith.mulf %mul3A_160, %add3A_158 : vector<1024x64xf32>
    %mul3A_162 = arith.constant 0.707106769 : f32
    %mul3A_163 = vector.broadcast %mul3A_162 : f32 to vector<1024x64xf32>
    %mul3A_164 = arith.mulf %add3A_158, %mul3A_163 : vector<1024x64xf32>
    %erf3A_165 = math.erf %mul3A_164 : vector<1024x64xf32>
    %add3A_166 = arith.constant 1.000000e+00 : f32
    %add3A_167 = vector.broadcast %add3A_166 : f32 to vector<1024x64xf32>
    %add3A_168 = arith.addf %add3A_167, %erf3A_165 : vector<1024x64xf32>
    %mul3A_169 = arith.mulf %mul3A_161, %add3A_168 : vector<1024x64xf32>
    %get3A_170 = arith.constant 0 : index
    %get3A_171 = arith.constant 0 : index
    %get3A_172 = vector.load %arg7[%get3A_170, %get3A_171] : memref<64x128xf32, #tpu.memory_space<vmem>>, vector<64x128xf32>
    %dot_general3A_173 = arith.constant dense<0.000000e+00> : vector<1024x128xf32>
    %dot_general3A_174 = tpu.matmul %mul3A_169, %get3A_172, %dot_general3A_173 {dimension_numbers = #tpu.dot_dimension_numbers<[1], [0], [0], [1], [0, 0, 1, 1], [], []>, transpose_lhs_hint = false} : vector<1024x64xf32>, vector<64x128xf32>, vector<1024x128xf32> -> vector<1024x128xf32>
    %get3A_175 = arith.constant 3 : index
    %get3A_176 = arith.constant 0 : index
    %get3A_177 = arith.constant 0 : index
    %get3A_178 = arith.constant 0 : index
    %get3A_179 = vector.load %arg3[%get3A_175, %get3A_176, %get3A_177, %get3A_178] : memref<8x1x1024x128xf32, #tpu.memory_space<vmem>>, vector<1x1x1024x128xf32>
    %get3A_180 = vector.shape_cast %get3A_179 : vector<1x1x1024x128xf32> to vector<1024x128xf32>
    %add3A_181 = arith.addf %get3A_180, %dot_general3A_174 : vector<1024x128xf32>
    %get3A_182 = arith.constant 0 : index
    %get3A_183 = arith.constant 0 : index
    %get3A_184 = vector.load %arg8[%get3A_182, %get3A_183] : memref<1x128xf32, #tpu.memory_space<vmem>>, vector<1x128xf32>
    %add3A_185 = vector.broadcast %get3A_184 : vector<1x128xf32> to vector<1024x128xf32>
    %add3A_186 = arith.addf %add3A_181, %add3A_185 : vector<1024x128xf32>
    %swap3A_187 = arith.constant 3 : index
    %swap3A_188 = arith.constant 0 : index
    %swap3A_189 = arith.constant 0 : index
    %swap3A_190 = arith.constant 0 : index
    %swap3A_191 = vector.load %arg9[%swap3A_187, %swap3A_188, %swap3A_189, %swap3A_190] : memref<8x1x1024x128xf32, #tpu.memory_space<vmem>>, vector<1x1x1024x128xf32>
    %swap3A_192 = vector.shape_cast %swap3A_191 : vector<1x1x1024x128xf32> to vector<1024x128xf32>
    %swap3A_193 = vector.shape_cast %add3A_186 : vector<1024x128xf32> to vector<1x1x1024x128xf32>
    tpu.vector_store %arg9[%swap3A_187, %swap3A_188, %swap3A_189, %swap3A_190], %swap3A_193 {strides = array<i32>} : memref<8x1x1024x128xf32, #tpu.memory_space<vmem>>, vector<1x1x1024x128xf32>,
    %get3A_194 = arith.constant 0 : index
    %get3A_195 = arith.constant 4 : index
    %get3A_196 = arith.constant 0 : index
    %get3A_197 = vector.load %arg4[%get3A_194, %get3A_195, %get3A_196] : memref<10x8x1024xf32, #tpu.memory_space<vmem>>, vector<10x1x1024xf32>
    %get3A_198 = vector.shape_cast %get3A_197 : vector<10x1x1024xf32> to vector<10x1024xf32>
    %get3A_199 = arith.constant 0 : index
    %get3A_200 = arith.constant 0 : index
    %get3A_201 = vector.load %arg5[%get3A_199, %get3A_200] : memref<10x64xf32, #tpu.memory_space<vmem>>, vector<10x64xf32>
    %dot_general3A_202 = arith.constant dense<0.000000e+00> : vector<1024x64xf32>
    %dot_general3A_203 = tpu.matmul %get3A_198, %get3A_201, %dot_general3A_202 {dimension_numbers = #tpu.dot_dimension_numbers<[0], [0], [1], [1], [0, 1, 1, 1], [], []>, transpose_lhs_hint = false} : vector<10x1024xf32>, vector<10x64xf32>, vector<1024x64xf32> -> vector<1024x64xf32>
    %get3A_204 = arith.constant 0 : index
    %get3A_205 = arith.constant 0 : index
    %get3A_206 = vector.load %arg6[%get3A_204, %get3A_205] : memref<1x64xf32, #tpu.memory_space<vmem>>, vector<1x64xf32>
    %add3A_207 = vector.broadcast %get3A_206 : vector<1x64xf32> to vector<1024x64xf32>
    %add3A_208 = arith.addf %dot_general3A_203, %add3A_207 : vector<1024x64xf32>
    %mul3A_209 = arith.constant 5.000000e-01 : f32
    %mul3A_210 = vector.broadcast %mul3A_209 : f32 to vector<1024x64xf32>
    %mul3A_211 = arith.mulf %mul3A_210, %add3A_208 : vector<1024x64xf32>
    %mul3A_212 = arith.constant 0.707106769 : f32
    %mul3A_213 = vector.broadcast %mul3A_212 : f32 to vector<1024x64xf32>
    %mul3A_214 = arith.mulf %add3A_208, %mul3A_213 : vector<1024x64xf32>
    %erf3A_215 = math.erf %mul3A_214 : vector<1024x64xf32>
    %add3A_216 = arith.constant 1.000000e+00 : f32
    %add3A_217 = vector.broadcast %add3A_216 : f32 to vector<1024x64xf32>
    %add3A_218 = arith.addf %add3A_217, %erf3A_215 : vector<1024x64xf32>
    %mul3A_219 = arith.mulf %mul3A_211, %add3A_218 : vector<1024x64xf32>
    %get3A_220 = arith.constant 0 : index
    %get3A_221 = arith.constant 0 : index
    %get3A_222 = vector.load %arg7[%get3A_220, %get3A_221] : memref<64x128xf32, #tpu.memory_space<vmem>>, vector<64x128xf32>
    %dot_general3A_223 = arith.constant dense<0.000000e+00> : vector<1024x128xf32>
    %dot_general3A_224 = tpu.matmul %mul3A_219, %get3A_222, %dot_general3A_223 {dimension_numbers = #tpu.dot_dimension_numbers<[1], [0], [0], [1], [0, 0, 1, 1], [], []>, transpose_lhs_hint = false} : vector<1024x64xf32>, vector<64x128xf32>, vector<1024x128xf32> -> vector<1024x128xf32>
    %get3A_225 = arith.constant 4 : index
    %get3A_226 = arith.constant 0 : index
    %get3A_227 = arith.constant 0 : index
    %get3A_228 = arith.constant 0 : index
    %get3A_229 = vector.load %arg3[%get3A_225, %get3A_226, %get3A_227, %get3A_228] : memref<8x1x1024x128xf32, #tpu.memory_space<vmem>>, vector<1x1x1024x128xf32>
    %get3A_230 = vector.shape_cast %get3A_229 : vector<1x1x1024x128xf32> to vector<1024x128xf32>
    %add3A_231 = arith.addf %get3A_230, %dot_general3A_224 : vector<1024x128xf32>
    %get3A_232 = arith.constant 0 : index
    %get3A_233 = arith.constant 0 : index
    %get3A_234 = vector.load %arg8[%get3A_232, %get3A_233] : memref<1x128xf32, #tpu.memory_space<vmem>>, vector<1x128xf32>
    %add3A_235 = vector.broadcast %get3A_234 : vector<1x128xf32> to vector<1024x128xf32>
    %add3A_236 = arith.addf %add3A_231, %add3A_235 : vector<1024x128xf32>
    %swap3A_237 = arith.constant 4 : index
    %swap3A_238 = arith.constant 0 : index
    %swap3A_239 = arith.constant 0 : index
    %swap3A_240 = arith.constant 0 : index
    %swap3A_241 = vector.load %arg9[%swap3A_237, %swap3A_238, %swap3A_239, %swap3A_240] : memref<8x1x1024x128xf32, #tpu.memory_space<vmem>>, vector<1x1x1024x128xf32>
    %swap3A_242 = vector.shape_cast %swap3A_241 : vector<1x1x1024x128xf32> to vector<1024x128xf32>
    %swap3A_243 = vector.shape_cast %add3A_236 : vector<1024x128xf32> to vector<1x1x1024x128xf32>
    tpu.vector_store %arg9[%swap3A_237, %swap3A_238, %swap3A_239, %swap3A_240], %swap3A_243 {strides = array<i32>} : memref<8x1x1024x128xf32, #tpu.memory_space<vmem>>, vector<1x1x1024x128xf32>,
    %get3A_244 = arith.constant 0 : index
    %get3A_245 = arith.constant 5 : index
    %get3A_246 = arith.constant 0 : index
    %get3A_247 = vector.load %arg4[%get3A_244, %get3A_245, %get3A_246] : memref<10x8x1024xf32, #tpu.memory_space<vmem>>, vector<10x1x1024xf32>
    %get3A_248 = vector.shape_cast %get3A_247 : vector<10x1x1024xf32> to vector<10x1024xf32>
    %get3A_249 = arith.constant 0 : index
    %get3A_250 = arith.constant 0 : index
    %get3A_251 = vector.load %arg5[%get3A_249, %get3A_250] : memref<10x64xf32, #tpu.memory_space<vmem>>, vector<10x64xf32>
    %dot_general3A_252 = arith.constant dense<0.000000e+00> : vector<1024x64xf32>
    %dot_general3A_253 = tpu.matmul %get3A_248, %get3A_251, %dot_general3A_252 {dimension_numbers = #tpu.dot_dimension_numbers<[0], [0], [1], [1], [0, 1, 1, 1], [], []>, transpose_lhs_hint = false} : vector<10x1024xf32>, vector<10x64xf32>, vector<1024x64xf32> -> vector<1024x64xf32>
    %get3A_254 = arith.constant 0 : index
    %get3A_255 = arith.constant 0 : index
    %get3A_256 = vector.load %arg6[%get3A_254, %get3A_255] : memref<1x64xf32, #tpu.memory_space<vmem>>, vector<1x64xf32>
    %add3A_257 = vector.broadcast %get3A_256 : vector<1x64xf32> to vector<1024x64xf32>
    %add3A_258 = arith.addf %dot_general3A_253, %add3A_257 : vector<1024x64xf32>
    %mul3A_259 = arith.constant 5.000000e-01 : f32
    %mul3A_260 = vector.broadcast %mul3A_259 : f32 to vector<1024x64xf32>
    %mul3A_261 = arith.mulf %mul3A_260, %add3A_258 : vector<1024x64xf32>
    %mul3A_262 = arith.constant 0.707106769 : f32
    %mul3A_263 = vector.broadcast %mul3A_262 : f32 to vector<1024x64xf32>
    %mul3A_264 = arith.mulf %add3A_258, %mul3A_263 : vector<1024x64xf32>
    %erf3A_265 = math.erf %mul3A_264 : vector<1024x64xf32>
    %add3A_266 = arith.constant 1.000000e+00 : f32
    %add3A_267 = vector.broadcast %add3A_266 : f32 to vector<1024x64xf32>
    %add3A_268 = arith.addf %add3A_267, %erf3A_265 : vector<1024x64xf32>
    %mul3A_269 = arith.mulf %mul3A_261, %add3A_268 : vector<1024x64xf32>
    %get3A_270 = arith.constant 0 : index
    %get3A_271 = arith.constant 0 : index
    %get3A_272 = vector.load %arg7[%get3A_270, %get3A_271] : memref<64x128xf32, #tpu.memory_space<vmem>>, vector<64x128xf32>
    %dot_general3A_273 = arith.constant dense<0.000000e+00> : vector<1024x128xf32>
    %dot_general3A_274 = tpu.matmul %mul3A_269, %get3A_272, %dot_general3A_273 {dimension_numbers = #tpu.dot_dimension_numbers<[1], [0], [0], [1], [0, 0, 1, 1], [], []>, transpose_lhs_hint = false} : vector<1024x64xf32>, vector<64x128xf32>, vector<1024x128xf32> -> vector<1024x128xf32>
    %get3A_275 = arith.constant 5 : index
    %get3A_276 = arith.constant 0 : index
    %get3A_277 = arith.constant 0 : index
    %get3A_278 = arith.constant 0 : index
    %get3A_279 = vector.load %arg3[%get3A_275, %get3A_276, %get3A_277, %get3A_278] : memref<8x1x1024x128xf32, #tpu.memory_space<vmem>>, vector<1x1x1024x128xf32>
    %get3A_280 = vector.shape_cast %get3A_279 : vector<1x1x1024x128xf32> to vector<1024x128xf32>
    %add3A_281 = arith.addf %get3A_280, %dot_general3A_274 : vector<1024x128xf32>
    %get3A_282 = arith.constant 0 : index
    %get3A_283 = arith.constant 0 : index
    %get3A_284 = vector.load %arg8[%get3A_282, %get3A_283] : memref<1x128xf32, #tpu.memory_space<vmem>>, vector<1x128xf32>
    %add3A_285 = vector.broadcast %get3A_284 : vector<1x128xf32> to vector<1024x128xf32>
    %add3A_286 = arith.addf %add3A_281, %add3A_285 : vector<1024x128xf32>
    %swap3A_287 = arith.constant 5 : index
    %swap3A_288 = arith.constant 0 : index
    %swap3A_289 = arith.constant 0 : index
    %swap3A_290 = arith.constant 0 : index
    %swap3A_291 = vector.load %arg9[%swap3A_287, %swap3A_288, %swap3A_289, %swap3A_290] : memref<8x1x1024x128xf32, #tpu.memory_space<vmem>>, vector<1x1x1024x128xf32>
    %swap3A_292 = vector.shape_cast %swap3A_291 : vector<1x1x1024x128xf32> to vector<1024x128xf32>
    %swap3A_293 = vector.shape_cast %add3A_286 : vector<1024x128xf32> to vector<1x1x1024x128xf32>
    tpu.vector_store %arg9[%swap3A_287, %swap3A_288, %swap3A_289, %swap3A_290], %swap3A_293 {strides = array<i32>} : memref<8x1x1024x128xf32, #tpu.memory_space<vmem>>, vector<1x1x1024x128xf32>,
    %get3A_294 = arith.constant 0 : index
    %get3A_295 = arith.constant 6 : index
    %get3A_296 = arith.constant 0 : index
    %get3A_297 = vector.load %arg4[%get3A_294, %get3A_295, %get3A_296] : memref<10x8x1024xf32, #tpu.memory_space<vmem>>, vector<10x1x1024xf32>
    %get3A_298 = vector.shape_cast %get3A_297 : vector<10x1x1024xf32> to vector<10x1024xf32>
    %get3A_299 = arith.constant 0 : index
    %get3A_300 = arith.constant 0 : index
    %get3A_301 = vector.load %arg5[%get3A_299, %get3A_300] : memref<10x64xf32, #tpu.memory_space<vmem>>, vector<10x64xf32>
    %dot_general3A_302 = arith.constant dense<0.000000e+00> : vector<1024x64xf32>
    %dot_general3A_303 = tpu.matmul %get3A_298, %get3A_301, %dot_general3A_302 {dimension_numbers = #tpu.dot_dimension_numbers<[0], [0], [1], [1], [0, 1, 1, 1], [], []>, transpose_lhs_hint = false} : vector<10x1024xf32>, vector<10x64xf32>, vector<1024x64xf32> -> vector<1024x64xf32>
    %get3A_304 = arith.constant 0 : index
    %get3A_305 = arith.constant 0 : index
    %get3A_306 = vector.load %arg6[%get3A_304, %get3A_305] : memref<1x64xf32, #tpu.memory_space<vmem>>, vector<1x64xf32>
    %add3A_307 = vector.broadcast %get3A_306 : vector<1x64xf32> to vector<1024x64xf32>
    %add3A_308 = arith.addf %dot_general3A_303, %add3A_307 : vector<1024x64xf32>
    %mul3A_309 = arith.constant 5.000000e-01 : f32
    %mul3A_310 = vector.broadcast %mul3A_309 : f32 to vector<1024x64xf32>
    %mul3A_311 = arith.mulf %mul3A_310, %add3A_308 : vector<1024x64xf32>
    %mul3A_312 = arith.constant 0.707106769 : f32
    %mul3A_313 = vector.broadcast %mul3A_312 : f32 to vector<1024x64xf32>
    %mul3A_314 = arith.mulf %add3A_308, %mul3A_313 : vector<1024x64xf32>
    %erf3A_315 = math.erf %mul3A_314 : vector<1024x64xf32>
    %add3A_316 = arith.constant 1.000000e+00 : f32
    %add3A_317 = vector.broadcast %add3A_316 : f32 to vector<1024x64xf32>
    %add3A_318 = arith.addf %add3A_317, %erf3A_315 : vector<1024x64xf32>
    %mul3A_319 = arith.mulf %mul3A_311, %add3A_318 : vector<1024x64xf32>
    %get3A_320 = arith.constant 0 : index
    %get3A_321 = arith.constant 0 : index
    %get3A_322 = vector.load %arg7[%get3A_320, %get3A_321] : memref<64x128xf32, #tpu.memory_space<vmem>>, vector<64x128xf32>
    %dot_general3A_323 = arith.constant dense<0.000000e+00> : vector<1024x128xf32>
    %dot_general3A_324 = tpu.matmul %mul3A_319, %get3A_322, %dot_general3A_323 {dimension_numbers = #tpu.dot_dimension_numbers<[1], [0], [0], [1], [0, 0, 1, 1], [], []>, transpose_lhs_hint = false} : vector<1024x64xf32>, vector<64x128xf32>, vector<1024x128xf32> -> vector<1024x128xf32>
    %get3A_325 = arith.constant 6 : index
    %get3A_326 = arith.constant 0 : index
    %get3A_327 = arith.constant 0 : index
    %get3A_328 = arith.constant 0 : index
    %get3A_329 = vector.load %arg3[%get3A_325, %get3A_326, %get3A_327, %get3A_328] : memref<8x1x1024x128xf32, #tpu.memory_space<vmem>>, vector<1x1x1024x128xf32>
    %get3A_330 = vector.shape_cast %get3A_329 : vector<1x1x1024x128xf32> to vector<1024x128xf32>
    %add3A_331 = arith.addf %get3A_330, %dot_general3A_324 : vector<1024x128xf32>
    %get3A_332 = arith.constant 0 : index
    %get3A_333 = arith.constant 0 : index
    %get3A_334 = vector.load %arg8[%get3A_332, %get3A_333] : memref<1x128xf32, #tpu.memory_space<vmem>>, vector<1x128xf32>
    %add3A_335 = vector.broadcast %get3A_334 : vector<1x128xf32> to vector<1024x128xf32>
    %add3A_336 = arith.addf %add3A_331, %add3A_335 : vector<1024x128xf32>
    %swap3A_337 = arith.constant 6 : index
    %swap3A_338 = arith.constant 0 : index
    %swap3A_339 = arith.constant 0 : index
    %swap3A_340 = arith.constant 0 : index
    %swap3A_341 = vector.load %arg9[%swap3A_337, %swap3A_338, %swap3A_339, %swap3A_340] : memref<8x1x1024x128xf32, #tpu.memory_space<vmem>>, vector<1x1x1024x128xf32>
    %swap3A_342 = vector.shape_cast %swap3A_341 : vector<1x1x1024x128xf32> to vector<1024x128xf32>
    %swap3A_343 = vector.shape_cast %add3A_336 : vector<1024x128xf32> to vector<1x1x1024x128xf32>
    tpu.vector_store %arg9[%swap3A_337, %swap3A_338, %swap3A_339, %swap3A_340], %swap3A_343 {strides = array<i32>} : memref<8x1x1024x128xf32, #tpu.memory_space<vmem>>, vector<1x1x1024x128xf32>,
    %get3A_344 = arith.constant 0 : index
    %get3A_345 = arith.constant 7 : index
    %get3A_346 = arith.constant 0 : index
    %get3A_347 = vector.load %arg4[%get3A_344, %get3A_345, %get3A_346] : memref<10x8x1024xf32, #tpu.memory_space<vmem>>, vector<10x1x1024xf32>
    %get3A_348 = vector.shape_cast %get3A_347 : vector<10x1x1024xf32> to vector<10x1024xf32>
    %get3A_349 = arith.constant 0 : index
    %get3A_350 = arith.constant 0 : index
    %get3A_351 = vector.load %arg5[%get3A_349, %get3A_350] : memref<10x64xf32, #tpu.memory_space<vmem>>, vector<10x64xf32>
    %dot_general3A_352 = arith.constant dense<0.000000e+00> : vector<1024x64xf32>
    %dot_general3A_353 = tpu.matmul %get3A_348, %get3A_351, %dot_general3A_352 {dimension_numbers = #tpu.dot_dimension_numbers<[0], [0], [1], [1], [0, 1, 1, 1], [], []>, transpose_lhs_hint = false} : vector<10x1024xf32>, vector<10x64xf32>, vector<1024x64xf32> -> vector<1024x64xf32>
    %get3A_354 = arith.constant 0 : index
    %get3A_355 = arith.constant 0 : index
    %get3A_356 = vector.load %arg6[%get3A_354, %get3A_355] : memref<1x64xf32, #tpu.memory_space<vmem>>, vector<1x64xf32>
    %add3A_357 = vector.broadcast %get3A_356 : vector<1x64xf32> to vector<1024x64xf32>
    %add3A_358 = arith.addf %dot_general3A_353, %add3A_357 : vector<1024x64xf32>
    %mul3A_359 = arith.constant 5.000000e-01 : f32
    %mul3A_360 = vector.broadcast %mul3A_359 : f32 to vector<1024x64xf32>
    %mul3A_361 = arith.mulf %mul3A_360, %add3A_358 : vector<1024x64xf32>
    %mul3A_362 = arith.constant 0.707106769 : f32
    %mul3A_363 = vector.broadcast %mul3A_362 : f32 to vector<1024x64xf32>
    %mul3A_364 = arith.mulf %add3A_358, %mul3A_363 : vector<1024x64xf32>
    %erf3A_365 = math.erf %mul3A_364 : vector<1024x64xf32>
    %add3A_366 = arith.constant 1.000000e+00 : f32
    %add3A_367 = vector.broadcast %add3A_366 : f32 to vector<1024x64xf32>
    %add3A_368 = arith.addf %add3A_367, %erf3A_365 : vector<1024x64xf32>
    %mul3A_369 = arith.mulf %mul3A_361, %add3A_368 : vector<1024x64xf32>
    %get3A_370 = arith.constant 0 : index
    %get3A_371 = arith.constant 0 : index
    %get3A_372 = vector.load %arg7[%get3A_370, %get3A_371] : memref<64x128xf32, #tpu.memory_space<vmem>>, vector<64x128xf32>
    %dot_general3A_373 = arith.constant dense<0.000000e+00> : vector<1024x128xf32>
    %dot_general3A_374 = tpu.matmul %mul3A_369, %get3A_372, %dot_general3A_373 {dimension_numbers = #tpu.dot_dimension_numbers<[1], [0], [0], [1], [0, 0, 1, 1], [], []>, transpose_lhs_hint = false} : vector<1024x64xf32>, vector<64x128xf32>, vector<1024x128xf32> -> vector<1024x128xf32>
    %get3A_375 = arith.constant 7 : index
    %get3A_376 = arith.constant 0 : index
    %get3A_377 = arith.constant 0 : index
    %get3A_378 = arith.constant 0 : index
    %get3A_379 = vector.load %arg3[%get3A_375, %get3A_376, %get3A_377, %get3A_378] : memref<8x1x1024x128xf32, #tpu.memory_space<vmem>>, vector<1x1x1024x128xf32>
    %get3A_380 = vector.shape_cast %get3A_379 : vector<1x1x1024x128xf32> to vector<1024x128xf32>
    %add3A_381 = arith.addf %get3A_380, %dot_general3A_374 : vector<1024x128xf32>
    %get3A_382 = arith.constant 0 : index
    %get3A_383 = arith.constant 0 : index
    %get3A_384 = vector.load %arg8[%get3A_382, %get3A_383] : memref<1x128xf32, #tpu.memory_space<vmem>>, vector<1x128xf32>
    %add3A_385 = vector.broadcast %get3A_384 : vector<1x128xf32> to vector<1024x128xf32>
    %add3A_386 = arith.addf %add3A_381, %add3A_385 : vector<1024x128xf32>
    %swap3A_387 = arith.constant 7 : index
    %swap3A_388 = arith.constant 0 : index
    %swap3A_389 = arith.constant 0 : index
    %swap3A_390 = arith.constant 0 : index
    %swap3A_391 = vector.load %arg9[%swap3A_387, %swap3A_388, %swap3A_389, %swap3A_390] : memref<8x1x1024x128xf32, #tpu.memory_space<vmem>>, vector<1x1x1024x128xf32>
    %swap3A_392 = vector.shape_cast %swap3A_391 : vector<1x1x1024x128xf32> to vector<1024x128xf32>
    %swap3A_393 = vector.shape_cast %add3A_386 : vector<1024x128xf32> to vector<1x1x1024x128xf32>
    tpu.vector_store %arg9[%swap3A_387, %swap3A_388, %swap3A_389, %swap3A_390], %swap3A_393 {strides = array<i32>} : memref<8x1x1024x128xf32, #tpu.memory_space<vmem>>, vector<1x1x1024x128xf32>,
    return
  }
  func.func @transform_1(%arg0: i32, %arg1: i32) -> (i32, i32, i32, i32) {
    %c0_i32 = arith.constant 0 : i32
    %c0_i32_0 = arith.constant 0 : i32
    %c0_i32_1 = arith.constant 0 : i32
    return %arg0, %arg1, %c0_i32, %c0_i32_0 : i32, i32, i32, i32
  }
  func.func @transform_2(%arg0: i32, %arg1: i32) -> (i32, i32, i32) {
    %add3A = arith.constant 1 : i32
    %add3A_0 = arith.addi %add3A, %arg0 : i32
    %c0_i32 = arith.constant 0 : i32
    %c0_i32_1 = arith.constant 0 : i32
    return %c0_i32, %add3A_0, %arg1 : i32, i32, i32
  }
  func.func @transform_3(%arg0: i32, %arg1: i32) -> (i32, i32) {
    %c0_i32 = arith.constant 0 : i32
    %c0_i32_0 = arith.constant 0 : i32
    %c0_i32_1 = arith.constant 0 : i32
    return %c0_i32, %c0_i32_0 : i32, i32
  }
  func.func @transform_4(%arg0: i32, %arg1: i32) -> (i32, i32) {
    %c0_i32 = arith.constant 0 : i32
    %c0_i32_0 = arith.constant 0 : i32
    %c0_i32_1 = arith.constant 0 : i32
    return %c0_i32, %c0_i32_0 : i32, i32
  }
  func.func @transform_5(%arg0: i32, %arg1: i32) -> (i32, i32) {
    %c0_i32 = arith.constant 0 : i32
    %c0_i32_0 = arith.constant 0 : i32
    %c0_i32_1 = arith.constant 0 : i32
    return %c0_i32, %c0_i32_0 : i32, i32
  }
  func.func @transform_6(%arg0: i32, %arg1: i32) -> (i32, i32) {
    %c0_i32 = arith.constant 0 : i32
    %c0_i32_0 = arith.constant 0 : i32
    %c0_i32_1 = arith.constant 0 : i32
    return %c0_i32, %c0_i32_0 : i32, i32
  }
  func.func @transform_7(%arg0: i32, %arg1: i32) -> (i32, i32, i32, i32) {
    %add3A = arith.constant 1 : i32
    %add3A_0 = arith.addi %add3A, %arg0 : i32
    %c0_i32 = arith.constant 0 : i32
    %c0_i32_1 = arith.constant 0 : i32
    %c0_i32_2 = arith.constant 0 : i32
    return %add3A_0, %arg1, %c0_i32, %c0_i32_1 : i32, i32, i32, i32
  }
}

module attributes {stable_mosaic.version = 14 : i64} {
  func.func @body(%arg0: i32, %arg1: i32, %arg2: memref<50x4x1024x128xf32, #tpu.memory_space<any>>, %arg3: memref<8x1x1024x128xf32, #tpu.memory_space<vmem>>, %arg4: memref<10x8x1024xf32, #tpu.memory_space<vmem>>, %arg5: memref<10x64xf32, #tpu.memory_space<vmem>>, %arg6: memref<1x64xf32, #tpu.memory_space<vmem>>, %arg7: memref<64x128xf32, #tpu.memory_space<vmem>>, %arg8: memref<1x128xf32, #tpu.memory_space<vmem>>, %arg9: memref<8x1x1024x128xf32, #tpu.memory_space<vmem>>) attributes {dimension_semantics = [#tpu.dimension_semantics<arbitrary>, #tpu.dimension_semantics<arbitrary>], iteration_bounds = array<i64: 2, 4>, scalar_prefetch = 0 : i64, scratch_operands = 0 : i64, tpu.core_type = #tpu.core_type<tc>, window_params = [{}, {transform_indices = @transform_1, window_bounds = array<i64: 8, 1, 1024, 128>}, {transform_indices = @transform_2, window_bounds = array<i64: 10, 8, 1024>}, {pipeline_mode = #tpu.pipeline_mode<synchronous>, transform_indices = @transform_3, window_bounds = array<i64: 10, 64>}, {pipeline_mode = #tpu.pipeline_mode<synchronous>, transform_indices = @transform_4, window_bounds = array<i64: 1, 64>}, {pipeline_mode = #tpu.pipeline_mode<synchronous>, transform_indices = @transform_5, window_bounds = array<i64: 64, 128>}, {pipeline_mode = #tpu.pipeline_mode<synchronous>, transform_indices = @transform_6, window_bounds = array<i64: 1, 128>}, {transform_indices = @transform_7, window_bounds = array<i64: 8, 1, 1024, 128>}]} {
    %get3A = arith.constant 0 : index
    %get3A_0 = arith.constant 0 : index
    %get3A_1 = arith.constant 0 : index
    %get3A_2 = vector.load %arg4[%get3A, %get3A_0, %get3A_1] : memref<10x8x1024xf32, #tpu.memory_space<vmem>>, vector<10x1x1024xf32>
    %get3A_3 = vector.shape_cast %get3A_2 : vector<10x1x1024xf32> to vector<10x1024xf32>
    %get3A_4 = arith.constant 0 : index
    %get3A_5 = arith.constant 0 : index
    %get3A_6 = vector.load %arg5[%get3A_4, %get3A_5] : memref<10x64xf32, #tpu.memory_space<vmem>>, vector<10x64xf32>
    %dot_general3A = arith.constant dense<0.000000e+00> : vector<1024x64xf32>
    %dot_general3A_7 = tpu.matmul %get3A_3, %get3A_6, %dot_general3A {dimension_numbers = #tpu.dot_dimension_numbers<[0], [0], [1], [1], [0, 1, 1, 1], [], []>, transpose_lhs_hint = false} : vector<10x1024xf32>, vector<10x64xf32>, vector<1024x64xf32> -> vector<1024x64xf32>
    %get3A_8 = arith.constant 0 : index
    %get3A_9 = arith.constant 0 : index
    %get3A_10 = vector.load %arg6[%get3A_8, %get3A_9] : memref<1x64xf32, #tpu.memory_space<vmem>>, vector<1x64xf32>
    %add3A = vector.broadcast %get3A_10 : vector<1x64xf32> to vector<1024x64xf32>
    %add3A_11 = arith.addf %dot_general3A_7, %add3A : vector<1024x64xf32>
    %mul3A = arith.constant 5.000000e-01 : f32
    %mul3A_12 = vector.broadcast %mul3A : f32 to vector<1024x64xf32>
    %mul3A_13 = arith.mulf %mul3A_12, %add3A_11 : vector<1024x64xf32>
    %mul3A_14 = arith.constant 0.707106769 : f32
    %mul3A_15 = vector.broadcast %mul3A_14 : f32 to vector<1024x64xf32>
    %mul3A_16 = arith.mulf %add3A_11, %mul3A_15 : vector<1024x64xf32>
    %erf3A = math.erf %mul3A_16 : vector<1024x64xf32>
    %add3A_17 = arith.constant 1.000000e+00 : f32
    %add3A_18 = vector.broadcast %add3A_17 : f32 to vector<1024x64xf32>
    %add3A_19 = arith.addf %add3A_18, %erf3A : vector<1024x64xf32>
    %mul3A_20 = arith.mulf %mul3A_13, %add3A_19 : vector<1024x64xf32>
    %get3A_21 = arith.constant 0 : index
    %get3A_22 = arith.constant 0 : index
    %get3A_23 = vector.load %arg7[%get3A_21, %get3A_22] : memref<64x128xf32, #tpu.memory_space<vmem>>, vector<64x128xf32>
    %dot_general3A_24 = arith.constant dense<0.000000e+00> : vector<1024x128xf32>
    %dot_general3A_25 = tpu.matmul %mul3A_20, %get3A_23, %dot_general3A_24 {dimension_numbers = #tpu.dot_dimension_numbers<[1], [0], [0], [1], [0, 0, 1, 1], [], []>, transpose_lhs_hint = false} : vector<1024x64xf32>, vector<64x128xf32>, vector<1024x128xf32> -> vector<1024x128xf32>
    %get3A_26 = arith.constant 0 : index
    %get3A_27 = arith.constant 0 : index
    %get3A_28 = arith.constant 0 : index
    %get3A_29 = arith.constant 0 : index
    %get3A_30 = vector.load %arg3[%get3A_26, %get3A_27, %get3A_28, %get3A_29] : memref<8x1x1024x128xf32, #tpu.memory_space<vmem>>, vector<1x1x1024x128xf32>
    %get3A_31 = vector.shape_cast %get3A_30 : vector<1x1x1024x128xf32> to vector<1024x128xf32>
    %add3A_32 = arith.addf %get3A_31, %dot_general3A_25 : vector<1024x128xf32>
    %get3A_33 = arith.constant 0 : index
    %get3A_34 = arith.constant 0 : index
    %get3A_35 = vector.load %arg8[%get3A_33, %get3A_34] : memref<1x128xf32, #tpu.memory_space<vmem>>, vector<1x128xf32>
    %add3A_36 = vector.broadcast %get3A_35 : vector<1x128xf32> to vector<1024x128xf32>
    %add3A_37 = arith.addf %add3A_32, %add3A_36 : vector<1024x128xf32>
    %swap3A = arith.constant 0 : index
    %swap3A_38 = arith.constant 0 : index
    %swap3A_39 = arith.constant 0 : index
    %swap3A_40 = arith.constant 0 : index
    %swap3A_41 = vector.load %arg9[%swap3A, %swap3A_38, %swap3A_39, %swap3A_40] : memref<8x1x1024x128xf32, #tpu.memory_space<vmem>>, vector<1x1x1024x128xf32>
    %swap3A_42 = vector.shape_cast %swap3A_41 : vector<1x1x1024x128xf32> to vector<1024x128xf32>
    %swap3A_43 = vector.shape_cast %add3A_37 : vector<1024x128xf32> to vector<1x1x1024x128xf32>
    tpu.vector_store %arg9[%swap3A, %swap3A_38, %swap3A_39, %swap3A_40], %swap3A_43 {strides = array<i32>} : memref<8x1x1024x128xf32, #tpu.memory_space<vmem>>, vector<1x1x1024x128xf32>,
    %get3A_44 = arith.constant 0 : index
    %get3A_45 = arith.constant 1 : index
    %get3A_46 = arith.constant 0 : index
    %get3A_47 = vector.load %arg4[%get3A_44, %get3A_45, %get3A_46] : memref<10x8x1024xf32, #tpu.memory_space<vmem>>, vector<10x1x1024xf32>
    %get3A_48 = vector.shape_cast %get3A_47 : vector<10x1x1024xf32> to vector<10x1024xf32>
    %get3A_49 = arith.constant 0 : index
    %get3A_50 = arith.constant 0 : index
    %get3A_51 = vector.load %arg5[%get3A_49, %get3A_50] : memref<10x64xf32, #tpu.memory_space<vmem>>, vector<10x64xf32>
    %dot_general3A_52 = arith.constant dense<0.000000e+00> : vector<1024x64xf32>
    %dot_general3A_53 = tpu.matmul %get3A_48, %get3A_51, %dot_general3A_52 {dimension_numbers = #tpu.dot_dimension_numbers<[0], [0], [1], [1], [0, 1, 1, 1], [], []>, transpose_lhs_hint = false} : vector<10x1024xf32>, vector<10x64xf32>, vector<1024x64xf32> -> vector<1024x64xf32>
    %get3A_54 = arith.constant 0 : index
    %get3A_55 = arith.constant 0 : index
    %get3A_56 = vector.load %arg6[%get3A_54, %get3A_55] : memref<1x64xf32, #tpu.memory_space<vmem>>, vector<1x64xf32>
    %add3A_57 = vector.broadcast %get3A_56 : vector<1x64xf32> to vector<1024x64xf32>
    %add3A_58 = arith.addf %dot_general3A_53, %add3A_57 : vector<1024x64xf32>
    %mul3A_59 = arith.constant 5.000000e-01 : f32
    %mul3A_60 = vector.broadcast %mul3A_59 : f32 to vector<1024x64xf32>
    %mul3A_61 = arith.mulf %mul3A_60, %add3A_58 : vector<1024x64xf32>
    %mul3A_62 = arith.constant 0.707106769 : f32
    %mul3A_63 = vector.broadcast %mul3A_62 : f32 to vector<1024x64xf32>
    %mul3A_64 = arith.mulf %add3A_58, %mul3A_63 : vector<1024x64xf32>
    %erf3A_65 = math.erf %mul3A_64 : vector<1024x64xf32>
    %add3A_66 = arith.constant 1.000000e+00 : f32
    %add3A_67 = vector.broadcast %add3A_66 : f32 to vector<1024x64xf32>
    %add3A_68 = arith.addf %add3A_67, %erf3A_65 : vector<1024x64xf32>
    %mul3A_69 = arith.mulf %mul3A_61, %add3A_68 : vector<1024x64xf32>
    %get3A_70 = arith.constant 0 : index
    %get3A_71 = arith.constant 0 : index
    %get3A_72 = vector.load %arg7[%get3A_70, %get3A_71] : memref<64x128xf32, #tpu.memory_space<vmem>>, vector<64x128xf32>
    %dot_general3A_73 = arith.constant dense<0.000000e+00> : vector<1024x128xf32>
    %dot_general3A_74 = tpu.matmul %mul3A_69, %get3A_72, %dot_general3A_73 {dimension_numbers = #tpu.dot_dimension_numbers<[1], [0], [0], [1], [0, 0, 1, 1], [], []>, transpose_lhs_hint = false} : vector<1024x64xf32>, vector<64x128xf32>, vector<1024x128xf32> -> vector<1024x128xf32>
    %get3A_75 = arith.constant 1 : index
    %get3A_76 = arith.constant 0 : index
    %get3A_77 = arith.constant 0 : index
    %get3A_78 = arith.constant 0 : index
    %get3A_79 = vector.load %arg3[%get3A_75, %get3A_76, %get3A_77, %get3A_78] : memref<8x1x1024x128xf32, #tpu.memory_space<vmem>>, vector<1x1x1024x128xf32>
    %get3A_80 = vector.shape_cast %get3A_79 : vector<1x1x1024x128xf32> to vector<1024x128xf32>
    %add3A_81 = arith.addf %get3A_80, %dot_general3A_74 : vector<1024x128xf32>
    %get3A_82 = arith.constant 0 : index
    %get3A_83 = arith.constant 0 : index
    %get3A_84 = vector.load %arg8[%get3A_82, %get3A_83] : memref<1x128xf32, #tpu.memory_space<vmem>>, vector<1x128xf32>
    %add3A_85 = vector.broadcast %get3A_84 : vector<1x128xf32> to vector<1024x128xf32>
    %add3A_86 = arith.addf %add3A_81, %add3A_85 : vector<1024x128xf32>
    %swap3A_87 = arith.constant 1 : index
    %swap3A_88 = arith.constant 0 : index
    %swap3A_89 = arith.constant 0 : index
    %swap3A_90 = arith.constant 0 : index
    %swap3A_91 = vector.load %arg9[%swap3A_87, %swap3A_88, %swap3A_89, %swap3A_90] : memref<8x1x1024x128xf32, #tpu.memory_space<vmem>>, vector<1x1x1024x128xf32>
    %swap3A_92 = vector.shape_cast %swap3A_91 : vector<1x1x1024x128xf32> to vector<1024x128xf32>
    %swap3A_93 = vector.shape_cast %add3A_86 : vector<1024x128xf32> to vector<1x1x1024x128xf32>
    tpu.vector_store %arg9[%swap3A_87, %swap3A_88, %swap3A_89, %swap3A_90], %swap3A_93 {strides = array<i32>} : memref<8x1x1024x128xf32, #tpu.memory_space<vmem>>, vector<1x1x1024x128xf32>,
    %get3A_94 = arith.constant 0 : index
    %get3A_95 = arith.constant 2 : index
    %get3A_96 = arith.constant 0 : index
    %get3A_97 = vector.load %arg4[%get3A_94, %get3A_95, %get3A_96] : memref<10x8x1024xf32, #tpu.memory_space<vmem>>, vector<10x1x1024xf32>
    %get3A_98 = vector.shape_cast %get3A_97 : vector<10x1x1024xf32> to vector<10x1024xf32>
    %get3A_99 = arith.constant 0 : index
    %get3A_100 = arith.constant 0 : index
    %get3A_101 = vector.load %arg5[%get3A_99, %get3A_100] : memref<10x64xf32, #tpu.memory_space<vmem>>, vector<10x64xf32>
    %dot_general3A_102 = arith.constant dense<0.000000e+00> : vector<1024x64xf32>
    %dot_general3A_103 = tpu.matmul %get3A_98, %get3A_101, %dot_general3A_102 {dimension_numbers = #tpu.dot_dimension_numbers<[0], [0], [1], [1], [0, 1, 1, 1], [], []>, transpose_lhs_hint = false} : vector<10x1024xf32>, vector<10x64xf32>, vector<1024x64xf32> -> vector<1024x64xf32>
    %get3A_104 = arith.constant 0 : index
    %get3A_105 = arith.constant 0 : index
    %get3A_106 = vector.load %arg6[%get3A_104, %get3A_105] : memref<1x64xf32, #tpu.memory_space<vmem>>, vector<1x64xf32>
    %add3A_107 = vector.broadcast %get3A_106 : vector<1x64xf32> to vector<1024x64xf32>
    %add3A_108 = arith.addf %dot_general3A_103, %add3A_107 : vector<1024x64xf32>
    %mul3A_109 = arith.constant 5.000000e-01 : f32
    %mul3A_110 = vector.broadcast %mul3A_109 : f32 to vector<1024x64xf32>
    %mul3A_111 = arith.mulf %mul3A_110, %add3A_108 : vector<1024x64xf32>
    %mul3A_112 = arith.constant 0.707106769 : f32
    %mul3A_113 = vector.broadcast %mul3A_112 : f32 to vector<1024x64xf32>
    %mul3A_114 = arith.mulf %add3A_108, %mul3A_113 : vector<1024x64xf32>
    %erf3A_115 = math.erf %mul3A_114 : vector<1024x64xf32>
    %add3A_116 = arith.constant 1.000000e+00 : f32
    %add3A_117 = vector.broadcast %add3A_116 : f32 to vector<1024x64xf32>
    %add3A_118 = arith.addf %add3A_117, %erf3A_115 : vector<1024x64xf32>
    %mul3A_119 = arith.mulf %mul3A_111, %add3A_118 : vector<1024x64xf32>
    %get3A_120 = arith.constant 0 : index
    %get3A_121 = arith.constant 0 : index
    %get3A_122 = vector.load %arg7[%get3A_120, %get3A_121] : memref<64x128xf32, #tpu.memory_space<vmem>>, vector<64x128xf32>
    %dot_general3A_123 = arith.constant dense<0.000000e+00> : vector<1024x128xf32>
    %dot_general3A_124 = tpu.matmul %mul3A_119, %get3A_122, %dot_general3A_123 {dimension_numbers = #tpu.dot_dimension_numbers<[1], [0], [0], [1], [0, 0, 1, 1], [], []>, transpose_lhs_hint = false} : vector<1024x64xf32>, vector<64x128xf32>, vector<1024x128xf32> -> vector<1024x128xf32>
    %get3A_125 = arith.constant 2 : index
    %get3A_126 = arith.constant 0 : index
    %get3A_127 = arith.constant 0 : index
    %get3A_128 = arith.constant 0 : index
    %get3A_129 = vector.load %arg3[%get3A_125, %get3A_126, %get3A_127, %get3A_128] : memref<8x1x1024x128xf32, #tpu.memory_space<vmem>>, vector<1x1x1024x128xf32>
    %get3A_130 = vector.shape_cast %get3A_129 : vector<1x1x1024x128xf32> to vector<1024x128xf32>
    %add3A_131 = arith.addf %get3A_130, %dot_general3A_124 : vector<1024x128xf32>
    %get3A_132 = arith.constant 0 : index
    %get3A_133 = arith.constant 0 : index
    %get3A_134 = vector.load %arg8[%get3A_132, %get3A_133] : memref<1x128xf32, #tpu.memory_space<vmem>>, vector<1x128xf32>
    %add3A_135 = vector.broadcast %get3A_134 : vector<1x128xf32> to vector<1024x128xf32>
    %add3A_136 = arith.addf %add3A_131, %add3A_135 : vector<1024x128xf32>
    %swap3A_137 = arith.constant 2 : index
    %swap3A_138 = arith.constant 0 : index
    %swap3A_139 = arith.constant 0 : index
    %swap3A_140 = arith.constant 0 : index
    %swap3A_141 = vector.load %arg9[%swap3A_137, %swap3A_138, %swap3A_139, %swap3A_140] : memref<8x1x1024x128xf32, #tpu.memory_space<vmem>>, vector<1x1x1024x128xf32>
    %swap3A_142 = vector.shape_cast %swap3A_141 : vector<1x1x1024x128xf32> to vector<1024x128xf32>
    %swap3A_143 = vector.shape_cast %add3A_136 : vector<1024x128xf32> to vector<1x1x1024x128xf32>
    tpu.vector_store %arg9[%swap3A_137, %swap3A_138, %swap3A_139, %swap3A_140], %swap3A_143 {strides = array<i32>} : memref<8x1x1024x128xf32, #tpu.memory_space<vmem>>, vector<1x1x1024x128xf32>,
    %get3A_144 = arith.constant 0 : index
    %get3A_145 = arith.constant 3 : index
    %get3A_146 = arith.constant 0 : index
    %get3A_147 = vector.load %arg4[%get3A_144, %get3A_145, %get3A_146] : memref<10x8x1024xf32, #tpu.memory_space<vmem>>, vector<10x1x1024xf32>
    %get3A_148 = vector.shape_cast %get3A_147 : vector<10x1x1024xf32> to vector<10x1024xf32>
    %get3A_149 = arith.constant 0 : index
    %get3A_150 = arith.constant 0 : index
    %get3A_151 = vector.load %arg5[%get3A_149, %get3A_150] : memref<10x64xf32, #tpu.memory_space<vmem>>, vector<10x64xf32>
    %dot_general3A_152 = arith.constant dense<0.000000e+00> : vector<1024x64xf32>
    %dot_general3A_153 = tpu.matmul %get3A_148, %get3A_151, %dot_general3A_152 {dimension_numbers = #tpu.dot_dimension_numbers<[0], [0], [1], [1], [0, 1, 1, 1], [], []>, transpose_lhs_hint = false} : vector<10x1024xf32>, vector<10x64xf32>, vector<1024x64xf32> -> vector<1024x64xf32>
    %get3A_154 = arith.constant 0 : index
    %get3A_155 = arith.constant 0 : index
    %get3A_156 = vector.load %arg6[%get3A_154, %get3A_155] : memref<1x64xf32, #tpu.memory_space<vmem>>, vector<1x64xf32>
    %add3A_157 = vector.broadcast %get3A_156 : vector<1x64xf32> to vector<1024x64xf32>
    %add3A_158 = arith.addf %dot_general3A_153, %add3A_157 : vector<1024x64xf32>
    %mul3A_159 = arith.constant 5.000000e-01 : f32
    %mul3A_160 = vector.broadcast %mul3A_159 : f32 to vector<1024x64xf32>
    %mul3A_161 = arith.mulf %mul3A_160, %add3A_158 : vector<1024x64xf32>
    %mul3A_162 = arith.constant 0.707106769 : f32
    %mul3A_163 = vector.broadcast %mul3A_162 : f32 to vector<1024x64xf32>
    %mul3A_164 = arith.mulf %add3A_158, %mul3A_163 : vector<1024x64xf32>
    %erf3A_165 = math.erf %mul3A_164 : vector<1024x64xf32>
    %add3A_166 = arith.constant 1.000000e+00 : f32
    %add3A_167 = vector.broadcast %add3A_166 : f32 to vector<1024x64xf32>
    %add3A_168 = arith.addf %add3A_167, %erf3A_165 : vector<1024x64xf32>
    %mul3A_169 = arith.mulf %mul3A_161, %add3A_168 : vector<1024x64xf32>
    %get3A_170 = arith.constant 0 : index
    %get3A_171 = arith.constant 0 : index
    %get3A_172 = vector.load %arg7[%get3A_170, %get3A_171] : memref<64x128xf32, #tpu.memory_space<vmem>>, vector<64x128xf32>
    %dot_general3A_173 = arith.constant dense<0.000000e+00> : vector<1024x128xf32>
    %dot_general3A_174 = tpu.matmul %mul3A_169, %get3A_172, %dot_general3A_173 {dimension_numbers = #tpu.dot_dimension_numbers<[1], [0], [0], [1], [0, 0, 1, 1], [], []>, transpose_lhs_hint = false} : vector<1024x64xf32>, vector<64x128xf32>, vector<1024x128xf32> -> vector<1024x128xf32>
    %get3A_175 = arith.constant 3 : index
    %get3A_176 = arith.constant 0 : index
    %get3A_177 = arith.constant 0 : index
    %get3A_178 = arith.constant 0 : index
    %get3A_179 = vector.load %arg3[%get3A_175, %get3A_176, %get3A_177, %get3A_178] : memref<8x1x1024x128xf32, #tpu.memory_space<vmem>>, vector<1x1x1024x128xf32>
    %get3A_180 = vector.shape_cast %get3A_179 : vector<1x1x1024x128xf32> to vector<1024x128xf32>
    %add3A_181 = arith.addf %get3A_180, %dot_general3A_174 : vector<1024x128xf32>
    %get3A_182 = arith.constant 0 : index
    %get3A_183 = arith.constant 0 : index
    %get3A_184 = vector.load %arg8[%get3A_182, %get3A_183] : memref<1x128xf32, #tpu.memory_space<vmem>>, vector<1x128xf32>
    %add3A_185 = vector.broadcast %get3A_184 : vector<1x128xf32> to vector<1024x128xf32>
    %add3A_186 = arith.addf %add3A_181, %add3A_185 : vector<1024x128xf32>
    %swap3A_187 = arith.constant 3 : index
    %swap3A_188 = arith.constant 0 : index
    %swap3A_189 = arith.constant 0 : index
    %swap3A_190 = arith.constant 0 : index
    %swap3A_191 = vector.load %arg9[%swap3A_187, %swap3A_188, %swap3A_189, %swap3A_190] : memref<8x1x1024x128xf32, #tpu.memory_space<vmem>>, vector<1x1x1024x128xf32>
    %swap3A_192 = vector.shape_cast %swap3A_191 : vector<1x1x1024x128xf32> to vector<1024x128xf32>
    %swap3A_193 = vector.shape_cast %add3A_186 : vector<1024x128xf32> to vector<1x1x1024x128xf32>
    tpu.vector_store %arg9[%swap3A_187, %swap3A_188, %swap3A_189, %swap3A_190], %swap3A_193 {strides = array<i32>} : memref<8x1x1024x128xf32, #tpu.memory_space<vmem>>, vector<1x1x1024x128xf32>,
    %get3A_194 = arith.constant 0 : index
    %get3A_195 = arith.constant 4 : index
    %get3A_196 = arith.constant 0 : index
    %get3A_197 = vector.load %arg4[%get3A_194, %get3A_195, %get3A_196] : memref<10x8x1024xf32, #tpu.memory_space<vmem>>, vector<10x1x1024xf32>
    %get3A_198 = vector.shape_cast %get3A_197 : vector<10x1x1024xf32> to vector<10x1024xf32>
    %get3A_199 = arith.constant 0 : index
    %get3A_200 = arith.constant 0 : index
    %get3A_201 = vector.load %arg5[%get3A_199, %get3A_200] : memref<10x64xf32, #tpu.memory_space<vmem>>, vector<10x64xf32>
    %dot_general3A_202 = arith.constant dense<0.000000e+00> : vector<1024x64xf32>
    %dot_general3A_203 = tpu.matmul %get3A_198, %get3A_201, %dot_general3A_202 {dimension_numbers = #tpu.dot_dimension_numbers<[0], [0], [1], [1], [0, 1, 1, 1], [], []>, transpose_lhs_hint = false} : vector<10x1024xf32>, vector<10x64xf32>, vector<1024x64xf32> -> vector<1024x64xf32>
    %get3A_204 = arith.constant 0 : index
    %get3A_205 = arith.constant 0 : index
    %get3A_206 = vector.load %arg6[%get3A_204, %get3A_205] : memref<1x64xf32, #tpu.memory_space<vmem>>, vector<1x64xf32>
    %add3A_207 = vector.broadcast %get3A_206 : vector<1x64xf32> to vector<1024x64xf32>
    %add3A_208 = arith.addf %dot_general3A_203, %add3A_207 : vector<1024x64xf32>
    %mul3A_209 = arith.constant 5.000000e-01 : f32
    %mul3A_210 = vector.broadcast %mul3A_209 : f32 to vector<1024x64xf32>
    %mul3A_211 = arith.mulf %mul3A_210, %add3A_208 : vector<1024x64xf32>
    %mul3A_212 = arith.constant 0.707106769 : f32
    %mul3A_213 = vector.broadcast %mul3A_212 : f32 to vector<1024x64xf32>
    %mul3A_214 = arith.mulf %add3A_208, %mul3A_213 : vector<1024x64xf32>
    %erf3A_215 = math.erf %mul3A_214 : vector<1024x64xf32>
    %add3A_216 = arith.constant 1.000000e+00 : f32
    %add3A_217 = vector.broadcast %add3A_216 : f32 to vector<1024x64xf32>
    %add3A_218 = arith.addf %add3A_217, %erf3A_215 : vector<1024x64xf32>
    %mul3A_219 = arith.mulf %mul3A_211, %add3A_218 : vector<1024x64xf32>
    %get3A_220 = arith.constant 0 : index
    %get3A_221 = arith.constant 0 : index
    %get3A_222 = vector.load %arg7[%get3A_220, %get3A_221] : memref<64x128xf32, #tpu.memory_space<vmem>>, vector<64x128xf32>
    %dot_general3A_223 = arith.constant dense<0.000000e+00> : vector<1024x128xf32>
    %dot_general3A_224 = tpu.matmul %mul3A_219, %get3A_222, %dot_general3A_223 {dimension_numbers = #tpu.dot_dimension_numbers<[1], [0], [0], [1], [0, 0, 1, 1], [], []>, transpose_lhs_hint = false} : vector<1024x64xf32>, vector<64x128xf32>, vector<1024x128xf32> -> vector<1024x128xf32>
    %get3A_225 = arith.constant 4 : index
    %get3A_226 = arith.constant 0 : index
    %get3A_227 = arith.constant 0 : index
    %get3A_228 = arith.constant 0 : index
    %get3A_229 = vector.load %arg3[%get3A_225, %get3A_226, %get3A_227, %get3A_228] : memref<8x1x1024x128xf32, #tpu.memory_space<vmem>>, vector<1x1x1024x128xf32>
    %get3A_230 = vector.shape_cast %get3A_229 : vector<1x1x1024x128xf32> to vector<1024x128xf32>
    %add3A_231 = arith.addf %get3A_230, %dot_general3A_224 : vector<1024x128xf32>
    %get3A_232 = arith.constant 0 : index
    %get3A_233 = arith.constant 0 : index
    %get3A_234 = vector.load %arg8[%get3A_232, %get3A_233] : memref<1x128xf32, #tpu.memory_space<vmem>>, vector<1x128xf32>
    %add3A_235 = vector.broadcast %get3A_234 : vector<1x128xf32> to vector<1024x128xf32>
    %add3A_236 = arith.addf %add3A_231, %add3A_235 : vector<1024x128xf32>
    %swap3A_237 = arith.constant 4 : index
    %swap3A_238 = arith.constant 0 : index
    %swap3A_239 = arith.constant 0 : index
    %swap3A_240 = arith.constant 0 : index
    %swap3A_241 = vector.load %arg9[%swap3A_237, %swap3A_238, %swap3A_239, %swap3A_240] : memref<8x1x1024x128xf32, #tpu.memory_space<vmem>>, vector<1x1x1024x128xf32>
    %swap3A_242 = vector.shape_cast %swap3A_241 : vector<1x1x1024x128xf32> to vector<1024x128xf32>
    %swap3A_243 = vector.shape_cast %add3A_236 : vector<1024x128xf32> to vector<1x1x1024x128xf32>
    tpu.vector_store %arg9[%swap3A_237, %swap3A_238, %swap3A_239, %swap3A_240], %swap3A_243 {strides = array<i32>} : memref<8x1x1024x128xf32, #tpu.memory_space<vmem>>, vector<1x1x1024x128xf32>,
    %get3A_244 = arith.constant 0 : index
    %get3A_245 = arith.constant 5 : index
    %get3A_246 = arith.constant 0 : index
    %get3A_247 = vector.load %arg4[%get3A_244, %get3A_245, %get3A_246] : memref<10x8x1024xf32, #tpu.memory_space<vmem>>, vector<10x1x1024xf32>
    %get3A_248 = vector.shape_cast %get3A_247 : vector<10x1x1024xf32> to vector<10x1024xf32>
    %get3A_249 = arith.constant 0 : index
    %get3A_250 = arith.constant 0 : index
    %get3A_251 = vector.load %arg5[%get3A_249, %get3A_250] : memref<10x64xf32, #tpu.memory_space<vmem>>, vector<10x64xf32>
    %dot_general3A_252 = arith.constant dense<0.000000e+00> : vector<1024x64xf32>
    %dot_general3A_253 = tpu.matmul %get3A_248, %get3A_251, %dot_general3A_252 {dimension_numbers = #tpu.dot_dimension_numbers<[0], [0], [1], [1], [0, 1, 1, 1], [], []>, transpose_lhs_hint = false} : vector<10x1024xf32>, vector<10x64xf32>, vector<1024x64xf32> -> vector<1024x64xf32>
    %get3A_254 = arith.constant 0 : index
    %get3A_255 = arith.constant 0 : index
    %get3A_256 = vector.load %arg6[%get3A_254, %get3A_255] : memref<1x64xf32, #tpu.memory_space<vmem>>, vector<1x64xf32>
    %add3A_257 = vector.broadcast %get3A_256 : vector<1x64xf32> to vector<1024x64xf32>
    %add3A_258 = arith.addf %dot_general3A_253, %add3A_257 : vector<1024x64xf32>
    %mul3A_259 = arith.constant 5.000000e-01 : f32
    %mul3A_260 = vector.broadcast %mul3A_259 : f32 to vector<1024x64xf32>
    %mul3A_261 = arith.mulf %mul3A_260, %add3A_258 : vector<1024x64xf32>
    %mul3A_262 = arith.constant 0.707106769 : f32
    %mul3A_263 = vector.broadcast %mul3A_262 : f32 to vector<1024x64xf32>
    %mul3A_264 = arith.mulf %add3A_258, %mul3A_263 : vector<1024x64xf32>
    %erf3A_265 = math.erf %mul3A_264 : vector<1024x64xf32>
    %add3A_266 = arith.constant 1.000000e+00 : f32
    %add3A_267 = vector.broadcast %add3A_266 : f32 to vector<1024x64xf32>
    %add3A_268 = arith.addf %add3A_267, %erf3A_265 : vector<1024x64xf32>
    %mul3A_269 = arith.mulf %mul3A_261, %add3A_268 : vector<1024x64xf32>
    %get3A_270 = arith.constant 0 : index
    %get3A_271 = arith.constant 0 : index
    %get3A_272 = vector.load %arg7[%get3A_270, %get3A_271] : memref<64x128xf32, #tpu.memory_space<vmem>>, vector<64x128xf32>
    %dot_general3A_273 = arith.constant dense<0.000000e+00> : vector<1024x128xf32>
    %dot_general3A_274 = tpu.matmul %mul3A_269, %get3A_272, %dot_general3A_273 {dimension_numbers = #tpu.dot_dimension_numbers<[1], [0], [0], [1], [0, 0, 1, 1], [], []>, transpose_lhs_hint = false} : vector<1024x64xf32>, vector<64x128xf32>, vector<1024x128xf32> -> vector<1024x128xf32>
    %get3A_275 = arith.constant 5 : index
    %get3A_276 = arith.constant 0 : index
    %get3A_277 = arith.constant 0 : index
    %get3A_278 = arith.constant 0 : index
    %get3A_279 = vector.load %arg3[%get3A_275, %get3A_276, %get3A_277, %get3A_278] : memref<8x1x1024x128xf32, #tpu.memory_space<vmem>>, vector<1x1x1024x128xf32>
    %get3A_280 = vector.shape_cast %get3A_279 : vector<1x1x1024x128xf32> to vector<1024x128xf32>
    %add3A_281 = arith.addf %get3A_280, %dot_general3A_274 : vector<1024x128xf32>
    %get3A_282 = arith.constant 0 : index
    %get3A_283 = arith.constant 0 : index
    %get3A_284 = vector.load %arg8[%get3A_282, %get3A_283] : memref<1x128xf32, #tpu.memory_space<vmem>>, vector<1x128xf32>
    %add3A_285 = vector.broadcast %get3A_284 : vector<1x128xf32> to vector<1024x128xf32>
    %add3A_286 = arith.addf %add3A_281, %add3A_285 : vector<1024x128xf32>
    %swap3A_287 = arith.constant 5 : index
    %swap3A_288 = arith.constant 0 : index
    %swap3A_289 = arith.constant 0 : index
    %swap3A_290 = arith.constant 0 : index
    %swap3A_291 = vector.load %arg9[%swap3A_287, %swap3A_288, %swap3A_289, %swap3A_290] : memref<8x1x1024x128xf32, #tpu.memory_space<vmem>>, vector<1x1x1024x128xf32>
    %swap3A_292 = vector.shape_cast %swap3A_291 : vector<1x1x1024x128xf32> to vector<1024x128xf32>
    %swap3A_293 = vector.shape_cast %add3A_286 : vector<1024x128xf32> to vector<1x1x1024x128xf32>
    tpu.vector_store %arg9[%swap3A_287, %swap3A_288, %swap3A_289, %swap3A_290], %swap3A_293 {strides = array<i32>} : memref<8x1x1024x128xf32, #tpu.memory_space<vmem>>, vector<1x1x1024x128xf32>,
    %get3A_294 = arith.constant 0 : index
    %get3A_295 = arith.constant 6 : index
    %get3A_296 = arith.constant 0 : index
    %get3A_297 = vector.load %arg4[%get3A_294, %get3A_295, %get3A_296] : memref<10x8x1024xf32, #tpu.memory_space<vmem>>, vector<10x1x1024xf32>
    %get3A_298 = vector.shape_cast %get3A_297 : vector<10x1x1024xf32> to vector<10x1024xf32>
    %get3A_299 = arith.constant 0 : index
    %get3A_300 = arith.constant 0 : index
    %get3A_301 = vector.load %arg5[%get3A_299, %get3A_300] : memref<10x64xf32, #tpu.memory_space<vmem>>, vector<10x64xf32>
    %dot_general3A_302 = arith.constant dense<0.000000e+00> : vector<1024x64xf32>
    %dot_general3A_303 = tpu.matmul %get3A_298, %get3A_301, %dot_general3A_302 {dimension_numbers = #tpu.dot_dimension_numbers<[0], [0], [1], [1], [0, 1, 1, 1], [], []>, transpose_lhs_hint = false} : vector<10x1024xf32>, vector<10x64xf32>, vector<1024x64xf32> -> vector<1024x64xf32>
    %get3A_304 = arith.constant 0 : index
    %get3A_305 = arith.constant 0 : index
    %get3A_306 = vector.load %arg6[%get3A_304, %get3A_305] : memref<1x64xf32, #tpu.memory_space<vmem>>, vector<1x64xf32>
    %add3A_307 = vector.broadcast %get3A_306 : vector<1x64xf32> to vector<1024x64xf32>
    %add3A_308 = arith.addf %dot_general3A_303, %add3A_307 : vector<1024x64xf32>
    %mul3A_309 = arith.constant 5.000000e-01 : f32
    %mul3A_310 = vector.broadcast %mul3A_309 : f32 to vector<1024x64xf32>
    %mul3A_311 = arith.mulf %mul3A_310, %add3A_308 : vector<1024x64xf32>
    %mul3A_312 = arith.constant 0.707106769 : f32
    %mul3A_313 = vector.broadcast %mul3A_312 : f32 to vector<1024x64xf32>
    %mul3A_314 = arith.mulf %add3A_308, %mul3A_313 : vector<1024x64xf32>
    %erf3A_315 = math.erf %mul3A_314 : vector<1024x64xf32>
    %add3A_316 = arith.constant 1.000000e+00 : f32
    %add3A_317 = vector.broadcast %add3A_316 : f32 to vector<1024x64xf32>
    %add3A_318 = arith.addf %add3A_317, %erf3A_315 : vector<1024x64xf32>
    %mul3A_319 = arith.mulf %mul3A_311, %add3A_318 : vector<1024x64xf32>
    %get3A_320 = arith.constant 0 : index
    %get3A_321 = arith.constant 0 : index
    %get3A_322 = vector.load %arg7[%get3A_320, %get3A_321] : memref<64x128xf32, #tpu.memory_space<vmem>>, vector<64x128xf32>
    %dot_general3A_323 = arith.constant dense<0.000000e+00> : vector<1024x128xf32>
    %dot_general3A_324 = tpu.matmul %mul3A_319, %get3A_322, %dot_general3A_323 {dimension_numbers = #tpu.dot_dimension_numbers<[1], [0], [0], [1], [0, 0, 1, 1], [], []>, transpose_lhs_hint = false} : vector<1024x64xf32>, vector<64x128xf32>, vector<1024x128xf32> -> vector<1024x128xf32>
    %get3A_325 = arith.constant 6 : index
    %get3A_326 = arith.constant 0 : index
    %get3A_327 = arith.constant 0 : index
    %get3A_328 = arith.constant 0 : index
    %get3A_329 = vector.load %arg3[%get3A_325, %get3A_326, %get3A_327, %get3A_328] : memref<8x1x1024x128xf32, #tpu.memory_space<vmem>>, vector<1x1x1024x128xf32>
    %get3A_330 = vector.shape_cast %get3A_329 : vector<1x1x1024x128xf32> to vector<1024x128xf32>
    %add3A_331 = arith.addf %get3A_330, %dot_general3A_324 : vector<1024x128xf32>
    %get3A_332 = arith.constant 0 : index
    %get3A_333 = arith.constant 0 : index
    %get3A_334 = vector.load %arg8[%get3A_332, %get3A_333] : memref<1x128xf32, #tpu.memory_space<vmem>>, vector<1x128xf32>
    %add3A_335 = vector.broadcast %get3A_334 : vector<1x128xf32> to vector<1024x128xf32>
    %add3A_336 = arith.addf %add3A_331, %add3A_335 : vector<1024x128xf32>
    %swap3A_337 = arith.constant 6 : index
    %swap3A_338 = arith.constant 0 : index
    %swap3A_339 = arith.constant 0 : index
    %swap3A_340 = arith.constant 0 : index
    %swap3A_341 = vector.load %arg9[%swap3A_337, %swap3A_338, %swap3A_339, %swap3A_340] : memref<8x1x1024x128xf32, #tpu.memory_space<vmem>>, vector<1x1x1024x128xf32>
    %swap3A_342 = vector.shape_cast %swap3A_341 : vector<1x1x1024x128xf32> to vector<1024x128xf32>
    %swap3A_343 = vector.shape_cast %add3A_336 : vector<1024x128xf32> to vector<1x1x1024x128xf32>
    tpu.vector_store %arg9[%swap3A_337, %swap3A_338, %swap3A_339, %swap3A_340], %swap3A_343 {strides = array<i32>} : memref<8x1x1024x128xf32, #tpu.memory_space<vmem>>, vector<1x1x1024x128xf32>,
    %get3A_344 = arith.constant 0 : index
    %get3A_345 = arith.constant 7 : index
    %get3A_346 = arith.constant 0 : index
    %get3A_347 = vector.load %arg4[%get3A_344, %get3A_345, %get3A_346] : memref<10x8x1024xf32, #tpu.memory_space<vmem>>, vector<10x1x1024xf32>
    %get3A_348 = vector.shape_cast %get3A_347 : vector<10x1x1024xf32> to vector<10x1024xf32>
    %get3A_349 = arith.constant 0 : index
    %get3A_350 = arith.constant 0 : index
    %get3A_351 = vector.load %arg5[%get3A_349, %get3A_350] : memref<10x64xf32, #tpu.memory_space<vmem>>, vector<10x64xf32>
    %dot_general3A_352 = arith.constant dense<0.000000e+00> : vector<1024x64xf32>
    %dot_general3A_353 = tpu.matmul %get3A_348, %get3A_351, %dot_general3A_352 {dimension_numbers = #tpu.dot_dimension_numbers<[0], [0], [1], [1], [0, 1, 1, 1], [], []>, transpose_lhs_hint = false} : vector<10x1024xf32>, vector<10x64xf32>, vector<1024x64xf32> -> vector<1024x64xf32>
    %get3A_354 = arith.constant 0 : index
    %get3A_355 = arith.constant 0 : index
    %get3A_356 = vector.load %arg6[%get3A_354, %get3A_355] : memref<1x64xf32, #tpu.memory_space<vmem>>, vector<1x64xf32>
    %add3A_357 = vector.broadcast %get3A_356 : vector<1x64xf32> to vector<1024x64xf32>
    %add3A_358 = arith.addf %dot_general3A_353, %add3A_357 : vector<1024x64xf32>
    %mul3A_359 = arith.constant 5.000000e-01 : f32
    %mul3A_360 = vector.broadcast %mul3A_359 : f32 to vector<1024x64xf32>
    %mul3A_361 = arith.mulf %mul3A_360, %add3A_358 : vector<1024x64xf32>
    %mul3A_362 = arith.constant 0.707106769 : f32
    %mul3A_363 = vector.broadcast %mul3A_362 : f32 to vector<1024x64xf32>
    %mul3A_364 = arith.mulf %add3A_358, %mul3A_363 : vector<1024x64xf32>
    %erf3A_365 = math.erf %mul3A_364 : vector<1024x64xf32>
    %add3A_366 = arith.constant 1.000000e+00 : f32
    %add3A_367 = vector.broadcast %add3A_366 : f32 to vector<1024x64xf32>
    %add3A_368 = arith.addf %add3A_367, %erf3A_365 : vector<1024x64xf32>
    %mul3A_369 = arith.mulf %mul3A_361, %add3A_368 : vector<1024x64xf32>
    %get3A_370 = arith.constant 0 : index
    %get3A_371 = arith.constant 0 : index
    %get3A_372 = vector.load %arg7[%get3A_370, %get3A_371] : memref<64x128xf32, #tpu.memory_space<vmem>>, vector<64x128xf32>
    %dot_general3A_373 = arith.constant dense<0.000000e+00> : vector<1024x128xf32>
    %dot_general3A_374 = tpu.matmul %mul3A_369, %get3A_372, %dot_general3A_373 {dimension_numbers = #tpu.dot_dimension_numbers<[1], [0], [0], [1], [0, 0, 1, 1], [], []>, transpose_lhs_hint = false} : vector<1024x64xf32>, vector<64x128xf32>, vector<1024x128xf32> -> vector<1024x128xf32>
    %get3A_375 = arith.constant 7 : index
    %get3A_376 = arith.constant 0 : index
    %get3A_377 = arith.constant 0 : index
    %get3A_378 = arith.constant 0 : index
    %get3A_379 = vector.load %arg3[%get3A_375, %get3A_376, %get3A_377, %get3A_378] : memref<8x1x1024x128xf32, #tpu.memory_space<vmem>>, vector<1x1x1024x128xf32>
    %get3A_380 = vector.shape_cast %get3A_379 : vector<1x1x1024x128xf32> to vector<1024x128xf32>
    %add3A_381 = arith.addf %get3A_380, %dot_general3A_374 : vector<1024x128xf32>
    %get3A_382 = arith.constant 0 : index
    %get3A_383 = arith.constant 0 : index
    %get3A_384 = vector.load %arg8[%get3A_382, %get3A_383] : memref<1x128xf32, #tpu.memory_space<vmem>>, vector<1x128xf32>
    %add3A_385 = vector.broadcast %get3A_384 : vector<1x128xf32> to vector<1024x128xf32>
    %add3A_386 = arith.addf %add3A_381, %add3A_385 : vector<1024x128xf32>
    %swap3A_387 = arith.constant 7 : index
    %swap3A_388 = arith.constant 0 : index
    %swap3A_389 = arith.constant 0 : index
    %swap3A_390 = arith.constant 0 : index
    %swap3A_391 = vector.load %arg9[%swap3A_387, %swap3A_388, %swap3A_389, %swap3A_390] : memref<8x1x1024x128xf32, #tpu.memory_space<vmem>>, vector<1x1x1024x128xf32>
    %swap3A_392 = vector.shape_cast %swap3A_391 : vector<1x1x1024x128xf32> to vector<1024x128xf32>
    %swap3A_393 = vector.shape_cast %add3A_386 : vector<1024x128xf32> to vector<1x1x1024x128xf32>
    tpu.vector_store %arg9[%swap3A_387, %swap3A_388, %swap3A_389, %swap3A_390], %swap3A_393 {strides = array<i32>} : memref<8x1x1024x128xf32, #tpu.memory_space<vmem>>, vector<1x1x1024x128xf32>,
    return
  }
  func.func @transform_1(%arg0: i32, %arg1: i32) -> (i32, i32, i32, i32) {
    %c0_i32 = arith.constant 0 : i32
    %c0_i32_0 = arith.constant 0 : i32
    %c0_i32_1 = arith.constant 0 : i32
    return %arg0, %arg1, %c0_i32, %c0_i32_0 : i32, i32, i32, i32
  }
  func.func @transform_2(%arg0: i32, %arg1: i32) -> (i32, i32, i32) {
    %add3A = arith.constant 5 : i32
    %add3A_0 = arith.addi %add3A, %arg0 : i32
    %c0_i32 = arith.constant 0 : i32
    %c0_i32_1 = arith.constant 0 : i32
    return %c0_i32, %add3A_0, %arg1 : i32, i32, i32
  }
  func.func @transform_3(%arg0: i32, %arg1: i32) -> (i32, i32) {
    %c0_i32 = arith.constant 0 : i32
    %c0_i32_0 = arith.constant 0 : i32
    %c0_i32_1 = arith.constant 0 : i32
    return %c0_i32, %c0_i32_0 : i32, i32
  }
  func.func @transform_4(%arg0: i32, %arg1: i32) -> (i32, i32) {
    %c0_i32 = arith.constant 0 : i32
    %c0_i32_0 = arith.constant 0 : i32
    %c0_i32_1 = arith.constant 0 : i32
    return %c0_i32, %c0_i32_0 : i32, i32
  }
  func.func @transform_5(%arg0: i32, %arg1: i32) -> (i32, i32) {
    %c0_i32 = arith.constant 0 : i32
    %c0_i32_0 = arith.constant 0 : i32
    %c0_i32_1 = arith.constant 0 : i32
    return %c0_i32, %c0_i32_0 : i32, i32
  }
  func.func @transform_6(%arg0: i32, %arg1: i32) -> (i32, i32) {
    %c0_i32 = arith.constant 0 : i32
    %c0_i32_0 = arith.constant 0 : i32
    %c0_i32_1 = arith.constant 0 : i32
    return %c0_i32, %c0_i32_0 : i32, i32
  }
  func.func @transform_7(%arg0: i32, %arg1: i32) -> (i32, i32, i32, i32) {
    %add3A = arith.constant 5 : i32
    %add3A_0 = arith.addi %add3A, %arg0 : i32
    %c0_i32 = arith.constant 0 : i32
    %c0_i32_1 = arith.constant 0 : i32
    %c0_i32_2 = arith.constant 0 : i32
    return %add3A_0, %arg1, %c0_i32, %c0_i32_1 : i32, i32, i32, i32
  }
}

</mosaic_0001>

<sc_bundles>
// kernel: kernel.11.cloned.1.call-start
scs
__scs_entry_jumppad:
0x0: {  	(pc) =	sbr.rel $0x88, $3  }
0x1: {  	(tag) =	ssettag $0x0;
	lr =	simm.s32 $0x1  }
0x2: {  	[smem:$0x3F9A] =	sst lr;
	_ =	strace $0xD0000000  }
0x3: {  	_ = 	snop  }
0x4: {  	_ = 	snop  }
0x5: {  	_ = 	snop  }
0x6: {  	_ = 	snop  }
0x7: {  	_ = 	snop  }
__scs_overlays_trampoline_lowered:
0x8: {  	[smem:$0x3FA9] =	sst s0  }
0x9: {  	[smem:$0x3FAA] =	sst s1  }
0xa: {  	[smem:$0x3FAB] =	sst s2  }
0xb: {  	[smem:$0x3FAC] =	sst s3  }
0xc: {  	[smem:$0x3FAD] =	sst s4  }
0xd: {  	[smem:$0x3FAE] =	sst s5  }
0xe: {  	[smem:$0x3FAF] =	sst s6  }
0xf: {  	[smem:$0x3FB0] =	sst s7  }
0x10: {  	[smem:$0x3FB1] =	sst s8  }
0x11: {  	[smem:$0x3FB2] =	sst s9;
	s0 =	simm.s32 @!p0 $0x0  }
0x12: {  	s1 =	sld [smem:$0x3F98];
	s0 =	simm.s32 @p0 $0x1  }
0x13: {  	[smem:$0x3FB3] =	sst s0;
	s0 =	simm.s32 @!p1 $0x0  }
0x14: {  	s2 =	sld [smem:$0x3F97];
	s0 =	simm.s32 @p1 $0x1  }
0x15: {  	[smem:$0x3FB4] =	sst s0;
	s0 =	simm.s32 @!p2 $0x0  }
0x16: {  	s3 =	sld [smem:$0x3FDB];
	s0 =	simm.s32 @p2 $0x1  }
0x17: {  	s4 =	simm.s32 $0x1BF5;
	[smem:$0x3FB6] =	sst s0  }
0x18: {  	s0 =	sld [smem:$0x3F99];
	_ =	swait.ge [sflag:s4], $0x0  }
0x19: {  	s7 =	sld [smem:$0x3F9A]  }
0x1a: {  	s8 =	sadd.s32 $0xFFFFE003, lr  }
0x1b: {  	s9 =	sadd.s32 $0xFFFFFEF7, lr;
	s5 =	simm.s32 $0xFFFFFFFF;
	p2 =	slt.u32 s8, $0xFFFFF086  }
0x1c: {  	p1 =	slt.u32 s9, $0xF7A;
	s5 =	simm.s32 @!p2 $0x0  }
0x1d: {  	s5 =	simm.s32 @p1 $0x1;
	p0 =	seq.s32 s7, s2  }
0x1e: {  	s7 =	smul.u32 @!p0 $0xF7A, s2;
	p2 =	seq.s32 @!p0 s5, $0x0  }
0x1f: {  	s9 =	smul.u32 $0xF7A, s1;
	s8 =	simm.s32 @!p0 $0x1BF5;
	p2 =	por !p2, p0  }
0x20: {  	[sflag:s8] =	ssyncset.s32 @!p0 $0xFFFFF086;
	s6 =	sadd.s32 @!p0 s3, s7;
	s7 =	simm.s32 @!p0 $0x108  }
0x21: {  	s3 =	sadd.s32 s3, s9;
	s6 =	sadd.s32 @!p0 $0x88, s6;
	s7 =	simm.s32 @p2 $0x1082  }
0x22: {  	[simem:s7], [sflag:s8] =	dma.local @!p0 [hbm:s6], $0xF7A  }
0x23: {  	s9 =	sor.u32 $0xD0000000, s2;
	s6 =	simm.s32 $0x108;
	_ =	swait.ge @!p0 [sflag:s8], $0x0  }
0x24: {  	s3 =	sadd.s32 $0x88, s3;
	s6 =	simm.s32 @!p1 $0x1082;
	[sflag:s4] =	ssyncset.s32 $0xFFFFF086  }
0x25: {  	[simem:s6], [sflag:s4] =	dma.local [hbm:s3], $0xF7A  }
0x26: {  	[smem:$0x3F9A] =	sst s1;
	(tag) =	ssettag s2;
	_ =	strace s9  }
0x27: {  	s1 =	sld [smem:$0x3FAA]  }
0x28: {  	s2 =	sld [smem:$0x3FAB]  }
0x29: {  	s4 =	sld [smem:$0x3FAD]  }
0x2a: {  	p0 =	seq.s32 s5, $0x0;
	s5 =	sld [smem:$0x3FAE]  }
0x2b: {  	s6 =	sld [smem:$0x3FAF]  }
0x2c: {  	s7 =	sld [smem:$0x3FB0]  }
0x2d: {  	s3 =	simm.s32 $0x108;
	s8 =	sld [smem:$0x3FB1]  }
0x2e: {  	s3 =	simm.s32 @!p0 $0x1082;
	s9 =	sld [smem:$0x3FB2]  }
0x2f: {  	lr =	sadd.s32 s0, s3;
	s0 =	sld [smem:$0x3FA9]  }
0x30: {  	s3 =	sld [smem:$0x3FAC]  }
0x31: {  	[smem:$0x3FB5] =	sst s10  }
0x32: {  	s10 =	sld [smem:$0x3FB3];
	_ =	sdelay $0x3  }
0x33: {  	p0 =	seq.s32 s10, $0x1;
	s10 =	sld [smem:$0x3FB5];
	_ =	sdelay $0x3  }
0x34: {  	[smem:$0x3FB5] =	sst s10  }
0x35: {  	s10 =	sld [smem:$0x3FB4];
	_ =	sdelay $0x3  }
0x36: {  	p1 =	seq.s32 s10, $0x1;
	s10 =	sld [smem:$0x3FB5];
	_ =	sdelay $0x3  }
0x37: {  	[smem:$0x3FB5] =	sst s10  }
0x38: {  	s10 =	sld [smem:$0x3FB6]  }
0x39: {  	_ = 	snop;
	(pc) =	sbr.ind lr, $3  }
0x3a: {  	_ = 	snop  }
0x3b: {  	_ = 	snop  }
0x3c: {  	p2 =	seq.s32 s10, $0x1;
	s10 =	sld [smem:$0x3FB5]  }
0x3d: {  	_ =	shalt  }
0x3e: {  	_ =	shalt  }
0x3f: {  	_ =	shalt  }
0x40: {  	_ =	shalt  }
0x41: {  	_ =	shalt  }
0x42: {  	_ =	shalt  }
0x43: {  	_ =	shalt  }
0x44: {  	_ =	shalt  }
0x45: {  	_ =	shalt  }
0x46: {  	_ =	shalt  }
0x47: {  	_ =	shalt  }
0x48: {  	_ =	shalt  }
0x49: {  	_ =	shalt  }
0x4a: {  	_ =	shalt  }
0x4b: {  	_ =	shalt  }
0x4c: {  	_ =	shalt  }
0x4d: {  	_ =	shalt  }
0x4e: {  	_ =	shalt  }
0x4f: {  	_ =	shalt  }
0x50: {  	_ =	shalt  }
0x51: {  	_ =	shalt  }
0x52: {  	_ =	shalt  }
0x53: {  	_ =	shalt  }
0x54: {  	_ =	shalt  }
0x55: {  	_ =	shalt  }
0x56: {  	_ =	shalt  }
0x57: {  	_ =	shalt  }
0x58: {  	_ =	shalt  }
0x59: {  	_ =	shalt  }
0x5a: {  	_ =	shalt  }
0x5b: {  	_ =	shalt  }
0x5c: {  	_ =	shalt  }
0x5d: {  	_ =	shalt  }
0x5e: {  	_ =	shalt  }
0x5f: {  	_ =	shalt  }
0x60: {  	_ =	shalt  }
0x61: {  	_ =	shalt  }
0x62: {  	_ =	shalt  }
0x63: {  	_ =	shalt  }
0x64: {  	_ =	shalt  }
0x65: {  	_ =	shalt  }
0x66: {  	_ =	shalt  }
0x67: {  	_ =	shalt  }
0x68: {  	_ =	shalt  }
0x69: {  	_ =	shalt  }
0x6a: {  	_ =	shalt  }
0x6b: {  	_ =	shalt  }
0x6c: {  	_ =	shalt  }
0x6d: {  	_ =	shalt  }
0x6e: {  	_ =	shalt  }
0x6f: {  	_ =	shalt  }
0x70: {  	_ =	shalt  }
0x71: {  	_ =	shalt  }
0x72: {  	_ =	shalt  }
0x73: {  	_ =	shalt  }
0x74: {  	_ =	shalt  }
0x75: {  	_ =	shalt  }
0x76: {  	_ =	shalt  }
0x77: {  	_ =	shalt  }
0x78: {  	_ =	shalt  }
0x79: {  	_ =	shalt  }
0x7a: {  	_ =	shalt  }
0x7b: {  	_ =	shalt  }
0x7c: {  	_ =	shalt  }
0x7d: {  	_ =	shalt  }
0x7e: {  	_ =	shalt  }
0x7f: {  	_ =	shalt  }
0x80: {  	_ =	shalt  }
0x81: {  	_ =	shalt  }
0x82: {  	_ =	shalt  }
0x83: {  	_ =	shalt  }
0x84: {  	_ =	shalt  }
0x85: {  	_ =	shalt  }
0x86: {  	_ =	shalt  }
0x87: {  	_ =	shalt  }
.Lfunc_end0:
.L_simem_size_0:
called_computation_lowered:
.L_overlay_start_0:
0x88: {  	s2 =	sld [smem:$0x3FD9]  }
0x89: {  	s3 =	sld [smem:$0x3FFE];
	_ =	sdelay $0x1  }
0x8a: {  	s1 =	srdreg.scid  }
0x8b: {  	s0 =	sand.u32 $0x1, s1  }
0x8c: {  	s16 =	sshll.u32 s0, $0xA;
	s2 =	sadd.s32 s3, s2  }
0x8d: {  	s2 =	sadd.s32 s2, s16  }
0x8e: {  	[smem:$0x3FC1] =	sst s2  }
0x8f: {  	_ = 	snop  }
0x90: {  	(tm) =	ssettm $0x1  }
0x91: {  	s17 =	sld [smem:$0x3FFB];
	_ =	sdelay $0x3  }
0x92: {  	_ =	strace s17  }
0x93: {  	s2 =	sld [smem:$0x3FFC];
	_ =	sdelay $0x3  }
0x94: {  	_ =	strace s2  }
0x95: {  	s2 =	sld [smem:$0x3FFD];
	_ =	sdelay $0x3  }
0x96: {  	_ =	strace s2  }
0x97: {  	_ =	strace $0x8FFFFFFF  }
0x98: {  	s18 =	sld [smem:$0x3FDB];
	_ =	sdelay $0x1  }
0x99: {  	s19 =	simm.s32 $_scs_section_size  }
0x9a: {  	s4 =	simm.s32 $_size__tile_overlayer_lowered;
	s5 =	simm.s32 $_tile_overlayer_lowered  }
0x9b: {  	s22 =	simm.s32 $0x1BFF;
	s21 =	sshll.u32 s5, $0x1;
	s2 =	sadd.s32 s19, s18  }
0x9c: {  	s6 =	simm.s32 $0x0;
	s20 =	sshll.u32 s4, $0x1;
	s4 =	sadd.s32 s21, s2  }
0x9d: {  	[timem:s6], [sflag:s22] =	dma.local [hbm:s4], s20  }
0x9e: {  	_ =	swait.ge [sflag:s22], s20  }
0x9f: {  	s3 =	ssub.s32 $0x0, s20;
	[sflag:s22] =	ssyncset.done $0x0  }
0xa0: {  	[sflag:s22] =	ssyncadd.s32 s3;
	_ =	sdelay $0x1  }
0xa1: {  	s23 =	simm.s32 $0x1B8B  }
0xa2: {  	_ =	swait.ge [sflag:s23], $0x1  }
0xa3: {  	[sflag:s23] =	ssyncset.done $0x0  }
0xa4: {  	s25 =	simm.s32 $0x1B8E;
	s24 =	sld [smem:$0x3FFE];
	[sflag:s23] =	ssyncadd.s32 $0xFFFFFFFF  }
0xa5: {  	s26 =	simm.s32 $execute0_lowered;
	[smem:$0x3FD2] =	sst s25  }
0xa6: {  	s4 =	sshll.u32 s26, $0x1;
	_ =	strace $0x80000046;
	[dreg:$0x1] =	wrdreg $0xFFFFFFFF  }
0xa7: {  	s28 =	simm.s32 $_size_execute0_lowered;
	s2 =	sadd.s32 s2, s4;
	[dreg:$0x0] =	wrdreg $0x0  }
0xa8: {  	s4 =	sshll.u32 s28, $0x1;
	[dreg:$0x2] =	wrdreg s2  }
0xa9: {  	[dreg:$0x3] =	wrdreg s4  }
0xaa: {  	[dreg:$0x4] =	wrdreg $0xC0  }
0xab: {  	_ =	task [dreg:s6], $0x5FFFF  }
0xac: {  	[dreg:$0x1] =	wrdreg $0xFFFFFFFF  }
0xad: {  	[dreg:$0x0] =	wrdreg $0x60  }
0xae: {  	[dreg:$0x2] =	wrdreg s24  }
0xaf: {  	[dreg:$0x3] =	wrdreg $0x9  }
0xb0: {  	_ =	task.clear_ibuf [dreg:s6], $0x4FFFF;
	_ =	strace $0x90000046  }
0xb1: {  	s29 =	simm.s32 $0x9;
	_ =	strace $0x80000048  }
0xb2: {  	_ =	swait.ge [sflag:s29], $0x1  }
0xb3: {  	[sflag:s29] =	ssyncadd.s32 $0xFFFFFFFF  }
0xb4: {  	_ =	strace $0x90000048  }
0xb5: {  	_ =	sfence  }
0xb6: {  	s30 =	sld [smem:$0x0];
	_ =	sdelay $0x2  }
0xb7: {  	s31 =	sshll.u32 s1, $0xD;
	s1 =	sshrl.u32 s1, $0x2  }
0xb8: {  	s3 =	sand.u32 $0x4000, s31;
	s1 =	sadd.s32 s1, s30  }
0xb9: {  	s0 =	sor.u32 s3, s0;
	s1 =	sshll.u32 s1, $0x11  }
0xba: {  	s0 =	sor.u32 s1, s0  }
0xbb: {  	s0 =	sadd.s32 $0x8F2B, s0  }
0xbc: {  	[sflag:s0] =	ssyncadd.remote.s32 $0x1  }
0xbd: {  	_ =	sfence.sel $0xFFFF  }
0xbe: {  	[dreg:$0x0] =	wrdreg $0xFFFFFFFF;
	(pc) =	sbr.abs _section_cstart, $3  }
0xbf: {  	[dreg:$0x1] =	wrdreg $0xFFFFFFFF  }
0xc0: {  	_ =	task.clear_ibuf [dreg:s6], $0x2FFFF;
	_ =	strace $0x9FFFFFFF  }
0xc1: {  	(tm) =	ssettm $0x7FFFFFFF  }
tec
execute0_lowered:
.L_overlay_start_1:
0x0: {  	(tag) =	ssettag $0x1  }
0x1: {  	s1 =	srdreg.scid  }
0x2: {  	s0 =	stileid.u32;
	s25 =	sand.u32 $0x1, s1  }
0x3: {  	s31 =	sshll.u32 s0, $0xB;
	s2 =	sshll.u32 s25, $0xA  }
0x4: {  	s14 =	sor.u32 s2, s31  }
0x5: {  	s16 =	rddreg [dreg:$0x0];
	s2 =	simm.s32 $0x0;
	s3 =	sshrl.u32 s14, $0x3  }
0x6: {  	s4 =	simm.s32 $0x5;
	[smem:$0x7FF] =	sst s2;
	s3 =	sadd.s32 s3, s16  }
0x7: {  	s1 =	rddreg [dreg:$0x1];
	_ =	strace $0x80000047;
	s3 =	sadd.s32 $0x2C00, s3  }
0x8: {  	[tilespmem:s2], [sflag:$0x5] =	stream.linear.gather [hbm4b:s3+s2], $0x400, $0x38;
	[tilespmem:$0x18400] =	vst v63  }
0x9: {  	_ =	swait.ge [sflag:s4], $0x400  }
0xa: {  	s6 =	simm.s32 $0x80;
	[sflag:s4] =	ssyncset.done $0x0  }
0xb: {  	s7 =	simm.s32 $0x400;
	s5 =	sadd.s32 $0x3C00, s16;
	[sflag:s4] =	ssyncadd.s32 $0xFFFFFC00  }
0xc: {  	[tilespmem:s7], [sflag:$0x1] =	stream.indirect.gather [hbm4b:s5+s6], $0x80, s2, s6, $0xb8;
	[tilespmem:$0x18400] =	vst v63  }
0xd: {  	s8 =	simm.s32 $0x4400  }
0xe: {  	[tilespmem:s8], [sflag:$0x1] =	stream.indirect.gather [hbm4b:s5+s6], $0x80, s6, s6, $0xb8;
	[tilespmem:$0x18400] =	vst v63  }
0xf: {  	s9 =	simm.s32 $0x100;
	s10 =	simm.s32 $0x8400  }
0x10: {  	[tilespmem:s10], [sflag:$0x1] =	stream.indirect.gather [hbm4b:s5+s6], $0x80, s9, s6, $0xb8;
	[tilespmem:$0x18400] =	vst v63  }
0x11: {  	s11 =	simm.s32 $0x180;
	s12 =	simm.s32 $0xC400;
	s13 =	simm.s32 $0x1  }
0x12: {  	[tilespmem:s12], [sflag:$0x1] =	stream.indirect.gather [hbm4b:s5+s6], $0x80, s11, s6, $0xb8;
	[tilespmem:$0x18400] =	vst v63  }
0x13: {  	_ =	swait.ge [sflag:s13], $0x4000  }
0x14: {  	[sflag:s13] =	ssyncset.done $0x0  }
0x15: {  	[sflag:s13] =	ssyncadd.s32 $0xFFFFC000  }
0x16: {  	_ =	swait.ge [sflag:s13], $0x4000  }
0x17: {  	s15 =	simm.s32 $0x10400;
	[sflag:s13] =	ssyncset.done $0x0  }
0x18: {  	s17 =	sshll.u32 s14, $0x4;
	s14 =	simm.s32 $0x200;
	[sflag:s13] =	ssyncadd.s32 $0xFFFFC000  }
0x19: {  	[tilespmem:s15], [sflag:$0x1] =	stream.indirect.gather [hbm4b:s5+s6], $0x80, s14, s6, $0xb8;
	[tilespmem:$0x18400] =	vst v63  }
0x1a: {  	s24 =	sadd.s32 s17, s16;
	s16 =	simm.s32 $0x280;
	s17 =	simm.s32 $0x14400  }
0x1b: {  	[tilespmem:s17], [sflag:$0x1] =	stream.indirect.gather [hbm4b:s5+s6], $0x80, s16, s6, $0xb8;
	[tilespmem:$0x18400] =	vst v63  }
0x1c: {  	s18 =	sadd.s32 $0x18A600, s24  }
0x1d: {  	[hbm4b:s18+s2] =	stream.linear.scatter [tilespmem:s7], [sflag:$0x2], $0x8000, $0x38;
	[tilespmem:$0x18400] =	vst v63  }
0x1e: {  	_ =	swait.ge [sflag:s13], $0x4000  }
0x1f: {  	[sflag:s13] =	ssyncset.done $0x0  }
0x20: {  	[sflag:s13] =	ssyncadd.s32 $0xFFFFC000  }
0x21: {  	_ =	swait.ge [sflag:s13], $0x4000  }
0x22: {  	[sflag:s13] =	ssyncset.done $0x0  }
0x23: {  	s19 =	simm.s32 $0x2;
	[sflag:s13] =	ssyncadd.s32 $0xFFFFC000  }
0x24: {  	_ =	swait.ge [sflag:s19], $0x8000  }
0x25: {  	[sflag:s19] =	ssyncset.done $0x0  }
0x26: {  	s20 =	simm.s32 $0x300;
	[sflag:s19] =	ssyncadd.s32 $0xFFFF8000  }
0x27: {  	[tilespmem:s7], [sflag:$0x1] =	stream.indirect.gather [hbm4b:s5+s6], $0x80, s20, s6, $0xb8;
	[tilespmem:$0x18400] =	vst v63  }
0x28: {  	s21 =	simm.s32 $0x380  }
0x29: {  	[tilespmem:s8], [sflag:$0x1] =	stream.indirect.gather [hbm4b:s5+s6], $0x80, s21, s6, $0xb8;
	[tilespmem:$0x18400] =	vst v63  }
0x2a: {  	s22 =	sadd.s32 $0x18B600, s24  }
0x2b: {  	[hbm4b:s22+s2] =	stream.linear.scatter [tilespmem:s10], [sflag:$0x3], $0x8000, $0x38;
	[tilespmem:$0x18400] =	vst v63  }
0x2c: {  	_ =	swait.ge [sflag:s13], $0x4000  }
0x2d: {  	[sflag:s13] =	ssyncset.done $0x0  }
0x2e: {  	[sflag:s13] =	ssyncadd.s32 $0xFFFFC000  }
0x2f: {  	_ =	swait.ge [sflag:s13], $0x4000  }
0x30: {  	[sflag:s13] =	ssyncset.done $0x0  }
0x31: {  	s23 =	sadd.s32 $0x18C600, s24;
	[sflag:s13] =	ssyncadd.s32 $0xFFFFC000  }
0x32: {  	[hbm4b:s23+s2] =	stream.linear.scatter [tilespmem:s15], [sflag:$0x4], $0x8000, $0x38;
	[tilespmem:$0x18400] =	vst v63  }
0x33: {  	_ =	swait.ge [sflag:s13], $0x4000  }
0x34: {  	[sflag:s13] =	ssyncset.done $0x0  }
0x35: {  	[sflag:s13] =	ssyncadd.s32 $0xFFFFC000  }
0x36: {  	_ =	swait.ge [sflag:s13], $0x4000  }
0x37: {  	s26 =	ssub.s32 $0x2, s25;
	[sflag:s13] =	ssyncset.done $0x0  }
0x38: {  	s28 =	sshrl.u32 s26, $0x1;
	s24 =	sadd.s32 $0x18D600, s24;
	[sflag:s13] =	ssyncadd.s32 $0xFFFFC000  }
0x39: {  	[hbm4b:s24+s2] =	stream.linear.scatter [tilespmem:s7], [sflag:$0x2], $0x8000, $0x38;
	[tilespmem:$0x18400] =	vst v63  }
0x3a: {  	s26 =	ssub.s32 s26, s28;
	_ =	swait.ge [sflag:s19], $0x8000  }
0x3b: {  	s28 =	smax.u32 s26, $0x1;
	[sflag:s19] =	ssyncset.done $0x0  }
0x3c: {  	s25 =	simm.s32 $0x3;
	p0 =	sne.s32 s28, $0x1;
	[sflag:s19] =	ssyncadd.s32 $0xFFFF8000  }
.Ltmp0:
0x3d: {  	_ =	swait.ge [sflag:s25], $0x8000;
	(pc) =	sbr.rel @!p0 .LBB2_2-.Ltmp0, $4  }
0x3e: {  	[sflag:s25] =	ssyncset.done $0x0  }
0x3f: {  	s26 =	simm.s32 $0x4;
	[sflag:s25] =	ssyncadd.s32 $0xFFFF8000  }
0x40: {  	_ =	swait.ge [sflag:s26], $0x8000  }
0x41: {  	s28 =	sadd.s32 $0xFFFFFFFF, s28;
	[sflag:s26] =	ssyncset.done $0x0  }
.LBB2_1:
0x42: {  	p0 =	sne.s32 s28, $0x1;
	s28 =	sadd.s32 $0xFFFFFFFF, s28;
	[sflag:s26] =	ssyncadd.s32 $0xFFFF8000  }
0x43: {  	[tilespmem:s2], [sflag:$0x5] =	stream.linear.gather [hbm4b:s3+s2], $0x400, $0x38;
	[tilespmem:$0x18400] =	vst v63  }
0x44: {  	_ =	swait.ge [sflag:s4], $0x400  }
0x45: {  	[sflag:s4] =	ssyncset.done $0x0  }
0x46: {  	[sflag:s4] =	ssyncadd.s32 $0xFFFFFC00  }
0x47: {  	[tilespmem:s7], [sflag:$0x1] =	stream.indirect.gather [hbm4b:s5+s6], $0x80, s2, s6, $0xb8;
	[tilespmem:$0x18400] =	vst v63  }
0x48: {  	_ = 	snop  }
0x49: {  	[tilespmem:s8], [sflag:$0x1] =	stream.indirect.gather [hbm4b:s5+s6], $0x80, s6, s6, $0xb8;
	[tilespmem:$0x18400] =	vst v63  }
0x4a: {  	_ = 	snop  }
0x4b: {  	[tilespmem:s10], [sflag:$0x1] =	stream.indirect.gather [hbm4b:s5+s6], $0x80, s9, s6, $0xb8;
	[tilespmem:$0x18400] =	vst v63  }
0x4c: {  	_ = 	snop  }
0x4d: {  	[tilespmem:s12], [sflag:$0x1] =	stream.indirect.gather [hbm4b:s5+s6], $0x80, s11, s6, $0xb8;
	[tilespmem:$0x18400] =	vst v63  }
0x4e: {  	_ =	swait.ge [sflag:s13], $0x4000  }
0x4f: {  	[sflag:s13] =	ssyncset.done $0x0  }
0x50: {  	[sflag:s13] =	ssyncadd.s32 $0xFFFFC000  }
0x51: {  	_ =	swait.ge [sflag:s13], $0x4000  }
0x52: {  	[sflag:s13] =	ssyncset.done $0x0  }
0x53: {  	[sflag:s13] =	ssyncadd.s32 $0xFFFFC000  }
0x54: {  	[tilespmem:s15], [sflag:$0x1] =	stream.indirect.gather [hbm4b:s5+s6], $0x80, s14, s6, $0xb8;
	[tilespmem:$0x18400] =	vst v63  }
0x55: {  	_ = 	snop  }
0x56: {  	[tilespmem:s17], [sflag:$0x1] =	stream.indirect.gather [hbm4b:s5+s6], $0x80, s16, s6, $0xb8;
	[tilespmem:$0x18400] =	vst v63  }
0x57: {  	_ = 	snop  }
0x58: {  	[hbm4b:s18+s2] =	stream.linear.scatter [tilespmem:s7], [sflag:$0x2], $0x8000, $0x38;
	[tilespmem:$0x18400] =	vst v63  }
0x59: {  	_ =	swait.ge [sflag:s13], $0x4000  }
0x5a: {  	[sflag:s13] =	ssyncset.done $0x0  }
0x5b: {  	[sflag:s13] =	ssyncadd.s32 $0xFFFFC000  }
0x5c: {  	_ =	swait.ge [sflag:s13], $0x4000  }
0x5d: {  	[sflag:s13] =	ssyncset.done $0x0  }
0x5e: {  	[sflag:s13] =	ssyncadd.s32 $0xFFFFC000  }
0x5f: {  	_ =	swait.ge [sflag:s19], $0x8000  }
0x60: {  	[sflag:s19] =	ssyncset.done $0x0  }
0x61: {  	[sflag:s19] =	ssyncadd.s32 $0xFFFF8000  }
0x62: {  	[tilespmem:s7], [sflag:$0x1] =	stream.indirect.gather [hbm4b:s5+s6], $0x80, s20, s6, $0xb8;
	[tilespmem:$0x18400] =	vst v63  }
0x63: {  	_ = 	snop  }
0x64: {  	[tilespmem:s8], [sflag:$0x1] =	stream.indirect.gather [hbm4b:s5+s6], $0x80, s21, s6, $0xb8;
	[tilespmem:$0x18400] =	vst v63  }
0x65: {  	_ = 	snop  }
0x66: {  	[hbm4b:s22+s2] =	stream.linear.scatter [tilespmem:s10], [sflag:$0x3], $0x8000, $0x38;
	[tilespmem:$0x18400] =	vst v63  }
0x67: {  	_ =	swait.ge [sflag:s13], $0x4000  }
0x68: {  	[sflag:s13] =	ssyncset.done $0x0  }
0x69: {  	[sflag:s13] =	ssyncadd.s32 $0xFFFFC000  }
0x6a: {  	_ =	swait.ge [sflag:s13], $0x4000  }
0x6b: {  	[sflag:s13] =	ssyncset.done $0x0  }
0x6c: {  	[sflag:s13] =	ssyncadd.s32 $0xFFFFC000  }
0x6d: {  	[hbm4b:s23+s2] =	stream.linear.scatter [tilespmem:s15], [sflag:$0x4], $0x8000, $0x38;
	[tilespmem:$0x18400] =	vst v63  }
0x6e: {  	_ =	swait.ge [sflag:s13], $0x4000  }
0x6f: {  	[sflag:s13] =	ssyncset.done $0x0  }
0x70: {  	[sflag:s13] =	ssyncadd.s32 $0xFFFFC000  }
0x71: {  	_ =	swait.ge [sflag:s13], $0x4000  }
0x72: {  	[sflag:s13] =	ssyncset.done $0x0  }
0x73: {  	[sflag:s13] =	ssyncadd.s32 $0xFFFFC000  }
0x74: {  	[hbm4b:s24+s2] =	stream.linear.scatter [tilespmem:s7], [sflag:$0x2], $0x8000, $0x38;
	[tilespmem:$0x18400] =	vst v63  }
0x75: {  	_ =	swait.ge [sflag:s19], $0x8000  }
0x76: {  	[sflag:s19] =	ssyncset.done $0x0  }
0x77: {  	[sflag:s19] =	ssyncadd.s32 $0xFFFF8000  }
.Ltmp1:
0x78: {  	_ =	swait.ge [sflag:s25], $0x8000;
	(pc) =	sbr.rel @p0 .LBB2_1-.Ltmp1, $4  }
0x79: {  	[sflag:s25] =	ssyncset.done $0x0  }
0x7a: {  	[sflag:s25] =	ssyncadd.s32 $0xFFFF8000  }
0x7b: {  	_ =	swait.ge [sflag:s26], $0x8000  }
0x7c: {  	[sflag:s26] =	ssyncset.done $0x0  }
.LBB2_2:
0x7d: {  	[sflag:s26] =	ssyncadd.s32 $0xFFFF8000  }
0x7e: {  	_ =	sfence.sel $0x180000  }
0x7f: {  	[bflag:$0x0] =	sbarrier.arrive $0xFFFF  }
0x80: {  	p0 =	sne.s32 s0, $0x0;
	_ =	strace $0x90000047  }
0x81: {  	s0 =	sadd.s32 @!p0 $0x100000, s1;
	[bflag:$0x2] =	sbarrier.arrive $0xFFFF  }
0x82: {  	[sflag:s0] =	ssyncadd.tile.s32 @!p0 $0x1;
	_ =	shalt  }
.Lfunc_end2:
_tile_overlayer_lowered:
.L_overlay_start_2:
0x83: {  	(tag) =	ssettag $0x2  }
0x84: {  	s0 =	rddreg [dreg:$0x0];
	s2 =	stileid.u32  }
0x85: {  	s1 =	rddreg [dreg:$0x1];
	p0 =	sne.s32 s2, $0x0  }
0x86: {  	s3 =	rddreg [dreg:$0x2];
	[bflag:$0x3] =	sbarrier.arrive $0xFFFF;
	s2 =	simm.s32 @!p0 $0x1C05  }
0x87: {  	[timem:s3], [sflag:s2] =	dma.local @!p0 [hbm:s0], s1  }
0x88: {  	s0 =	simm.s32 @!p0 $0x5  }
0x89: {  	_ =	swait.ge @!p0 [sflag:s0], s1  }
0x8a: {  	s1 =	ssub.s32 @!p0 $0x0, s1;
	[sflag:s0] =	ssyncset.done @!p0 $0x0  }
0x8b: {  	[sflag:s0] =	ssyncadd.s32 @!p0 s1  }
0x8c: {  	[bflag:$0x3] =	sbarrier.arrive $0xFFFF  }
0x8d: {  	_ =	shalt  }

// kernel: kernel.14.cloned.1.call-start
scs
__scs_entry_jumppad:
0x0: {  	(pc) =	sbr.rel $0x88, $3  }
0x1: {  	(tag) =	ssettag $0x0;
	lr =	simm.s32 $0x1  }
0x2: {  	[smem:$0x3F9A] =	sst lr;
	_ =	strace $0xD0000000  }
0x3: {  	_ = 	snop  }
0x4: {  	_ = 	snop  }
0x5: {  	_ = 	snop  }
0x6: {  	_ = 	snop  }
0x7: {  	_ = 	snop  }
__scs_overlays_trampoline_lowered:
0x8: {  	[smem:$0x3FA9] =	sst s0  }
0x9: {  	[smem:$0x3FAA] =	sst s1  }
0xa: {  	[smem:$0x3FAB] =	sst s2  }
0xb: {  	[smem:$0x3FAC] =	sst s3  }
0xc: {  	[smem:$0x3FAD] =	sst s4  }
0xd: {  	[smem:$0x3FAE] =	sst s5  }
0xe: {  	[smem:$0x3FAF] =	sst s6  }
0xf: {  	[smem:$0x3FB0] =	sst s7  }
0x10: {  	[smem:$0x3FB1] =	sst s8  }
0x11: {  	[smem:$0x3FB2] =	sst s9;
	s0 =	simm.s32 @!p0 $0x0  }
0x12: {  	s1 =	sld [smem:$0x3F98];
	s0 =	simm.s32 @p0 $0x1  }
0x13: {  	[smem:$0x3FB3] =	sst s0;
	s0 =	simm.s32 @!p1 $0x0  }
0x14: {  	s2 =	sld [smem:$0x3F97];
	s0 =	simm.s32 @p1 $0x1  }
0x15: {  	[smem:$0x3FB4] =	sst s0;
	s0 =	simm.s32 @!p2 $0x0  }
0x16: {  	s3 =	sld [smem:$0x3FDB];
	s0 =	simm.s32 @p2 $0x1  }
0x17: {  	s4 =	simm.s32 $0x1BF5;
	[smem:$0x3FB6] =	sst s0  }
0x18: {  	s0 =	sld [smem:$0x3F99];
	_ =	swait.ge [sflag:s4], $0x0  }
0x19: {  	s7 =	sld [smem:$0x3F9A]  }
0x1a: {  	s8 =	sadd.s32 $0xFFFFE003, lr  }
0x1b: {  	s9 =	sadd.s32 $0xFFFFFEF7, lr;
	s5 =	simm.s32 $0xFFFFFFFF;
	p2 =	slt.u32 s8, $0xFFFFF086  }
0x1c: {  	p1 =	slt.u32 s9, $0xF7A;
	s5 =	simm.s32 @!p2 $0x0  }
0x1d: {  	s5 =	simm.s32 @p1 $0x1;
	p0 =	seq.s32 s7, s2  }
0x1e: {  	s7 =	smul.u32 @!p0 $0xF7A, s2;
	p2 =	seq.s32 @!p0 s5, $0x0  }
0x1f: {  	s9 =	smul.u32 $0xF7A, s1;
	s8 =	simm.s32 @!p0 $0x1BF5;
	p2 =	por !p2, p0  }
0x20: {  	[sflag:s8] =	ssyncset.s32 @!p0 $0xFFFFF086;
	s6 =	sadd.s32 @!p0 s3, s7;
	s7 =	simm.s32 @!p0 $0x108  }
0x21: {  	s3 =	sadd.s32 s3, s9;
	s6 =	sadd.s32 @!p0 $0x88, s6;
	s7 =	simm.s32 @p2 $0x1082  }
0x22: {  	[simem:s7], [sflag:s8] =	dma.local @!p0 [hbm:s6], $0xF7A  }
0x23: {  	s9 =	sor.u32 $0xD0000000, s2;
	s6 =	simm.s32 $0x108;
	_ =	swait.ge @!p0 [sflag:s8], $0x0  }
0x24: {  	s3 =	sadd.s32 $0x88, s3;
	s6 =	simm.s32 @!p1 $0x1082;
	[sflag:s4] =	ssyncset.s32 $0xFFFFF086  }
0x25: {  	[simem:s6], [sflag:s4] =	dma.local [hbm:s3], $0xF7A  }
0x26: {  	[smem:$0x3F9A] =	sst s1;
	(tag) =	ssettag s2;
	_ =	strace s9  }
0x27: {  	s1 =	sld [smem:$0x3FAA]  }
0x28: {  	s2 =	sld [smem:$0x3FAB]  }
0x29: {  	s4 =	sld [smem:$0x3FAD]  }
0x2a: {  	p0 =	seq.s32 s5, $0x0;
	s5 =	sld [smem:$0x3FAE]  }
0x2b: {  	s6 =	sld [smem:$0x3FAF]  }
0x2c: {  	s7 =	sld [smem:$0x3FB0]  }
0x2d: {  	s3 =	simm.s32 $0x108;
	s8 =	sld [smem:$0x3FB1]  }
0x2e: {  	s3 =	simm.s32 @!p0 $0x1082;
	s9 =	sld [smem:$0x3FB2]  }
0x2f: {  	lr =	sadd.s32 s0, s3;
	s0 =	sld [smem:$0x3FA9]  }
0x30: {  	s3 =	sld [smem:$0x3FAC]  }
0x31: {  	[smem:$0x3FB5] =	sst s10  }
0x32: {  	s10 =	sld [smem:$0x3FB3];
	_ =	sdelay $0x3  }
0x33: {  	p0 =	seq.s32 s10, $0x1;
	s10 =	sld [smem:$0x3FB5];
	_ =	sdelay $0x3  }
0x34: {  	[smem:$0x3FB5] =	sst s10  }
0x35: {  	s10 =	sld [smem:$0x3FB4];
	_ =	sdelay $0x3  }
0x36: {  	p1 =	seq.s32 s10, $0x1;
	s10 =	sld [smem:$0x3FB5];
	_ =	sdelay $0x3  }
0x37: {  	[smem:$0x3FB5] =	sst s10  }
0x38: {  	s10 =	sld [smem:$0x3FB6]  }
0x39: {  	_ = 	snop;
	(pc) =	sbr.ind lr, $3  }
0x3a: {  	_ = 	snop  }
0x3b: {  	_ = 	snop  }
0x3c: {  	p2 =	seq.s32 s10, $0x1;
	s10 =	sld [smem:$0x3FB5]  }
0x3d: {  	_ =	shalt  }
0x3e: {  	_ =	shalt  }
0x3f: {  	_ =	shalt  }
0x40: {  	_ =	shalt  }
0x41: {  	_ =	shalt  }
0x42: {  	_ =	shalt  }
0x43: {  	_ =	shalt  }
0x44: {  	_ =	shalt  }
0x45: {  	_ =	shalt  }
0x46: {  	_ =	shalt  }
0x47: {  	_ =	shalt  }
0x48: {  	_ =	shalt  }
0x49: {  	_ =	shalt  }
0x4a: {  	_ =	shalt  }
0x4b: {  	_ =	shalt  }
0x4c: {  	_ =	shalt  }
0x4d: {  	_ =	shalt  }
0x4e: {  	_ =	shalt  }
0x4f: {  	_ =	shalt  }
0x50: {  	_ =	shalt  }
0x51: {  	_ =	shalt  }
0x52: {  	_ =	shalt  }
0x53: {  	_ =	shalt  }
0x54: {  	_ =	shalt  }
0x55: {  	_ =	shalt  }
0x56: {  	_ =	shalt  }
0x57: {  	_ =	shalt  }
0x58: {  	_ =	shalt  }
0x59: {  	_ =	shalt  }
0x5a: {  	_ =	shalt  }
0x5b: {  	_ =	shalt  }
0x5c: {  	_ =	shalt  }
0x5d: {  	_ =	shalt  }
0x5e: {  	_ =	shalt  }
0x5f: {  	_ =	shalt  }
0x60: {  	_ =	shalt  }
0x61: {  	_ =	shalt  }
0x62: {  	_ =	shalt  }
0x63: {  	_ =	shalt  }
0x64: {  	_ =	shalt  }
0x65: {  	_ =	shalt  }
0x66: {  	_ =	shalt  }
0x67: {  	_ =	shalt  }
0x68: {  	_ =	shalt  }
0x69: {  	_ =	shalt  }
0x6a: {  	_ =	shalt  }
0x6b: {  	_ =	shalt  }
0x6c: {  	_ =	shalt  }
0x6d: {  	_ =	shalt  }
0x6e: {  	_ =	shalt  }
0x6f: {  	_ =	shalt  }
0x70: {  	_ =	shalt  }
0x71: {  	_ =	shalt  }
0x72: {  	_ =	shalt  }
0x73: {  	_ =	shalt  }
0x74: {  	_ =	shalt  }
0x75: {  	_ =	shalt  }
0x76: {  	_ =	shalt  }
0x77: {  	_ =	shalt  }
0x78: {  	_ =	shalt  }
0x79: {  	_ =	shalt  }
0x7a: {  	_ =	shalt  }
0x7b: {  	_ =	shalt  }
0x7c: {  	_ =	shalt  }
0x7d: {  	_ =	shalt  }
0x7e: {  	_ =	shalt  }
0x7f: {  	_ =	shalt  }
0x80: {  	_ =	shalt  }
0x81: {  	_ =	shalt  }
0x82: {  	_ =	shalt  }
0x83: {  	_ =	shalt  }
0x84: {  	_ =	shalt  }
0x85: {  	_ =	shalt  }
0x86: {  	_ =	shalt  }
0x87: {  	_ =	shalt  }
.Lfunc_end0:
.L_simem_size_0:
called_computation.1_lowered:
.L_overlay_start_0:
0x88: {  	s2 =	sld [smem:$0x3FD9]  }
0x89: {  	s3 =	sld [smem:$0x3FFE];
	_ =	sdelay $0x1  }
0x8a: {  	s1 =	srdreg.scid  }
0x8b: {  	s0 =	sand.u32 $0x1, s1  }
0x8c: {  	s17 =	sshll.u32 s0, $0xA;
	s2 =	sadd.s32 s3, s2  }
0x8d: {  	s2 =	sadd.s32 s2, s17  }
0x8e: {  	[smem:$0x3FC1] =	sst s2  }
0x8f: {  	_ = 	snop  }
0x90: {  	(tm) =	ssettm $0x1  }
0x91: {  	s18 =	sld [smem:$0x3FFB];
	_ =	sdelay $0x3  }
0x92: {  	_ =	strace s18  }
0x93: {  	s2 =	sld [smem:$0x3FFC];
	_ =	sdelay $0x3  }
0x94: {  	_ =	strace s2  }
0x95: {  	s2 =	sld [smem:$0x3FFD];
	_ =	sdelay $0x3  }
0x96: {  	_ =	strace s2  }
0x97: {  	_ =	strace $0x8FFFFFFF  }
0x98: {  	s19 =	sld [smem:$0x3FDB];
	_ =	sdelay $0x1  }
0x99: {  	s20 =	simm.s32 $_scs_section_size  }
0x9a: {  	s4 =	simm.s32 $_size__tile_overlayer_lowered;
	s5 =	simm.s32 $_tile_overlayer_lowered  }
0x9b: {  	s6 =	simm.s32 $0x1BFF;
	s21 =	sshll.u32 s5, $0x1;
	s3 =	sadd.s32 s20, s19  }
0x9c: {  	s22 =	simm.s32 $0x0;
	s4 =	sshll.u32 s4, $0x1;
	s5 =	sadd.s32 s21, s3  }
0x9d: {  	[timem:s22], [sflag:s6] =	dma.local [hbm:s5], s4  }
0x9e: {  	_ =	swait.ge [sflag:s6], s4  }
0x9f: {  	s4 =	ssub.s32 $0x0, s4;
	[sflag:s6] =	ssyncset.done $0x0  }
0xa0: {  	[sflag:s6] =	ssyncadd.s32 s4;
	_ =	sdelay $0x1  }
0xa1: {  	s23 =	simm.s32 $0x1B8B  }
0xa2: {  	_ =	swait.ge [sflag:s23], $0x1  }
0xa3: {  	[sflag:s23] =	ssyncset.done $0x0  }
0xa4: {  	[sflag:s23] =	ssyncadd.s32 $0xFFFFFFFF  }
0xa5: {  	s4 =	sld [smem:$0x0]  }
0xa6: {  	s5 =	sand.u32 $0xFFFFFFFE, s1  }
0xa7: {  	p0 =	sne.s32 s1, s5  }
0xa8: {  	s5 =	sshll.u32 @p0 s5, $0xE  }
0xa9: {  	s5 =	sadd.s32 @p0 $0x11B8D, s5;
	s6 =	sshll.u32 @p0 s4, $0x11  }
0xaa: {  	s5 =	sor.u32 @p0 s6, s5  }
0xab: {  	[sflag:s5] =	ssyncadd.remote.s32 @p0 $0x1;
	_ =	sdelay $0x1  }
0xac: {  	s5 =	simm.s32 @p0 $0x1B8D  }
0xad: {  	_ =	swait.eq @p0 [sflag:s5], $0x1  }
0xae: {  	[sflag:s5] =	ssyncadd.s32 @p0 $0xFFFFFFFF  }
0xaf: {  	s6 =	sshll.u32 @!p0 s1, $0xE  }
0xb0: {  	s6 =	sor.u32 @!p0 $0x4000, s6;
	s5 =	simm.s32 @!p0 $0x1B8D  }
0xb1: {  	s4 =	sshll.u32 @!p0 s4, $0x11;
	s6 =	sadd.s32 @!p0 $0x11B8D, s6;
	_ =	swait.eq @!p0 [sflag:s5], $0x1  }
0xb2: {  	s4 =	sor.u32 @!p0 s4, s6;
	[sflag:s5] =	ssyncadd.s32 @!p0 $0xFFFFFFFF  }
0xb3: {  	s25 =	simm.s32 $0x1B8E;
	s24 =	sld [smem:$0x3FFE];
	[sflag:s4] =	ssyncadd.remote.s32 @!p0 $0x1  }
0xb4: {  	s26 =	simm.s32 $execute0_lowered;
	[smem:$0x3FD2] =	sst s25  }
0xb5: {  	s5 =	sshll.u32 s26, $0x1;
	_ =	strace $0x80000049;
	[dreg:$0x1] =	wrdreg $0xFFFFFFFF  }
0xb6: {  	s28 =	simm.s32 $_size_execute0_lowered;
	s3 =	sadd.s32 s3, s5;
	[dreg:$0x0] =	wrdreg $0x0  }
0xb7: {  	s5 =	sshll.u32 s28, $0x1;
	[dreg:$0x2] =	wrdreg s3  }
0xb8: {  	[dreg:$0x3] =	wrdreg s5  }
0xb9: {  	[dreg:$0x4] =	wrdreg $0xC0  }
0xba: {  	_ =	task [dreg:s22], $0x5FFFF  }
0xbb: {  	[dreg:$0x1] =	wrdreg $0xFFFFFFFF  }
0xbc: {  	[dreg:$0x0] =	wrdreg $0x60  }
0xbd: {  	[dreg:$0x2] =	wrdreg s24  }
0xbe: {  	[dreg:$0x3] =	wrdreg $0xA  }
0xbf: {  	_ =	task.clear_ibuf [dreg:s22], $0x4FFFF;
	_ =	strace $0x90000049  }
0xc0: {  	s29 =	simm.s32 $0xA;
	_ =	strace $0x8000004B  }
0xc1: {  	_ =	swait.ge [sflag:s29], $0x1  }
0xc2: {  	[sflag:s29] =	ssyncadd.s32 $0xFFFFFFFF  }
0xc3: {  	_ =	strace $0x9000004B  }
0xc4: {  	_ =	sfence  }
0xc5: {  	s30 =	sld [smem:$0x0];
	_ =	sdelay $0x2  }
0xc6: {  	s31 =	sshll.u32 s1, $0xD;
	s1 =	sshrl.u32 s1, $0x2  }
0xc7: {  	s4 =	sand.u32 $0x4000, s31;
	s1 =	sadd.s32 s1, s30  }
0xc8: {  	s0 =	sor.u32 s4, s0;
	s1 =	sshll.u32 s1, $0x11  }
0xc9: {  	s0 =	sor.u32 s1, s0  }
0xca: {  	s0 =	sadd.s32 $0x8F2B, s0  }
0xcb: {  	[sflag:s0] =	ssyncadd.remote.s32 $0x1  }
0xcc: {  	_ =	sfence.sel $0xFFFF  }
0xcd: {  	[dreg:$0x0] =	wrdreg $0xFFFFFFFF;
	(pc) =	sbr.abs _section_cstart, $3  }
0xce: {  	[dreg:$0x1] =	wrdreg $0xFFFFFFFF  }
0xcf: {  	_ =	task.clear_ibuf [dreg:s22], $0x2FFFF;
	_ =	strace $0x9FFFFFFF  }
0xd0: {  	(tm) =	ssettm $0x7FFFFFFF  }
0xd1: {  	_ =	shalt  }
tec
execute0_lowered:
.L_overlay_start_1:
0x0: {  	(tag) =	ssettag $0x1  }
0x1: {  	s0 =	srdreg.scid  }
0x2: {  	s1 =	stileid.u32;
	s3 =	rddreg [dreg:$0x0];
	s29 =	simm.s32 $0x5  }
0x3: {  	s11 =	simm.s32 $0x80;
	s6 =	simm.s32 $0x800;
	s14 =	simm.s32 $0x4800  }
0x4: {  	s30 =	simm.s32 $0x100;
	s31 =	simm.s32 $0x180;
	s12 =	simm.s32 $0xC800  }
0x5: {  	s7 =	simm.s32 $0x1;
	s13 =	simm.s32 $0x10800;
	s28 =	simm.s32 $0x280  }
0x6: {  	s17 =	simm.s32 $0x14800;
	s8 =	simm.s32 $0x2;
	s9 =	simm.s32 $0x3  }
0x7: {  	s10 =	simm.s32 $0x4;
	p0 =	por $0x0, $0x0;
	s0 =	sand.u32 $0x1, s0  }
0x8: {  	s19 =	simm.s32 $0x600;
	s1 =	sshll.u32 s1, $0xC;
	s2 =	sshll.u32 s0, $0xB  }
0x9: {  	s18 =	simm.s32 $0x680;
	s16 =	simm.s32 $0x700;
	s1 =	sor.u32 s2, s1  }
0xa: {  	s15 =	simm.s32 $0x780;
	s0 =	ssub.s32 $0x2, s0;
	s4 =	sshrl.u32 s1, $0x3  }
0xb: {  	s2 =	simm.s32 $0x0;
	s1 =	sshll.u32 s1, $0x4;
	s4 =	sadd.s32 s4, s3  }
0xc: {  	[smem:$0x7FF] =	sst s2;
	s1 =	sadd.s32 s1, s3;
	s4 =	sadd.s32 $0x20A600, s4  }
0xd: {  	_ =	strace $0x8000004A;
	s20 =	sadd.s32 $0x20E600, s1;
	[dreg:$0x2] =	wrdreg s4  }
0xe: {  	s24 =	sshrl.u32 s0, $0x1;
	s21 =	sadd.s32 $0x20F600, s1;
	[dreg:$0x3] =	wrdreg s20  }
0xf: {  	s0 =	ssub.s32 s0, s24;
	s5 =	sadd.s32 $0x210600, s1;
	[dreg:$0x4] =	wrdreg s21  }
0x10: {  	s24 =	simm.s32 $0x380;
	s22 =	sadd.s32 $0x211600, s1;
	[dreg:$0x5] =	wrdreg s5  }
0x11: {  	s0 =	smax.u32 s0, $0x1;
	s23 =	sadd.s32 $0x212600, s1;
	[dreg:$0x6] =	wrdreg s22  }
0x12: {  	s25 =	sadd.s32 $0x213600, s1;
	p1 =	sne.s32 s0, $0x1;
	[dreg:$0x7] =	wrdreg s23  }
.Ltmp0:
0x13: {  	s26 =	sadd.s32 $0x214600, s1;
	[dreg:$0x8] =	wrdreg s25;
	(pc) =	sbr.rel @!p1 .LBB2_3-.Ltmp0, $4  }
0x14: {  	s4 =	sadd.s32 $0x3C00, s3;
	[dreg:$0x9] =	wrdreg s26;
	s3 =	sadd.s32 $0x215600, s1  }
0x15: {  	s5 =	simm.s32 $0x8800;
	s26 =	simm.s32 $0x200;
	s25 =	simm.s32 $0x300  }
0x16: {  	s23 =	simm.s32 $0x400;
	s22 =	simm.s32 $0x480;
	s1 =	sadd.s32 $0xFFFFFFFF, s0  }
0x17: {  	s21 =	simm.s32 $0x500;
	s20 =	simm.s32 $0x580;
	s0 =	rddreg [dreg:$0x2]  }
0x18: {  	[tilespmem:s2], [sflag:$0x5] =	stream.linear.gather [hbm4b:s0+s2], $0x800, $0x38;
	[tilespmem:$0x18800] =	vst v63  }
0x19: {  	_ =	swait.ge [sflag:s29], $0x800  }
0x1a: {  	[sflag:s29] =	ssyncset.done $0x0  }
0x1b: {  	[sflag:s29] =	ssyncadd.s32 $0xFFFFF800  }
0x1c: {  	[tilespmem:s6], [sflag:$0x1] =	stream.indirect.gather [hbm4b:s4+s11], $0x80, s2, s11, $0xb8;
	[tilespmem:$0x18800] =	vst v63  }
0x1d: {  	_ = 	snop  }
0x1e: {  	[tilespmem:s14], [sflag:$0x1] =	stream.indirect.gather [hbm4b:s4+s11], $0x80, s11, s11, $0xb8;
	[tilespmem:$0x18800] =	vst v63  }
0x1f: {  	_ = 	snop  }
0x20: {  	[tilespmem:s5], [sflag:$0x1] =	stream.indirect.gather [hbm4b:s4+s11], $0x80, s30, s11, $0xb8;
	[tilespmem:$0x18800] =	vst v63  }
0x21: {  	_ = 	snop  }
0x22: {  	[tilespmem:s12], [sflag:$0x1] =	stream.indirect.gather [hbm4b:s4+s11], $0x80, s31, s11, $0xb8;
	[tilespmem:$0x18800] =	vst v63  }
0x23: {  	_ =	swait.ge [sflag:s7], $0x4000  }
0x24: {  	[sflag:s7] =	ssyncset.done $0x0  }
0x25: {  	[sflag:s7] =	ssyncadd.s32 $0xFFFFC000  }
0x26: {  	_ =	swait.ge [sflag:s7], $0x4000  }
0x27: {  	[sflag:s7] =	ssyncset.done $0x0  }
0x28: {  	[sflag:s7] =	ssyncadd.s32 $0xFFFFC000  }
0x29: {  	[tilespmem:s13], [sflag:$0x1] =	stream.indirect.gather [hbm4b:s4+s11], $0x80, s26, s11, $0xb8;
	[tilespmem:$0x18800] =	vst v63  }
0x2a: {  	_ = 	snop  }
0x2b: {  	[tilespmem:s17], [sflag:$0x1] =	stream.indirect.gather [hbm4b:s4+s11], $0x80, s28, s11, $0xb8;
	[tilespmem:$0x18800] =	vst v63  }
0x2c: {  	s0 =	rddreg [dreg:$0x3]  }
0x2d: {  	[hbm4b:s0+s2] =	stream.linear.scatter [tilespmem:s6], [sflag:$0x2], $0x8000, $0x38;
	[tilespmem:$0x18800] =	vst v63  }
0x2e: {  	_ =	swait.ge [sflag:s7], $0x4000  }
0x2f: {  	[sflag:s7] =	ssyncset.done $0x0  }
0x30: {  	[sflag:s7] =	ssyncadd.s32 $0xFFFFC000  }
0x31: {  	_ =	swait.ge [sflag:s7], $0x4000  }
0x32: {  	[sflag:s7] =	ssyncset.done $0x0  }
0x33: {  	[sflag:s7] =	ssyncadd.s32 $0xFFFFC000  }
0x34: {  	_ =	swait.ge [sflag:s8], $0x8000  }
0x35: {  	[sflag:s8] =	ssyncset.done $0x0  }
0x36: {  	[sflag:s8] =	ssyncadd.s32 $0xFFFF8000  }
0x37: {  	[tilespmem:s6], [sflag:$0x1] =	stream.indirect.gather [hbm4b:s4+s11], $0x80, s25, s11, $0xb8;
	[tilespmem:$0x18800] =	vst v63  }
0x38: {  	_ = 	snop  }
0x39: {  	[tilespmem:s14], [sflag:$0x1] =	stream.indirect.gather [hbm4b:s4+s11], $0x80, s24, s11, $0xb8;
	[tilespmem:$0x18800] =	vst v63  }
0x3a: {  	s0 =	rddreg [dreg:$0x4]  }
0x3b: {  	[hbm4b:s0+s2] =	stream.linear.scatter [tilespmem:s5], [sflag:$0x3], $0x8000, $0x38;
	[tilespmem:$0x18800] =	vst v63  }
0x3c: {  	_ =	swait.ge [sflag:s7], $0x4000  }
0x3d: {  	[sflag:s7] =	ssyncset.done $0x0  }
0x3e: {  	[sflag:s7] =	ssyncadd.s32 $0xFFFFC000  }
0x3f: {  	_ =	swait.ge [sflag:s7], $0x4000  }
0x40: {  	[sflag:s7] =	ssyncset.done $0x0  }
0x41: {  	[sflag:s7] =	ssyncadd.s32 $0xFFFFC000  }
0x42: {  	_ =	swait.ge [sflag:s9], $0x8000  }
0x43: {  	[sflag:s9] =	ssyncset.done $0x0  }
0x44: {  	[sflag:s9] =	ssyncadd.s32 $0xFFFF8000  }
0x45: {  	[tilespmem:s5], [sflag:$0x1] =	stream.indirect.gather [hbm4b:s4+s11], $0x80, s23, s11, $0xb8;
	[tilespmem:$0x18800] =	vst v63  }
0x46: {  	_ = 	snop  }
0x47: {  	[tilespmem:s12], [sflag:$0x1] =	stream.indirect.gather [hbm4b:s4+s11], $0x80, s22, s11, $0xb8;
	[tilespmem:$0x18800] =	vst v63  }
0x48: {  	s0 =	rddreg [dreg:$0x5]  }
0x49: {  	[hbm4b:s0+s2] =	stream.linear.scatter [tilespmem:s13], [sflag:$0x4], $0x8000, $0x38;
	[tilespmem:$0x18800] =	vst v63  }
0x4a: {  	_ =	swait.ge [sflag:s7], $0x4000  }
0x4b: {  	[sflag:s7] =	ssyncset.done $0x0  }
0x4c: {  	[sflag:s7] =	ssyncadd.s32 $0xFFFFC000  }
0x4d: {  	_ =	swait.ge [sflag:s7], $0x4000  }
0x4e: {  	[sflag:s7] =	ssyncset.done $0x0  }
0x4f: {  	[sflag:s7] =	ssyncadd.s32 $0xFFFFC000  }
0x50: {  	_ =	swait.ge [sflag:s10], $0x8000  }
0x51: {  	[sflag:s10] =	ssyncset.done $0x0  }
0x52: {  	[sflag:s10] =	ssyncadd.s32 $0xFFFF8000  }
0x53: {  	[tilespmem:s13], [sflag:$0x1] =	stream.indirect.gather [hbm4b:s4+s11], $0x80, s21, s11, $0xb8;
	[tilespmem:$0x18800] =	vst v63  }
0x54: {  	_ = 	snop  }
0x55: {  	[tilespmem:s17], [sflag:$0x1] =	stream.indirect.gather [hbm4b:s4+s11], $0x80, s20, s11, $0xb8;
	[tilespmem:$0x18800] =	vst v63  }
0x56: {  	s0 =	rddreg [dreg:$0x6]  }
0x57: {  	[hbm4b:s0+s2] =	stream.linear.scatter [tilespmem:s6], [sflag:$0x2], $0x8000, $0x38;
	[tilespmem:$0x18800] =	vst v63  }
0x58: {  	_ =	swait.ge [sflag:s7], $0x4000  }
0x59: {  	[sflag:s7] =	ssyncset.done $0x0  }
0x5a: {  	[sflag:s7] =	ssyncadd.s32 $0xFFFFC000  }
0x5b: {  	_ =	swait.ge [sflag:s7], $0x4000  }
0x5c: {  	[sflag:s7] =	ssyncset.done $0x0  }
0x5d: {  	[sflag:s7] =	ssyncadd.s32 $0xFFFFC000  }
0x5e: {  	_ =	swait.ge [sflag:s8], $0x8000  }
0x5f: {  	[sflag:s8] =	ssyncset.done $0x0  }
0x60: {  	[sflag:s8] =	ssyncadd.s32 $0xFFFF8000  }
0x61: {  	[tilespmem:s6], [sflag:$0x1] =	stream.indirect.gather [hbm4b:s4+s11], $0x80, s19, s11, $0xb8;
	[tilespmem:$0x18800] =	vst v63  }
0x62: {  	_ = 	snop  }
0x63: {  	[tilespmem:s14], [sflag:$0x1] =	stream.indirect.gather [hbm4b:s4+s11], $0x80, s18, s11, $0xb8;
	[tilespmem:$0x18800] =	vst v63  }
0x64: {  	s0 =	rddreg [dreg:$0x7]  }
0x65: {  	[hbm4b:s0+s2] =	stream.linear.scatter [tilespmem:s5], [sflag:$0x3], $0x8000, $0x38;
	[tilespmem:$0x18800] =	vst v63  }
0x66: {  	_ =	swait.ge [sflag:s7], $0x4000  }
0x67: {  	[sflag:s7] =	ssyncset.done $0x0  }
0x68: {  	[sflag:s7] =	ssyncadd.s32 $0xFFFFC000  }
0x69: {  	_ =	swait.ge [sflag:s7], $0x4000  }
0x6a: {  	[sflag:s7] =	ssyncset.done $0x0  }
0x6b: {  	[sflag:s7] =	ssyncadd.s32 $0xFFFFC000  }
0x6c: {  	_ =	swait.ge [sflag:s9], $0x8000  }
0x6d: {  	[sflag:s9] =	ssyncset.done $0x0  }
0x6e: {  	[sflag:s9] =	ssyncadd.s32 $0xFFFF8000  }
0x6f: {  	[tilespmem:s5], [sflag:$0x1] =	stream.indirect.gather [hbm4b:s4+s11], $0x80, s16, s11, $0xb8;
	[tilespmem:$0x18800] =	vst v63  }
0x70: {  	_ = 	snop  }
0x71: {  	[tilespmem:s12], [sflag:$0x1] =	stream.indirect.gather [hbm4b:s4+s11], $0x80, s15, s11, $0xb8;
	[tilespmem:$0x18800] =	vst v63  }
0x72: {  	s0 =	rddreg [dreg:$0x8]  }
0x73: {  	[hbm4b:s0+s2] =	stream.linear.scatter [tilespmem:s13], [sflag:$0x4], $0x8000, $0x38;
	[tilespmem:$0x18800] =	vst v63  }
0x74: {  	_ =	swait.ge [sflag:s7], $0x4000  }
0x75: {  	[sflag:s7] =	ssyncset.done $0x0  }
0x76: {  	[sflag:s7] =	ssyncadd.s32 $0xFFFFC000  }
0x77: {  	_ =	swait.ge [sflag:s7], $0x4000  }
0x78: {  	[sflag:s7] =	ssyncset.done $0x0  }
0x79: {  	s0 =	rddreg [dreg:$0x9];
	[sflag:s7] =	ssyncadd.s32 $0xFFFFC000  }
0x7a: {  	[hbm4b:s0+s2] =	stream.linear.scatter [tilespmem:s6], [sflag:$0x2], $0x8000, $0x38;
	[tilespmem:$0x18800] =	vst v63  }
0x7b: {  	_ =	swait.ge [sflag:s7], $0x4000  }
0x7c: {  	[sflag:s7] =	ssyncset.done $0x0  }
0x7d: {  	[sflag:s7] =	ssyncadd.s32 $0xFFFFC000  }
0x7e: {  	_ =	swait.ge [sflag:s7], $0x4000  }
0x7f: {  	[sflag:s7] =	ssyncset.done $0x0  }
0x80: {  	[sflag:s7] =	ssyncadd.s32 $0xFFFFC000  }
0x81: {  	[hbm4b:s3+s2] =	stream.linear.scatter [tilespmem:s5], [sflag:$0x3], $0x8000, $0x38;
	[tilespmem:$0x18800] =	vst v63  }
0x82: {  	_ =	swait.ge [sflag:s8], $0x8000  }
0x83: {  	[sflag:s8] =	ssyncset.done $0x0  }
0x84: {  	p1 =	sne.s32 s1, $0x1;
	[sflag:s8] =	ssyncadd.s32 $0xFFFF8000  }
.Ltmp1:
0x85: {  	_ =	swait.ge [sflag:s9], $0x8000;
	(pc) =	sbr.rel @!p1 .LBB2_3-.Ltmp1, $4  }
0x86: {  	[sflag:s9] =	ssyncset.done $0x0  }
0x87: {  	[sflag:s9] =	ssyncadd.s32 $0xFFFF8000  }
0x88: {  	s1 =	sadd.s32 $0xFFFFFFFF, s1;
	_ =	swait.ge [sflag:s10], $0x8000  }
0x89: {  	p0 =	por $0x1, $0x1;
	s0 =	rddreg [dreg:$0x2];
	[sflag:s10] =	ssyncset.done $0x0  }
.LBB2_2:
0x8a: {  	[sflag:s10] =	ssyncadd.s32 $0xFFFF8000  }
0x8b: {  	[tilespmem:s2], [sflag:$0x5] =	stream.linear.gather [hbm4b:s0+s2], $0x800, $0x38;
	[tilespmem:$0x18800] =	vst v63  }
0x8c: {  	_ =	swait.ge [sflag:s29], $0x800  }
0x8d: {  	[sflag:s29] =	ssyncset.done $0x0  }
0x8e: {  	[sflag:s29] =	ssyncadd.s32 $0xFFFFF800  }
0x8f: {  	[tilespmem:s6], [sflag:$0x1] =	stream.indirect.gather [hbm4b:s4+s11], $0x80, s2, s11, $0xb8;
	[tilespmem:$0x18800] =	vst v63  }
0x90: {  	_ = 	snop  }
0x91: {  	[tilespmem:s14], [sflag:$0x1] =	stream.indirect.gather [hbm4b:s4+s11], $0x80, s11, s11, $0xb8;
	[tilespmem:$0x18800] =	vst v63  }
0x92: {  	_ = 	snop  }
0x93: {  	[tilespmem:s5], [sflag:$0x1] =	stream.indirect.gather [hbm4b:s4+s11], $0x80, s30, s11, $0xb8;
	[tilespmem:$0x18800] =	vst v63  }
0x94: {  	_ = 	snop  }
0x95: {  	[tilespmem:s12], [sflag:$0x1] =	stream.indirect.gather [hbm4b:s4+s11], $0x80, s31, s11, $0xb8;
	[tilespmem:$0x18800] =	vst v63  }
0x96: {  	_ =	swait.ge [sflag:s7], $0x4000  }
0x97: {  	[sflag:s7] =	ssyncset.done $0x0  }
0x98: {  	[sflag:s7] =	ssyncadd.s32 $0xFFFFC000  }
0x99: {  	_ =	swait.ge [sflag:s7], $0x4000  }
0x9a: {  	[sflag:s7] =	ssyncset.done $0x0  }
0x9b: {  	[sflag:s7] =	ssyncadd.s32 $0xFFFFC000  }
0x9c: {  	[tilespmem:s13], [sflag:$0x1] =	stream.indirect.gather [hbm4b:s4+s11], $0x80, s26, s11, $0xb8;
	[tilespmem:$0x18800] =	vst v63  }
0x9d: {  	_ = 	snop  }
0x9e: {  	[tilespmem:s17], [sflag:$0x1] =	stream.indirect.gather [hbm4b:s4+s11], $0x80, s28, s11, $0xb8;
	[tilespmem:$0x18800] =	vst v63  }
0x9f: {  	s0 =	rddreg [dreg:$0x3]  }
0xa0: {  	[hbm4b:s0+s2] =	stream.linear.scatter [tilespmem:s6], [sflag:$0x2], $0x8000, $0x38;
	[tilespmem:$0x18800] =	vst v63  }
0xa1: {  	_ =	swait.ge [sflag:s7], $0x4000  }
0xa2: {  	[sflag:s7] =	ssyncset.done $0x0  }
0xa3: {  	[sflag:s7] =	ssyncadd.s32 $0xFFFFC000  }
0xa4: {  	_ =	swait.ge [sflag:s7], $0x4000  }
0xa5: {  	[sflag:s7] =	ssyncset.done $0x0  }
0xa6: {  	[sflag:s7] =	ssyncadd.s32 $0xFFFFC000  }
0xa7: {  	_ =	swait.ge [sflag:s8], $0x8000  }
0xa8: {  	[sflag:s8] =	ssyncset.done $0x0  }
0xa9: {  	[sflag:s8] =	ssyncadd.s32 $0xFFFF8000  }
0xaa: {  	[tilespmem:s6], [sflag:$0x1] =	stream.indirect.gather [hbm4b:s4+s11], $0x80, s25, s11, $0xb8;
	[tilespmem:$0x18800] =	vst v63  }
0xab: {  	_ = 	snop  }
0xac: {  	[tilespmem:s14], [sflag:$0x1] =	stream.indirect.gather [hbm4b:s4+s11], $0x80, s24, s11, $0xb8;
	[tilespmem:$0x18800] =	vst v63  }
0xad: {  	s0 =	rddreg [dreg:$0x4]  }
0xae: {  	[hbm4b:s0+s2] =	stream.linear.scatter [tilespmem:s5], [sflag:$0x3], $0x8000, $0x38;
	[tilespmem:$0x18800] =	vst v63  }
0xaf: {  	_ =	swait.ge [sflag:s7], $0x4000  }
0xb0: {  	[sflag:s7] =	ssyncset.done $0x0  }
0xb1: {  	[sflag:s7] =	ssyncadd.s32 $0xFFFFC000  }
0xb2: {  	_ =	swait.ge [sflag:s7], $0x4000  }
0xb3: {  	[sflag:s7] =	ssyncset.done $0x0  }
0xb4: {  	[sflag:s7] =	ssyncadd.s32 $0xFFFFC000  }
0xb5: {  	_ =	swait.ge [sflag:s9], $0x8000  }
0xb6: {  	[sflag:s9] =	ssyncset.done $0x0  }
0xb7: {  	[sflag:s9] =	ssyncadd.s32 $0xFFFF8000  }
0xb8: {  	[tilespmem:s5], [sflag:$0x1] =	stream.indirect.gather [hbm4b:s4+s11], $0x80, s23, s11, $0xb8;
	[tilespmem:$0x18800] =	vst v63  }
0xb9: {  	_ = 	snop  }
0xba: {  	[tilespmem:s12], [sflag:$0x1] =	stream.indirect.gather [hbm4b:s4+s11], $0x80, s22, s11, $0xb8;
	[tilespmem:$0x18800] =	vst v63  }
0xbb: {  	s0 =	rddreg [dreg:$0x5]  }
0xbc: {  	[hbm4b:s0+s2] =	stream.linear.scatter [tilespmem:s13], [sflag:$0x4], $0x8000, $0x38;
	[tilespmem:$0x18800] =	vst v63  }
0xbd: {  	_ =	swait.ge [sflag:s7], $0x4000  }
0xbe: {  	[sflag:s7] =	ssyncset.done $0x0  }
0xbf: {  	[sflag:s7] =	ssyncadd.s32 $0xFFFFC000  }
0xc0: {  	_ =	swait.ge [sflag:s7], $0x4000  }
0xc1: {  	[sflag:s7] =	ssyncset.done $0x0  }
0xc2: {  	[sflag:s7] =	ssyncadd.s32 $0xFFFFC000  }
0xc3: {  	_ =	swait.ge [sflag:s10], $0x8000  }
0xc4: {  	[sflag:s10] =	ssyncset.done $0x0  }
0xc5: {  	[sflag:s10] =	ssyncadd.s32 $0xFFFF8000  }
0xc6: {  	[tilespmem:s13], [sflag:$0x1] =	stream.indirect.gather [hbm4b:s4+s11], $0x80, s21, s11, $0xb8;
	[tilespmem:$0x18800] =	vst v63  }
0xc7: {  	_ = 	snop  }
0xc8: {  	[tilespmem:s17], [sflag:$0x1] =	stream.indirect.gather [hbm4b:s4+s11], $0x80, s20, s11, $0xb8;
	[tilespmem:$0x18800] =	vst v63  }
0xc9: {  	s0 =	rddreg [dreg:$0x6]  }
0xca: {  	[hbm4b:s0+s2] =	stream.linear.scatter [tilespmem:s6], [sflag:$0x2], $0x8000, $0x38;
	[tilespmem:$0x18800] =	vst v63  }
0xcb: {  	_ =	swait.ge [sflag:s7], $0x4000  }
0xcc: {  	[sflag:s7] =	ssyncset.done $0x0  }
0xcd: {  	[sflag:s7] =	ssyncadd.s32 $0xFFFFC000  }
0xce: {  	_ =	swait.ge [sflag:s7], $0x4000  }
0xcf: {  	[sflag:s7] =	ssyncset.done $0x0  }
0xd0: {  	[sflag:s7] =	ssyncadd.s32 $0xFFFFC000  }
0xd1: {  	_ =	swait.ge [sflag:s8], $0x8000  }
0xd2: {  	[sflag:s8] =	ssyncset.done $0x0  }
0xd3: {  	[sflag:s8] =	ssyncadd.s32 $0xFFFF8000  }
0xd4: {  	[tilespmem:s6], [sflag:$0x1] =	stream.indirect.gather [hbm4b:s4+s11], $0x80, s19, s11, $0xb8;
	[tilespmem:$0x18800] =	vst v63  }
0xd5: {  	_ = 	snop  }
0xd6: {  	[tilespmem:s14], [sflag:$0x1] =	stream.indirect.gather [hbm4b:s4+s11], $0x80, s18, s11, $0xb8;
	[tilespmem:$0x18800] =	vst v63  }
0xd7: {  	s0 =	rddreg [dreg:$0x7]  }
0xd8: {  	[hbm4b:s0+s2] =	stream.linear.scatter [tilespmem:s5], [sflag:$0x3], $0x8000, $0x38;
	[tilespmem:$0x18800] =	vst v63  }
0xd9: {  	_ =	swait.ge [sflag:s7], $0x4000  }
0xda: {  	[sflag:s7] =	ssyncset.done $0x0  }
0xdb: {  	[sflag:s7] =	ssyncadd.s32 $0xFFFFC000  }
0xdc: {  	_ =	swait.ge [sflag:s7], $0x4000  }
0xdd: {  	[sflag:s7] =	ssyncset.done $0x0  }
0xde: {  	[sflag:s7] =	ssyncadd.s32 $0xFFFFC000  }
0xdf: {  	_ =	swait.ge [sflag:s9], $0x8000  }
0xe0: {  	[sflag:s9] =	ssyncset.done $0x0  }
0xe1: {  	[sflag:s9] =	ssyncadd.s32 $0xFFFF8000  }
0xe2: {  	[tilespmem:s5], [sflag:$0x1] =	stream.indirect.gather [hbm4b:s4+s11], $0x80, s16, s11, $0xb8;
	[tilespmem:$0x18800] =	vst v63  }
0xe3: {  	_ = 	snop  }
0xe4: {  	[tilespmem:s12], [sflag:$0x1] =	stream.indirect.gather [hbm4b:s4+s11], $0x80, s15, s11, $0xb8;
	[tilespmem:$0x18800] =	vst v63  }
0xe5: {  	s0 =	rddreg [dreg:$0x8]  }
0xe6: {  	[hbm4b:s0+s2] =	stream.linear.scatter [tilespmem:s13], [sflag:$0x4], $0x8000, $0x38;
	[tilespmem:$0x18800] =	vst v63  }
0xe7: {  	_ =	swait.ge [sflag:s7], $0x4000  }
0xe8: {  	[sflag:s7] =	ssyncset.done $0x0  }
0xe9: {  	[sflag:s7] =	ssyncadd.s32 $0xFFFFC000  }
0xea: {  	_ =	swait.ge [sflag:s7], $0x4000  }
0xeb: {  	[sflag:s7] =	ssyncset.done $0x0  }
0xec: {  	s0 =	rddreg [dreg:$0x9];
	[sflag:s7] =	ssyncadd.s32 $0xFFFFC000  }
0xed: {  	[hbm4b:s0+s2] =	stream.linear.scatter [tilespmem:s6], [sflag:$0x2], $0x8000, $0x38;
	[tilespmem:$0x18800] =	vst v63  }
0xee: {  	_ =	swait.ge [sflag:s7], $0x4000  }
0xef: {  	[sflag:s7] =	ssyncset.done $0x0  }
0xf0: {  	[sflag:s7] =	ssyncadd.s32 $0xFFFFC000  }
0xf1: {  	_ =	swait.ge [sflag:s7], $0x4000  }
0xf2: {  	[sflag:s7] =	ssyncset.done $0x0  }
0xf3: {  	[sflag:s7] =	ssyncadd.s32 $0xFFFFC000  }
0xf4: {  	[hbm4b:s3+s2] =	stream.linear.scatter [tilespmem:s5], [sflag:$0x3], $0x8000, $0x38;
	[tilespmem:$0x18800] =	vst v63  }
0xf5: {  	_ =	swait.ge [sflag:s8], $0x8000  }
0xf6: {  	[sflag:s8] =	ssyncset.done $0x0  }
0xf7: {  	p1 =	sne.s32 s1, $0x1;
	[sflag:s8] =	ssyncadd.s32 $0xFFFF8000  }
.Ltmp2:
0xf8: {  	_ =	swait.ge [sflag:s9], $0x8000;
	(pc) =	sbr.rel @p1 .LBB2_2-.Ltmp2, $4  }
0xf9: {  	[sflag:s9] =	ssyncset.done $0x0  }
0xfa: {  	[sflag:s9] =	ssyncadd.s32 $0xFFFF8000  }
0xfb: {  	_ =	swait.ge [sflag:s10], $0x8000  }
0xfc: {  	s1 =	sadd.s32 $0xFFFFFFFF, s1;
	s0 =	rddreg [dreg:$0x2];
	[sflag:s10] =	ssyncset.done $0x0  }
.LBB2_3:
0xfd: {  	[sflag:s10] =	ssyncadd.s32 @p0 $0xFFFF8000  }
0xfe: {  	[tilespmem:s2], [sflag:$0x5] =	stream.linear.gather [hbm4b:s0+s2], $0x800, $0x38;
	[tilespmem:$0x18800] =	vst v63  }
0xff: {  	_ =	swait.ge [sflag:s29], $0x800  }
0x100: {  	[sflag:s29] =	ssyncset.done $0x0  }
0x101: {  	[sflag:s29] =	ssyncadd.s32 $0xFFFFF800  }
0x102: {  	[tilespmem:s6], [sflag:$0x1] =	stream.indirect.gather [hbm4b:s4+s11], $0x80, s2, s11, $0xb8;
	[tilespmem:$0x18800] =	vst v63  }
0x103: {  	_ = 	snop  }
0x104: {  	[tilespmem:s14], [sflag:$0x1] =	stream.indirect.gather [hbm4b:s4+s11], $0x80, s11, s11, $0xb8;
	[tilespmem:$0x18800] =	vst v63  }
0x105: {  	_ = 	snop  }
0x106: {  	[tilespmem:s5], [sflag:$0x1] =	stream.indirect.gather [hbm4b:s4+s11], $0x80, s30, s11, $0xb8;
	[tilespmem:$0x18800] =	vst v63  }
0x107: {  	_ = 	snop  }
0x108: {  	[tilespmem:s12], [sflag:$0x1] =	stream.indirect.gather [hbm4b:s4+s11], $0x80, s31, s11, $0xb8;
	[tilespmem:$0x18800] =	vst v63  }
0x109: {  	_ =	swait.ge [sflag:s7], $0x4000  }
0x10a: {  	[sflag:s7] =	ssyncset.done $0x0  }
0x10b: {  	[sflag:s7] =	ssyncadd.s32 $0xFFFFC000  }
0x10c: {  	_ =	swait.ge [sflag:s7], $0x4000  }
0x10d: {  	[sflag:s7] =	ssyncset.done $0x0  }
0x10e: {  	[sflag:s7] =	ssyncadd.s32 $0xFFFFC000  }
0x10f: {  	[tilespmem:s13], [sflag:$0x1] =	stream.indirect.gather [hbm4b:s4+s11], $0x80, s26, s11, $0xb8;
	[tilespmem:$0x18800] =	vst v63  }
0x110: {  	_ = 	snop  }
0x111: {  	[tilespmem:s17], [sflag:$0x1] =	stream.indirect.gather [hbm4b:s4+s11], $0x80, s28, s11, $0xb8;
	[tilespmem:$0x18800] =	vst v63  }
0x112: {  	s31 =	rddreg [dreg:$0x3]  }
0x113: {  	[hbm4b:s31+s2] =	stream.linear.scatter [tilespmem:s6], [sflag:$0x2], $0x8000, $0x38;
	[tilespmem:$0x18800] =	vst v63  }
0x114: {  	_ =	swait.ge [sflag:s7], $0x4000  }
0x115: {  	[sflag:s7] =	ssyncset.done $0x0  }
0x116: {  	[sflag:s7] =	ssyncadd.s32 $0xFFFFC000  }
0x117: {  	_ =	swait.ge [sflag:s7], $0x4000  }
0x118: {  	[sflag:s7] =	ssyncset.done $0x0  }
0x119: {  	[sflag:s7] =	ssyncadd.s32 $0xFFFFC000  }
0x11a: {  	_ =	swait.ge [sflag:s8], $0x8000  }
0x11b: {  	[sflag:s8] =	ssyncset.done $0x0  }
0x11c: {  	[sflag:s8] =	ssyncadd.s32 $0xFFFF8000  }
0x11d: {  	[tilespmem:s6], [sflag:$0x1] =	stream.indirect.gather [hbm4b:s4+s11], $0x80, s25, s11, $0xb8;
	[tilespmem:$0x18800] =	vst v63  }
0x11e: {  	_ = 	snop  }
0x11f: {  	[tilespmem:s14], [sflag:$0x1] =	stream.indirect.gather [hbm4b:s4+s11], $0x80, s24, s11, $0xb8;
	[tilespmem:$0x18800] =	vst v63  }
0x120: {  	s1 =	rddreg [dreg:$0x4]  }
0x121: {  	[hbm4b:s1+s2] =	stream.linear.scatter [tilespmem:s5], [sflag:$0x3], $0x8000, $0x38;
	[tilespmem:$0x18800] =	vst v63  }
0x122: {  	_ =	swait.ge [sflag:s7], $0x4000  }
0x123: {  	[sflag:s7] =	ssyncset.done $0x0  }
0x124: {  	[sflag:s7] =	ssyncadd.s32 $0xFFFFC000  }
0x125: {  	_ =	swait.ge [sflag:s7], $0x4000  }
0x126: {  	[sflag:s7] =	ssyncset.done $0x0  }
0x127: {  	[sflag:s7] =	ssyncadd.s32 $0xFFFFC000  }
0x128: {  	_ =	swait.ge [sflag:s9], $0x8000  }
0x129: {  	[sflag:s9] =	ssyncset.done $0x0  }
0x12a: {  	[sflag:s9] =	ssyncadd.s32 $0xFFFF8000  }
0x12b: {  	[tilespmem:s5], [sflag:$0x1] =	stream.indirect.gather [hbm4b:s4+s11], $0x80, s23, s11, $0xb8;
	[tilespmem:$0x18800] =	vst v63  }
0x12c: {  	_ = 	snop  }
0x12d: {  	[tilespmem:s12], [sflag:$0x1] =	stream.indirect.gather [hbm4b:s4+s11], $0x80, s22, s11, $0xb8;
	[tilespmem:$0x18800] =	vst v63  }
0x12e: {  	s25 =	rddreg [dreg:$0x5]  }
0x12f: {  	[hbm4b:s25+s2] =	stream.linear.scatter [tilespmem:s13], [sflag:$0x4], $0x8000, $0x38;
	[tilespmem:$0x18800] =	vst v63  }
0x130: {  	_ =	swait.ge [sflag:s7], $0x4000  }
0x131: {  	[sflag:s7] =	ssyncset.done $0x0  }
0x132: {  	[sflag:s7] =	ssyncadd.s32 $0xFFFFC000  }
0x133: {  	_ =	swait.ge [sflag:s7], $0x4000  }
0x134: {  	[sflag:s7] =	ssyncset.done $0x0  }
0x135: {  	[sflag:s7] =	ssyncadd.s32 $0xFFFFC000  }
0x136: {  	_ =	swait.ge [sflag:s10], $0x8000  }
0x137: {  	[sflag:s10] =	ssyncset.done $0x0  }
0x138: {  	[sflag:s10] =	ssyncadd.s32 $0xFFFF8000  }
0x139: {  	[tilespmem:s13], [sflag:$0x1] =	stream.indirect.gather [hbm4b:s4+s11], $0x80, s21, s11, $0xb8;
	[tilespmem:$0x18800] =	vst v63  }
0x13a: {  	_ = 	snop  }
0x13b: {  	[tilespmem:s17], [sflag:$0x1] =	stream.indirect.gather [hbm4b:s4+s11], $0x80, s20, s11, $0xb8;
	[tilespmem:$0x18800] =	vst v63  }
0x13c: {  	s26 =	rddreg [dreg:$0x6]  }
0x13d: {  	[hbm4b:s26+s2] =	stream.linear.scatter [tilespmem:s6], [sflag:$0x2], $0x8000, $0x38;
	[tilespmem:$0x18800] =	vst v63  }
0x13e: {  	_ =	swait.ge [sflag:s7], $0x4000  }
0x13f: {  	[sflag:s7] =	ssyncset.done $0x0  }
0x140: {  	[sflag:s7] =	ssyncadd.s32 $0xFFFFC000  }
0x141: {  	_ =	swait.ge [sflag:s7], $0x4000  }
0x142: {  	[sflag:s7] =	ssyncset.done $0x0  }
0x143: {  	[sflag:s7] =	ssyncadd.s32 $0xFFFFC000  }
0x144: {  	_ =	swait.ge [sflag:s8], $0x8000  }
0x145: {  	[sflag:s8] =	ssyncset.done $0x0  }
0x146: {  	[sflag:s8] =	ssyncadd.s32 $0xFFFF8000  }
0x147: {  	[tilespmem:s6], [sflag:$0x1] =	stream.indirect.gather [hbm4b:s4+s11], $0x80, s19, s11, $0xb8;
	[tilespmem:$0x18800] =	vst v63  }
0x148: {  	_ = 	snop  }
0x149: {  	[tilespmem:s14], [sflag:$0x1] =	stream.indirect.gather [hbm4b:s4+s11], $0x80, s18, s11, $0xb8;
	[tilespmem:$0x18800] =	vst v63  }
0x14a: {  	s28 =	rddreg [dreg:$0x7]  }
0x14b: {  	[hbm4b:s28+s2] =	stream.linear.scatter [tilespmem:s5], [sflag:$0x3], $0x8000, $0x38;
	[tilespmem:$0x18800] =	vst v63  }
0x14c: {  	_ =	swait.ge [sflag:s7], $0x4000  }
0x14d: {  	[sflag:s7] =	ssyncset.done $0x0  }
0x14e: {  	[sflag:s7] =	ssyncadd.s32 $0xFFFFC000  }
0x14f: {  	_ =	swait.ge [sflag:s7], $0x4000  }
0x150: {  	[sflag:s7] =	ssyncset.done $0x0  }
0x151: {  	[sflag:s7] =	ssyncadd.s32 $0xFFFFC000  }
0x152: {  	_ =	swait.ge [sflag:s9], $0x8000  }
0x153: {  	[sflag:s9] =	ssyncset.done $0x0  }
0x154: {  	[sflag:s9] =	ssyncadd.s32 $0xFFFF8000  }
0x155: {  	[tilespmem:s5], [sflag:$0x1] =	stream.indirect.gather [hbm4b:s4+s11], $0x80, s16, s11, $0xb8;
	[tilespmem:$0x18800] =	vst v63  }
0x156: {  	_ = 	snop  }
0x157: {  	[tilespmem:s12], [sflag:$0x1] =	stream.indirect.gather [hbm4b:s4+s11], $0x80, s15, s11, $0xb8;
	[tilespmem:$0x18800] =	vst v63  }
0x158: {  	s29 =	rddreg [dreg:$0x8]  }
0x159: {  	[hbm4b:s29+s2] =	stream.linear.scatter [tilespmem:s13], [sflag:$0x4], $0x8000, $0x38;
	[tilespmem:$0x18800] =	vst v63  }
0x15a: {  	_ =	swait.ge [sflag:s7], $0x4000  }
0x15b: {  	[sflag:s7] =	ssyncset.done $0x0  }
0x15c: {  	[sflag:s7] =	ssyncadd.s32 $0xFFFFC000  }
0x15d: {  	_ =	swait.ge [sflag:s7], $0x4000  }
0x15e: {  	[sflag:s7] =	ssyncset.done $0x0  }
0x15f: {  	s30 =	rddreg [dreg:$0x9];
	[sflag:s7] =	ssyncadd.s32 $0xFFFFC000  }
0x160: {  	[hbm4b:s30+s2] =	stream.linear.scatter [tilespmem:s6], [sflag:$0x2], $0x8000, $0x38;
	[tilespmem:$0x18800] =	vst v63  }
0x161: {  	_ =	swait.ge [sflag:s7], $0x4000  }
0x162: {  	[sflag:s7] =	ssyncset.done $0x0  }
0x163: {  	[sflag:s7] =	ssyncadd.s32 $0xFFFFC000  }
0x164: {  	_ =	swait.ge [sflag:s7], $0x4000  }
0x165: {  	[sflag:s7] =	ssyncset.done $0x0  }
0x166: {  	[sflag:s7] =	ssyncadd.s32 $0xFFFFC000  }
0x167: {  	[hbm4b:s3+s2] =	stream.linear.scatter [tilespmem:s5], [sflag:$0x3], $0x8000, $0x38;
	[tilespmem:$0x18800] =	vst v63  }
0x168: {  	_ =	swait.ge [sflag:s8], $0x8000  }
0x169: {  	[sflag:s8] =	ssyncset.done $0x0  }
0x16a: {  	[sflag:s8] =	ssyncadd.s32 $0xFFFF8000  }
0x16b: {  	_ =	swait.ge [sflag:s9], $0x8000  }
0x16c: {  	[sflag:s9] =	ssyncset.done $0x0  }
0x16d: {  	[sflag:s9] =	ssyncadd.s32 $0xFFFF8000  }
0x16e: {  	_ =	swait.ge [sflag:s10], $0x8000  }
0x16f: {  	[sflag:s10] =	ssyncset.done $0x0  }
0x170: {  	[sflag:s10] =	ssyncadd.s32 $0xFFFF8000  }
0x171: {  	_ =	sfence.sel $0x180000  }
0x172: {  	[bflag:$0x0] =	sbarrier.arrive $0xFFFF  }
0x173: {  	_ =	strace $0x9000004A  }
0x174: {  	s31 =	stileid.u32;
	[bflag:$0x2] =	sbarrier.arrive $0xFFFF  }
0x175: {  	p0 =	sne.s32 s31, $0x0;
	s0 =	rddreg [dreg:$0x1]  }
0x176: {  	s0 =	sadd.s32 @!p0 $0x100000, s0  }
0x177: {  	[sflag:s0] =	ssyncadd.tile.s32 @!p0 $0x1;
	_ =	shalt  }
.Lfunc_end2:
_tile_overlayer_lowered:
.L_overlay_start_2:
0x178: {  	(tag) =	ssettag $0x2  }
0x179: {  	s0 =	rddreg [dreg:$0x0];
	s2 =	stileid.u32  }
0x17a: {  	s1 =	rddreg [dreg:$0x1];
	p0 =	sne.s32 s2, $0x0  }
0x17b: {  	s3 =	rddreg [dreg:$0x2];
	[bflag:$0x3] =	sbarrier.arrive $0xFFFF;
	s2 =	simm.s32 @!p0 $0x1C05  }
0x17c: {  	[timem:s3], [sflag:s2] =	dma.local @!p0 [hbm:s0], s1  }
0x17d: {  	s0 =	simm.s32 @!p0 $0x5  }
0x17e: {  	_ =	swait.ge @!p0 [sflag:s0], s1  }
0x17f: {  	s1 =	ssub.s32 @!p0 $0x0, s1;
	[sflag:s0] =	ssyncset.done @!p0 $0x0  }
0x180: {  	[sflag:s0] =	ssyncadd.s32 @!p0 s1  }
0x181: {  	[bflag:$0x3] =	sbarrier.arrive $0xFFFF  }
0x182: {  	_ =	shalt  }

// kernel: kernel.17.cloned.1.call-start
scs
__scs_entry_jumppad:
0x0: {  	(pc) =	sbr.rel $0x88, $3  }
0x1: {  	(tag) =	ssettag $0x0;
	lr =	simm.s32 $0x1  }
0x2: {  	[smem:$0x3F9A] =	sst lr;
	_ =	strace $0xD0000000  }
0x3: {  	_ = 	snop  }
0x4: {  	_ = 	snop  }
0x5: {  	_ = 	snop  }
0x6: {  	_ = 	snop  }
0x7: {  	_ = 	snop  }
__scs_overlays_trampoline_lowered:
0x8: {  	[smem:$0x3FA9] =	sst s0  }
0x9: {  	[smem:$0x3FAA] =	sst s1  }
0xa: {  	[smem:$0x3FAB] =	sst s2  }
0xb: {  	[smem:$0x3FAC] =	sst s3  }
0xc: {  	[smem:$0x3FAD] =	sst s4  }
0xd: {  	[smem:$0x3FAE] =	sst s5  }
0xe: {  	[smem:$0x3FAF] =	sst s6  }
0xf: {  	[smem:$0x3FB0] =	sst s7  }
0x10: {  	[smem:$0x3FB1] =	sst s8  }
0x11: {  	[smem:$0x3FB2] =	sst s9;
	s0 =	simm.s32 @!p0 $0x0  }
0x12: {  	s1 =	sld [smem:$0x3F98];
	s0 =	simm.s32 @p0 $0x1  }
0x13: {  	[smem:$0x3FB3] =	sst s0;
	s0 =	simm.s32 @!p1 $0x0  }
0x14: {  	s2 =	sld [smem:$0x3F97];
	s0 =	simm.s32 @p1 $0x1  }
0x15: {  	[smem:$0x3FB4] =	sst s0;
	s0 =	simm.s32 @!p2 $0x0  }
0x16: {  	s3 =	sld [smem:$0x3FDB];
	s0 =	simm.s32 @p2 $0x1  }
0x17: {  	s4 =	simm.s32 $0x1BF5;
	[smem:$0x3FB6] =	sst s0  }
0x18: {  	s0 =	sld [smem:$0x3F99];
	_ =	swait.ge [sflag:s4], $0x0  }
0x19: {  	s7 =	sld [smem:$0x3F9A]  }
0x1a: {  	s8 =	sadd.s32 $0xFFFFE003, lr  }
0x1b: {  	s9 =	sadd.s32 $0xFFFFFEF7, lr;
	s5 =	simm.s32 $0xFFFFFFFF;
	p2 =	slt.u32 s8, $0xFFFFF086  }
0x1c: {  	p1 =	slt.u32 s9, $0xF7A;
	s5 =	simm.s32 @!p2 $0x0  }
0x1d: {  	s5 =	simm.s32 @p1 $0x1;
	p0 =	seq.s32 s7, s2  }
0x1e: {  	s7 =	smul.u32 @!p0 $0xF7A, s2;
	p2 =	seq.s32 @!p0 s5, $0x0  }
0x1f: {  	s9 =	smul.u32 $0xF7A, s1;
	s8 =	simm.s32 @!p0 $0x1BF5;
	p2 =	por !p2, p0  }
0x20: {  	[sflag:s8] =	ssyncset.s32 @!p0 $0xFFFFF086;
	s6 =	sadd.s32 @!p0 s3, s7;
	s7 =	simm.s32 @!p0 $0x108  }
0x21: {  	s3 =	sadd.s32 s3, s9;
	s6 =	sadd.s32 @!p0 $0x88, s6;
	s7 =	simm.s32 @p2 $0x1082  }
0x22: {  	[simem:s7], [sflag:s8] =	dma.local @!p0 [hbm:s6], $0xF7A  }
0x23: {  	s9 =	sor.u32 $0xD0000000, s2;
	s6 =	simm.s32 $0x108;
	_ =	swait.ge @!p0 [sflag:s8], $0x0  }
0x24: {  	s3 =	sadd.s32 $0x88, s3;
	s6 =	simm.s32 @!p1 $0x1082;
	[sflag:s4] =	ssyncset.s32 $0xFFFFF086  }
0x25: {  	[simem:s6], [sflag:s4] =	dma.local [hbm:s3], $0xF7A  }
0x26: {  	[smem:$0x3F9A] =	sst s1;
	(tag) =	ssettag s2;
	_ =	strace s9  }
0x27: {  	s1 =	sld [smem:$0x3FAA]  }
0x28: {  	s2 =	sld [smem:$0x3FAB]  }
0x29: {  	s4 =	sld [smem:$0x3FAD]  }
0x2a: {  	p0 =	seq.s32 s5, $0x0;
	s5 =	sld [smem:$0x3FAE]  }
0x2b: {  	s6 =	sld [smem:$0x3FAF]  }
0x2c: {  	s7 =	sld [smem:$0x3FB0]  }
0x2d: {  	s3 =	simm.s32 $0x108;
	s8 =	sld [smem:$0x3FB1]  }
0x2e: {  	s3 =	simm.s32 @!p0 $0x1082;
	s9 =	sld [smem:$0x3FB2]  }
0x2f: {  	lr =	sadd.s32 s0, s3;
	s0 =	sld [smem:$0x3FA9]  }
0x30: {  	s3 =	sld [smem:$0x3FAC]  }
0x31: {  	[smem:$0x3FB5] =	sst s10  }
0x32: {  	s10 =	sld [smem:$0x3FB3];
	_ =	sdelay $0x3  }
0x33: {  	p0 =	seq.s32 s10, $0x1;
	s10 =	sld [smem:$0x3FB5];
	_ =	sdelay $0x3  }
0x34: {  	[smem:$0x3FB5] =	sst s10  }
0x35: {  	s10 =	sld [smem:$0x3FB4];
	_ =	sdelay $0x3  }
0x36: {  	p1 =	seq.s32 s10, $0x1;
	s10 =	sld [smem:$0x3FB5];
	_ =	sdelay $0x3  }
0x37: {  	[smem:$0x3FB5] =	sst s10  }
0x38: {  	s10 =	sld [smem:$0x3FB6]  }
0x39: {  	_ = 	snop;
	(pc) =	sbr.ind lr, $3  }
0x3a: {  	_ = 	snop  }
0x3b: {  	_ = 	snop  }
0x3c: {  	p2 =	seq.s32 s10, $0x1;
	s10 =	sld [smem:$0x3FB5]  }
0x3d: {  	_ =	shalt  }
0x3e: {  	_ =	shalt  }
0x3f: {  	_ =	shalt  }
0x40: {  	_ =	shalt  }
0x41: {  	_ =	shalt  }
0x42: {  	_ =	shalt  }
0x43: {  	_ =	shalt  }
0x44: {  	_ =	shalt  }
0x45: {  	_ =	shalt  }
0x46: {  	_ =	shalt  }
0x47: {  	_ =	shalt  }
0x48: {  	_ =	shalt  }
0x49: {  	_ =	shalt  }
0x4a: {  	_ =	shalt  }
0x4b: {  	_ =	shalt  }
0x4c: {  	_ =	shalt  }
0x4d: {  	_ =	shalt  }
0x4e: {  	_ =	shalt  }
0x4f: {  	_ =	shalt  }
0x50: {  	_ =	shalt  }
0x51: {  	_ =	shalt  }
0x52: {  	_ =	shalt  }
0x53: {  	_ =	shalt  }
0x54: {  	_ =	shalt  }
0x55: {  	_ =	shalt  }
0x56: {  	_ =	shalt  }
0x57: {  	_ =	shalt  }
0x58: {  	_ =	shalt  }
0x59: {  	_ =	shalt  }
0x5a: {  	_ =	shalt  }
0x5b: {  	_ =	shalt  }
0x5c: {  	_ =	shalt  }
0x5d: {  	_ =	shalt  }
0x5e: {  	_ =	shalt  }
0x5f: {  	_ =	shalt  }
0x60: {  	_ =	shalt  }
0x61: {  	_ =	shalt  }
0x62: {  	_ =	shalt  }
0x63: {  	_ =	shalt  }
0x64: {  	_ =	shalt  }
0x65: {  	_ =	shalt  }
0x66: {  	_ =	shalt  }
0x67: {  	_ =	shalt  }
0x68: {  	_ =	shalt  }
0x69: {  	_ =	shalt  }
0x6a: {  	_ =	shalt  }
0x6b: {  	_ =	shalt  }
0x6c: {  	_ =	shalt  }
0x6d: {  	_ =	shalt  }
0x6e: {  	_ =	shalt  }
0x6f: {  	_ =	shalt  }
0x70: {  	_ =	shalt  }
0x71: {  	_ =	shalt  }
0x72: {  	_ =	shalt  }
0x73: {  	_ =	shalt  }
0x74: {  	_ =	shalt  }
0x75: {  	_ =	shalt  }
0x76: {  	_ =	shalt  }
0x77: {  	_ =	shalt  }
0x78: {  	_ =	shalt  }
0x79: {  	_ =	shalt  }
0x7a: {  	_ =	shalt  }
0x7b: {  	_ =	shalt  }
0x7c: {  	_ =	shalt  }
0x7d: {  	_ =	shalt  }
0x7e: {  	_ =	shalt  }
0x7f: {  	_ =	shalt  }
0x80: {  	_ =	shalt  }
0x81: {  	_ =	shalt  }
0x82: {  	_ =	shalt  }
0x83: {  	_ =	shalt  }
0x84: {  	_ =	shalt  }
0x85: {  	_ =	shalt  }
0x86: {  	_ =	shalt  }
0x87: {  	_ =	shalt  }
.Lfunc_end0:
.L_simem_size_0:
called_computation.2_lowered:
.L_overlay_start_0:
0x88: {  	s2 =	sld [smem:$0x3FD9]  }
0x89: {  	s3 =	sld [smem:$0x3FFE];
	_ =	sdelay $0x1  }
0x8a: {  	s1 =	srdreg.scid  }
0x8b: {  	s0 =	sand.u32 $0x1, s1  }
0x8c: {  	s17 =	sshll.u32 s0, $0xA;
	s2 =	sadd.s32 s3, s2  }
0x8d: {  	s2 =	sadd.s32 s2, s17  }
0x8e: {  	[smem:$0x3FC1] =	sst s2  }
0x8f: {  	_ = 	snop  }
0x90: {  	(tm) =	ssettm $0x1  }
0x91: {  	s18 =	sld [smem:$0x3FFB];
	_ =	sdelay $0x3  }
0x92: {  	_ =	strace s18  }
0x93: {  	s2 =	sld [smem:$0x3FFC];
	_ =	sdelay $0x3  }
0x94: {  	_ =	strace s2  }
0x95: {  	s2 =	sld [smem:$0x3FFD];
	_ =	sdelay $0x3  }
0x96: {  	_ =	strace s2  }
0x97: {  	_ =	strace $0x8FFFFFFF  }
0x98: {  	s19 =	sld [smem:$0x3FDB];
	_ =	sdelay $0x1  }
0x99: {  	s20 =	simm.s32 $_scs_section_size  }
0x9a: {  	s4 =	simm.s32 $_size__tile_overlayer_lowered;
	s5 =	simm.s32 $_tile_overlayer_lowered  }
0x9b: {  	s6 =	simm.s32 $0x1BFF;
	s21 =	sshll.u32 s5, $0x1;
	s3 =	sadd.s32 s20, s19  }
0x9c: {  	s22 =	simm.s32 $0x0;
	s4 =	sshll.u32 s4, $0x1;
	s5 =	sadd.s32 s21, s3  }
0x9d: {  	[timem:s22], [sflag:s6] =	dma.local [hbm:s5], s4  }
0x9e: {  	_ =	swait.ge [sflag:s6], s4  }
0x9f: {  	s4 =	ssub.s32 $0x0, s4;
	[sflag:s6] =	ssyncset.done $0x0  }
0xa0: {  	[sflag:s6] =	ssyncadd.s32 s4;
	_ =	sdelay $0x1  }
0xa1: {  	s23 =	simm.s32 $0x1B8B  }
0xa2: {  	_ =	swait.ge [sflag:s23], $0x1  }
0xa3: {  	[sflag:s23] =	ssyncset.done $0x0  }
0xa4: {  	[sflag:s23] =	ssyncadd.s32 $0xFFFFFFFF  }
0xa5: {  	s4 =	sld [smem:$0x0]  }
0xa6: {  	s5 =	sand.u32 $0xFFFFFFFE, s1  }
0xa7: {  	p0 =	sne.s32 s1, s5  }
0xa8: {  	s5 =	sshll.u32 @p0 s5, $0xE  }
0xa9: {  	s5 =	sadd.s32 @p0 $0x11B8D, s5;
	s6 =	sshll.u32 @p0 s4, $0x11  }
0xaa: {  	s5 =	sor.u32 @p0 s6, s5  }
0xab: {  	[sflag:s5] =	ssyncadd.remote.s32 @p0 $0x1;
	_ =	sdelay $0x1  }
0xac: {  	s5 =	simm.s32 @p0 $0x1B8D  }
0xad: {  	_ =	swait.eq @p0 [sflag:s5], $0x1  }
0xae: {  	[sflag:s5] =	ssyncadd.s32 @p0 $0xFFFFFFFF  }
0xaf: {  	s6 =	sshll.u32 @!p0 s1, $0xE  }
0xb0: {  	s6 =	sor.u32 @!p0 $0x4000, s6;
	s5 =	simm.s32 @!p0 $0x1B8D  }
0xb1: {  	s4 =	sshll.u32 @!p0 s4, $0x11;
	s6 =	sadd.s32 @!p0 $0x11B8D, s6;
	_ =	swait.eq @!p0 [sflag:s5], $0x1  }
0xb2: {  	s4 =	sor.u32 @!p0 s4, s6;
	[sflag:s5] =	ssyncadd.s32 @!p0 $0xFFFFFFFF  }
0xb3: {  	s25 =	simm.s32 $0x1B8E;
	s24 =	sld [smem:$0x3FFE];
	[sflag:s4] =	ssyncadd.remote.s32 @!p0 $0x1  }
0xb4: {  	s26 =	simm.s32 $execute0_lowered;
	[smem:$0x3FD2] =	sst s25  }
0xb5: {  	s5 =	sshll.u32 s26, $0x1;
	_ =	strace $0x8000004C;
	[dreg:$0x1] =	wrdreg $0xFFFFFFFF  }
0xb6: {  	s28 =	simm.s32 $_size_execute0_lowered;
	s3 =	sadd.s32 s3, s5;
	[dreg:$0x0] =	wrdreg $0x0  }
0xb7: {  	s5 =	sshll.u32 s28, $0x1;
	[dreg:$0x2] =	wrdreg s3  }
0xb8: {  	[dreg:$0x3] =	wrdreg s5  }
0xb9: {  	[dreg:$0x4] =	wrdreg $0xC0  }
0xba: {  	_ =	task [dreg:s22], $0x5FFFF  }
0xbb: {  	[dreg:$0x1] =	wrdreg $0xFFFFFFFF  }
0xbc: {  	[dreg:$0x0] =	wrdreg $0x60  }
0xbd: {  	[dreg:$0x2] =	wrdreg s24  }
0xbe: {  	[dreg:$0x3] =	wrdreg $0xB  }
0xbf: {  	_ =	task.clear_ibuf [dreg:s22], $0x4FFFF;
	_ =	strace $0x9000004C  }
0xc0: {  	s29 =	simm.s32 $0xB;
	_ =	strace $0x8000004E  }
0xc1: {  	_ =	swait.ge [sflag:s29], $0x1  }
0xc2: {  	[sflag:s29] =	ssyncadd.s32 $0xFFFFFFFF  }
0xc3: {  	_ =	strace $0x9000004E  }
0xc4: {  	_ =	sfence  }
0xc5: {  	s30 =	sld [smem:$0x0];
	_ =	sdelay $0x2  }
0xc6: {  	s31 =	sshll.u32 s1, $0xD;
	s1 =	sshrl.u32 s1, $0x2  }
0xc7: {  	s4 =	sand.u32 $0x4000, s31;
	s1 =	sadd.s32 s1, s30  }
0xc8: {  	s0 =	sor.u32 s4, s0;
	s1 =	sshll.u32 s1, $0x11  }
0xc9: {  	s0 =	sor.u32 s1, s0  }
0xca: {  	s0 =	sadd.s32 $0x8F2B, s0  }
0xcb: {  	[sflag:s0] =	ssyncadd.remote.s32 $0x1  }
0xcc: {  	_ =	sfence.sel $0xFFFF  }
0xcd: {  	[dreg:$0x0] =	wrdreg $0xFFFFFFFF;
	(pc) =	sbr.abs _section_cstart, $3  }
0xce: {  	[dreg:$0x1] =	wrdreg $0xFFFFFFFF  }
0xcf: {  	_ =	task.clear_ibuf [dreg:s22], $0x2FFFF;
	_ =	strace $0x9FFFFFFF  }
0xd0: {  	(tm) =	ssettm $0x7FFFFFFF  }
0xd1: {  	_ =	shalt  }
tec
execute0_lowered:
.L_overlay_start_1:
0x0: {  	(tag) =	ssettag $0x1  }
0x1: {  	s0 =	srdreg.scid  }
0x2: {  	s1 =	stileid.u32;
	s3 =	rddreg [dreg:$0x0];
	s29 =	simm.s32 $0x5  }
0x3: {  	s11 =	simm.s32 $0x80;
	s6 =	simm.s32 $0x800;
	s14 =	simm.s32 $0x4800  }
0x4: {  	s30 =	simm.s32 $0x100;
	s31 =	simm.s32 $0x180;
	s12 =	simm.s32 $0xC800  }
0x5: {  	s7 =	simm.s32 $0x1;
	s13 =	simm.s32 $0x10800;
	s28 =	simm.s32 $0x280  }
0x6: {  	s17 =	simm.s32 $0x14800;
	s8 =	simm.s32 $0x2;
	s9 =	simm.s32 $0x3  }
0x7: {  	s10 =	simm.s32 $0x4;
	p0 =	por $0x0, $0x0;
	s0 =	sand.u32 $0x1, s0  }
0x8: {  	s19 =	simm.s32 $0x600;
	s1 =	sshll.u32 s1, $0xC;
	s2 =	sshll.u32 s0, $0xB  }
0x9: {  	s18 =	simm.s32 $0x680;
	s16 =	simm.s32 $0x700;
	s1 =	sor.u32 s2, s1  }
0xa: {  	s15 =	simm.s32 $0x780;
	s0 =	ssub.s32 $0x2, s0;
	s4 =	sshrl.u32 s1, $0x3  }
0xb: {  	s2 =	simm.s32 $0x0;
	s1 =	sshll.u32 s1, $0x4;
	s4 =	sadd.s32 s4, s3  }
0xc: {  	[smem:$0x7FF] =	sst s2;
	s1 =	sadd.s32 s1, s3;
	s4 =	sadd.s32 $0x20C600, s4  }
0xd: {  	_ =	strace $0x8000004D;
	s20 =	sadd.s32 $0x30E600, s1;
	[dreg:$0x2] =	wrdreg s4  }
0xe: {  	s24 =	sshrl.u32 s0, $0x1;
	s21 =	sadd.s32 $0x30F600, s1;
	[dreg:$0x3] =	wrdreg s20  }
0xf: {  	s0 =	ssub.s32 s0, s24;
	s5 =	sadd.s32 $0x310600, s1;
	[dreg:$0x4] =	wrdreg s21  }
0x10: {  	s24 =	simm.s32 $0x380;
	s22 =	sadd.s32 $0x311600, s1;
	[dreg:$0x5] =	wrdreg s5  }
0x11: {  	s0 =	smax.u32 s0, $0x1;
	s23 =	sadd.s32 $0x312600, s1;
	[dreg:$0x6] =	wrdreg s22  }
0x12: {  	s25 =	sadd.s32 $0x313600, s1;
	p1 =	sne.s32 s0, $0x1;
	[dreg:$0x7] =	wrdreg s23  }
.Ltmp0:
0x13: {  	s26 =	sadd.s32 $0x314600, s1;
	[dreg:$0x8] =	wrdreg s25;
	(pc) =	sbr.rel @!p1 .LBB2_3-.Ltmp0, $4  }
0x14: {  	s4 =	sadd.s32 $0x3C00, s3;
	[dreg:$0x9] =	wrdreg s26;
	s3 =	sadd.s32 $0x315600, s1  }
0x15: {  	s5 =	simm.s32 $0x8800;
	s26 =	simm.s32 $0x200;
	s25 =	simm.s32 $0x300  }
0x16: {  	s23 =	simm.s32 $0x400;
	s22 =	simm.s32 $0x480;
	s1 =	sadd.s32 $0xFFFFFFFF, s0  }
0x17: {  	s21 =	simm.s32 $0x500;
	s20 =	simm.s32 $0x580;
	s0 =	rddreg [dreg:$0x2]  }
0x18: {  	[tilespmem:s2], [sflag:$0x5] =	stream.linear.gather [hbm4b:s0+s2], $0x800, $0x38;
	[tilespmem:$0x18800] =	vst v63  }
0x19: {  	_ =	swait.ge [sflag:s29], $0x800  }
0x1a: {  	[sflag:s29] =	ssyncset.done $0x0  }
0x1b: {  	[sflag:s29] =	ssyncadd.s32 $0xFFFFF800  }
0x1c: {  	[tilespmem:s6], [sflag:$0x1] =	stream.indirect.gather [hbm4b:s4+s11], $0x80, s2, s11, $0xb8;
	[tilespmem:$0x18800] =	vst v63  }
0x1d: {  	_ = 	snop  }
0x1e: {  	[tilespmem:s14], [sflag:$0x1] =	stream.indirect.gather [hbm4b:s4+s11], $0x80, s11, s11, $0xb8;
	[tilespmem:$0x18800] =	vst v63  }
0x1f: {  	_ = 	snop  }
0x20: {  	[tilespmem:s5], [sflag:$0x1] =	stream.indirect.gather [hbm4b:s4+s11], $0x80, s30, s11, $0xb8;
	[tilespmem:$0x18800] =	vst v63  }
0x21: {  	_ = 	snop  }
0x22: {  	[tilespmem:s12], [sflag:$0x1] =	stream.indirect.gather [hbm4b:s4+s11], $0x80, s31, s11, $0xb8;
	[tilespmem:$0x18800] =	vst v63  }
0x23: {  	_ =	swait.ge [sflag:s7], $0x4000  }
0x24: {  	[sflag:s7] =	ssyncset.done $0x0  }
0x25: {  	[sflag:s7] =	ssyncadd.s32 $0xFFFFC000  }
0x26: {  	_ =	swait.ge [sflag:s7], $0x4000  }
0x27: {  	[sflag:s7] =	ssyncset.done $0x0  }
0x28: {  	[sflag:s7] =	ssyncadd.s32 $0xFFFFC000  }
0x29: {  	[tilespmem:s13], [sflag:$0x1] =	stream.indirect.gather [hbm4b:s4+s11], $0x80, s26, s11, $0xb8;
	[tilespmem:$0x18800] =	vst v63  }
0x2a: {  	_ = 	snop  }
0x2b: {  	[tilespmem:s17], [sflag:$0x1] =	stream.indirect.gather [hbm4b:s4+s11], $0x80, s28, s11, $0xb8;
	[tilespmem:$0x18800] =	vst v63  }
0x2c: {  	s0 =	rddreg [dreg:$0x3]  }
0x2d: {  	[hbm4b:s0+s2] =	stream.linear.scatter [tilespmem:s6], [sflag:$0x2], $0x8000, $0x38;
	[tilespmem:$0x18800] =	vst v63  }
0x2e: {  	_ =	swait.ge [sflag:s7], $0x4000  }
0x2f: {  	[sflag:s7] =	ssyncset.done $0x0  }
0x30: {  	[sflag:s7] =	ssyncadd.s32 $0xFFFFC000  }
0x31: {  	_ =	swait.ge [sflag:s7], $0x4000  }
0x32: {  	[sflag:s7] =	ssyncset.done $0x0  }
0x33: {  	[sflag:s7] =	ssyncadd.s32 $0xFFFFC000  }
0x34: {  	_ =	swait.ge [sflag:s8], $0x8000  }
0x35: {  	[sflag:s8] =	ssyncset.done $0x0  }
0x36: {  	[sflag:s8] =	ssyncadd.s32 $0xFFFF8000  }
0x37: {  	[tilespmem:s6], [sflag:$0x1] =	stream.indirect.gather [hbm4b:s4+s11], $0x80, s25, s11, $0xb8;
	[tilespmem:$0x18800] =	vst v63  }
0x38: {  	_ = 	snop  }
0x39: {  	[tilespmem:s14], [sflag:$0x1] =	stream.indirect.gather [hbm4b:s4+s11], $0x80, s24, s11, $0xb8;
	[tilespmem:$0x18800] =	vst v63  }
0x3a: {  	s0 =	rddreg [dreg:$0x4]  }
0x3b: {  	[hbm4b:s0+s2] =	stream.linear.scatter [tilespmem:s5], [sflag:$0x3], $0x8000, $0x38;
	[tilespmem:$0x18800] =	vst v63  }
0x3c: {  	_ =	swait.ge [sflag:s7], $0x4000  }
0x3d: {  	[sflag:s7] =	ssyncset.done $0x0  }
0x3e: {  	[sflag:s7] =	ssyncadd.s32 $0xFFFFC000  }
0x3f: {  	_ =	swait.ge [sflag:s7], $0x4000  }
0x40: {  	[sflag:s7] =	ssyncset.done $0x0  }
0x41: {  	[sflag:s7] =	ssyncadd.s32 $0xFFFFC000  }
0x42: {  	_ =	swait.ge [sflag:s9], $0x8000  }
0x43: {  	[sflag:s9] =	ssyncset.done $0x0  }
0x44: {  	[sflag:s9] =	ssyncadd.s32 $0xFFFF8000  }
0x45: {  	[tilespmem:s5], [sflag:$0x1] =	stream.indirect.gather [hbm4b:s4+s11], $0x80, s23, s11, $0xb8;
	[tilespmem:$0x18800] =	vst v63  }
0x46: {  	_ = 	snop  }
0x47: {  	[tilespmem:s12], [sflag:$0x1] =	stream.indirect.gather [hbm4b:s4+s11], $0x80, s22, s11, $0xb8;
	[tilespmem:$0x18800] =	vst v63  }
0x48: {  	s0 =	rddreg [dreg:$0x5]  }
0x49: {  	[hbm4b:s0+s2] =	stream.linear.scatter [tilespmem:s13], [sflag:$0x4], $0x8000, $0x38;
	[tilespmem:$0x18800] =	vst v63  }
0x4a: {  	_ =	swait.ge [sflag:s7], $0x4000  }
0x4b: {  	[sflag:s7] =	ssyncset.done $0x0  }
0x4c: {  	[sflag:s7] =	ssyncadd.s32 $0xFFFFC000  }
0x4d: {  	_ =	swait.ge [sflag:s7], $0x4000  }
0x4e: {  	[sflag:s7] =	ssyncset.done $0x0  }
0x4f: {  	[sflag:s7] =	ssyncadd.s32 $0xFFFFC000  }
0x50: {  	_ =	swait.ge [sflag:s10], $0x8000  }
0x51: {  	[sflag:s10] =	ssyncset.done $0x0  }
0x52: {  	[sflag:s10] =	ssyncadd.s32 $0xFFFF8000  }
0x53: {  	[tilespmem:s13], [sflag:$0x1] =	stream.indirect.gather [hbm4b:s4+s11], $0x80, s21, s11, $0xb8;
	[tilespmem:$0x18800] =	vst v63  }
0x54: {  	_ = 	snop  }
0x55: {  	[tilespmem:s17], [sflag:$0x1] =	stream.indirect.gather [hbm4b:s4+s11], $0x80, s20, s11, $0xb8;
	[tilespmem:$0x18800] =	vst v63  }
0x56: {  	s0 =	rddreg [dreg:$0x6]  }
0x57: {  	[hbm4b:s0+s2] =	stream.linear.scatter [tilespmem:s6], [sflag:$0x2], $0x8000, $0x38;
	[tilespmem:$0x18800] =	vst v63  }
0x58: {  	_ =	swait.ge [sflag:s7], $0x4000  }
0x59: {  	[sflag:s7] =	ssyncset.done $0x0  }
0x5a: {  	[sflag:s7] =	ssyncadd.s32 $0xFFFFC000  }
0x5b: {  	_ =	swait.ge [sflag:s7], $0x4000  }
0x5c: {  	[sflag:s7] =	ssyncset.done $0x0  }
0x5d: {  	[sflag:s7] =	ssyncadd.s32 $0xFFFFC000  }
0x5e: {  	_ =	swait.ge [sflag:s8], $0x8000  }
0x5f: {  	[sflag:s8] =	ssyncset.done $0x0  }
0x60: {  	[sflag:s8] =	ssyncadd.s32 $0xFFFF8000  }
0x61: {  	[tilespmem:s6], [sflag:$0x1] =	stream.indirect.gather [hbm4b:s4+s11], $0x80, s19, s11, $0xb8;
	[tilespmem:$0x18800] =	vst v63  }
0x62: {  	_ = 	snop  }
0x63: {  	[tilespmem:s14], [sflag:$0x1] =	stream.indirect.gather [hbm4b:s4+s11], $0x80, s18, s11, $0xb8;
	[tilespmem:$0x18800] =	vst v63  }
0x64: {  	s0 =	rddreg [dreg:$0x7]  }
0x65: {  	[hbm4b:s0+s2] =	stream.linear.scatter [tilespmem:s5], [sflag:$0x3], $0x8000, $0x38;
	[tilespmem:$0x18800] =	vst v63  }
0x66: {  	_ =	swait.ge [sflag:s7], $0x4000  }
0x67: {  	[sflag:s7] =	ssyncset.done $0x0  }
0x68: {  	[sflag:s7] =	ssyncadd.s32 $0xFFFFC000  }
0x69: {  	_ =	swait.ge [sflag:s7], $0x4000  }
0x6a: {  	[sflag:s7] =	ssyncset.done $0x0  }
0x6b: {  	[sflag:s7] =	ssyncadd.s32 $0xFFFFC000  }
0x6c: {  	_ =	swait.ge [sflag:s9], $0x8000  }
0x6d: {  	[sflag:s9] =	ssyncset.done $0x0  }
0x6e: {  	[sflag:s9] =	ssyncadd.s32 $0xFFFF8000  }
0x6f: {  	[tilespmem:s5], [sflag:$0x1] =	stream.indirect.gather [hbm4b:s4+s11], $0x80, s16, s11, $0xb8;
	[tilespmem:$0x18800] =	vst v63  }
0x70: {  	_ = 	snop  }
0x71: {  	[tilespmem:s12], [sflag:$0x1] =	stream.indirect.gather [hbm4b:s4+s11], $0x80, s15, s11, $0xb8;
	[tilespmem:$0x18800] =	vst v63  }
0x72: {  	s0 =	rddreg [dreg:$0x8]  }
0x73: {  	[hbm4b:s0+s2] =	stream.linear.scatter [tilespmem:s13], [sflag:$0x4], $0x8000, $0x38;
	[tilespmem:$0x18800] =	vst v63  }
0x74: {  	_ =	swait.ge [sflag:s7], $0x4000  }
0x75: {  	[sflag:s7] =	ssyncset.done $0x0  }
0x76: {  	[sflag:s7] =	ssyncadd.s32 $0xFFFFC000  }
0x77: {  	_ =	swait.ge [sflag:s7], $0x4000  }
0x78: {  	[sflag:s7] =	ssyncset.done $0x0  }
0x79: {  	s0 =	rddreg [dreg:$0x9];
	[sflag:s7] =	ssyncadd.s32 $0xFFFFC000  }
0x7a: {  	[hbm4b:s0+s2] =	stream.linear.scatter [tilespmem:s6], [sflag:$0x2], $0x8000, $0x38;
	[tilespmem:$0x18800] =	vst v63  }
0x7b: {  	_ =	swait.ge [sflag:s7], $0x4000  }
0x7c: {  	[sflag:s7] =	ssyncset.done $0x0  }
0x7d: {  	[sflag:s7] =	ssyncadd.s32 $0xFFFFC000  }
0x7e: {  	_ =	swait.ge [sflag:s7], $0x4000  }
0x7f: {  	[sflag:s7] =	ssyncset.done $0x0  }
0x80: {  	[sflag:s7] =	ssyncadd.s32 $0xFFFFC000  }
0x81: {  	[hbm4b:s3+s2] =	stream.linear.scatter [tilespmem:s5], [sflag:$0x3], $0x8000, $0x38;
	[tilespmem:$0x18800] =	vst v63  }
0x82: {  	_ =	swait.ge [sflag:s8], $0x8000  }
0x83: {  	[sflag:s8] =	ssyncset.done $0x0  }
0x84: {  	p1 =	sne.s32 s1, $0x1;
	[sflag:s8] =	ssyncadd.s32 $0xFFFF8000  }
.Ltmp1:
0x85: {  	_ =	swait.ge [sflag:s9], $0x8000;
	(pc) =	sbr.rel @!p1 .LBB2_3-.Ltmp1, $4  }
0x86: {  	[sflag:s9] =	ssyncset.done $0x0  }
0x87: {  	[sflag:s9] =	ssyncadd.s32 $0xFFFF8000  }
0x88: {  	s1 =	sadd.s32 $0xFFFFFFFF, s1;
	_ =	swait.ge [sflag:s10], $0x8000  }
0x89: {  	p0 =	por $0x1, $0x1;
	s0 =	rddreg [dreg:$0x2];
	[sflag:s10] =	ssyncset.done $0x0  }
.LBB2_2:
0x8a: {  	[sflag:s10] =	ssyncadd.s32 $0xFFFF8000  }
0x8b: {  	[tilespmem:s2], [sflag:$0x5] =	stream.linear.gather [hbm4b:s0+s2], $0x800, $0x38;
	[tilespmem:$0x18800] =	vst v63  }
0x8c: {  	_ =	swait.ge [sflag:s29], $0x800  }
0x8d: {  	[sflag:s29] =	ssyncset.done $0x0  }
0x8e: {  	[sflag:s29] =	ssyncadd.s32 $0xFFFFF800  }
0x8f: {  	[tilespmem:s6], [sflag:$0x1] =	stream.indirect.gather [hbm4b:s4+s11], $0x80, s2, s11, $0xb8;
	[tilespmem:$0x18800] =	vst v63  }
0x90: {  	_ = 	snop  }
0x91: {  	[tilespmem:s14], [sflag:$0x1] =	stream.indirect.gather [hbm4b:s4+s11], $0x80, s11, s11, $0xb8;
	[tilespmem:$0x18800] =	vst v63  }
0x92: {  	_ = 	snop  }
0x93: {  	[tilespmem:s5], [sflag:$0x1] =	stream.indirect.gather [hbm4b:s4+s11], $0x80, s30, s11, $0xb8;
	[tilespmem:$0x18800] =	vst v63  }
0x94: {  	_ = 	snop  }
0x95: {  	[tilespmem:s12], [sflag:$0x1] =	stream.indirect.gather [hbm4b:s4+s11], $0x80, s31, s11, $0xb8;
	[tilespmem:$0x18800] =	vst v63  }
0x96: {  	_ =	swait.ge [sflag:s7], $0x4000  }
0x97: {  	[sflag:s7] =	ssyncset.done $0x0  }
0x98: {  	[sflag:s7] =	ssyncadd.s32 $0xFFFFC000  }
0x99: {  	_ =	swait.ge [sflag:s7], $0x4000  }
0x9a: {  	[sflag:s7] =	ssyncset.done $0x0  }
0x9b: {  	[sflag:s7] =	ssyncadd.s32 $0xFFFFC000  }
0x9c: {  	[tilespmem:s13], [sflag:$0x1] =	stream.indirect.gather [hbm4b:s4+s11], $0x80, s26, s11, $0xb8;
	[tilespmem:$0x18800] =	vst v63  }
0x9d: {  	_ = 	snop  }
0x9e: {  	[tilespmem:s17], [sflag:$0x1] =	stream.indirect.gather [hbm4b:s4+s11], $0x80, s28, s11, $0xb8;
	[tilespmem:$0x18800] =	vst v63  }
0x9f: {  	s0 =	rddreg [dreg:$0x3]  }
0xa0: {  	[hbm4b:s0+s2] =	stream.linear.scatter [tilespmem:s6], [sflag:$0x2], $0x8000, $0x38;
	[tilespmem:$0x18800] =	vst v63  }
0xa1: {  	_ =	swait.ge [sflag:s7], $0x4000  }
0xa2: {  	[sflag:s7] =	ssyncset.done $0x0  }
0xa3: {  	[sflag:s7] =	ssyncadd.s32 $0xFFFFC000  }
0xa4: {  	_ =	swait.ge [sflag:s7], $0x4000  }
0xa5: {  	[sflag:s7] =	ssyncset.done $0x0  }
0xa6: {  	[sflag:s7] =	ssyncadd.s32 $0xFFFFC000  }
0xa7: {  	_ =	swait.ge [sflag:s8], $0x8000  }
0xa8: {  	[sflag:s8] =	ssyncset.done $0x0  }
0xa9: {  	[sflag:s8] =	ssyncadd.s32 $0xFFFF8000  }
0xaa: {  	[tilespmem:s6], [sflag:$0x1] =	stream.indirect.gather [hbm4b:s4+s11], $0x80, s25, s11, $0xb8;
	[tilespmem:$0x18800] =	vst v63  }
0xab: {  	_ = 	snop  }
0xac: {  	[tilespmem:s14], [sflag:$0x1] =	stream.indirect.gather [hbm4b:s4+s11], $0x80, s24, s11, $0xb8;
	[tilespmem:$0x18800] =	vst v63  }
0xad: {  	s0 =	rddreg [dreg:$0x4]  }
0xae: {  	[hbm4b:s0+s2] =	stream.linear.scatter [tilespmem:s5], [sflag:$0x3], $0x8000, $0x38;
	[tilespmem:$0x18800] =	vst v63  }
0xaf: {  	_ =	swait.ge [sflag:s7], $0x4000  }
0xb0: {  	[sflag:s7] =	ssyncset.done $0x0  }
0xb1: {  	[sflag:s7] =	ssyncadd.s32 $0xFFFFC000  }
0xb2: {  	_ =	swait.ge [sflag:s7], $0x4000  }
0xb3: {  	[sflag:s7] =	ssyncset.done $0x0  }
0xb4: {  	[sflag:s7] =	ssyncadd.s32 $0xFFFFC000  }
0xb5: {  	_ =	swait.ge [sflag:s9], $0x8000  }
0xb6: {  	[sflag:s9] =	ssyncset.done $0x0  }
0xb7: {  	[sflag:s9] =	ssyncadd.s32 $0xFFFF8000  }
0xb8: {  	[tilespmem:s5], [sflag:$0x1] =	stream.indirect.gather [hbm4b:s4+s11], $0x80, s23, s11, $0xb8;
	[tilespmem:$0x18800] =	vst v63  }
0xb9: {  	_ = 	snop  }
0xba: {  	[tilespmem:s12], [sflag:$0x1] =	stream.indirect.gather [hbm4b:s4+s11], $0x80, s22, s11, $0xb8;
	[tilespmem:$0x18800] =	vst v63  }
0xbb: {  	s0 =	rddreg [dreg:$0x5]  }
0xbc: {  	[hbm4b:s0+s2] =	stream.linear.scatter [tilespmem:s13], [sflag:$0x4], $0x8000, $0x38;
	[tilespmem:$0x18800] =	vst v63  }
0xbd: {  	_ =	swait.ge [sflag:s7], $0x4000  }
0xbe: {  	[sflag:s7] =	ssyncset.done $0x0  }
0xbf: {  	[sflag:s7] =	ssyncadd.s32 $0xFFFFC000  }
0xc0: {  	_ =	swait.ge [sflag:s7], $0x4000  }
0xc1: {  	[sflag:s7] =	ssyncset.done $0x0  }
0xc2: {  	[sflag:s7] =	ssyncadd.s32 $0xFFFFC000  }
0xc3: {  	_ =	swait.ge [sflag:s10], $0x8000  }
0xc4: {  	[sflag:s10] =	ssyncset.done $0x0  }
0xc5: {  	[sflag:s10] =	ssyncadd.s32 $0xFFFF8000  }
0xc6: {  	[tilespmem:s13], [sflag:$0x1] =	stream.indirect.gather [hbm4b:s4+s11], $0x80, s21, s11, $0xb8;
	[tilespmem:$0x18800] =	vst v63  }
0xc7: {  	_ = 	snop  }
0xc8: {  	[tilespmem:s17], [sflag:$0x1] =	stream.indirect.gather [hbm4b:s4+s11], $0x80, s20, s11, $0xb8;
	[tilespmem:$0x18800] =	vst v63  }
0xc9: {  	s0 =	rddreg [dreg:$0x6]  }
0xca: {  	[hbm4b:s0+s2] =	stream.linear.scatter [tilespmem:s6], [sflag:$0x2], $0x8000, $0x38;
	[tilespmem:$0x18800] =	vst v63  }
0xcb: {  	_ =	swait.ge [sflag:s7], $0x4000  }
0xcc: {  	[sflag:s7] =	ssyncset.done $0x0  }
0xcd: {  	[sflag:s7] =	ssyncadd.s32 $0xFFFFC000  }
0xce: {  	_ =	swait.ge [sflag:s7], $0x4000  }
0xcf: {  	[sflag:s7] =	ssyncset.done $0x0  }
0xd0: {  	[sflag:s7] =	ssyncadd.s32 $0xFFFFC000  }
0xd1: {  	_ =	swait.ge [sflag:s8], $0x8000  }
0xd2: {  	[sflag:s8] =	ssyncset.done $0x0  }
0xd3: {  	[sflag:s8] =	ssyncadd.s32 $0xFFFF8000  }
0xd4: {  	[tilespmem:s6], [sflag:$0x1] =	stream.indirect.gather [hbm4b:s4+s11], $0x80, s19, s11, $0xb8;
	[tilespmem:$0x18800] =	vst v63  }
0xd5: {  	_ = 	snop  }
0xd6: {  	[tilespmem:s14], [sflag:$0x1] =	stream.indirect.gather [hbm4b:s4+s11], $0x80, s18, s11, $0xb8;
	[tilespmem:$0x18800] =	vst v63  }
0xd7: {  	s0 =	rddreg [dreg:$0x7]  }
0xd8: {  	[hbm4b:s0+s2] =	stream.linear.scatter [tilespmem:s5], [sflag:$0x3], $0x8000, $0x38;
	[tilespmem:$0x18800] =	vst v63  }
0xd9: {  	_ =	swait.ge [sflag:s7], $0x4000  }
0xda: {  	[sflag:s7] =	ssyncset.done $0x0  }
0xdb: {  	[sflag:s7] =	ssyncadd.s32 $0xFFFFC000  }
0xdc: {  	_ =	swait.ge [sflag:s7], $0x4000  }
0xdd: {  	[sflag:s7] =	ssyncset.done $0x0  }
0xde: {  	[sflag:s7] =	ssyncadd.s32 $0xFFFFC000  }
0xdf: {  	_ =	swait.ge [sflag:s9], $0x8000  }
0xe0: {  	[sflag:s9] =	ssyncset.done $0x0  }
0xe1: {  	[sflag:s9] =	ssyncadd.s32 $0xFFFF8000  }
0xe2: {  	[tilespmem:s5], [sflag:$0x1] =	stream.indirect.gather [hbm4b:s4+s11], $0x80, s16, s11, $0xb8;
	[tilespmem:$0x18800] =	vst v63  }
0xe3: {  	_ = 	snop  }
0xe4: {  	[tilespmem:s12], [sflag:$0x1] =	stream.indirect.gather [hbm4b:s4+s11], $0x80, s15, s11, $0xb8;
	[tilespmem:$0x18800] =	vst v63  }
0xe5: {  	s0 =	rddreg [dreg:$0x8]  }
0xe6: {  	[hbm4b:s0+s2] =	stream.linear.scatter [tilespmem:s13], [sflag:$0x4], $0x8000, $0x38;
	[tilespmem:$0x18800] =	vst v63  }
0xe7: {  	_ =	swait.ge [sflag:s7], $0x4000  }
0xe8: {  	[sflag:s7] =	ssyncset.done $0x0  }
0xe9: {  	[sflag:s7] =	ssyncadd.s32 $0xFFFFC000  }
0xea: {  	_ =	swait.ge [sflag:s7], $0x4000  }
0xeb: {  	[sflag:s7] =	ssyncset.done $0x0  }
0xec: {  	s0 =	rddreg [dreg:$0x9];
	[sflag:s7] =	ssyncadd.s32 $0xFFFFC000  }
0xed: {  	[hbm4b:s0+s2] =	stream.linear.scatter [tilespmem:s6], [sflag:$0x2], $0x8000, $0x38;
	[tilespmem:$0x18800] =	vst v63  }
0xee: {  	_ =	swait.ge [sflag:s7], $0x4000  }
0xef: {  	[sflag:s7] =	ssyncset.done $0x0  }
0xf0: {  	[sflag:s7] =	ssyncadd.s32 $0xFFFFC000  }
0xf1: {  	_ =	swait.ge [sflag:s7], $0x4000  }
0xf2: {  	[sflag:s7] =	ssyncset.done $0x0  }
0xf3: {  	[sflag:s7] =	ssyncadd.s32 $0xFFFFC000  }
0xf4: {  	[hbm4b:s3+s2] =	stream.linear.scatter [tilespmem:s5], [sflag:$0x3], $0x8000, $0x38;
	[tilespmem:$0x18800] =	vst v63  }
0xf5: {  	_ =	swait.ge [sflag:s8], $0x8000  }
0xf6: {  	[sflag:s8] =	ssyncset.done $0x0  }
0xf7: {  	p1 =	sne.s32 s1, $0x1;
	[sflag:s8] =	ssyncadd.s32 $0xFFFF8000  }
.Ltmp2:
0xf8: {  	_ =	swait.ge [sflag:s9], $0x8000;
	(pc) =	sbr.rel @p1 .LBB2_2-.Ltmp2, $4  }
0xf9: {  	[sflag:s9] =	ssyncset.done $0x0  }
0xfa: {  	[sflag:s9] =	ssyncadd.s32 $0xFFFF8000  }
0xfb: {  	_ =	swait.ge [sflag:s10], $0x8000  }
0xfc: {  	s1 =	sadd.s32 $0xFFFFFFFF, s1;
	s0 =	rddreg [dreg:$0x2];
	[sflag:s10] =	ssyncset.done $0x0  }
.LBB2_3:
0xfd: {  	[sflag:s10] =	ssyncadd.s32 @p0 $0xFFFF8000  }
0xfe: {  	[tilespmem:s2], [sflag:$0x5] =	stream.linear.gather [hbm4b:s0+s2], $0x800, $0x38;
	[tilespmem:$0x18800] =	vst v63  }
0xff: {  	_ =	swait.ge [sflag:s29], $0x800  }
0x100: {  	[sflag:s29] =	ssyncset.done $0x0  }
0x101: {  	[sflag:s29] =	ssyncadd.s32 $0xFFFFF800  }
0x102: {  	[tilespmem:s6], [sflag:$0x1] =	stream.indirect.gather [hbm4b:s4+s11], $0x80, s2, s11, $0xb8;
	[tilespmem:$0x18800] =	vst v63  }
0x103: {  	_ = 	snop  }
0x104: {  	[tilespmem:s14], [sflag:$0x1] =	stream.indirect.gather [hbm4b:s4+s11], $0x80, s11, s11, $0xb8;
	[tilespmem:$0x18800] =	vst v63  }
0x105: {  	_ = 	snop  }
0x106: {  	[tilespmem:s5], [sflag:$0x1] =	stream.indirect.gather [hbm4b:s4+s11], $0x80, s30, s11, $0xb8;
	[tilespmem:$0x18800] =	vst v63  }
0x107: {  	_ = 	snop  }
0x108: {  	[tilespmem:s12], [sflag:$0x1] =	stream.indirect.gather [hbm4b:s4+s11], $0x80, s31, s11, $0xb8;
	[tilespmem:$0x18800] =	vst v63  }
0x109: {  	_ =	swait.ge [sflag:s7], $0x4000  }
0x10a: {  	[sflag:s7] =	ssyncset.done $0x0  }
0x10b: {  	[sflag:s7] =	ssyncadd.s32 $0xFFFFC000  }
0x10c: {  	_ =	swait.ge [sflag:s7], $0x4000  }
0x10d: {  	[sflag:s7] =	ssyncset.done $0x0  }
0x10e: {  	[sflag:s7] =	ssyncadd.s32 $0xFFFFC000  }
0x10f: {  	[tilespmem:s13], [sflag:$0x1] =	stream.indirect.gather [hbm4b:s4+s11], $0x80, s26, s11, $0xb8;
	[tilespmem:$0x18800] =	vst v63  }
0x110: {  	_ = 	snop  }
0x111: {  	[tilespmem:s17], [sflag:$0x1] =	stream.indirect.gather [hbm4b:s4+s11], $0x80, s28, s11, $0xb8;
	[tilespmem:$0x18800] =	vst v63  }
0x112: {  	s31 =	rddreg [dreg:$0x3]  }
0x113: {  	[hbm4b:s31+s2] =	stream.linear.scatter [tilespmem:s6], [sflag:$0x2], $0x8000, $0x38;
	[tilespmem:$0x18800] =	vst v63  }
0x114: {  	_ =	swait.ge [sflag:s7], $0x4000  }
0x115: {  	[sflag:s7] =	ssyncset.done $0x0  }
0x116: {  	[sflag:s7] =	ssyncadd.s32 $0xFFFFC000  }
0x117: {  	_ =	swait.ge [sflag:s7], $0x4000  }
0x118: {  	[sflag:s7] =	ssyncset.done $0x0  }
0x119: {  	[sflag:s7] =	ssyncadd.s32 $0xFFFFC000  }
0x11a: {  	_ =	swait.ge [sflag:s8], $0x8000  }
0x11b: {  	[sflag:s8] =	ssyncset.done $0x0  }
0x11c: {  	[sflag:s8] =	ssyncadd.s32 $0xFFFF8000  }
0x11d: {  	[tilespmem:s6], [sflag:$0x1] =	stream.indirect.gather [hbm4b:s4+s11], $0x80, s25, s11, $0xb8;
	[tilespmem:$0x18800] =	vst v63  }
0x11e: {  	_ = 	snop  }
0x11f: {  	[tilespmem:s14], [sflag:$0x1] =	stream.indirect.gather [hbm4b:s4+s11], $0x80, s24, s11, $0xb8;
	[tilespmem:$0x18800] =	vst v63  }
0x120: {  	s1 =	rddreg [dreg:$0x4]  }
0x121: {  	[hbm4b:s1+s2] =	stream.linear.scatter [tilespmem:s5], [sflag:$0x3], $0x8000, $0x38;
	[tilespmem:$0x18800] =	vst v63  }
0x122: {  	_ =	swait.ge [sflag:s7], $0x4000  }
0x123: {  	[sflag:s7] =	ssyncset.done $0x0  }
0x124: {  	[sflag:s7] =	ssyncadd.s32 $0xFFFFC000  }
0x125: {  	_ =	swait.ge [sflag:s7], $0x4000  }
0x126: {  	[sflag:s7] =	ssyncset.done $0x0  }
0x127: {  	[sflag:s7] =	ssyncadd.s32 $0xFFFFC000  }
0x128: {  	_ =	swait.ge [sflag:s9], $0x8000  }
0x129: {  	[sflag:s9] =	ssyncset.done $0x0  }
0x12a: {  	[sflag:s9] =	ssyncadd.s32 $0xFFFF8000  }
0x12b: {  	[tilespmem:s5], [sflag:$0x1] =	stream.indirect.gather [hbm4b:s4+s11], $0x80, s23, s11, $0xb8;
	[tilespmem:$0x18800] =	vst v63  }
0x12c: {  	_ = 	snop  }
0x12d: {  	[tilespmem:s12], [sflag:$0x1] =	stream.indirect.gather [hbm4b:s4+s11], $0x80, s22, s11, $0xb8;
	[tilespmem:$0x18800] =	vst v63  }
0x12e: {  	s25 =	rddreg [dreg:$0x5]  }
0x12f: {  	[hbm4b:s25+s2] =	stream.linear.scatter [tilespmem:s13], [sflag:$0x4], $0x8000, $0x38;
	[tilespmem:$0x18800] =	vst v63  }
0x130: {  	_ =	swait.ge [sflag:s7], $0x4000  }
0x131: {  	[sflag:s7] =	ssyncset.done $0x0  }
0x132: {  	[sflag:s7] =	ssyncadd.s32 $0xFFFFC000  }
0x133: {  	_ =	swait.ge [sflag:s7], $0x4000  }
0x134: {  	[sflag:s7] =	ssyncset.done $0x0  }
0x135: {  	[sflag:s7] =	ssyncadd.s32 $0xFFFFC000  }
0x136: {  	_ =	swait.ge [sflag:s10], $0x8000  }
0x137: {  	[sflag:s10] =	ssyncset.done $0x0  }
0x138: {  	[sflag:s10] =	ssyncadd.s32 $0xFFFF8000  }
0x139: {  	[tilespmem:s13], [sflag:$0x1] =	stream.indirect.gather [hbm4b:s4+s11], $0x80, s21, s11, $0xb8;
	[tilespmem:$0x18800] =	vst v63  }
0x13a: {  	_ = 	snop  }
0x13b: {  	[tilespmem:s17], [sflag:$0x1] =	stream.indirect.gather [hbm4b:s4+s11], $0x80, s20, s11, $0xb8;
	[tilespmem:$0x18800] =	vst v63  }
0x13c: {  	s26 =	rddreg [dreg:$0x6]  }
0x13d: {  	[hbm4b:s26+s2] =	stream.linear.scatter [tilespmem:s6], [sflag:$0x2], $0x8000, $0x38;
	[tilespmem:$0x18800] =	vst v63  }
0x13e: {  	_ =	swait.ge [sflag:s7], $0x4000  }
0x13f: {  	[sflag:s7] =	ssyncset.done $0x0  }
0x140: {  	[sflag:s7] =	ssyncadd.s32 $0xFFFFC000  }
0x141: {  	_ =	swait.ge [sflag:s7], $0x4000  }
0x142: {  	[sflag:s7] =	ssyncset.done $0x0  }
0x143: {  	[sflag:s7] =	ssyncadd.s32 $0xFFFFC000  }
0x144: {  	_ =	swait.ge [sflag:s8], $0x8000  }
0x145: {  	[sflag:s8] =	ssyncset.done $0x0  }
0x146: {  	[sflag:s8] =	ssyncadd.s32 $0xFFFF8000  }
0x147: {  	[tilespmem:s6], [sflag:$0x1] =	stream.indirect.gather [hbm4b:s4+s11], $0x80, s19, s11, $0xb8;
	[tilespmem:$0x18800] =	vst v63  }
0x148: {  	_ = 	snop  }
0x149: {  	[tilespmem:s14], [sflag:$0x1] =	stream.indirect.gather [hbm4b:s4+s11], $0x80, s18, s11, $0xb8;
	[tilespmem:$0x18800] =	vst v63  }
0x14a: {  	s28 =	rddreg [dreg:$0x7]  }
0x14b: {  	[hbm4b:s28+s2] =	stream.linear.scatter [tilespmem:s5], [sflag:$0x3], $0x8000, $0x38;
	[tilespmem:$0x18800] =	vst v63  }
0x14c: {  	_ =	swait.ge [sflag:s7], $0x4000  }
0x14d: {  	[sflag:s7] =	ssyncset.done $0x0  }
0x14e: {  	[sflag:s7] =	ssyncadd.s32 $0xFFFFC000  }
0x14f: {  	_ =	swait.ge [sflag:s7], $0x4000  }
0x150: {  	[sflag:s7] =	ssyncset.done $0x0  }
0x151: {  	[sflag:s7] =	ssyncadd.s32 $0xFFFFC000  }
0x152: {  	_ =	swait.ge [sflag:s9], $0x8000  }
0x153: {  	[sflag:s9] =	ssyncset.done $0x0  }
0x154: {  	[sflag:s9] =	ssyncadd.s32 $0xFFFF8000  }
0x155: {  	[tilespmem:s5], [sflag:$0x1] =	stream.indirect.gather [hbm4b:s4+s11], $0x80, s16, s11, $0xb8;
	[tilespmem:$0x18800] =	vst v63  }
0x156: {  	_ = 	snop  }
0x157: {  	[tilespmem:s12], [sflag:$0x1] =	stream.indirect.gather [hbm4b:s4+s11], $0x80, s15, s11, $0xb8;
	[tilespmem:$0x18800] =	vst v63  }
0x158: {  	s29 =	rddreg [dreg:$0x8]  }
0x159: {  	[hbm4b:s29+s2] =	stream.linear.scatter [tilespmem:s13], [sflag:$0x4], $0x8000, $0x38;
	[tilespmem:$0x18800] =	vst v63  }
0x15a: {  	_ =	swait.ge [sflag:s7], $0x4000  }
0x15b: {  	[sflag:s7] =	ssyncset.done $0x0  }
0x15c: {  	[sflag:s7] =	ssyncadd.s32 $0xFFFFC000  }
0x15d: {  	_ =	swait.ge [sflag:s7], $0x4000  }
0x15e: {  	[sflag:s7] =	ssyncset.done $0x0  }
0x15f: {  	s30 =	rddreg [dreg:$0x9];
	[sflag:s7] =	ssyncadd.s32 $0xFFFFC000  }
0x160: {  	[hbm4b:s30+s2] =	stream.linear.scatter [tilespmem:s6], [sflag:$0x2], $0x8000, $0x38;
	[tilespmem:$0x18800] =	vst v63  }
0x161: {  	_ =	swait.ge [sflag:s7], $0x4000  }
0x162: {  	[sflag:s7] =	ssyncset.done $0x0  }
0x163: {  	[sflag:s7] =	ssyncadd.s32 $0xFFFFC000  }
0x164: {  	_ =	swait.ge [sflag:s7], $0x4000  }
0x165: {  	[sflag:s7] =	ssyncset.done $0x0  }
0x166: {  	[sflag:s7] =	ssyncadd.s32 $0xFFFFC000  }
0x167: {  	[hbm4b:s3+s2] =	stream.linear.scatter [tilespmem:s5], [sflag:$0x3], $0x8000, $0x38;
	[tilespmem:$0x18800] =	vst v63  }
0x168: {  	_ =	swait.ge [sflag:s8], $0x8000  }
0x169: {  	[sflag:s8] =	ssyncset.done $0x0  }
0x16a: {  	[sflag:s8] =	ssyncadd.s32 $0xFFFF8000  }
0x16b: {  	_ =	swait.ge [sflag:s9], $0x8000  }
0x16c: {  	[sflag:s9] =	ssyncset.done $0x0  }
0x16d: {  	[sflag:s9] =	ssyncadd.s32 $0xFFFF8000  }
0x16e: {  	_ =	swait.ge [sflag:s10], $0x8000  }
0x16f: {  	[sflag:s10] =	ssyncset.done $0x0  }
0x170: {  	[sflag:s10] =	ssyncadd.s32 $0xFFFF8000  }
0x171: {  	_ =	sfence.sel $0x180000  }
0x172: {  	[bflag:$0x0] =	sbarrier.arrive $0xFFFF  }
0x173: {  	_ =	strace $0x9000004D  }
0x174: {  	s31 =	stileid.u32;
	[bflag:$0x2] =	sbarrier.arrive $0xFFFF  }
0x175: {  	p0 =	sne.s32 s31, $0x0;
	s0 =	rddreg [dreg:$0x1]  }
0x176: {  	s0 =	sadd.s32 @!p0 $0x100000, s0  }
0x177: {  	[sflag:s0] =	ssyncadd.tile.s32 @!p0 $0x1;
	_ =	shalt  }
.Lfunc_end2:
_tile_overlayer_lowered:
.L_overlay_start_2:
0x178: {  	(tag) =	ssettag $0x2  }
0x179: {  	s0 =	rddreg [dreg:$0x0];
	s2 =	stileid.u32  }
0x17a: {  	s1 =	rddreg [dreg:$0x1];
	p0 =	sne.s32 s2, $0x0  }
0x17b: {  	s3 =	rddreg [dreg:$0x2];
	[bflag:$0x3] =	sbarrier.arrive $0xFFFF;
	s2 =	simm.s32 @!p0 $0x1C05  }
0x17c: {  	[timem:s3], [sflag:s2] =	dma.local @!p0 [hbm:s0], s1  }
0x17d: {  	s0 =	simm.s32 @!p0 $0x5  }
0x17e: {  	_ =	swait.ge @!p0 [sflag:s0], s1  }
0x17f: {  	s1 =	ssub.s32 @!p0 $0x0, s1;
	[sflag:s0] =	ssyncset.done @!p0 $0x0  }
0x180: {  	[sflag:s0] =	ssyncadd.s32 @!p0 s1  }
0x181: {  	[bflag:$0x3] =	sbarrier.arrive $0xFFFF  }
0x182: {  	_ =	shalt  }

// kernel: kernel.20.cloned.1.call-start
scs
__scs_entry_jumppad:
0x0: {  	(pc) =	sbr.rel $0x88, $3  }
0x1: {  	(tag) =	ssettag $0x0;
	lr =	simm.s32 $0x1  }
0x2: {  	[smem:$0x3F9A] =	sst lr;
	_ =	strace $0xD0000000  }
0x3: {  	_ = 	snop  }
0x4: {  	_ = 	snop  }
0x5: {  	_ = 	snop  }
0x6: {  	_ = 	snop  }
0x7: {  	_ = 	snop  }
__scs_overlays_trampoline_lowered:
0x8: {  	[smem:$0x3FA9] =	sst s0  }
0x9: {  	[smem:$0x3FAA] =	sst s1  }
0xa: {  	[smem:$0x3FAB] =	sst s2  }
0xb: {  	[smem:$0x3FAC] =	sst s3  }
0xc: {  	[smem:$0x3FAD] =	sst s4  }
0xd: {  	[smem:$0x3FAE] =	sst s5  }
0xe: {  	[smem:$0x3FAF] =	sst s6  }
0xf: {  	[smem:$0x3FB0] =	sst s7  }
0x10: {  	[smem:$0x3FB1] =	sst s8  }
0x11: {  	[smem:$0x3FB2] =	sst s9;
	s0 =	simm.s32 @!p0 $0x0  }
0x12: {  	s1 =	sld [smem:$0x3F98];
	s0 =	simm.s32 @p0 $0x1  }
0x13: {  	[smem:$0x3FB3] =	sst s0;
	s0 =	simm.s32 @!p1 $0x0  }
0x14: {  	s2 =	sld [smem:$0x3F97];
	s0 =	simm.s32 @p1 $0x1  }
0x15: {  	[smem:$0x3FB4] =	sst s0;
	s0 =	simm.s32 @!p2 $0x0  }
0x16: {  	s3 =	sld [smem:$0x3FDB];
	s0 =	simm.s32 @p2 $0x1  }
0x17: {  	s4 =	simm.s32 $0x1BF5;
	[smem:$0x3FB6] =	sst s0  }
0x18: {  	s0 =	sld [smem:$0x3F99];
	_ =	swait.ge [sflag:s4], $0x0  }
0x19: {  	s7 =	sld [smem:$0x3F9A]  }
0x1a: {  	s8 =	sadd.s32 $0xFFFFE003, lr  }
0x1b: {  	s9 =	sadd.s32 $0xFFFFFEF7, lr;
	s5 =	simm.s32 $0xFFFFFFFF;
	p2 =	slt.u32 s8, $0xFFFFF086  }
0x1c: {  	p1 =	slt.u32 s9, $0xF7A;
	s5 =	simm.s32 @!p2 $0x0  }
0x1d: {  	s5 =	simm.s32 @p1 $0x1;
	p0 =	seq.s32 s7, s2  }
0x1e: {  	s7 =	smul.u32 @!p0 $0xF7A, s2;
	p2 =	seq.s32 @!p0 s5, $0x0  }
0x1f: {  	s9 =	smul.u32 $0xF7A, s1;
	s8 =	simm.s32 @!p0 $0x1BF5;
	p2 =	por !p2, p0  }
0x20: {  	[sflag:s8] =	ssyncset.s32 @!p0 $0xFFFFF086;
	s6 =	sadd.s32 @!p0 s3, s7;
	s7 =	simm.s32 @!p0 $0x108  }
0x21: {  	s3 =	sadd.s32 s3, s9;
	s6 =	sadd.s32 @!p0 $0x88, s6;
	s7 =	simm.s32 @p2 $0x1082  }
0x22: {  	[simem:s7], [sflag:s8] =	dma.local @!p0 [hbm:s6], $0xF7A  }
0x23: {  	s9 =	sor.u32 $0xD0000000, s2;
	s6 =	simm.s32 $0x108;
	_ =	swait.ge @!p0 [sflag:s8], $0x0  }
0x24: {  	s3 =	sadd.s32 $0x88, s3;
	s6 =	simm.s32 @!p1 $0x1082;
	[sflag:s4] =	ssyncset.s32 $0xFFFFF086  }
0x25: {  	[simem:s6], [sflag:s4] =	dma.local [hbm:s3], $0xF7A  }
0x26: {  	[smem:$0x3F9A] =	sst s1;
	(tag) =	ssettag s2;
	_ =	strace s9  }
0x27: {  	s1 =	sld [smem:$0x3FAA]  }
0x28: {  	s2 =	sld [smem:$0x3FAB]  }
0x29: {  	s4 =	sld [smem:$0x3FAD]  }
0x2a: {  	p0 =	seq.s32 s5, $0x0;
	s5 =	sld [smem:$0x3FAE]  }
0x2b: {  	s6 =	sld [smem:$0x3FAF]  }
0x2c: {  	s7 =	sld [smem:$0x3FB0]  }
0x2d: {  	s3 =	simm.s32 $0x108;
	s8 =	sld [smem:$0x3FB1]  }
0x2e: {  	s3 =	simm.s32 @!p0 $0x1082;
	s9 =	sld [smem:$0x3FB2]  }
0x2f: {  	lr =	sadd.s32 s0, s3;
	s0 =	sld [smem:$0x3FA9]  }
0x30: {  	s3 =	sld [smem:$0x3FAC]  }
0x31: {  	[smem:$0x3FB5] =	sst s10  }
0x32: {  	s10 =	sld [smem:$0x3FB3];
	_ =	sdelay $0x3  }
0x33: {  	p0 =	seq.s32 s10, $0x1;
	s10 =	sld [smem:$0x3FB5];
	_ =	sdelay $0x3  }
0x34: {  	[smem:$0x3FB5] =	sst s10  }
0x35: {  	s10 =	sld [smem:$0x3FB4];
	_ =	sdelay $0x3  }
0x36: {  	p1 =	seq.s32 s10, $0x1;
	s10 =	sld [smem:$0x3FB5];
	_ =	sdelay $0x3  }
0x37: {  	[smem:$0x3FB5] =	sst s10  }
0x38: {  	s10 =	sld [smem:$0x3FB6]  }
0x39: {  	_ = 	snop;
	(pc) =	sbr.ind lr, $3  }
0x3a: {  	_ = 	snop  }
0x3b: {  	_ = 	snop  }
0x3c: {  	p2 =	seq.s32 s10, $0x1;
	s10 =	sld [smem:$0x3FB5]  }
0x3d: {  	_ =	shalt  }
0x3e: {  	_ =	shalt  }
0x3f: {  	_ =	shalt  }
0x40: {  	_ =	shalt  }
0x41: {  	_ =	shalt  }
0x42: {  	_ =	shalt  }
0x43: {  	_ =	shalt  }
0x44: {  	_ =	shalt  }
0x45: {  	_ =	shalt  }
0x46: {  	_ =	shalt  }
0x47: {  	_ =	shalt  }
0x48: {  	_ =	shalt  }
0x49: {  	_ =	shalt  }
0x4a: {  	_ =	shalt  }
0x4b: {  	_ =	shalt  }
0x4c: {  	_ =	shalt  }
0x4d: {  	_ =	shalt  }
0x4e: {  	_ =	shalt  }
0x4f: {  	_ =	shalt  }
0x50: {  	_ =	shalt  }
0x51: {  	_ =	shalt  }
0x52: {  	_ =	shalt  }
0x53: {  	_ =	shalt  }
0x54: {  	_ =	shalt  }
0x55: {  	_ =	shalt  }
0x56: {  	_ =	shalt  }
0x57: {  	_ =	shalt  }
0x58: {  	_ =	shalt  }
0x59: {  	_ =	shalt  }
0x5a: {  	_ =	shalt  }
0x5b: {  	_ =	shalt  }
0x5c: {  	_ =	shalt  }
0x5d: {  	_ =	shalt  }
0x5e: {  	_ =	shalt  }
0x5f: {  	_ =	shalt  }
0x60: {  	_ =	shalt  }
0x61: {  	_ =	shalt  }
0x62: {  	_ =	shalt  }
0x63: {  	_ =	shalt  }
0x64: {  	_ =	shalt  }
0x65: {  	_ =	shalt  }
0x66: {  	_ =	shalt  }
0x67: {  	_ =	shalt  }
0x68: {  	_ =	shalt  }
0x69: {  	_ =	shalt  }
0x6a: {  	_ =	shalt  }
0x6b: {  	_ =	shalt  }
0x6c: {  	_ =	shalt  }
0x6d: {  	_ =	shalt  }
0x6e: {  	_ =	shalt  }
0x6f: {  	_ =	shalt  }
0x70: {  	_ =	shalt  }
0x71: {  	_ =	shalt  }
0x72: {  	_ =	shalt  }
0x73: {  	_ =	shalt  }
0x74: {  	_ =	shalt  }
0x75: {  	_ =	shalt  }
0x76: {  	_ =	shalt  }
0x77: {  	_ =	shalt  }
0x78: {  	_ =	shalt  }
0x79: {  	_ =	shalt  }
0x7a: {  	_ =	shalt  }
0x7b: {  	_ =	shalt  }
0x7c: {  	_ =	shalt  }
0x7d: {  	_ =	shalt  }
0x7e: {  	_ =	shalt  }
0x7f: {  	_ =	shalt  }
0x80: {  	_ =	shalt  }
0x81: {  	_ =	shalt  }
0x82: {  	_ =	shalt  }
0x83: {  	_ =	shalt  }
0x84: {  	_ =	shalt  }
0x85: {  	_ =	shalt  }
0x86: {  	_ =	shalt  }
0x87: {  	_ =	shalt  }
.Lfunc_end0:
.L_simem_size_0:
called_computation.3_lowered:
.L_overlay_start_0:
0x88: {  	s2 =	sld [smem:$0x3FD9]  }
0x89: {  	s3 =	sld [smem:$0x3FFE];
	_ =	sdelay $0x1  }
0x8a: {  	s1 =	srdreg.scid  }
0x8b: {  	s0 =	sand.u32 $0x1, s1  }
0x8c: {  	s17 =	sshll.u32 s0, $0xA;
	s2 =	sadd.s32 s3, s2  }
0x8d: {  	s2 =	sadd.s32 s2, s17  }
0x8e: {  	[smem:$0x3FC1] =	sst s2  }
0x8f: {  	_ = 	snop  }
0x90: {  	(tm) =	ssettm $0x1  }
0x91: {  	s18 =	sld [smem:$0x3FFB];
	_ =	sdelay $0x3  }
0x92: {  	_ =	strace s18  }
0x93: {  	s2 =	sld [smem:$0x3FFC];
	_ =	sdelay $0x3  }
0x94: {  	_ =	strace s2  }
0x95: {  	s2 =	sld [smem:$0x3FFD];
	_ =	sdelay $0x3  }
0x96: {  	_ =	strace s2  }
0x97: {  	_ =	strace $0x8FFFFFFF  }
0x98: {  	s19 =	sld [smem:$0x3FDB];
	_ =	sdelay $0x1  }
0x99: {  	s20 =	simm.s32 $_scs_section_size  }
0x9a: {  	s4 =	simm.s32 $_size__tile_overlayer_lowered;
	s5 =	simm.s32 $_tile_overlayer_lowered  }
0x9b: {  	s6 =	simm.s32 $0x1BFF;
	s21 =	sshll.u32 s5, $0x1;
	s3 =	sadd.s32 s20, s19  }
0x9c: {  	s22 =	simm.s32 $0x0;
	s4 =	sshll.u32 s4, $0x1;
	s5 =	sadd.s32 s21, s3  }
0x9d: {  	[timem:s22], [sflag:s6] =	dma.local [hbm:s5], s4  }
0x9e: {  	_ =	swait.ge [sflag:s6], s4  }
0x9f: {  	s4 =	ssub.s32 $0x0, s4;
	[sflag:s6] =	ssyncset.done $0x0  }
0xa0: {  	[sflag:s6] =	ssyncadd.s32 s4;
	_ =	sdelay $0x1  }
0xa1: {  	s23 =	simm.s32 $0x1B8B  }
0xa2: {  	_ =	swait.ge [sflag:s23], $0x1  }
0xa3: {  	[sflag:s23] =	ssyncset.done $0x0  }
0xa4: {  	[sflag:s23] =	ssyncadd.s32 $0xFFFFFFFF  }
0xa5: {  	s4 =	sld [smem:$0x0]  }
0xa6: {  	s5 =	sand.u32 $0xFFFFFFFE, s1  }
0xa7: {  	p0 =	sne.s32 s1, s5  }
0xa8: {  	s5 =	sshll.u32 @p0 s5, $0xE  }
0xa9: {  	s5 =	sadd.s32 @p0 $0x11B8D, s5;
	s6 =	sshll.u32 @p0 s4, $0x11  }
0xaa: {  	s5 =	sor.u32 @p0 s6, s5  }
0xab: {  	[sflag:s5] =	ssyncadd.remote.s32 @p0 $0x1;
	_ =	sdelay $0x1  }
0xac: {  	s5 =	simm.s32 @p0 $0x1B8D  }
0xad: {  	_ =	swait.eq @p0 [sflag:s5], $0x1  }
0xae: {  	[sflag:s5] =	ssyncadd.s32 @p0 $0xFFFFFFFF  }
0xaf: {  	s6 =	sshll.u32 @!p0 s1, $0xE  }
0xb0: {  	s6 =	sor.u32 @!p0 $0x4000, s6;
	s5 =	simm.s32 @!p0 $0x1B8D  }
0xb1: {  	s4 =	sshll.u32 @!p0 s4, $0x11;
	s6 =	sadd.s32 @!p0 $0x11B8D, s6;
	_ =	swait.eq @!p0 [sflag:s5], $0x1  }
0xb2: {  	s4 =	sor.u32 @!p0 s4, s6;
	[sflag:s5] =	ssyncadd.s32 @!p0 $0xFFFFFFFF  }
0xb3: {  	s25 =	simm.s32 $0x1B8E;
	s24 =	sld [smem:$0x3FFE];
	[sflag:s4] =	ssyncadd.remote.s32 @!p0 $0x1  }
0xb4: {  	s26 =	simm.s32 $execute0_lowered;
	[smem:$0x3FD2] =	sst s25  }
0xb5: {  	s5 =	sshll.u32 s26, $0x1;
	_ =	strace $0x8000004F;
	[dreg:$0x1] =	wrdreg $0xFFFFFFFF  }
0xb6: {  	s28 =	simm.s32 $_size_execute0_lowered;
	s3 =	sadd.s32 s3, s5;
	[dreg:$0x0] =	wrdreg $0x0  }
0xb7: {  	s5 =	sshll.u32 s28, $0x1;
	[dreg:$0x2] =	wrdreg s3  }
0xb8: {  	[dreg:$0x3] =	wrdreg s5  }
0xb9: {  	[dreg:$0x4] =	wrdreg $0xC0  }
0xba: {  	_ =	task [dreg:s22], $0x5FFFF  }
0xbb: {  	[dreg:$0x1] =	wrdreg $0xFFFFFFFF  }
0xbc: {  	[dreg:$0x0] =	wrdreg $0x60  }
0xbd: {  	[dreg:$0x2] =	wrdreg s24  }
0xbe: {  	[dreg:$0x3] =	wrdreg $0xC  }
0xbf: {  	_ =	task.clear_ibuf [dreg:s22], $0x4FFFF;
	_ =	strace $0x9000004F  }
0xc0: {  	s29 =	simm.s32 $0xC;
	_ =	strace $0x80000051  }
0xc1: {  	_ =	swait.ge [sflag:s29], $0x1  }
0xc2: {  	[sflag:s29] =	ssyncadd.s32 $0xFFFFFFFF  }
0xc3: {  	_ =	strace $0x90000051  }
0xc4: {  	_ =	sfence  }
0xc5: {  	s30 =	sld [smem:$0x0];
	_ =	sdelay $0x2  }
0xc6: {  	s31 =	sshll.u32 s1, $0xD;
	s1 =	sshrl.u32 s1, $0x2  }
0xc7: {  	s4 =	sand.u32 $0x4000, s31;
	s1 =	sadd.s32 s1, s30  }
0xc8: {  	s0 =	sor.u32 s4, s0;
	s1 =	sshll.u32 s1, $0x11  }
0xc9: {  	s0 =	sor.u32 s1, s0  }
0xca: {  	s0 =	sadd.s32 $0x8F2B, s0  }
0xcb: {  	[sflag:s0] =	ssyncadd.remote.s32 $0x1  }
0xcc: {  	_ =	sfence.sel $0xFFFF  }
0xcd: {  	[dreg:$0x0] =	wrdreg $0xFFFFFFFF;
	(pc) =	sbr.abs _section_cstart, $3  }
0xce: {  	[dreg:$0x1] =	wrdreg $0xFFFFFFFF  }
0xcf: {  	_ =	task.clear_ibuf [dreg:s22], $0x2FFFF;
	_ =	strace $0x9FFFFFFF  }
0xd0: {  	(tm) =	ssettm $0x7FFFFFFF  }
0xd1: {  	_ =	shalt  }
tec
execute0_lowered:
.L_overlay_start_1:
0x0: {  	(tag) =	ssettag $0x1  }
0x1: {  	s1 =	srdreg.scid;
	s0 =	stileid.u32  }
0x2: {  	s30 =	sand.u32 $0x1, s1;
	s26 =	sshll.u32 s0, $0x1  }
0x3: {  	s20 =	sor.u32 s30, s26  }
0x4: {  	s3 =	smul.u32 $0xA0, s20  }
0x5: {  	s14 =	rddreg [dreg:$0x0];
	s2 =	simm.s32 $0x0  }
0x6: {  	s4 =	simm.s32 $0x5;
	[smem:$0x7FF] =	sst s2;
	s3 =	sadd.s32 s3, s14  }
0x7: {  	s1 =	rddreg [dreg:$0x1];
	_ =	strace $0x80000050;
	s3 =	sadd.s32 $0x40E600, s3  }
0x8: {  	[tilespmem:s2], [sflag:$0x5] =	stream.linear.gather [hbm4b:s3+s2], $0x500, $0x38;
	[tilespmem:$0x18500] =	vst v63  }
0x9: {  	_ =	swait.ge [sflag:s4], $0x500  }
0xa: {  	s6 =	simm.s32 $0x80;
	[sflag:s4] =	ssyncset.done $0x0  }
0xb: {  	s7 =	simm.s32 $0x500;
	s5 =	sadd.s32 $0x3C00, s14;
	[sflag:s4] =	ssyncadd.s32 $0xFFFFFB00  }
0xc: {  	[tilespmem:s7], [sflag:$0x1] =	stream.indirect.gather [hbm4b:s5+s6], $0x80, s2, s6, $0xb8;
	[tilespmem:$0x18500] =	vst v63  }
0xd: {  	s8 =	simm.s32 $0x4500  }
0xe: {  	[tilespmem:s8], [sflag:$0x1] =	stream.indirect.gather [hbm4b:s5+s6], $0x80, s6, s6, $0xb8;
	[tilespmem:$0x18500] =	vst v63  }
0xf: {  	s9 =	simm.s32 $0x100;
	s10 =	simm.s32 $0x8500  }
0x10: {  	[tilespmem:s10], [sflag:$0x1] =	stream.indirect.gather [hbm4b:s5+s6], $0x80, s9, s6, $0xb8;
	[tilespmem:$0x18500] =	vst v63  }
0x11: {  	s11 =	simm.s32 $0x180;
	s12 =	simm.s32 $0xC500;
	s13 =	simm.s32 $0x1  }
0x12: {  	[tilespmem:s12], [sflag:$0x1] =	stream.indirect.gather [hbm4b:s5+s6], $0x80, s11, s6, $0xb8;
	[tilespmem:$0x18500] =	vst v63  }
0x13: {  	_ =	swait.ge [sflag:s13], $0x4000  }
0x14: {  	[sflag:s13] =	ssyncset.done $0x0  }
0x15: {  	[sflag:s13] =	ssyncadd.s32 $0xFFFFC000  }
0x16: {  	_ =	swait.ge [sflag:s13], $0x4000  }
0x17: {  	s15 =	simm.s32 $0x10500;
	[sflag:s13] =	ssyncset.done $0x0  }
0x18: {  	s21 =	sadd.s32 $0x40FA00, s14;
	s14 =	simm.s32 $0x200;
	[sflag:s13] =	ssyncadd.s32 $0xFFFFC000  }
0x19: {  	[tilespmem:s15], [sflag:$0x1] =	stream.indirect.gather [hbm4b:s5+s6], $0x80, s14, s6, $0xb8;
	[tilespmem:$0x18500] =	vst v63  }
0x1a: {  	s16 =	simm.s32 $0x280;
	s17 =	simm.s32 $0x14500;
	s18 =	smul.u32 $0x5000, s20  }
0x1b: {  	[tilespmem:s17], [sflag:$0x1] =	stream.indirect.gather [hbm4b:s5+s6], $0x80, s16, s6, $0xb8;
	[tilespmem:$0x18500] =	vst v63  }
0x1c: {  	s18 =	sadd.s32 s21, s18  }
0x1d: {  	[hbm4b:s18+s2] =	stream.linear.scatter [tilespmem:s7], [sflag:$0x2], $0x8000, $0x38;
	[tilespmem:$0x18500] =	vst v63  }
0x1e: {  	_ =	swait.ge [sflag:s13], $0x4000  }
0x1f: {  	[sflag:s13] =	ssyncset.done $0x0  }
0x20: {  	[sflag:s13] =	ssyncadd.s32 $0xFFFFC000  }
0x21: {  	_ =	swait.ge [sflag:s13], $0x4000  }
0x22: {  	[sflag:s13] =	ssyncset.done $0x0  }
0x23: {  	s19 =	simm.s32 $0x2;
	[sflag:s13] =	ssyncadd.s32 $0xFFFFC000  }
0x24: {  	s20 =	smul.u32 $0x28000, s20;
	_ =	swait.ge [sflag:s19], $0x8000  }
0x25: {  	[sflag:s19] =	ssyncset.done $0x0  }
0x26: {  	s22 =	sshrl.u32 s20, $0x3;
	s20 =	simm.s32 $0x300;
	[sflag:s19] =	ssyncadd.s32 $0xFFFF8000  }
0x27: {  	[tilespmem:s7], [sflag:$0x1] =	stream.indirect.gather [hbm4b:s5+s6], $0x80, s20, s6, $0xb8;
	[tilespmem:$0x18500] =	vst v63  }
0x28: {  	s29 =	sadd.s32 s21, s22;
	s21 =	simm.s32 $0x380  }
0x29: {  	[tilespmem:s8], [sflag:$0x1] =	stream.indirect.gather [hbm4b:s5+s6], $0x80, s21, s6, $0xb8;
	[tilespmem:$0x18500] =	vst v63  }
0x2a: {  	s22 =	sadd.s32 $0x1000, s29  }
0x2b: {  	[hbm4b:s22+s2] =	stream.linear.scatter [tilespmem:s10], [sflag:$0x3], $0x8000, $0x38;
	[tilespmem:$0x18500] =	vst v63  }
0x2c: {  	_ =	swait.ge [sflag:s13], $0x4000  }
0x2d: {  	[sflag:s13] =	ssyncset.done $0x0  }
0x2e: {  	[sflag:s13] =	ssyncadd.s32 $0xFFFFC000  }
0x2f: {  	_ =	swait.ge [sflag:s13], $0x4000  }
0x30: {  	[sflag:s13] =	ssyncset.done $0x0  }
0x31: {  	s23 =	simm.s32 $0x3;
	[sflag:s13] =	ssyncadd.s32 $0xFFFFC000  }
0x32: {  	_ =	swait.ge [sflag:s23], $0x8000  }
0x33: {  	[sflag:s23] =	ssyncset.done $0x0  }
0x34: {  	s24 =	simm.s32 $0x400;
	[sflag:s23] =	ssyncadd.s32 $0xFFFF8000  }
0x35: {  	[tilespmem:s10], [sflag:$0x1] =	stream.indirect.gather [hbm4b:s5+s6], $0x80, s24, s6, $0xb8;
	[tilespmem:$0x18500] =	vst v63  }
0x36: {  	s25 =	simm.s32 $0x480  }
0x37: {  	[tilespmem:s12], [sflag:$0x1] =	stream.indirect.gather [hbm4b:s5+s6], $0x80, s25, s6, $0xb8;
	[tilespmem:$0x18500] =	vst v63  }
0x38: {  	s26 =	sadd.s32 $0x2000, s29  }
0x39: {  	[hbm4b:s26+s2] =	stream.linear.scatter [tilespmem:s15], [sflag:$0x4], $0x8000, $0x38;
	[tilespmem:$0x18500] =	vst v63  }
0x3a: {  	_ =	swait.ge [sflag:s13], $0x4000  }
0x3b: {  	[sflag:s13] =	ssyncset.done $0x0  }
0x3c: {  	[sflag:s13] =	ssyncadd.s32 $0xFFFFC000  }
0x3d: {  	_ =	swait.ge [sflag:s13], $0x4000  }
0x3e: {  	[sflag:s13] =	ssyncset.done $0x0  }
0x3f: {  	s28 =	sadd.s32 $0x3000, s29;
	[sflag:s13] =	ssyncadd.s32 $0xFFFFC000  }
0x40: {  	[hbm4b:s28+s2] =	stream.linear.scatter [tilespmem:s7], [sflag:$0x2], $0x8000, $0x38;
	[tilespmem:$0x18500] =	vst v63  }
0x41: {  	_ =	swait.ge [sflag:s13], $0x4000  }
0x42: {  	[sflag:s13] =	ssyncset.done $0x0  }
0x43: {  	[sflag:s13] =	ssyncadd.s32 $0xFFFFC000  }
0x44: {  	_ =	swait.ge [sflag:s13], $0x4000  }
0x45: {  	s30 =	ssub.s32 $0x2, s30;
	[sflag:s13] =	ssyncset.done $0x0  }
0x46: {  	s31 =	sshrl.u32 s30, $0x1;
	s29 =	sadd.s32 $0x4000, s29;
	[sflag:s13] =	ssyncadd.s32 $0xFFFFC000  }
0x47: {  	[hbm4b:s29+s2] =	stream.linear.scatter [tilespmem:s10], [sflag:$0x3], $0x8000, $0x38;
	[tilespmem:$0x18500] =	vst v63  }
0x48: {  	s30 =	ssub.s32 s30, s31;
	_ =	swait.ge [sflag:s19], $0x8000  }
0x49: {  	s31 =	smax.u32 s30, $0x1;
	[sflag:s19] =	ssyncset.done $0x0  }
0x4a: {  	p0 =	sne.s32 s31, $0x1;
	[sflag:s19] =	ssyncadd.s32 $0xFFFF8000  }
.Ltmp0:
0x4b: {  	_ =	swait.ge [sflag:s23], $0x8000;
	(pc) =	sbr.rel @!p0 .LBB2_2-.Ltmp0, $4  }
0x4c: {  	[sflag:s23] =	ssyncset.done $0x0  }
0x4d: {  	s30 =	simm.s32 $0x4;
	[sflag:s23] =	ssyncadd.s32 $0xFFFF8000  }
0x4e: {  	_ =	swait.ge [sflag:s30], $0x8000  }
0x4f: {  	s31 =	sadd.s32 $0xFFFFFFFF, s31;
	[sflag:s30] =	ssyncset.done $0x0  }
.LBB2_1:
0x50: {  	p0 =	sne.s32 s31, $0x1;
	s31 =	sadd.s32 $0xFFFFFFFF, s31;
	[sflag:s30] =	ssyncadd.s32 $0xFFFF8000  }
0x51: {  	[tilespmem:s2], [sflag:$0x5] =	stream.linear.gather [hbm4b:s3+s2], $0x500, $0x38;
	[tilespmem:$0x18500] =	vst v63  }
0x52: {  	_ =	swait.ge [sflag:s4], $0x500  }
0x53: {  	[sflag:s4] =	ssyncset.done $0x0  }
0x54: {  	[sflag:s4] =	ssyncadd.s32 $0xFFFFFB00  }
0x55: {  	[tilespmem:s7], [sflag:$0x1] =	stream.indirect.gather [hbm4b:s5+s6], $0x80, s2, s6, $0xb8;
	[tilespmem:$0x18500] =	vst v63  }
0x56: {  	_ = 	snop  }
0x57: {  	[tilespmem:s8], [sflag:$0x1] =	stream.indirect.gather [hbm4b:s5+s6], $0x80, s6, s6, $0xb8;
	[tilespmem:$0x18500] =	vst v63  }
0x58: {  	_ = 	snop  }
0x59: {  	[tilespmem:s10], [sflag:$0x1] =	stream.indirect.gather [hbm4b:s5+s6], $0x80, s9, s6, $0xb8;
	[tilespmem:$0x18500] =	vst v63  }
0x5a: {  	_ = 	snop  }
0x5b: {  	[tilespmem:s12], [sflag:$0x1] =	stream.indirect.gather [hbm4b:s5+s6], $0x80, s11, s6, $0xb8;
	[tilespmem:$0x18500] =	vst v63  }
0x5c: {  	_ =	swait.ge [sflag:s13], $0x4000  }
0x5d: {  	[sflag:s13] =	ssyncset.done $0x0  }
0x5e: {  	[sflag:s13] =	ssyncadd.s32 $0xFFFFC000  }
0x5f: {  	_ =	swait.ge [sflag:s13], $0x4000  }
0x60: {  	[sflag:s13] =	ssyncset.done $0x0  }
0x61: {  	[sflag:s13] =	ssyncadd.s32 $0xFFFFC000  }
0x62: {  	[tilespmem:s15], [sflag:$0x1] =	stream.indirect.gather [hbm4b:s5+s6], $0x80, s14, s6, $0xb8;
	[tilespmem:$0x18500] =	vst v63  }
0x63: {  	_ = 	snop  }
0x64: {  	[tilespmem:s17], [sflag:$0x1] =	stream.indirect.gather [hbm4b:s5+s6], $0x80, s16, s6, $0xb8;
	[tilespmem:$0x18500] =	vst v63  }
0x65: {  	_ = 	snop  }
0x66: {  	[hbm4b:s18+s2] =	stream.linear.scatter [tilespmem:s7], [sflag:$0x2], $0x8000, $0x38;
	[tilespmem:$0x18500] =	vst v63  }
0x67: {  	_ =	swait.ge [sflag:s13], $0x4000  }
0x68: {  	[sflag:s13] =	ssyncset.done $0x0  }
0x69: {  	[sflag:s13] =	ssyncadd.s32 $0xFFFFC000  }
0x6a: {  	_ =	swait.ge [sflag:s13], $0x4000  }
0x6b: {  	[sflag:s13] =	ssyncset.done $0x0  }
0x6c: {  	[sflag:s13] =	ssyncadd.s32 $0xFFFFC000  }
0x6d: {  	_ =	swait.ge [sflag:s19], $0x8000  }
0x6e: {  	[sflag:s19] =	ssyncset.done $0x0  }
0x6f: {  	[sflag:s19] =	ssyncadd.s32 $0xFFFF8000  }
0x70: {  	[tilespmem:s7], [sflag:$0x1] =	stream.indirect.gather [hbm4b:s5+s6], $0x80, s20, s6, $0xb8;
	[tilespmem:$0x18500] =	vst v63  }
0x71: {  	_ = 	snop  }
0x72: {  	[tilespmem:s8], [sflag:$0x1] =	stream.indirect.gather [hbm4b:s5+s6], $0x80, s21, s6, $0xb8;
	[tilespmem:$0x18500] =	vst v63  }
0x73: {  	_ = 	snop  }
0x74: {  	[hbm4b:s22+s2] =	stream.linear.scatter [tilespmem:s10], [sflag:$0x3], $0x8000, $0x38;
	[tilespmem:$0x18500] =	vst v63  }
0x75: {  	_ =	swait.ge [sflag:s13], $0x4000  }
0x76: {  	[sflag:s13] =	ssyncset.done $0x0  }
0x77: {  	[sflag:s13] =	ssyncadd.s32 $0xFFFFC000  }
0x78: {  	_ =	swait.ge [sflag:s13], $0x4000  }
0x79: {  	[sflag:s13] =	ssyncset.done $0x0  }
0x7a: {  	[sflag:s13] =	ssyncadd.s32 $0xFFFFC000  }
0x7b: {  	_ =	swait.ge [sflag:s23], $0x8000  }
0x7c: {  	[sflag:s23] =	ssyncset.done $0x0  }
0x7d: {  	[sflag:s23] =	ssyncadd.s32 $0xFFFF8000  }
0x7e: {  	[tilespmem:s10], [sflag:$0x1] =	stream.indirect.gather [hbm4b:s5+s6], $0x80, s24, s6, $0xb8;
	[tilespmem:$0x18500] =	vst v63  }
0x7f: {  	_ = 	snop  }
0x80: {  	[tilespmem:s12], [sflag:$0x1] =	stream.indirect.gather [hbm4b:s5+s6], $0x80, s25, s6, $0xb8;
	[tilespmem:$0x18500] =	vst v63  }
0x81: {  	_ = 	snop  }
0x82: {  	[hbm4b:s26+s2] =	stream.linear.scatter [tilespmem:s15], [sflag:$0x4], $0x8000, $0x38;
	[tilespmem:$0x18500] =	vst v63  }
0x83: {  	_ =	swait.ge [sflag:s13], $0x4000  }
0x84: {  	[sflag:s13] =	ssyncset.done $0x0  }
0x85: {  	[sflag:s13] =	ssyncadd.s32 $0xFFFFC000  }
0x86: {  	_ =	swait.ge [sflag:s13], $0x4000  }
0x87: {  	[sflag:s13] =	ssyncset.done $0x0  }
0x88: {  	[sflag:s13] =	ssyncadd.s32 $0xFFFFC000  }
0x89: {  	[hbm4b:s28+s2] =	stream.linear.scatter [tilespmem:s7], [sflag:$0x2], $0x8000, $0x38;
	[tilespmem:$0x18500] =	vst v63  }
0x8a: {  	_ =	swait.ge [sflag:s13], $0x4000  }
0x8b: {  	[sflag:s13] =	ssyncset.done $0x0  }
0x8c: {  	[sflag:s13] =	ssyncadd.s32 $0xFFFFC000  }
0x8d: {  	_ =	swait.ge [sflag:s13], $0x4000  }
0x8e: {  	[sflag:s13] =	ssyncset.done $0x0  }
0x8f: {  	[sflag:s13] =	ssyncadd.s32 $0xFFFFC000  }
0x90: {  	[hbm4b:s29+s2] =	stream.linear.scatter [tilespmem:s10], [sflag:$0x3], $0x8000, $0x38;
	[tilespmem:$0x18500] =	vst v63  }
0x91: {  	_ =	swait.ge [sflag:s19], $0x8000  }
0x92: {  	[sflag:s19] =	ssyncset.done $0x0  }
0x93: {  	[sflag:s19] =	ssyncadd.s32 $0xFFFF8000  }
.Ltmp1:
0x94: {  	_ =	swait.ge [sflag:s23], $0x8000;
	(pc) =	sbr.rel @p0 .LBB2_1-.Ltmp1, $4  }
0x95: {  	[sflag:s23] =	ssyncset.done $0x0  }
0x96: {  	[sflag:s23] =	ssyncadd.s32 $0xFFFF8000  }
0x97: {  	_ =	swait.ge [sflag:s30], $0x8000  }
0x98: {  	[sflag:s30] =	ssyncset.done $0x0  }
.LBB2_2:
0x99: {  	[sflag:s30] =	ssyncadd.s32 $0xFFFF8000  }
0x9a: {  	_ =	sfence.sel $0x180000  }
0x9b: {  	[bflag:$0x0] =	sbarrier.arrive $0xFFFF  }
0x9c: {  	p0 =	sne.s32 s0, $0x0;
	_ =	strace $0x90000050  }
0x9d: {  	s0 =	sadd.s32 @!p0 $0x100000, s1;
	[bflag:$0x2] =	sbarrier.arrive $0xFFFF  }
0x9e: {  	[sflag:s0] =	ssyncadd.tile.s32 @!p0 $0x1;
	_ =	shalt  }
.Lfunc_end2:
_tile_overlayer_lowered:
.L_overlay_start_2:
0x9f: {  	(tag) =	ssettag $0x2  }
0xa0: {  	s0 =	rddreg [dreg:$0x0];
	s2 =	stileid.u32  }
0xa1: {  	s1 =	rddreg [dreg:$0x1];
	p0 =	sne.s32 s2, $0x0  }
0xa2: {  	s3 =	rddreg [dreg:$0x2];
	[bflag:$0x3] =	sbarrier.arrive $0xFFFF;
	s2 =	simm.s32 @!p0 $0x1C05  }
0xa3: {  	[timem:s3], [sflag:s2] =	dma.local @!p0 [hbm:s0], s1  }
0xa4: {  	s0 =	simm.s32 @!p0 $0x5  }
0xa5: {  	_ =	swait.ge @!p0 [sflag:s0], s1  }
0xa6: {  	s1 =	ssub.s32 @!p0 $0x0, s1;
	[sflag:s0] =	ssyncset.done @!p0 $0x0  }
0xa7: {  	[sflag:s0] =	ssyncadd.s32 @!p0 s1  }
0xa8: {  	[bflag:$0x3] =	sbarrier.arrive $0xFFFF  }
0xa9: {  	_ =	shalt  }

</sc_bundles>
